<compile_context>
chip_gen: v7x
topology: tpu7x:2x2x1
jax: 0.10.2.dev20260603
libtpu: 0.0.44.dev20260713+nightly
codegen_flags: <defaults>
</compile_context>

<pallas_src>
import functools

import jax
import jax.numpy as jnp
from jax import lax
from jax.experimental import pallas as pl
from jax.experimental.pallas import tpu as pltpu
from jax.experimental.pallas import tpu_sc as plsc

N_CLASSES = 1000000
EMBED_DIM = 64
BATCH = 16384

_NC = 2
_NS = 16
_NW = _NC * _NS
_B_PER_W = BATCH // _NW
_NTC = (N_CLASSES + 127) // 128
_SEG = 246
_SSB = 2
_NSS = _SEG // _SSB
_CAP = _B_PER_W // 16
_SENT_CL = 255
_SENT_REC = _SENT_CL << 22
_B_SAFE = BATCH
_OUT_ROWS = BATCH + 16

_mesh = plsc.VectorSubcoreMesh(core_axis_name="c", subcore_axis_name="s")
_params = pltpu.CompilerParams(use_tc_tiling_on_sc=True,
                               needs_layout_passes=False)


@functools.partial(
    pl.kernel, mesh=_mesh, compiler_params=_params,
    out_type=jax.ShapeDtypeStruct((_NW, _NW, 16, _CAP), jnp.int32),
    scratch_types=[
        pltpu.VMEM((_B_PER_W,), jnp.int32),
        pltpu.VMEM((_NW, 1, 16, _CAP), jnp.int32),
        pltpu.VMEM((16, _NW), jnp.int32),
    ],
)
def _bucket_kernel(idx_hbm, out1_hbm, idx_v, bkt_v, cnt_v):
    wid = lax.axis_index("s") * _NC + lax.axis_index("c")
    pltpu.sync_copy(idx_hbm.at[wid], idx_v)
    lanes = lax.iota(jnp.int32, 16)
    sent = jnp.full((16,), _SENT_REC, jnp.int32)
    zeros = jnp.zeros((16,), jnp.int32)

    def clear(s, _):
        for l in range(16):
            for k2 in range(_CAP // 16):
                bkt_v[s, 0, l, pl.ds(k2 * 16, 16)] = sent
        return ()

    lax.fori_loop(0, _NW, clear, ())
    for l in range(16):
        for k2 in range(_NW // 16):
            cnt_v[l, pl.ds(k2 * 16, 16)] = zeros

    def put(g, _):
        x = idx_v[pl.ds(g * 16, 16)]
        c = lax.shift_right_logical(x, 7)
        m = lax.bitwise_and(x, 127)
        b = wid * _B_PER_W + g * 16 + lanes
        w2 = lax.div(c, 246)
        cl = c - w2 * 246
        rec = cl * 4194304 + b * 128 + m
        pos = plsc.load_gather(cnt_v, [lanes, w2])
        plsc.store_scatter(bkt_v, [w2, zeros, lanes, pos], rec)
        plsc.store_scatter(cnt_v, [lanes, w2], pos + 1)
        return ()

    lax.fori_loop(0, _B_PER_W // 16, put, ())
    pltpu.sync_copy(bkt_v, out1_hbm.at[:, pl.ds(wid, 1)])


@functools.partial(
    pl.kernel, mesh=_mesh, compiler_params=_params,
    out_type=jax.ShapeDtypeStruct((_OUT_ROWS, 128), jnp.float32),
    scratch_types=[
        pltpu.VMEM((_NW, 16, _CAP), jnp.int32),
        pltpu.VMEM((256,), jnp.int32),
        pltpu.VMEM((256,), jnp.int32),
        pltpu.VMEM((256,), jnp.int32),
        pltpu.VMEM((BATCH,), jnp.int32),
        pltpu.VMEM((2, _SSB, EMBED_DIM, 128), jnp.float32),
        pltpu.VMEM((2, 16, 128), jnp.float32),
        pltpu.VMEM((2, 1, 16), jnp.int32),
        pltpu.SemaphoreType.DMA,
        pltpu.SemaphoreType.DMA,
        pltpu.SemaphoreType.DMA,
    ],
)
def _stream_kernel(recs_hbm, tableT_hbm, out_hbm, coll_v, cntb_v, offs_v,
                   cur_v, sorted_v, stage_v, rows_v, bb_v, sem_s0, sem_s1,
                   sem_sc):
    wid = lax.axis_index("s") * _NC + lax.axis_index("c")
    lanes = lax.iota(jnp.int32, 16)
    zeros = jnp.zeros((16,), jnp.int32)
    pltpu.sync_copy(recs_hbm.at[wid], coll_v)
    for k2 in range(16):
        cntb_v[pl.ds(k2 * 16, 16)] = zeros
        cur_v[pl.ds(k2 * 16, 16)] = zeros

    def count(w2, _):
        for l in range(16):
            for k2 in range(_CAP // 16):
                v = coll_v[w2, l, pl.ds(k2 * 16, 16)]
                cl = lax.shift_right_logical(v, 22)
                ranks, last = plsc.scan_count(cl)
                cg = plsc.load_gather(cntb_v, [cl])
                plsc.store_scatter(cntb_v, [cl], cg + ranks, mask=last)
        return ()

    lax.fori_loop(0, _NW, count, ())

    carry = jnp.zeros((16,), jnp.int32)
    for t in range(16):
        v = cntb_v[pl.ds(t * 16, 16)]
        cs = plsc.cumsum(v)
        offs_v[pl.ds(t * 16, 16)] = cs - v + carry
        tot = jnp.sum(v, axis=0)
        carry = carry + jnp.full((16,), 1, jnp.int32) * tot

    def place(w2, _):
        for l in range(16):
            for k2 in range(_CAP // 16):
                v = coll_v[w2, l, pl.ds(k2 * 16, 16)]
                cl = lax.shift_right_logical(v, 22)
                ranks, last = plsc.scan_count(cl)
                base = plsc.load_gather(offs_v, [cl])
                cc = plsc.load_gather(cur_v, [cl])
                plsc.store_scatter(sorted_v, [base + cc + ranks - 1], v)
                plsc.store_scatter(cur_v, [cl], cc + ranks, mask=last)
        return ()

    lax.fori_loop(0, _NW, place, ())

    c_base = wid * _SEG
    sems = (sem_s0, sem_s1)

    def issue_stage(ss, pj):
        for j in range(_SSB):
            c = c_base + ss * _SSB + j

            @pl.when(c < _NTC)
            def _():
                bc = pl.multiple_of(c * 128, 128)
                pltpu.async_copy(tableT_hbm.at[:, pl.ds(bc, 128)],
                                 stage_v.at[pj, j], sems[pj])

    def wait_stage(ss, pj):
        for j in range(_SSB):
            c = c_base + ss * _SSB + j

            @pl.when(c < _NTC)
            def _():
                pltpu.make_async_copy(
                    tableT_hbm.at[:, pl.ds(0, 128)], stage_v.at[pj, j],
                    sems[pj]).wait()

    def scalar_at(ref, i):
        ch = lax.div(i, 16)
        ln = lax.rem(i, 16)
        v = ref[pl.ds(pl.multiple_of(ch * 16, 16), 16)]
        return jnp.sum(jnp.where(lanes == ln, v, 0), axis=0)

    issue_stage(0, 0)

    def ss_body(ss, ngrp):
        pj = lax.rem(ss, 2)
        even = pj == 0

        @pl.when(jnp.logical_and(ss + 1 < _NSS, even))
        def _():
            issue_stage(ss + 1, 1)

        @pl.when(jnp.logical_and(ss + 1 < _NSS, jnp.logical_not(even)))
        def _():
            issue_stage(ss + 1, 0)

        @pl.when(even)
        def _():
            wait_stage(ss, 0)

        @pl.when(jnp.logical_not(even))
        def _():
            wait_stage(ss, 1)

        for j in range(_SSB):
            cl = ss * _SSB + j
            start = scalar_at(offs_v, cl)
            end = scalar_at(offs_v, cl + 1)
            cnt = end - start

            def grp_body(g, ng):
                p = start + g * 16 + lanes
                msk = p < end
                rec = plsc.load_gather(sorted_v, [jnp.where(msk, p, 0)])
                rec = jnp.where(msk, rec, _B_SAFE * 128)
                m = lax.bitwise_and(rec, 127)
                b = lax.bitwise_and(lax.shift_right_logical(rec, 7), 32767)
                gp = lax.rem(ng, 2)

                pjv = jnp.full((16,), pj, jnp.int32)
                jv = jnp.full((16,), j, jnp.int32)
                for d in range(EMBED_DIM):
                    dv = jnp.full((16,), d, jnp.int32)
                    vals = plsc.load_gather(stage_v, [pjv, jv, dv, m])
                    plsc.store_scatter(rows_v, [jnp.full((16,), gp, jnp.int32),
                                                lanes, dv], vals)
                bb_v[gp, 0, pl.ds(0, 16)] = b
                return ng + 1

            ngrp = lax.fori_loop(
                0, lax.div(cnt + 15, 16), grp_body, ngrp)
        return ngrp

    ngrp = lax.fori_loop(0, _NSS, ss_body, jnp.int32(0))



def kernel(batch, table):
    idx = batch.astype(jnp.int32).reshape(_NW, _B_PER_W)
    recs = _bucket_kernel(idx)
    out = _stream_kernel(recs, table.T)
    return out[:BATCH, :EMBED_DIM].reshape(BATCH, 1, EMBED_DIM)

# --- scband reference (transcript-rebuilt; emitter-appended) ---
"""Pipeline reference for scband-class-embedder-6588479832671 (READ-ONLY COPY).

The authoritative reference and input builder live on the scoring server;
editing this copy changes nothing except your own understanding.
"""

import jax, jax.numpy as jnp
import numpy as np

N_CLASSES = 1000000
EMBED_DIM = 64
BATCH = 16384

def setup_inputs(seed: int = 0) -> dict:
    key = jax.random.key(seed)
    k_idx, k_tab = jax.random.split(key)
    batch = jax.random.randint(k_idx, (BATCH,), 0, N_CLASSES, dtype=jnp.int64 if jax.config.jax_enable_x64 else jnp.int32)
    table = jax.random.normal(k_tab, (N_CLASSES, EMBED_DIM), dtype=jnp.float32) * 0.02
    return {"batch": batch, "table": table}

def reference(batch, table):
    # ClassEmbedder.forward: c = batch[key][:, None]; c = self.embedding(c)
    # batch here is the raw int index tensor (the dict entry batch['class']).
    c = batch[:, None]                       # [B, 1]
    c = jnp.take(table, c, axis=0)           # [B, 1, embed_dim]
    return c

if __name__ == "__main__":
    import jax
    _d = setup_inputs()
    print(jax.jit(kernel)(*tuple(_d.values())))

</pallas_src>

<mosaic_0001>
#map = affine_map<(d0, d1) -> (0, 0, 0, 0)>
#map1 = affine_map<(d0, d1) -> (0, 0)>
module attributes {stable_mosaic.version = 14 : i64} {
  func.func @_stream_kernel(%arg0: i32, %arg1: i32, %arg2: memref<32x32x16x32xi32, #tpu.memory_space<hbm>>, %arg3: memref<64x1000000xf32, #tpu.memory_space<hbm>>, %arg4: memref<16400x128xf32, #tpu.memory_space<hbm>>, %arg5: memref<32x16x32xi32, #tpu.memory_space<vmem>>, %arg6: memref<256xi32, #tpu.memory_space<vmem>>, %arg7: memref<256xi32, #tpu.memory_space<vmem>>, %arg8: memref<256xi32, #tpu.memory_space<vmem>>, %arg9: memref<16384xi32, #tpu.memory_space<vmem>>, %arg10: memref<2x2x64x128xf32, #tpu.memory_space<vmem>>, %arg11: memref<2x16x128xf32, #tpu.memory_space<vmem>>, %arg12: memref<2x1x16xi32, #tpu.memory_space<vmem>>, %arg13: memref<!tpu.dma_semaphore, #tpu.memory_space<semaphore_mem>>, %arg14: memref<!tpu.dma_semaphore, #tpu.memory_space<semaphore_mem>>, %arg15: memref<!tpu.dma_semaphore, #tpu.memory_space<semaphore_mem>>) attributes {dimension_semantics = [#tpu.dimension_semantics<core_parallel>, #tpu.dimension_semantics<subcore_parallel>], iteration_bounds = array<i64: 2, 16>, scalar_prefetch = 0 : i64, scratch_operands = 11 : i64, tpu.core_type = #tpu.core_type<sc_vector_subcore>, window_params = [{transform_indices = #map}, {transform_indices = #map1}, {transform_indices = #map1}]} {
    %mul3A = arith.constant 2 : i32
    %mul3A_0 = arith.muli %arg1, %mul3A : i32
    %add3A = arith.addi %mul3A_0, %arg0 : i32
    %iota3A = tpu.iota {dimensions = array<i32: 0>} : vector<16xi32>
    %broadcast_in_dim3A = arith.constant 0 : i32
    %broadcast_in_dim3A_1 = vector.broadcast %broadcast_in_dim3A : i32 to vector<16xi32>
    "tpu.region"() ({
      %run_scoped3A = tpu.sem_alloc : memref<!tpu.dma_semaphore, #tpu.memory_space<semaphore_mem>>
      %dma_start3A = arith.constant 0 : i32
      %dma_start3A_384 = arith.constant 0 : i32
      %dma_start3A_385 = arith.constant 0 : i32
      %dma_start3A_386 = tpu.memref_slice %arg2[%add3A, %dma_start3A, %dma_start3A_384, %dma_start3A_385] : memref<32x32x16x32xi32, #tpu.memory_space<hbm>> -> memref<1x32x16x32xi32, #tpu.memory_space<hbm>>
      %dma_start3A_387 = tpu.memref_squeeze %dma_start3A_386 : memref<1x32x16x32xi32, #tpu.memory_space<hbm>> -> memref<32x16x32xi32, #tpu.memory_space<hbm>>
      %dma_start3A_388 = arith.constant 0 : i32
      %dma_start3A_389 = arith.constant 0 : i32
      %dma_start3A_390 = arith.constant 0 : i32
      %dma_start3A_391 = tpu.memref_slice %arg2[%add3A, %dma_start3A_388, %dma_start3A_389, %dma_start3A_390] : memref<32x32x16x32xi32, #tpu.memory_space<hbm>> -> memref<1x32x16x32xi32, #tpu.memory_space<hbm>>
      %dma_start3A_392 = tpu.memref_squeeze %dma_start3A_391 : memref<1x32x16x32xi32, #tpu.memory_space<hbm>> -> memref<32x16x32xi32, #tpu.memory_space<hbm>>
      tpu.enqueue_dma source(%dma_start3A_392 : memref<32x16x32xi32, #tpu.memory_space<hbm>>) target(%arg5 : memref<32x16x32xi32, #tpu.memory_space<vmem>>) target_semaphore(%run_scoped3A : memref<!tpu.dma_semaphore, #tpu.memory_space<semaphore_mem>>)
      %dma_wait3A = arith.constant 0 : i32
      %dma_wait3A_393 = arith.constant 0 : i32
      %dma_wait3A_394 = arith.constant 0 : i32
      %dma_wait3A_395 = tpu.memref_slice %arg2[%add3A, %dma_wait3A, %dma_wait3A_393, %dma_wait3A_394] : memref<32x32x16x32xi32, #tpu.memory_space<hbm>> -> memref<1x32x16x32xi32, #tpu.memory_space<hbm>>
      %dma_wait3A_396 = tpu.memref_squeeze %dma_wait3A_395 : memref<1x32x16x32xi32, #tpu.memory_space<hbm>> -> memref<32x16x32xi32, #tpu.memory_space<hbm>>
      %dma_wait3A_397 = arith.constant 0 : i32
      %dma_wait3A_398 = arith.constant 0 : i32
      %dma_wait3A_399 = arith.constant 0 : i32
      %dma_wait3A_400 = tpu.memref_slice %arg2[%add3A, %dma_wait3A_397, %dma_wait3A_398, %dma_wait3A_399] : memref<32x32x16x32xi32, #tpu.memory_space<hbm>> -> memref<1x32x16x32xi32, #tpu.memory_space<hbm>>
      %dma_wait3A_401 = tpu.memref_squeeze %dma_wait3A_400 : memref<1x32x16x32xi32, #tpu.memory_space<hbm>> -> memref<32x16x32xi32, #tpu.memory_space<hbm>>
      tpu.wait_dma2 semaphore(%run_scoped3A : memref<!tpu.dma_semaphore, #tpu.memory_space<semaphore_mem>>) src(%dma_wait3A_401 : memref<32x16x32xi32, #tpu.memory_space<hbm>>) dst(%arg5 : memref<32x16x32xi32, #tpu.memory_space<vmem>>)
      tpu.yield
    }) : () -> ()
    %swap3A = arith.constant 0 : index
    %swap3A_2 = tpu.vector_load %arg6[%swap3A] {strides = array<i32>} : memref<256xi32, #tpu.memory_space<vmem>>, vector<16xi32>,
    tpu.vector_store %arg6[%swap3A], %broadcast_in_dim3A_1 {strides = array<i32>} : memref<256xi32, #tpu.memory_space<vmem>>, vector<16xi32>,
    %swap3A_3 = arith.constant 0 : index
    %swap3A_4 = tpu.vector_load %arg8[%swap3A_3] {strides = array<i32>} : memref<256xi32, #tpu.memory_space<vmem>>, vector<16xi32>,
    tpu.vector_store %arg8[%swap3A_3], %broadcast_in_dim3A_1 {strides = array<i32>} : memref<256xi32, #tpu.memory_space<vmem>>, vector<16xi32>,
    %swap3A_5 = arith.constant 16 : index
    %swap3A_6 = tpu.vector_load %arg6[%swap3A_5] {strides = array<i32>} : memref<256xi32, #tpu.memory_space<vmem>>, vector<16xi32>,
    tpu.vector_store %arg6[%swap3A_5], %broadcast_in_dim3A_1 {strides = array<i32>} : memref<256xi32, #tpu.memory_space<vmem>>, vector<16xi32>,
    %swap3A_7 = arith.constant 16 : index
    %swap3A_8 = tpu.vector_load %arg8[%swap3A_7] {strides = array<i32>} : memref<256xi32, #tpu.memory_space<vmem>>, vector<16xi32>,
    tpu.vector_store %arg8[%swap3A_7], %broadcast_in_dim3A_1 {strides = array<i32>} : memref<256xi32, #tpu.memory_space<vmem>>, vector<16xi32>,
    %swap3A_9 = arith.constant 32 : index
    %swap3A_10 = tpu.vector_load %arg6[%swap3A_9] {strides = array<i32>} : memref<256xi32, #tpu.memory_space<vmem>>, vector<16xi32>,
    tpu.vector_store %arg6[%swap3A_9], %broadcast_in_dim3A_1 {strides = array<i32>} : memref<256xi32, #tpu.memory_space<vmem>>, vector<16xi32>,
    %swap3A_11 = arith.constant 32 : index
    %swap3A_12 = tpu.vector_load %arg8[%swap3A_11] {strides = array<i32>} : memref<256xi32, #tpu.memory_space<vmem>>, vector<16xi32>,
    tpu.vector_store %arg8[%swap3A_11], %broadcast_in_dim3A_1 {strides = array<i32>} : memref<256xi32, #tpu.memory_space<vmem>>, vector<16xi32>,
    %swap3A_13 = arith.constant 48 : index
    %swap3A_14 = tpu.vector_load %arg6[%swap3A_13] {strides = array<i32>} : memref<256xi32, #tpu.memory_space<vmem>>, vector<16xi32>,
    tpu.vector_store %arg6[%swap3A_13], %broadcast_in_dim3A_1 {strides = array<i32>} : memref<256xi32, #tpu.memory_space<vmem>>, vector<16xi32>,
    %swap3A_15 = arith.constant 48 : index
    %swap3A_16 = tpu.vector_load %arg8[%swap3A_15] {strides = array<i32>} : memref<256xi32, #tpu.memory_space<vmem>>, vector<16xi32>,
    tpu.vector_store %arg8[%swap3A_15], %broadcast_in_dim3A_1 {strides = array<i32>} : memref<256xi32, #tpu.memory_space<vmem>>, vector<16xi32>,
    %swap3A_17 = arith.constant 64 : index
    %swap3A_18 = tpu.vector_load %arg6[%swap3A_17] {strides = array<i32>} : memref<256xi32, #tpu.memory_space<vmem>>, vector<16xi32>,
    tpu.vector_store %arg6[%swap3A_17], %broadcast_in_dim3A_1 {strides = array<i32>} : memref<256xi32, #tpu.memory_space<vmem>>, vector<16xi32>,
    %swap3A_19 = arith.constant 64 : index
    %swap3A_20 = tpu.vector_load %arg8[%swap3A_19] {strides = array<i32>} : memref<256xi32, #tpu.memory_space<vmem>>, vector<16xi32>,
    tpu.vector_store %arg8[%swap3A_19], %broadcast_in_dim3A_1 {strides = array<i32>} : memref<256xi32, #tpu.memory_space<vmem>>, vector<16xi32>,
    %swap3A_21 = arith.constant 80 : index
    %swap3A_22 = tpu.vector_load %arg6[%swap3A_21] {strides = array<i32>} : memref<256xi32, #tpu.memory_space<vmem>>, vector<16xi32>,
    tpu.vector_store %arg6[%swap3A_21], %broadcast_in_dim3A_1 {strides = array<i32>} : memref<256xi32, #tpu.memory_space<vmem>>, vector<16xi32>,
    %swap3A_23 = arith.constant 80 : index
    %swap3A_24 = tpu.vector_load %arg8[%swap3A_23] {strides = array<i32>} : memref<256xi32, #tpu.memory_space<vmem>>, vector<16xi32>,
    tpu.vector_store %arg8[%swap3A_23], %broadcast_in_dim3A_1 {strides = array<i32>} : memref<256xi32, #tpu.memory_space<vmem>>, vector<16xi32>,
    %swap3A_25 = arith.constant 96 : index
    %swap3A_26 = tpu.vector_load %arg6[%swap3A_25] {strides = array<i32>} : memref<256xi32, #tpu.memory_space<vmem>>, vector<16xi32>,
    tpu.vector_store %arg6[%swap3A_25], %broadcast_in_dim3A_1 {strides = array<i32>} : memref<256xi32, #tpu.memory_space<vmem>>, vector<16xi32>,
    %swap3A_27 = arith.constant 96 : index
    %swap3A_28 = tpu.vector_load %arg8[%swap3A_27] {strides = array<i32>} : memref<256xi32, #tpu.memory_space<vmem>>, vector<16xi32>,
    tpu.vector_store %arg8[%swap3A_27], %broadcast_in_dim3A_1 {strides = array<i32>} : memref<256xi32, #tpu.memory_space<vmem>>, vector<16xi32>,
    %swap3A_29 = arith.constant 112 : index
    %swap3A_30 = tpu.vector_load %arg6[%swap3A_29] {strides = array<i32>} : memref<256xi32, #tpu.memory_space<vmem>>, vector<16xi32>,
    tpu.vector_store %arg6[%swap3A_29], %broadcast_in_dim3A_1 {strides = array<i32>} : memref<256xi32, #tpu.memory_space<vmem>>, vector<16xi32>,
    %swap3A_31 = arith.constant 112 : index
    %swap3A_32 = tpu.vector_load %arg8[%swap3A_31] {strides = array<i32>} : memref<256xi32, #tpu.memory_space<vmem>>, vector<16xi32>,
    tpu.vector_store %arg8[%swap3A_31], %broadcast_in_dim3A_1 {strides = array<i32>} : memref<256xi32, #tpu.memory_space<vmem>>, vector<16xi32>,
    %swap3A_33 = arith.constant 128 : index
    %swap3A_34 = tpu.vector_load %arg6[%swap3A_33] {strides = array<i32>} : memref<256xi32, #tpu.memory_space<vmem>>, vector<16xi32>,
    tpu.vector_store %arg6[%swap3A_33], %broadcast_in_dim3A_1 {strides = array<i32>} : memref<256xi32, #tpu.memory_space<vmem>>, vector<16xi32>,
    %swap3A_35 = arith.constant 128 : index
    %swap3A_36 = tpu.vector_load %arg8[%swap3A_35] {strides = array<i32>} : memref<256xi32, #tpu.memory_space<vmem>>, vector<16xi32>,
    tpu.vector_store %arg8[%swap3A_35], %broadcast_in_dim3A_1 {strides = array<i32>} : memref<256xi32, #tpu.memory_space<vmem>>, vector<16xi32>,
    %swap3A_37 = arith.constant 144 : index
    %swap3A_38 = tpu.vector_load %arg6[%swap3A_37] {strides = array<i32>} : memref<256xi32, #tpu.memory_space<vmem>>, vector<16xi32>,
    tpu.vector_store %arg6[%swap3A_37], %broadcast_in_dim3A_1 {strides = array<i32>} : memref<256xi32, #tpu.memory_space<vmem>>, vector<16xi32>,
    %swap3A_39 = arith.constant 144 : index
    %swap3A_40 = tpu.vector_load %arg8[%swap3A_39] {strides = array<i32>} : memref<256xi32, #tpu.memory_space<vmem>>, vector<16xi32>,
    tpu.vector_store %arg8[%swap3A_39], %broadcast_in_dim3A_1 {strides = array<i32>} : memref<256xi32, #tpu.memory_space<vmem>>, vector<16xi32>,
    %swap3A_41 = arith.constant 160 : index
    %swap3A_42 = tpu.vector_load %arg6[%swap3A_41] {strides = array<i32>} : memref<256xi32, #tpu.memory_space<vmem>>, vector<16xi32>,
    tpu.vector_store %arg6[%swap3A_41], %broadcast_in_dim3A_1 {strides = array<i32>} : memref<256xi32, #tpu.memory_space<vmem>>, vector<16xi32>,
    %swap3A_43 = arith.constant 160 : index
    %swap3A_44 = tpu.vector_load %arg8[%swap3A_43] {strides = array<i32>} : memref<256xi32, #tpu.memory_space<vmem>>, vector<16xi32>,
    tpu.vector_store %arg8[%swap3A_43], %broadcast_in_dim3A_1 {strides = array<i32>} : memref<256xi32, #tpu.memory_space<vmem>>, vector<16xi32>,
    %swap3A_45 = arith.constant 176 : index
    %swap3A_46 = tpu.vector_load %arg6[%swap3A_45] {strides = array<i32>} : memref<256xi32, #tpu.memory_space<vmem>>, vector<16xi32>,
    tpu.vector_store %arg6[%swap3A_45], %broadcast_in_dim3A_1 {strides = array<i32>} : memref<256xi32, #tpu.memory_space<vmem>>, vector<16xi32>,
    %swap3A_47 = arith.constant 176 : index
    %swap3A_48 = tpu.vector_load %arg8[%swap3A_47] {strides = array<i32>} : memref<256xi32, #tpu.memory_space<vmem>>, vector<16xi32>,
    tpu.vector_store %arg8[%swap3A_47], %broadcast_in_dim3A_1 {strides = array<i32>} : memref<256xi32, #tpu.memory_space<vmem>>, vector<16xi32>,
    %swap3A_49 = arith.constant 192 : index
    %swap3A_50 = tpu.vector_load %arg6[%swap3A_49] {strides = array<i32>} : memref<256xi32, #tpu.memory_space<vmem>>, vector<16xi32>,
    tpu.vector_store %arg6[%swap3A_49], %broadcast_in_dim3A_1 {strides = array<i32>} : memref<256xi32, #tpu.memory_space<vmem>>, vector<16xi32>,
    %swap3A_51 = arith.constant 192 : index
    %swap3A_52 = tpu.vector_load %arg8[%swap3A_51] {strides = array<i32>} : memref<256xi32, #tpu.memory_space<vmem>>, vector<16xi32>,
    tpu.vector_store %arg8[%swap3A_51], %broadcast_in_dim3A_1 {strides = array<i32>} : memref<256xi32, #tpu.memory_space<vmem>>, vector<16xi32>,
    %swap3A_53 = arith.constant 208 : index
    %swap3A_54 = tpu.vector_load %arg6[%swap3A_53] {strides = array<i32>} : memref<256xi32, #tpu.memory_space<vmem>>, vector<16xi32>,
    tpu.vector_store %arg6[%swap3A_53], %broadcast_in_dim3A_1 {strides = array<i32>} : memref<256xi32, #tpu.memory_space<vmem>>, vector<16xi32>,
    %swap3A_55 = arith.constant 208 : index
    %swap3A_56 = tpu.vector_load %arg8[%swap3A_55] {strides = array<i32>} : memref<256xi32, #tpu.memory_space<vmem>>, vector<16xi32>,
    tpu.vector_store %arg8[%swap3A_55], %broadcast_in_dim3A_1 {strides = array<i32>} : memref<256xi32, #tpu.memory_space<vmem>>, vector<16xi32>,
    %swap3A_57 = arith.constant 224 : index
    %swap3A_58 = tpu.vector_load %arg6[%swap3A_57] {strides = array<i32>} : memref<256xi32, #tpu.memory_space<vmem>>, vector<16xi32>,
    tpu.vector_store %arg6[%swap3A_57], %broadcast_in_dim3A_1 {strides = array<i32>} : memref<256xi32, #tpu.memory_space<vmem>>, vector<16xi32>,
    %swap3A_59 = arith.constant 224 : index
    %swap3A_60 = tpu.vector_load %arg8[%swap3A_59] {strides = array<i32>} : memref<256xi32, #tpu.memory_space<vmem>>, vector<16xi32>,
    tpu.vector_store %arg8[%swap3A_59], %broadcast_in_dim3A_1 {strides = array<i32>} : memref<256xi32, #tpu.memory_space<vmem>>, vector<16xi32>,
    %swap3A_61 = arith.constant 240 : index
    %swap3A_62 = tpu.vector_load %arg6[%swap3A_61] {strides = array<i32>} : memref<256xi32, #tpu.memory_space<vmem>>, vector<16xi32>,
    tpu.vector_store %arg6[%swap3A_61], %broadcast_in_dim3A_1 {strides = array<i32>} : memref<256xi32, #tpu.memory_space<vmem>>, vector<16xi32>,
    %swap3A_63 = arith.constant 240 : index
    %swap3A_64 = tpu.vector_load %arg8[%swap3A_63] {strides = array<i32>} : memref<256xi32, #tpu.memory_space<vmem>>, vector<16xi32>,
    tpu.vector_store %arg8[%swap3A_63], %broadcast_in_dim3A_1 {strides = array<i32>} : memref<256xi32, #tpu.memory_space<vmem>>, vector<16xi32>,
    %scan3A = arith.constant 0 : i32
    %scan3A_65 = arith.constant 32 : i32
    %scan3A_66 = arith.addi %scan3A, %scan3A_65 : i32
    %scan3A_67 = arith.constant 1 : i32
    scf.for %scan3A_384 = %scan3A to %scan3A_66 step %scan3A_67  : i32 {
      %get3A_385 = arith.constant 0 : i32
      %get3A_386 = arith.index_cast %scan3A_384 : i32 to index
      %get3A_387 = arith.index_cast %get3A_385 : i32 to index
      %get3A_388 = arith.constant 0 : index
      %get3A_389 = tpu.vector_load %arg5[%get3A_386, %get3A_387, %get3A_388] {strides = array<i32>} : memref<32x16x32xi32, #tpu.memory_space<vmem>>, vector<16xi32>,
      %shift_right_logical3A = arith.constant 22 : i32
      %shift_right_logical3A_390 = vector.broadcast %shift_right_logical3A : i32 to vector<16xi32>
      %shift_right_logical3A_391 = arith.shrui %get3A_389, %shift_right_logical3A_390 : vector<16xi32>
      %broadcast_in_dim3A_392 = arith.constant true
      %broadcast_in_dim3A_393 = vector.broadcast %broadcast_in_dim3A_392 : i1 to vector<16xi1>
      %unique3A, %unique3A_394 = tpu.scan_count mask(%broadcast_in_dim3A_393 : vector<16xi1>) value(%shift_right_logical3A_391 : vector<16xi32>) : vector<16xi1>, vector<16xi32>
      %gather3A = tpu.vector_load_idx %arg6[%shift_right_logical3A_391] : memref<256xi32, #tpu.memory_space<vmem>>[vector<16xi32>], vector<16xi32>,
      %add3A_395 = arith.addi %gather3A, %unique3A_394 : vector<16xi32>
      tpu.vector_store_idx %arg6[%shift_right_logical3A_391], %add3A_395 masked %unique3A : memref<256xi32, #tpu.memory_space<vmem>>[vector<16xi32>], vector<16xi32>, vector<16xi1>
      %get3A_396 = arith.constant 0 : i32
      %get3A_397 = arith.index_cast %scan3A_384 : i32 to index
      %get3A_398 = arith.index_cast %get3A_396 : i32 to index
      %get3A_399 = arith.constant 16 : index
      %get3A_400 = tpu.vector_load %arg5[%get3A_397, %get3A_398, %get3A_399] {strides = array<i32>} : memref<32x16x32xi32, #tpu.memory_space<vmem>>, vector<16xi32>,
      %shift_right_logical3A_401 = arith.constant 22 : i32
      %shift_right_logical3A_402 = vector.broadcast %shift_right_logical3A_401 : i32 to vector<16xi32>
      %shift_right_logical3A_403 = arith.shrui %get3A_400, %shift_right_logical3A_402 : vector<16xi32>
      %broadcast_in_dim3A_404 = arith.constant true
      %broadcast_in_dim3A_405 = vector.broadcast %broadcast_in_dim3A_404 : i1 to vector<16xi1>
      %unique3A_406, %unique3A_407 = tpu.scan_count mask(%broadcast_in_dim3A_405 : vector<16xi1>) value(%shift_right_logical3A_403 : vector<16xi32>) : vector<16xi1>, vector<16xi32>
      %gather3A_408 = tpu.vector_load_idx %arg6[%shift_right_logical3A_403] : memref<256xi32, #tpu.memory_space<vmem>>[vector<16xi32>], vector<16xi32>,
      %add3A_409 = arith.addi %gather3A_408, %unique3A_407 : vector<16xi32>
      tpu.vector_store_idx %arg6[%shift_right_logical3A_403], %add3A_409 masked %unique3A_406 : memref<256xi32, #tpu.memory_space<vmem>>[vector<16xi32>], vector<16xi32>, vector<16xi1>
      %get3A_410 = arith.constant 1 : i32
      %get3A_411 = arith.index_cast %scan3A_384 : i32 to index
      %get3A_412 = arith.index_cast %get3A_410 : i32 to index
      %get3A_413 = arith.constant 0 : index
      %get3A_414 = tpu.vector_load %arg5[%get3A_411, %get3A_412, %get3A_413] {strides = array<i32>} : memref<32x16x32xi32, #tpu.memory_space<vmem>>, vector<16xi32>,
      %shift_right_logical3A_415 = arith.constant 22 : i32
      %shift_right_logical3A_416 = vector.broadcast %shift_right_logical3A_415 : i32 to vector<16xi32>
      %shift_right_logical3A_417 = arith.shrui %get3A_414, %shift_right_logical3A_416 : vector<16xi32>
      %broadcast_in_dim3A_418 = arith.constant true
      %broadcast_in_dim3A_419 = vector.broadcast %broadcast_in_dim3A_418 : i1 to vector<16xi1>
      %unique3A_420, %unique3A_421 = tpu.scan_count mask(%broadcast_in_dim3A_419 : vector<16xi1>) value(%shift_right_logical3A_417 : vector<16xi32>) : vector<16xi1>, vector<16xi32>
      %gather3A_422 = tpu.vector_load_idx %arg6[%shift_right_logical3A_417] : memref<256xi32, #tpu.memory_space<vmem>>[vector<16xi32>], vector<16xi32>,
      %add3A_423 = arith.addi %gather3A_422, %unique3A_421 : vector<16xi32>
      tpu.vector_store_idx %arg6[%shift_right_logical3A_417], %add3A_423 masked %unique3A_420 : memref<256xi32, #tpu.memory_space<vmem>>[vector<16xi32>], vector<16xi32>, vector<16xi1>
      %get3A_424 = arith.constant 1 : i32
      %get3A_425 = arith.index_cast %scan3A_384 : i32 to index
      %get3A_426 = arith.index_cast %get3A_424 : i32 to index
      %get3A_427 = arith.constant 16 : index
      %get3A_428 = tpu.vector_load %arg5[%get3A_425, %get3A_426, %get3A_427] {strides = array<i32>} : memref<32x16x32xi32, #tpu.memory_space<vmem>>, vector<16xi32>,
      %shift_right_logical3A_429 = arith.constant 22 : i32
      %shift_right_logical3A_430 = vector.broadcast %shift_right_logical3A_429 : i32 to vector<16xi32>
      %shift_right_logical3A_431 = arith.shrui %get3A_428, %shift_right_logical3A_430 : vector<16xi32>
      %broadcast_in_dim3A_432 = arith.constant true
      %broadcast_in_dim3A_433 = vector.broadcast %broadcast_in_dim3A_432 : i1 to vector<16xi1>
      %unique3A_434, %unique3A_435 = tpu.scan_count mask(%broadcast_in_dim3A_433 : vector<16xi1>) value(%shift_right_logical3A_431 : vector<16xi32>) : vector<16xi1>, vector<16xi32>
      %gather3A_436 = tpu.vector_load_idx %arg6[%shift_right_logical3A_431] : memref<256xi32, #tpu.memory_space<vmem>>[vector<16xi32>], vector<16xi32>,
      %add3A_437 = arith.addi %gather3A_436, %unique3A_435 : vector<16xi32>
      tpu.vector_store_idx %arg6[%shift_right_logical3A_431], %add3A_437 masked %unique3A_434 : memref<256xi32, #tpu.memory_space<vmem>>[vector<16xi32>], vector<16xi32>, vector<16xi1>
      %get3A_438 = arith.constant 2 : i32
      %get3A_439 = arith.index_cast %scan3A_384 : i32 to index
      %get3A_440 = arith.index_cast %get3A_438 : i32 to index
      %get3A_441 = arith.constant 0 : index
      %get3A_442 = tpu.vector_load %arg5[%get3A_439, %get3A_440, %get3A_441] {strides = array<i32>} : memref<32x16x32xi32, #tpu.memory_space<vmem>>, vector<16xi32>,
      %shift_right_logical3A_443 = arith.constant 22 : i32
      %shift_right_logical3A_444 = vector.broadcast %shift_right_logical3A_443 : i32 to vector<16xi32>
      %shift_right_logical3A_445 = arith.shrui %get3A_442, %shift_right_logical3A_444 : vector<16xi32>
      %broadcast_in_dim3A_446 = arith.constant true
      %broadcast_in_dim3A_447 = vector.broadcast %broadcast_in_dim3A_446 : i1 to vector<16xi1>
      %unique3A_448, %unique3A_449 = tpu.scan_count mask(%broadcast_in_dim3A_447 : vector<16xi1>) value(%shift_right_logical3A_445 : vector<16xi32>) : vector<16xi1>, vector<16xi32>
      %gather3A_450 = tpu.vector_load_idx %arg6[%shift_right_logical3A_445] : memref<256xi32, #tpu.memory_space<vmem>>[vector<16xi32>], vector<16xi32>,
      %add3A_451 = arith.addi %gather3A_450, %unique3A_449 : vector<16xi32>
      tpu.vector_store_idx %arg6[%shift_right_logical3A_445], %add3A_451 masked %unique3A_448 : memref<256xi32, #tpu.memory_space<vmem>>[vector<16xi32>], vector<16xi32>, vector<16xi1>
      %get3A_452 = arith.constant 2 : i32
      %get3A_453 = arith.index_cast %scan3A_384 : i32 to index
      %get3A_454 = arith.index_cast %get3A_452 : i32 to index
      %get3A_455 = arith.constant 16 : index
      %get3A_456 = tpu.vector_load %arg5[%get3A_453, %get3A_454, %get3A_455] {strides = array<i32>} : memref<32x16x32xi32, #tpu.memory_space<vmem>>, vector<16xi32>,
      %shift_right_logical3A_457 = arith.constant 22 : i32
      %shift_right_logical3A_458 = vector.broadcast %shift_right_logical3A_457 : i32 to vector<16xi32>
      %shift_right_logical3A_459 = arith.shrui %get3A_456, %shift_right_logical3A_458 : vector<16xi32>
      %broadcast_in_dim3A_460 = arith.constant true
      %broadcast_in_dim3A_461 = vector.broadcast %broadcast_in_dim3A_460 : i1 to vector<16xi1>
      %unique3A_462, %unique3A_463 = tpu.scan_count mask(%broadcast_in_dim3A_461 : vector<16xi1>) value(%shift_right_logical3A_459 : vector<16xi32>) : vector<16xi1>, vector<16xi32>
      %gather3A_464 = tpu.vector_load_idx %arg6[%shift_right_logical3A_459] : memref<256xi32, #tpu.memory_space<vmem>>[vector<16xi32>], vector<16xi32>,
      %add3A_465 = arith.addi %gather3A_464, %unique3A_463 : vector<16xi32>
      tpu.vector_store_idx %arg6[%shift_right_logical3A_459], %add3A_465 masked %unique3A_462 : memref<256xi32, #tpu.memory_space<vmem>>[vector<16xi32>], vector<16xi32>, vector<16xi1>
      %get3A_466 = arith.constant 3 : i32
      %get3A_467 = arith.index_cast %scan3A_384 : i32 to index
      %get3A_468 = arith.index_cast %get3A_466 : i32 to index
      %get3A_469 = arith.constant 0 : index
      %get3A_470 = tpu.vector_load %arg5[%get3A_467, %get3A_468, %get3A_469] {strides = array<i32>} : memref<32x16x32xi32, #tpu.memory_space<vmem>>, vector<16xi32>,
      %shift_right_logical3A_471 = arith.constant 22 : i32
      %shift_right_logical3A_472 = vector.broadcast %shift_right_logical3A_471 : i32 to vector<16xi32>
      %shift_right_logical3A_473 = arith.shrui %get3A_470, %shift_right_logical3A_472 : vector<16xi32>
      %broadcast_in_dim3A_474 = arith.constant true
      %broadcast_in_dim3A_475 = vector.broadcast %broadcast_in_dim3A_474 : i1 to vector<16xi1>
      %unique3A_476, %unique3A_477 = tpu.scan_count mask(%broadcast_in_dim3A_475 : vector<16xi1>) value(%shift_right_logical3A_473 : vector<16xi32>) : vector<16xi1>, vector<16xi32>
      %gather3A_478 = tpu.vector_load_idx %arg6[%shift_right_logical3A_473] : memref<256xi32, #tpu.memory_space<vmem>>[vector<16xi32>], vector<16xi32>,
      %add3A_479 = arith.addi %gather3A_478, %unique3A_477 : vector<16xi32>
      tpu.vector_store_idx %arg6[%shift_right_logical3A_473], %add3A_479 masked %unique3A_476 : memref<256xi32, #tpu.memory_space<vmem>>[vector<16xi32>], vector<16xi32>, vector<16xi1>
      %get3A_480 = arith.constant 3 : i32
      %get3A_481 = arith.index_cast %scan3A_384 : i32 to index
      %get3A_482 = arith.index_cast %get3A_480 : i32 to index
      %get3A_483 = arith.constant 16 : index
      %get3A_484 = tpu.vector_load %arg5[%get3A_481, %get3A_482, %get3A_483] {strides = array<i32>} : memref<32x16x32xi32, #tpu.memory_space<vmem>>, vector<16xi32>,
      %shift_right_logical3A_485 = arith.constant 22 : i32
      %shift_right_logical3A_486 = vector.broadcast %shift_right_logical3A_485 : i32 to vector<16xi32>
      %shift_right_logical3A_487 = arith.shrui %get3A_484, %shift_right_logical3A_486 : vector<16xi32>
      %broadcast_in_dim3A_488 = arith.constant true
      %broadcast_in_dim3A_489 = vector.broadcast %broadcast_in_dim3A_488 : i1 to vector<16xi1>
      %unique3A_490, %unique3A_491 = tpu.scan_count mask(%broadcast_in_dim3A_489 : vector<16xi1>) value(%shift_right_logical3A_487 : vector<16xi32>) : vector<16xi1>, vector<16xi32>
      %gather3A_492 = tpu.vector_load_idx %arg6[%shift_right_logical3A_487] : memref<256xi32, #tpu.memory_space<vmem>>[vector<16xi32>], vector<16xi32>,
      %add3A_493 = arith.addi %gather3A_492, %unique3A_491 : vector<16xi32>
      tpu.vector_store_idx %arg6[%shift_right_logical3A_487], %add3A_493 masked %unique3A_490 : memref<256xi32, #tpu.memory_space<vmem>>[vector<16xi32>], vector<16xi32>, vector<16xi1>
      %get3A_494 = arith.constant 4 : i32
      %get3A_495 = arith.index_cast %scan3A_384 : i32 to index
      %get3A_496 = arith.index_cast %get3A_494 : i32 to index
      %get3A_497 = arith.constant 0 : index
      %get3A_498 = tpu.vector_load %arg5[%get3A_495, %get3A_496, %get3A_497] {strides = array<i32>} : memref<32x16x32xi32, #tpu.memory_space<vmem>>, vector<16xi32>,
      %shift_right_logical3A_499 = arith.constant 22 : i32
      %shift_right_logical3A_500 = vector.broadcast %shift_right_logical3A_499 : i32 to vector<16xi32>
      %shift_right_logical3A_501 = arith.shrui %get3A_498, %shift_right_logical3A_500 : vector<16xi32>
      %broadcast_in_dim3A_502 = arith.constant true
      %broadcast_in_dim3A_503 = vector.broadcast %broadcast_in_dim3A_502 : i1 to vector<16xi1>
      %unique3A_504, %unique3A_505 = tpu.scan_count mask(%broadcast_in_dim3A_503 : vector<16xi1>) value(%shift_right_logical3A_501 : vector<16xi32>) : vector<16xi1>, vector<16xi32>
      %gather3A_506 = tpu.vector_load_idx %arg6[%shift_right_logical3A_501] : memref<256xi32, #tpu.memory_space<vmem>>[vector<16xi32>], vector<16xi32>,
      %add3A_507 = arith.addi %gather3A_506, %unique3A_505 : vector<16xi32>
      tpu.vector_store_idx %arg6[%shift_right_logical3A_501], %add3A_507 masked %unique3A_504 : memref<256xi32, #tpu.memory_space<vmem>>[vector<16xi32>], vector<16xi32>, vector<16xi1>
      %get3A_508 = arith.constant 4 : i32
      %get3A_509 = arith.index_cast %scan3A_384 : i32 to index
      %get3A_510 = arith.index_cast %get3A_508 : i32 to index
      %get3A_511 = arith.constant 16 : index
      %get3A_512 = tpu.vector_load %arg5[%get3A_509, %get3A_510, %get3A_511] {strides = array<i32>} : memref<32x16x32xi32, #tpu.memory_space<vmem>>, vector<16xi32>,
      %shift_right_logical3A_513 = arith.constant 22 : i32
      %shift_right_logical3A_514 = vector.broadcast %shift_right_logical3A_513 : i32 to vector<16xi32>
      %shift_right_logical3A_515 = arith.shrui %get3A_512, %shift_right_logical3A_514 : vector<16xi32>
      %broadcast_in_dim3A_516 = arith.constant true
      %broadcast_in_dim3A_517 = vector.broadcast %broadcast_in_dim3A_516 : i1 to vector<16xi1>
      %unique3A_518, %unique3A_519 = tpu.scan_count mask(%broadcast_in_dim3A_517 : vector<16xi1>) value(%shift_right_logical3A_515 : vector<16xi32>) : vector<16xi1>, vector<16xi32>
      %gather3A_520 = tpu.vector_load_idx %arg6[%shift_right_logical3A_515] : memref<256xi32, #tpu.memory_space<vmem>>[vector<16xi32>], vector<16xi32>,
      %add3A_521 = arith.addi %gather3A_520, %unique3A_519 : vector<16xi32>
      tpu.vector_store_idx %arg6[%shift_right_logical3A_515], %add3A_521 masked %unique3A_518 : memref<256xi32, #tpu.memory_space<vmem>>[vector<16xi32>], vector<16xi32>, vector<16xi1>
      %get3A_522 = arith.constant 5 : i32
      %get3A_523 = arith.index_cast %scan3A_384 : i32 to index
      %get3A_524 = arith.index_cast %get3A_522 : i32 to index
      %get3A_525 = arith.constant 0 : index
      %get3A_526 = tpu.vector_load %arg5[%get3A_523, %get3A_524, %get3A_525] {strides = array<i32>} : memref<32x16x32xi32, #tpu.memory_space<vmem>>, vector<16xi32>,
      %shift_right_logical3A_527 = arith.constant 22 : i32
      %shift_right_logical3A_528 = vector.broadcast %shift_right_logical3A_527 : i32 to vector<16xi32>
      %shift_right_logical3A_529 = arith.shrui %get3A_526, %shift_right_logical3A_528 : vector<16xi32>
      %broadcast_in_dim3A_530 = arith.constant true
      %broadcast_in_dim3A_531 = vector.broadcast %broadcast_in_dim3A_530 : i1 to vector<16xi1>
      %unique3A_532, %unique3A_533 = tpu.scan_count mask(%broadcast_in_dim3A_531 : vector<16xi1>) value(%shift_right_logical3A_529 : vector<16xi32>) : vector<16xi1>, vector<16xi32>
      %gather3A_534 = tpu.vector_load_idx %arg6[%shift_right_logical3A_529] : memref<256xi32, #tpu.memory_space<vmem>>[vector<16xi32>], vector<16xi32>,
      %add3A_535 = arith.addi %gather3A_534, %unique3A_533 : vector<16xi32>
      tpu.vector_store_idx %arg6[%shift_right_logical3A_529], %add3A_535 masked %unique3A_532 : memref<256xi32, #tpu.memory_space<vmem>>[vector<16xi32>], vector<16xi32>, vector<16xi1>
      %get3A_536 = arith.constant 5 : i32
      %get3A_537 = arith.index_cast %scan3A_384 : i32 to index
      %get3A_538 = arith.index_cast %get3A_536 : i32 to index
      %get3A_539 = arith.constant 16 : index
      %get3A_540 = tpu.vector_load %arg5[%get3A_537, %get3A_538, %get3A_539] {strides = array<i32>} : memref<32x16x32xi32, #tpu.memory_space<vmem>>, vector<16xi32>,
      %shift_right_logical3A_541 = arith.constant 22 : i32
      %shift_right_logical3A_542 = vector.broadcast %shift_right_logical3A_541 : i32 to vector<16xi32>
      %shift_right_logical3A_543 = arith.shrui %get3A_540, %shift_right_logical3A_542 : vector<16xi32>
      %broadcast_in_dim3A_544 = arith.constant true
      %broadcast_in_dim3A_545 = vector.broadcast %broadcast_in_dim3A_544 : i1 to vector<16xi1>
      %unique3A_546, %unique3A_547 = tpu.scan_count mask(%broadcast_in_dim3A_545 : vector<16xi1>) value(%shift_right_logical3A_543 : vector<16xi32>) : vector<16xi1>, vector<16xi32>
      %gather3A_548 = tpu.vector_load_idx %arg6[%shift_right_logical3A_543] : memref<256xi32, #tpu.memory_space<vmem>>[vector<16xi32>], vector<16xi32>,
      %add3A_549 = arith.addi %gather3A_548, %unique3A_547 : vector<16xi32>
      tpu.vector_store_idx %arg6[%shift_right_logical3A_543], %add3A_549 masked %unique3A_546 : memref<256xi32, #tpu.memory_space<vmem>>[vector<16xi32>], vector<16xi32>, vector<16xi1>
      %get3A_550 = arith.constant 6 : i32
      %get3A_551 = arith.index_cast %scan3A_384 : i32 to index
      %get3A_552 = arith.index_cast %get3A_550 : i32 to index
      %get3A_553 = arith.constant 0 : index
      %get3A_554 = tpu.vector_load %arg5[%get3A_551, %get3A_552, %get3A_553] {strides = array<i32>} : memref<32x16x32xi32, #tpu.memory_space<vmem>>, vector<16xi32>,
      %shift_right_logical3A_555 = arith.constant 22 : i32
      %shift_right_logical3A_556 = vector.broadcast %shift_right_logical3A_555 : i32 to vector<16xi32>
      %shift_right_logical3A_557 = arith.shrui %get3A_554, %shift_right_logical3A_556 : vector<16xi32>
      %broadcast_in_dim3A_558 = arith.constant true
      %broadcast_in_dim3A_559 = vector.broadcast %broadcast_in_dim3A_558 : i1 to vector<16xi1>
      %unique3A_560, %unique3A_561 = tpu.scan_count mask(%broadcast_in_dim3A_559 : vector<16xi1>) value(%shift_right_logical3A_557 : vector<16xi32>) : vector<16xi1>, vector<16xi32>
      %gather3A_562 = tpu.vector_load_idx %arg6[%shift_right_logical3A_557] : memref<256xi32, #tpu.memory_space<vmem>>[vector<16xi32>], vector<16xi32>,
      %add3A_563 = arith.addi %gather3A_562, %unique3A_561 : vector<16xi32>
      tpu.vector_store_idx %arg6[%shift_right_logical3A_557], %add3A_563 masked %unique3A_560 : memref<256xi32, #tpu.memory_space<vmem>>[vector<16xi32>], vector<16xi32>, vector<16xi1>
      %get3A_564 = arith.constant 6 : i32
      %get3A_565 = arith.index_cast %scan3A_384 : i32 to index
      %get3A_566 = arith.index_cast %get3A_564 : i32 to index
      %get3A_567 = arith.constant 16 : index
      %get3A_568 = tpu.vector_load %arg5[%get3A_565, %get3A_566, %get3A_567] {strides = array<i32>} : memref<32x16x32xi32, #tpu.memory_space<vmem>>, vector<16xi32>,
      %shift_right_logical3A_569 = arith.constant 22 : i32
      %shift_right_logical3A_570 = vector.broadcast %shift_right_logical3A_569 : i32 to vector<16xi32>
      %shift_right_logical3A_571 = arith.shrui %get3A_568, %shift_right_logical3A_570 : vector<16xi32>
      %broadcast_in_dim3A_572 = arith.constant true
      %broadcast_in_dim3A_573 = vector.broadcast %broadcast_in_dim3A_572 : i1 to vector<16xi1>
      %unique3A_574, %unique3A_575 = tpu.scan_count mask(%broadcast_in_dim3A_573 : vector<16xi1>) value(%shift_right_logical3A_571 : vector<16xi32>) : vector<16xi1>, vector<16xi32>
      %gather3A_576 = tpu.vector_load_idx %arg6[%shift_right_logical3A_571] : memref<256xi32, #tpu.memory_space<vmem>>[vector<16xi32>], vector<16xi32>,
      %add3A_577 = arith.addi %gather3A_576, %unique3A_575 : vector<16xi32>
      tpu.vector_store_idx %arg6[%shift_right_logical3A_571], %add3A_577 masked %unique3A_574 : memref<256xi32, #tpu.memory_space<vmem>>[vector<16xi32>], vector<16xi32>, vector<16xi1>
      %get3A_578 = arith.constant 7 : i32
      %get3A_579 = arith.index_cast %scan3A_384 : i32 to index
      %get3A_580 = arith.index_cast %get3A_578 : i32 to index
      %get3A_581 = arith.constant 0 : index
      %get3A_582 = tpu.vector_load %arg5[%get3A_579, %get3A_580, %get3A_581] {strides = array<i32>} : memref<32x16x32xi32, #tpu.memory_space<vmem>>, vector<16xi32>,
      %shift_right_logical3A_583 = arith.constant 22 : i32
      %shift_right_logical3A_584 = vector.broadcast %shift_right_logical3A_583 : i32 to vector<16xi32>
      %shift_right_logical3A_585 = arith.shrui %get3A_582, %shift_right_logical3A_584 : vector<16xi32>
      %broadcast_in_dim3A_586 = arith.constant true
      %broadcast_in_dim3A_587 = vector.broadcast %broadcast_in_dim3A_586 : i1 to vector<16xi1>
      %unique3A_588, %unique3A_589 = tpu.scan_count mask(%broadcast_in_dim3A_587 : vector<16xi1>) value(%shift_right_logical3A_585 : vector<16xi32>) : vector<16xi1>, vector<16xi32>
      %gather3A_590 = tpu.vector_load_idx %arg6[%shift_right_logical3A_585] : memref<256xi32, #tpu.memory_space<vmem>>[vector<16xi32>], vector<16xi32>,
      %add3A_591 = arith.addi %gather3A_590, %unique3A_589 : vector<16xi32>
      tpu.vector_store_idx %arg6[%shift_right_logical3A_585], %add3A_591 masked %unique3A_588 : memref<256xi32, #tpu.memory_space<vmem>>[vector<16xi32>], vector<16xi32>, vector<16xi1>
      %get3A_592 = arith.constant 7 : i32
      %get3A_593 = arith.index_cast %scan3A_384 : i32 to index
      %get3A_594 = arith.index_cast %get3A_592 : i32 to index
      %get3A_595 = arith.constant 16 : index
      %get3A_596 = tpu.vector_load %arg5[%get3A_593, %get3A_594, %get3A_595] {strides = array<i32>} : memref<32x16x32xi32, #tpu.memory_space<vmem>>, vector<16xi32>,
      %shift_right_logical3A_597 = arith.constant 22 : i32
      %shift_right_logical3A_598 = vector.broadcast %shift_right_logical3A_597 : i32 to vector<16xi32>
      %shift_right_logical3A_599 = arith.shrui %get3A_596, %shift_right_logical3A_598 : vector<16xi32>
      %broadcast_in_dim3A_600 = arith.constant true
      %broadcast_in_dim3A_601 = vector.broadcast %broadcast_in_dim3A_600 : i1 to vector<16xi1>
      %unique3A_602, %unique3A_603 = tpu.scan_count mask(%broadcast_in_dim3A_601 : vector<16xi1>) value(%shift_right_logical3A_599 : vector<16xi32>) : vector<16xi1>, vector<16xi32>
      %gather3A_604 = tpu.vector_load_idx %arg6[%shift_right_logical3A_599] : memref<256xi32, #tpu.memory_space<vmem>>[vector<16xi32>], vector<16xi32>,
      %add3A_605 = arith.addi %gather3A_604, %unique3A_603 : vector<16xi32>
      tpu.vector_store_idx %arg6[%shift_right_logical3A_599], %add3A_605 masked %unique3A_602 : memref<256xi32, #tpu.memory_space<vmem>>[vector<16xi32>], vector<16xi32>, vector<16xi1>
      %get3A_606 = arith.constant 8 : i32
      %get3A_607 = arith.index_cast %scan3A_384 : i32 to index
      %get3A_608 = arith.index_cast %get3A_606 : i32 to index
      %get3A_609 = arith.constant 0 : index
      %get3A_610 = tpu.vector_load %arg5[%get3A_607, %get3A_608, %get3A_609] {strides = array<i32>} : memref<32x16x32xi32, #tpu.memory_space<vmem>>, vector<16xi32>,
      %shift_right_logical3A_611 = arith.constant 22 : i32
      %shift_right_logical3A_612 = vector.broadcast %shift_right_logical3A_611 : i32 to vector<16xi32>
      %shift_right_logical3A_613 = arith.shrui %get3A_610, %shift_right_logical3A_612 : vector<16xi32>
      %broadcast_in_dim3A_614 = arith.constant true
      %broadcast_in_dim3A_615 = vector.broadcast %broadcast_in_dim3A_614 : i1 to vector<16xi1>
      %unique3A_616, %unique3A_617 = tpu.scan_count mask(%broadcast_in_dim3A_615 : vector<16xi1>) value(%shift_right_logical3A_613 : vector<16xi32>) : vector<16xi1>, vector<16xi32>
      %gather3A_618 = tpu.vector_load_idx %arg6[%shift_right_logical3A_613] : memref<256xi32, #tpu.memory_space<vmem>>[vector<16xi32>], vector<16xi32>,
      %add3A_619 = arith.addi %gather3A_618, %unique3A_617 : vector<16xi32>
      tpu.vector_store_idx %arg6[%shift_right_logical3A_613], %add3A_619 masked %unique3A_616 : memref<256xi32, #tpu.memory_space<vmem>>[vector<16xi32>], vector<16xi32>, vector<16xi1>
      %get3A_620 = arith.constant 8 : i32
      %get3A_621 = arith.index_cast %scan3A_384 : i32 to index
      %get3A_622 = arith.index_cast %get3A_620 : i32 to index
      %get3A_623 = arith.constant 16 : index
      %get3A_624 = tpu.vector_load %arg5[%get3A_621, %get3A_622, %get3A_623] {strides = array<i32>} : memref<32x16x32xi32, #tpu.memory_space<vmem>>, vector<16xi32>,
      %shift_right_logical3A_625 = arith.constant 22 : i32
      %shift_right_logical3A_626 = vector.broadcast %shift_right_logical3A_625 : i32 to vector<16xi32>
      %shift_right_logical3A_627 = arith.shrui %get3A_624, %shift_right_logical3A_626 : vector<16xi32>
      %broadcast_in_dim3A_628 = arith.constant true
      %broadcast_in_dim3A_629 = vector.broadcast %broadcast_in_dim3A_628 : i1 to vector<16xi1>
      %unique3A_630, %unique3A_631 = tpu.scan_count mask(%broadcast_in_dim3A_629 : vector<16xi1>) value(%shift_right_logical3A_627 : vector<16xi32>) : vector<16xi1>, vector<16xi32>
      %gather3A_632 = tpu.vector_load_idx %arg6[%shift_right_logical3A_627] : memref<256xi32, #tpu.memory_space<vmem>>[vector<16xi32>], vector<16xi32>,
      %add3A_633 = arith.addi %gather3A_632, %unique3A_631 : vector<16xi32>
      tpu.vector_store_idx %arg6[%shift_right_logical3A_627], %add3A_633 masked %unique3A_630 : memref<256xi32, #tpu.memory_space<vmem>>[vector<16xi32>], vector<16xi32>, vector<16xi1>
      %get3A_634 = arith.constant 9 : i32
      %get3A_635 = arith.index_cast %scan3A_384 : i32 to index
      %get3A_636 = arith.index_cast %get3A_634 : i32 to index
      %get3A_637 = arith.constant 0 : index
      %get3A_638 = tpu.vector_load %arg5[%get3A_635, %get3A_636, %get3A_637] {strides = array<i32>} : memref<32x16x32xi32, #tpu.memory_space<vmem>>, vector<16xi32>,
      %shift_right_logical3A_639 = arith.constant 22 : i32
      %shift_right_logical3A_640 = vector.broadcast %shift_right_logical3A_639 : i32 to vector<16xi32>
      %shift_right_logical3A_641 = arith.shrui %get3A_638, %shift_right_logical3A_640 : vector<16xi32>
      %broadcast_in_dim3A_642 = arith.constant true
      %broadcast_in_dim3A_643 = vector.broadcast %broadcast_in_dim3A_642 : i1 to vector<16xi1>
      %unique3A_644, %unique3A_645 = tpu.scan_count mask(%broadcast_in_dim3A_643 : vector<16xi1>) value(%shift_right_logical3A_641 : vector<16xi32>) : vector<16xi1>, vector<16xi32>
      %gather3A_646 = tpu.vector_load_idx %arg6[%shift_right_logical3A_641] : memref<256xi32, #tpu.memory_space<vmem>>[vector<16xi32>], vector<16xi32>,
      %add3A_647 = arith.addi %gather3A_646, %unique3A_645 : vector<16xi32>
      tpu.vector_store_idx %arg6[%shift_right_logical3A_641], %add3A_647 masked %unique3A_644 : memref<256xi32, #tpu.memory_space<vmem>>[vector<16xi32>], vector<16xi32>, vector<16xi1>
      %get3A_648 = arith.constant 9 : i32
      %get3A_649 = arith.index_cast %scan3A_384 : i32 to index
      %get3A_650 = arith.index_cast %get3A_648 : i32 to index
      %get3A_651 = arith.constant 16 : index
      %get3A_652 = tpu.vector_load %arg5[%get3A_649, %get3A_650, %get3A_651] {strides = array<i32>} : memref<32x16x32xi32, #tpu.memory_space<vmem>>, vector<16xi32>,
      %shift_right_logical3A_653 = arith.constant 22 : i32
      %shift_right_logical3A_654 = vector.broadcast %shift_right_logical3A_653 : i32 to vector<16xi32>
      %shift_right_logical3A_655 = arith.shrui %get3A_652, %shift_right_logical3A_654 : vector<16xi32>
      %broadcast_in_dim3A_656 = arith.constant true
      %broadcast_in_dim3A_657 = vector.broadcast %broadcast_in_dim3A_656 : i1 to vector<16xi1>
      %unique3A_658, %unique3A_659 = tpu.scan_count mask(%broadcast_in_dim3A_657 : vector<16xi1>) value(%shift_right_logical3A_655 : vector<16xi32>) : vector<16xi1>, vector<16xi32>
      %gather3A_660 = tpu.vector_load_idx %arg6[%shift_right_logical3A_655] : memref<256xi32, #tpu.memory_space<vmem>>[vector<16xi32>], vector<16xi32>,
      %add3A_661 = arith.addi %gather3A_660, %unique3A_659 : vector<16xi32>
      tpu.vector_store_idx %arg6[%shift_right_logical3A_655], %add3A_661 masked %unique3A_658 : memref<256xi32, #tpu.memory_space<vmem>>[vector<16xi32>], vector<16xi32>, vector<16xi1>
      %get3A_662 = arith.constant 10 : i32
      %get3A_663 = arith.index_cast %scan3A_384 : i32 to index
      %get3A_664 = arith.index_cast %get3A_662 : i32 to index
      %get3A_665 = arith.constant 0 : index
      %get3A_666 = tpu.vector_load %arg5[%get3A_663, %get3A_664, %get3A_665] {strides = array<i32>} : memref<32x16x32xi32, #tpu.memory_space<vmem>>, vector<16xi32>,
      %shift_right_logical3A_667 = arith.constant 22 : i32
      %shift_right_logical3A_668 = vector.broadcast %shift_right_logical3A_667 : i32 to vector<16xi32>
      %shift_right_logical3A_669 = arith.shrui %get3A_666, %shift_right_logical3A_668 : vector<16xi32>
      %broadcast_in_dim3A_670 = arith.constant true
      %broadcast_in_dim3A_671 = vector.broadcast %broadcast_in_dim3A_670 : i1 to vector<16xi1>
      %unique3A_672, %unique3A_673 = tpu.scan_count mask(%broadcast_in_dim3A_671 : vector<16xi1>) value(%shift_right_logical3A_669 : vector<16xi32>) : vector<16xi1>, vector<16xi32>
      %gather3A_674 = tpu.vector_load_idx %arg6[%shift_right_logical3A_669] : memref<256xi32, #tpu.memory_space<vmem>>[vector<16xi32>], vector<16xi32>,
      %add3A_675 = arith.addi %gather3A_674, %unique3A_673 : vector<16xi32>
      tpu.vector_store_idx %arg6[%shift_right_logical3A_669], %add3A_675 masked %unique3A_672 : memref<256xi32, #tpu.memory_space<vmem>>[vector<16xi32>], vector<16xi32>, vector<16xi1>
      %get3A_676 = arith.constant 10 : i32
      %get3A_677 = arith.index_cast %scan3A_384 : i32 to index
      %get3A_678 = arith.index_cast %get3A_676 : i32 to index
      %get3A_679 = arith.constant 16 : index
      %get3A_680 = tpu.vector_load %arg5[%get3A_677, %get3A_678, %get3A_679] {strides = array<i32>} : memref<32x16x32xi32, #tpu.memory_space<vmem>>, vector<16xi32>,
      %shift_right_logical3A_681 = arith.constant 22 : i32
      %shift_right_logical3A_682 = vector.broadcast %shift_right_logical3A_681 : i32 to vector<16xi32>
      %shift_right_logical3A_683 = arith.shrui %get3A_680, %shift_right_logical3A_682 : vector<16xi32>
      %broadcast_in_dim3A_684 = arith.constant true
      %broadcast_in_dim3A_685 = vector.broadcast %broadcast_in_dim3A_684 : i1 to vector<16xi1>
      %unique3A_686, %unique3A_687 = tpu.scan_count mask(%broadcast_in_dim3A_685 : vector<16xi1>) value(%shift_right_logical3A_683 : vector<16xi32>) : vector<16xi1>, vector<16xi32>
      %gather3A_688 = tpu.vector_load_idx %arg6[%shift_right_logical3A_683] : memref<256xi32, #tpu.memory_space<vmem>>[vector<16xi32>], vector<16xi32>,
      %add3A_689 = arith.addi %gather3A_688, %unique3A_687 : vector<16xi32>
      tpu.vector_store_idx %arg6[%shift_right_logical3A_683], %add3A_689 masked %unique3A_686 : memref<256xi32, #tpu.memory_space<vmem>>[vector<16xi32>], vector<16xi32>, vector<16xi1>
      %get3A_690 = arith.constant 11 : i32
      %get3A_691 = arith.index_cast %scan3A_384 : i32 to index
      %get3A_692 = arith.index_cast %get3A_690 : i32 to index
      %get3A_693 = arith.constant 0 : index
      %get3A_694 = tpu.vector_load %arg5[%get3A_691, %get3A_692, %get3A_693] {strides = array<i32>} : memref<32x16x32xi32, #tpu.memory_space<vmem>>, vector<16xi32>,
      %shift_right_logical3A_695 = arith.constant 22 : i32
      %shift_right_logical3A_696 = vector.broadcast %shift_right_logical3A_695 : i32 to vector<16xi32>
      %shift_right_logical3A_697 = arith.shrui %get3A_694, %shift_right_logical3A_696 : vector<16xi32>
      %broadcast_in_dim3A_698 = arith.constant true
      %broadcast_in_dim3A_699 = vector.broadcast %broadcast_in_dim3A_698 : i1 to vector<16xi1>
      %unique3A_700, %unique3A_701 = tpu.scan_count mask(%broadcast_in_dim3A_699 : vector<16xi1>) value(%shift_right_logical3A_697 : vector<16xi32>) : vector<16xi1>, vector<16xi32>
      %gather3A_702 = tpu.vector_load_idx %arg6[%shift_right_logical3A_697] : memref<256xi32, #tpu.memory_space<vmem>>[vector<16xi32>], vector<16xi32>,
      %add3A_703 = arith.addi %gather3A_702, %unique3A_701 : vector<16xi32>
      tpu.vector_store_idx %arg6[%shift_right_logical3A_697], %add3A_703 masked %unique3A_700 : memref<256xi32, #tpu.memory_space<vmem>>[vector<16xi32>], vector<16xi32>, vector<16xi1>
      %get3A_704 = arith.constant 11 : i32
      %get3A_705 = arith.index_cast %scan3A_384 : i32 to index
      %get3A_706 = arith.index_cast %get3A_704 : i32 to index
      %get3A_707 = arith.constant 16 : index
      %get3A_708 = tpu.vector_load %arg5[%get3A_705, %get3A_706, %get3A_707] {strides = array<i32>} : memref<32x16x32xi32, #tpu.memory_space<vmem>>, vector<16xi32>,
      %shift_right_logical3A_709 = arith.constant 22 : i32
      %shift_right_logical3A_710 = vector.broadcast %shift_right_logical3A_709 : i32 to vector<16xi32>
      %shift_right_logical3A_711 = arith.shrui %get3A_708, %shift_right_logical3A_710 : vector<16xi32>
      %broadcast_in_dim3A_712 = arith.constant true
      %broadcast_in_dim3A_713 = vector.broadcast %broadcast_in_dim3A_712 : i1 to vector<16xi1>
      %unique3A_714, %unique3A_715 = tpu.scan_count mask(%broadcast_in_dim3A_713 : vector<16xi1>) value(%shift_right_logical3A_711 : vector<16xi32>) : vector<16xi1>, vector<16xi32>
      %gather3A_716 = tpu.vector_load_idx %arg6[%shift_right_logical3A_711] : memref<256xi32, #tpu.memory_space<vmem>>[vector<16xi32>], vector<16xi32>,
      %add3A_717 = arith.addi %gather3A_716, %unique3A_715 : vector<16xi32>
      tpu.vector_store_idx %arg6[%shift_right_logical3A_711], %add3A_717 masked %unique3A_714 : memref<256xi32, #tpu.memory_space<vmem>>[vector<16xi32>], vector<16xi32>, vector<16xi1>
      %get3A_718 = arith.constant 12 : i32
      %get3A_719 = arith.index_cast %scan3A_384 : i32 to index
      %get3A_720 = arith.index_cast %get3A_718 : i32 to index
      %get3A_721 = arith.constant 0 : index
      %get3A_722 = tpu.vector_load %arg5[%get3A_719, %get3A_720, %get3A_721] {strides = array<i32>} : memref<32x16x32xi32, #tpu.memory_space<vmem>>, vector<16xi32>,
      %shift_right_logical3A_723 = arith.constant 22 : i32
      %shift_right_logical3A_724 = vector.broadcast %shift_right_logical3A_723 : i32 to vector<16xi32>
      %shift_right_logical3A_725 = arith.shrui %get3A_722, %shift_right_logical3A_724 : vector<16xi32>
      %broadcast_in_dim3A_726 = arith.constant true
      %broadcast_in_dim3A_727 = vector.broadcast %broadcast_in_dim3A_726 : i1 to vector<16xi1>
      %unique3A_728, %unique3A_729 = tpu.scan_count mask(%broadcast_in_dim3A_727 : vector<16xi1>) value(%shift_right_logical3A_725 : vector<16xi32>) : vector<16xi1>, vector<16xi32>
      %gather3A_730 = tpu.vector_load_idx %arg6[%shift_right_logical3A_725] : memref<256xi32, #tpu.memory_space<vmem>>[vector<16xi32>], vector<16xi32>,
      %add3A_731 = arith.addi %gather3A_730, %unique3A_729 : vector<16xi32>
      tpu.vector_store_idx %arg6[%shift_right_logical3A_725], %add3A_731 masked %unique3A_728 : memref<256xi32, #tpu.memory_space<vmem>>[vector<16xi32>], vector<16xi32>, vector<16xi1>
      %get3A_732 = arith.constant 12 : i32
      %get3A_733 = arith.index_cast %scan3A_384 : i32 to index
      %get3A_734 = arith.index_cast %get3A_732 : i32 to index
      %get3A_735 = arith.constant 16 : index
      %get3A_736 = tpu.vector_load %arg5[%get3A_733, %get3A_734, %get3A_735] {strides = array<i32>} : memref<32x16x32xi32, #tpu.memory_space<vmem>>, vector<16xi32>,
      %shift_right_logical3A_737 = arith.constant 22 : i32
      %shift_right_logical3A_738 = vector.broadcast %shift_right_logical3A_737 : i32 to vector<16xi32>
      %shift_right_logical3A_739 = arith.shrui %get3A_736, %shift_right_logical3A_738 : vector<16xi32>
      %broadcast_in_dim3A_740 = arith.constant true
      %broadcast_in_dim3A_741 = vector.broadcast %broadcast_in_dim3A_740 : i1 to vector<16xi1>
      %unique3A_742, %unique3A_743 = tpu.scan_count mask(%broadcast_in_dim3A_741 : vector<16xi1>) value(%shift_right_logical3A_739 : vector<16xi32>) : vector<16xi1>, vector<16xi32>
      %gather3A_744 = tpu.vector_load_idx %arg6[%shift_right_logical3A_739] : memref<256xi32, #tpu.memory_space<vmem>>[vector<16xi32>], vector<16xi32>,
      %add3A_745 = arith.addi %gather3A_744, %unique3A_743 : vector<16xi32>
      tpu.vector_store_idx %arg6[%shift_right_logical3A_739], %add3A_745 masked %unique3A_742 : memref<256xi32, #tpu.memory_space<vmem>>[vector<16xi32>], vector<16xi32>, vector<16xi1>
      %get3A_746 = arith.constant 13 : i32
      %get3A_747 = arith.index_cast %scan3A_384 : i32 to index
      %get3A_748 = arith.index_cast %get3A_746 : i32 to index
      %get3A_749 = arith.constant 0 : index
      %get3A_750 = tpu.vector_load %arg5[%get3A_747, %get3A_748, %get3A_749] {strides = array<i32>} : memref<32x16x32xi32, #tpu.memory_space<vmem>>, vector<16xi32>,
      %shift_right_logical3A_751 = arith.constant 22 : i32
      %shift_right_logical3A_752 = vector.broadcast %shift_right_logical3A_751 : i32 to vector<16xi32>
      %shift_right_logical3A_753 = arith.shrui %get3A_750, %shift_right_logical3A_752 : vector<16xi32>
      %broadcast_in_dim3A_754 = arith.constant true
      %broadcast_in_dim3A_755 = vector.broadcast %broadcast_in_dim3A_754 : i1 to vector<16xi1>
      %unique3A_756, %unique3A_757 = tpu.scan_count mask(%broadcast_in_dim3A_755 : vector<16xi1>) value(%shift_right_logical3A_753 : vector<16xi32>) : vector<16xi1>, vector<16xi32>
      %gather3A_758 = tpu.vector_load_idx %arg6[%shift_right_logical3A_753] : memref<256xi32, #tpu.memory_space<vmem>>[vector<16xi32>], vector<16xi32>,
      %add3A_759 = arith.addi %gather3A_758, %unique3A_757 : vector<16xi32>
      tpu.vector_store_idx %arg6[%shift_right_logical3A_753], %add3A_759 masked %unique3A_756 : memref<256xi32, #tpu.memory_space<vmem>>[vector<16xi32>], vector<16xi32>, vector<16xi1>
      %get3A_760 = arith.constant 13 : i32
      %get3A_761 = arith.index_cast %scan3A_384 : i32 to index
      %get3A_762 = arith.index_cast %get3A_760 : i32 to index
      %get3A_763 = arith.constant 16 : index
      %get3A_764 = tpu.vector_load %arg5[%get3A_761, %get3A_762, %get3A_763] {strides = array<i32>} : memref<32x16x32xi32, #tpu.memory_space<vmem>>, vector<16xi32>,
      %shift_right_logical3A_765 = arith.constant 22 : i32
      %shift_right_logical3A_766 = vector.broadcast %shift_right_logical3A_765 : i32 to vector<16xi32>
      %shift_right_logical3A_767 = arith.shrui %get3A_764, %shift_right_logical3A_766 : vector<16xi32>
      %broadcast_in_dim3A_768 = arith.constant true
      %broadcast_in_dim3A_769 = vector.broadcast %broadcast_in_dim3A_768 : i1 to vector<16xi1>
      %unique3A_770, %unique3A_771 = tpu.scan_count mask(%broadcast_in_dim3A_769 : vector<16xi1>) value(%shift_right_logical3A_767 : vector<16xi32>) : vector<16xi1>, vector<16xi32>
      %gather3A_772 = tpu.vector_load_idx %arg6[%shift_right_logical3A_767] : memref<256xi32, #tpu.memory_space<vmem>>[vector<16xi32>], vector<16xi32>,
      %add3A_773 = arith.addi %gather3A_772, %unique3A_771 : vector<16xi32>
      tpu.vector_store_idx %arg6[%shift_right_logical3A_767], %add3A_773 masked %unique3A_770 : memref<256xi32, #tpu.memory_space<vmem>>[vector<16xi32>], vector<16xi32>, vector<16xi1>
      %get3A_774 = arith.constant 14 : i32
      %get3A_775 = arith.index_cast %scan3A_384 : i32 to index
      %get3A_776 = arith.index_cast %get3A_774 : i32 to index
      %get3A_777 = arith.constant 0 : index
      %get3A_778 = tpu.vector_load %arg5[%get3A_775, %get3A_776, %get3A_777] {strides = array<i32>} : memref<32x16x32xi32, #tpu.memory_space<vmem>>, vector<16xi32>,
      %shift_right_logical3A_779 = arith.constant 22 : i32
      %shift_right_logical3A_780 = vector.broadcast %shift_right_logical3A_779 : i32 to vector<16xi32>
      %shift_right_logical3A_781 = arith.shrui %get3A_778, %shift_right_logical3A_780 : vector<16xi32>
      %broadcast_in_dim3A_782 = arith.constant true
      %broadcast_in_dim3A_783 = vector.broadcast %broadcast_in_dim3A_782 : i1 to vector<16xi1>
      %unique3A_784, %unique3A_785 = tpu.scan_count mask(%broadcast_in_dim3A_783 : vector<16xi1>) value(%shift_right_logical3A_781 : vector<16xi32>) : vector<16xi1>, vector<16xi32>
      %gather3A_786 = tpu.vector_load_idx %arg6[%shift_right_logical3A_781] : memref<256xi32, #tpu.memory_space<vmem>>[vector<16xi32>], vector<16xi32>,
      %add3A_787 = arith.addi %gather3A_786, %unique3A_785 : vector<16xi32>
      tpu.vector_store_idx %arg6[%shift_right_logical3A_781], %add3A_787 masked %unique3A_784 : memref<256xi32, #tpu.memory_space<vmem>>[vector<16xi32>], vector<16xi32>, vector<16xi1>
      %get3A_788 = arith.constant 14 : i32
      %get3A_789 = arith.index_cast %scan3A_384 : i32 to index
      %get3A_790 = arith.index_cast %get3A_788 : i32 to index
      %get3A_791 = arith.constant 16 : index
      %get3A_792 = tpu.vector_load %arg5[%get3A_789, %get3A_790, %get3A_791] {strides = array<i32>} : memref<32x16x32xi32, #tpu.memory_space<vmem>>, vector<16xi32>,
      %shift_right_logical3A_793 = arith.constant 22 : i32
      %shift_right_logical3A_794 = vector.broadcast %shift_right_logical3A_793 : i32 to vector<16xi32>
      %shift_right_logical3A_795 = arith.shrui %get3A_792, %shift_right_logical3A_794 : vector<16xi32>
      %broadcast_in_dim3A_796 = arith.constant true
      %broadcast_in_dim3A_797 = vector.broadcast %broadcast_in_dim3A_796 : i1 to vector<16xi1>
      %unique3A_798, %unique3A_799 = tpu.scan_count mask(%broadcast_in_dim3A_797 : vector<16xi1>) value(%shift_right_logical3A_795 : vector<16xi32>) : vector<16xi1>, vector<16xi32>
      %gather3A_800 = tpu.vector_load_idx %arg6[%shift_right_logical3A_795] : memref<256xi32, #tpu.memory_space<vmem>>[vector<16xi32>], vector<16xi32>,
      %add3A_801 = arith.addi %gather3A_800, %unique3A_799 : vector<16xi32>
      tpu.vector_store_idx %arg6[%shift_right_logical3A_795], %add3A_801 masked %unique3A_798 : memref<256xi32, #tpu.memory_space<vmem>>[vector<16xi32>], vector<16xi32>, vector<16xi1>
      %get3A_802 = arith.constant 15 : i32
      %get3A_803 = arith.index_cast %scan3A_384 : i32 to index
      %get3A_804 = arith.index_cast %get3A_802 : i32 to index
      %get3A_805 = arith.constant 0 : index
      %get3A_806 = tpu.vector_load %arg5[%get3A_803, %get3A_804, %get3A_805] {strides = array<i32>} : memref<32x16x32xi32, #tpu.memory_space<vmem>>, vector<16xi32>,
      %shift_right_logical3A_807 = arith.constant 22 : i32
      %shift_right_logical3A_808 = vector.broadcast %shift_right_logical3A_807 : i32 to vector<16xi32>
      %shift_right_logical3A_809 = arith.shrui %get3A_806, %shift_right_logical3A_808 : vector<16xi32>
      %broadcast_in_dim3A_810 = arith.constant true
      %broadcast_in_dim3A_811 = vector.broadcast %broadcast_in_dim3A_810 : i1 to vector<16xi1>
      %unique3A_812, %unique3A_813 = tpu.scan_count mask(%broadcast_in_dim3A_811 : vector<16xi1>) value(%shift_right_logical3A_809 : vector<16xi32>) : vector<16xi1>, vector<16xi32>
      %gather3A_814 = tpu.vector_load_idx %arg6[%shift_right_logical3A_809] : memref<256xi32, #tpu.memory_space<vmem>>[vector<16xi32>], vector<16xi32>,
      %add3A_815 = arith.addi %gather3A_814, %unique3A_813 : vector<16xi32>
      tpu.vector_store_idx %arg6[%shift_right_logical3A_809], %add3A_815 masked %unique3A_812 : memref<256xi32, #tpu.memory_space<vmem>>[vector<16xi32>], vector<16xi32>, vector<16xi1>
      %get3A_816 = arith.constant 15 : i32
      %get3A_817 = arith.index_cast %scan3A_384 : i32 to index
      %get3A_818 = arith.index_cast %get3A_816 : i32 to index
      %get3A_819 = arith.constant 16 : index
      %get3A_820 = tpu.vector_load %arg5[%get3A_817, %get3A_818, %get3A_819] {strides = array<i32>} : memref<32x16x32xi32, #tpu.memory_space<vmem>>, vector<16xi32>,
      %shift_right_logical3A_821 = arith.constant 22 : i32
      %shift_right_logical3A_822 = vector.broadcast %shift_right_logical3A_821 : i32 to vector<16xi32>
      %shift_right_logical3A_823 = arith.shrui %get3A_820, %shift_right_logical3A_822 : vector<16xi32>
      %broadcast_in_dim3A_824 = arith.constant true
      %broadcast_in_dim3A_825 = vector.broadcast %broadcast_in_dim3A_824 : i1 to vector<16xi1>
      %unique3A_826, %unique3A_827 = tpu.scan_count mask(%broadcast_in_dim3A_825 : vector<16xi1>) value(%shift_right_logical3A_823 : vector<16xi32>) : vector<16xi1>, vector<16xi32>
      %gather3A_828 = tpu.vector_load_idx %arg6[%shift_right_logical3A_823] : memref<256xi32, #tpu.memory_space<vmem>>[vector<16xi32>], vector<16xi32>,
      %add3A_829 = arith.addi %gather3A_828, %unique3A_827 : vector<16xi32>
      tpu.vector_store_idx %arg6[%shift_right_logical3A_823], %add3A_829 masked %unique3A_826 : memref<256xi32, #tpu.memory_space<vmem>>[vector<16xi32>], vector<16xi32>, vector<16xi1>
    }
    %scan3A_68 = arith.constant 32 : i32
    %broadcast_in_dim3A_69 = arith.constant 0 : i32
    %broadcast_in_dim3A_70 = vector.broadcast %broadcast_in_dim3A_69 : i32 to vector<16xi32>
    %get3A = arith.constant 0 : index
    %get3A_71 = tpu.vector_load %arg6[%get3A] {strides = array<i32>} : memref<256xi32, #tpu.memory_space<vmem>>, vector<16xi32>,
    %broadcast_in_dim3A_72 = arith.constant true
    %broadcast_in_dim3A_73 = vector.broadcast %broadcast_in_dim3A_72 : i1 to vector<16xi1>
    %masked_cumsum3A = tpu.scan <sum>, %get3A_71 masked %broadcast_in_dim3A_73 : vector<16xi32>, vector<16xi1> -> vector<16xi32>
    %sub3A = arith.subi %masked_cumsum3A, %get3A_71 : vector<16xi32>
    %add3A_74 = arith.addi %sub3A, %broadcast_in_dim3A_70 : vector<16xi32>
    %swap3A_75 = arith.constant 0 : index
    %swap3A_76 = tpu.vector_load %arg7[%swap3A_75] {strides = array<i32>} : memref<256xi32, #tpu.memory_space<vmem>>, vector<16xi32>,
    tpu.vector_store %arg7[%swap3A_75], %add3A_74 {strides = array<i32>} : memref<256xi32, #tpu.memory_space<vmem>>, vector<16xi32>,
    %reduce_sum3A = arith.constant true
    %reduce_sum3A_77 = vector.broadcast %reduce_sum3A : i1 to vector<16xi1>
    %reduce_sum3A_78 = tpu.scan <sum>, %get3A_71 masked %reduce_sum3A_77 : vector<16xi32>, vector<16xi1> -> vector<16xi32>
    %reduce_sum3A_79 = vector.extract %reduce_sum3A_78[15] : i32 from vector<16xi32>
    %broadcast_in_dim3A_80 = arith.constant 1 : i32
    %broadcast_in_dim3A_81 = vector.broadcast %broadcast_in_dim3A_80 : i32 to vector<16xi32>
    %mul3A_82 = vector.broadcast %reduce_sum3A_79 : i32 to vector<16xi32>
    %mul3A_83 = arith.muli %broadcast_in_dim3A_81, %mul3A_82 : vector<16xi32>
    %add3A_84 = arith.addi %broadcast_in_dim3A_70, %mul3A_83 : vector<16xi32>
    %get3A_85 = arith.constant 16 : index
    %get3A_86 = tpu.vector_load %arg6[%get3A_85] {strides = array<i32>} : memref<256xi32, #tpu.memory_space<vmem>>, vector<16xi32>,
    %broadcast_in_dim3A_87 = arith.constant true
    %broadcast_in_dim3A_88 = vector.broadcast %broadcast_in_dim3A_87 : i1 to vector<16xi1>
    %masked_cumsum3A_89 = tpu.scan <sum>, %get3A_86 masked %broadcast_in_dim3A_88 : vector<16xi32>, vector<16xi1> -> vector<16xi32>
    %sub3A_90 = arith.subi %masked_cumsum3A_89, %get3A_86 : vector<16xi32>
    %add3A_91 = arith.addi %sub3A_90, %add3A_84 : vector<16xi32>
    %swap3A_92 = arith.constant 16 : index
    %swap3A_93 = tpu.vector_load %arg7[%swap3A_92] {strides = array<i32>} : memref<256xi32, #tpu.memory_space<vmem>>, vector<16xi32>,
    tpu.vector_store %arg7[%swap3A_92], %add3A_91 {strides = array<i32>} : memref<256xi32, #tpu.memory_space<vmem>>, vector<16xi32>,
    %reduce_sum3A_94 = arith.constant true
    %reduce_sum3A_95 = vector.broadcast %reduce_sum3A_94 : i1 to vector<16xi1>
    %reduce_sum3A_96 = tpu.scan <sum>, %get3A_86 masked %reduce_sum3A_95 : vector<16xi32>, vector<16xi1> -> vector<16xi32>
    %reduce_sum3A_97 = vector.extract %reduce_sum3A_96[15] : i32 from vector<16xi32>
    %broadcast_in_dim3A_98 = arith.constant 1 : i32
    %broadcast_in_dim3A_99 = vector.broadcast %broadcast_in_dim3A_98 : i32 to vector<16xi32>
    %mul3A_100 = vector.broadcast %reduce_sum3A_97 : i32 to vector<16xi32>
    %mul3A_101 = arith.muli %broadcast_in_dim3A_99, %mul3A_100 : vector<16xi32>
    %add3A_102 = arith.addi %add3A_84, %mul3A_101 : vector<16xi32>
    %get3A_103 = arith.constant 32 : index
    %get3A_104 = tpu.vector_load %arg6[%get3A_103] {strides = array<i32>} : memref<256xi32, #tpu.memory_space<vmem>>, vector<16xi32>,
    %broadcast_in_dim3A_105 = arith.constant true
    %broadcast_in_dim3A_106 = vector.broadcast %broadcast_in_dim3A_105 : i1 to vector<16xi1>
    %masked_cumsum3A_107 = tpu.scan <sum>, %get3A_104 masked %broadcast_in_dim3A_106 : vector<16xi32>, vector<16xi1> -> vector<16xi32>
    %sub3A_108 = arith.subi %masked_cumsum3A_107, %get3A_104 : vector<16xi32>
    %add3A_109 = arith.addi %sub3A_108, %add3A_102 : vector<16xi32>
    %swap3A_110 = arith.constant 32 : index
    %swap3A_111 = tpu.vector_load %arg7[%swap3A_110] {strides = array<i32>} : memref<256xi32, #tpu.memory_space<vmem>>, vector<16xi32>,
    tpu.vector_store %arg7[%swap3A_110], %add3A_109 {strides = array<i32>} : memref<256xi32, #tpu.memory_space<vmem>>, vector<16xi32>,
    %reduce_sum3A_112 = arith.constant true
    %reduce_sum3A_113 = vector.broadcast %reduce_sum3A_112 : i1 to vector<16xi1>
    %reduce_sum3A_114 = tpu.scan <sum>, %get3A_104 masked %reduce_sum3A_113 : vector<16xi32>, vector<16xi1> -> vector<16xi32>
    %reduce_sum3A_115 = vector.extract %reduce_sum3A_114[15] : i32 from vector<16xi32>
    %broadcast_in_dim3A_116 = arith.constant 1 : i32
    %broadcast_in_dim3A_117 = vector.broadcast %broadcast_in_dim3A_116 : i32 to vector<16xi32>
    %mul3A_118 = vector.broadcast %reduce_sum3A_115 : i32 to vector<16xi32>
    %mul3A_119 = arith.muli %broadcast_in_dim3A_117, %mul3A_118 : vector<16xi32>
    %add3A_120 = arith.addi %add3A_102, %mul3A_119 : vector<16xi32>
    %get3A_121 = arith.constant 48 : index
    %get3A_122 = tpu.vector_load %arg6[%get3A_121] {strides = array<i32>} : memref<256xi32, #tpu.memory_space<vmem>>, vector<16xi32>,
    %broadcast_in_dim3A_123 = arith.constant true
    %broadcast_in_dim3A_124 = vector.broadcast %broadcast_in_dim3A_123 : i1 to vector<16xi1>
    %masked_cumsum3A_125 = tpu.scan <sum>, %get3A_122 masked %broadcast_in_dim3A_124 : vector<16xi32>, vector<16xi1> -> vector<16xi32>
    %sub3A_126 = arith.subi %masked_cumsum3A_125, %get3A_122 : vector<16xi32>
    %add3A_127 = arith.addi %sub3A_126, %add3A_120 : vector<16xi32>
    %swap3A_128 = arith.constant 48 : index
    %swap3A_129 = tpu.vector_load %arg7[%swap3A_128] {strides = array<i32>} : memref<256xi32, #tpu.memory_space<vmem>>, vector<16xi32>,
    tpu.vector_store %arg7[%swap3A_128], %add3A_127 {strides = array<i32>} : memref<256xi32, #tpu.memory_space<vmem>>, vector<16xi32>,
    %reduce_sum3A_130 = arith.constant true
    %reduce_sum3A_131 = vector.broadcast %reduce_sum3A_130 : i1 to vector<16xi1>
    %reduce_sum3A_132 = tpu.scan <sum>, %get3A_122 masked %reduce_sum3A_131 : vector<16xi32>, vector<16xi1> -> vector<16xi32>
    %reduce_sum3A_133 = vector.extract %reduce_sum3A_132[15] : i32 from vector<16xi32>
    %broadcast_in_dim3A_134 = arith.constant 1 : i32
    %broadcast_in_dim3A_135 = vector.broadcast %broadcast_in_dim3A_134 : i32 to vector<16xi32>
    %mul3A_136 = vector.broadcast %reduce_sum3A_133 : i32 to vector<16xi32>
    %mul3A_137 = arith.muli %broadcast_in_dim3A_135, %mul3A_136 : vector<16xi32>
    %add3A_138 = arith.addi %add3A_120, %mul3A_137 : vector<16xi32>
    %get3A_139 = arith.constant 64 : index
    %get3A_140 = tpu.vector_load %arg6[%get3A_139] {strides = array<i32>} : memref<256xi32, #tpu.memory_space<vmem>>, vector<16xi32>,
    %broadcast_in_dim3A_141 = arith.constant true
    %broadcast_in_dim3A_142 = vector.broadcast %broadcast_in_dim3A_141 : i1 to vector<16xi1>
    %masked_cumsum3A_143 = tpu.scan <sum>, %get3A_140 masked %broadcast_in_dim3A_142 : vector<16xi32>, vector<16xi1> -> vector<16xi32>
    %sub3A_144 = arith.subi %masked_cumsum3A_143, %get3A_140 : vector<16xi32>
    %add3A_145 = arith.addi %sub3A_144, %add3A_138 : vector<16xi32>
    %swap3A_146 = arith.constant 64 : index
    %swap3A_147 = tpu.vector_load %arg7[%swap3A_146] {strides = array<i32>} : memref<256xi32, #tpu.memory_space<vmem>>, vector<16xi32>,
    tpu.vector_store %arg7[%swap3A_146], %add3A_145 {strides = array<i32>} : memref<256xi32, #tpu.memory_space<vmem>>, vector<16xi32>,
    %reduce_sum3A_148 = arith.constant true
    %reduce_sum3A_149 = vector.broadcast %reduce_sum3A_148 : i1 to vector<16xi1>
    %reduce_sum3A_150 = tpu.scan <sum>, %get3A_140 masked %reduce_sum3A_149 : vector<16xi32>, vector<16xi1> -> vector<16xi32>
    %reduce_sum3A_151 = vector.extract %reduce_sum3A_150[15] : i32 from vector<16xi32>
    %broadcast_in_dim3A_152 = arith.constant 1 : i32
    %broadcast_in_dim3A_153 = vector.broadcast %broadcast_in_dim3A_152 : i32 to vector<16xi32>
    %mul3A_154 = vector.broadcast %reduce_sum3A_151 : i32 to vector<16xi32>
    %mul3A_155 = arith.muli %broadcast_in_dim3A_153, %mul3A_154 : vector<16xi32>
    %add3A_156 = arith.addi %add3A_138, %mul3A_155 : vector<16xi32>
    %get3A_157 = arith.constant 80 : index
    %get3A_158 = tpu.vector_load %arg6[%get3A_157] {strides = array<i32>} : memref<256xi32, #tpu.memory_space<vmem>>, vector<16xi32>,
    %broadcast_in_dim3A_159 = arith.constant true
    %broadcast_in_dim3A_160 = vector.broadcast %broadcast_in_dim3A_159 : i1 to vector<16xi1>
    %masked_cumsum3A_161 = tpu.scan <sum>, %get3A_158 masked %broadcast_in_dim3A_160 : vector<16xi32>, vector<16xi1> -> vector<16xi32>
    %sub3A_162 = arith.subi %masked_cumsum3A_161, %get3A_158 : vector<16xi32>
    %add3A_163 = arith.addi %sub3A_162, %add3A_156 : vector<16xi32>
    %swap3A_164 = arith.constant 80 : index
    %swap3A_165 = tpu.vector_load %arg7[%swap3A_164] {strides = array<i32>} : memref<256xi32, #tpu.memory_space<vmem>>, vector<16xi32>,
    tpu.vector_store %arg7[%swap3A_164], %add3A_163 {strides = array<i32>} : memref<256xi32, #tpu.memory_space<vmem>>, vector<16xi32>,
    %reduce_sum3A_166 = arith.constant true
    %reduce_sum3A_167 = vector.broadcast %reduce_sum3A_166 : i1 to vector<16xi1>
    %reduce_sum3A_168 = tpu.scan <sum>, %get3A_158 masked %reduce_sum3A_167 : vector<16xi32>, vector<16xi1> -> vector<16xi32>
    %reduce_sum3A_169 = vector.extract %reduce_sum3A_168[15] : i32 from vector<16xi32>
    %broadcast_in_dim3A_170 = arith.constant 1 : i32
    %broadcast_in_dim3A_171 = vector.broadcast %broadcast_in_dim3A_170 : i32 to vector<16xi32>
    %mul3A_172 = vector.broadcast %reduce_sum3A_169 : i32 to vector<16xi32>
    %mul3A_173 = arith.muli %broadcast_in_dim3A_171, %mul3A_172 : vector<16xi32>
    %add3A_174 = arith.addi %add3A_156, %mul3A_173 : vector<16xi32>
    %get3A_175 = arith.constant 96 : index
    %get3A_176 = tpu.vector_load %arg6[%get3A_175] {strides = array<i32>} : memref<256xi32, #tpu.memory_space<vmem>>, vector<16xi32>,
    %broadcast_in_dim3A_177 = arith.constant true
    %broadcast_in_dim3A_178 = vector.broadcast %broadcast_in_dim3A_177 : i1 to vector<16xi1>
    %masked_cumsum3A_179 = tpu.scan <sum>, %get3A_176 masked %broadcast_in_dim3A_178 : vector<16xi32>, vector<16xi1> -> vector<16xi32>
    %sub3A_180 = arith.subi %masked_cumsum3A_179, %get3A_176 : vector<16xi32>
    %add3A_181 = arith.addi %sub3A_180, %add3A_174 : vector<16xi32>
    %swap3A_182 = arith.constant 96 : index
    %swap3A_183 = tpu.vector_load %arg7[%swap3A_182] {strides = array<i32>} : memref<256xi32, #tpu.memory_space<vmem>>, vector<16xi32>,
    tpu.vector_store %arg7[%swap3A_182], %add3A_181 {strides = array<i32>} : memref<256xi32, #tpu.memory_space<vmem>>, vector<16xi32>,
    %reduce_sum3A_184 = arith.constant true
    %reduce_sum3A_185 = vector.broadcast %reduce_sum3A_184 : i1 to vector<16xi1>
    %reduce_sum3A_186 = tpu.scan <sum>, %get3A_176 masked %reduce_sum3A_185 : vector<16xi32>, vector<16xi1> -> vector<16xi32>
    %reduce_sum3A_187 = vector.extract %reduce_sum3A_186[15] : i32 from vector<16xi32>
    %broadcast_in_dim3A_188 = arith.constant 1 : i32
    %broadcast_in_dim3A_189 = vector.broadcast %broadcast_in_dim3A_188 : i32 to vector<16xi32>
    %mul3A_190 = vector.broadcast %reduce_sum3A_187 : i32 to vector<16xi32>
    %mul3A_191 = arith.muli %broadcast_in_dim3A_189, %mul3A_190 : vector<16xi32>
    %add3A_192 = arith.addi %add3A_174, %mul3A_191 : vector<16xi32>
    %get3A_193 = arith.constant 112 : index
    %get3A_194 = tpu.vector_load %arg6[%get3A_193] {strides = array<i32>} : memref<256xi32, #tpu.memory_space<vmem>>, vector<16xi32>,
    %broadcast_in_dim3A_195 = arith.constant true
    %broadcast_in_dim3A_196 = vector.broadcast %broadcast_in_dim3A_195 : i1 to vector<16xi1>
    %masked_cumsum3A_197 = tpu.scan <sum>, %get3A_194 masked %broadcast_in_dim3A_196 : vector<16xi32>, vector<16xi1> -> vector<16xi32>
    %sub3A_198 = arith.subi %masked_cumsum3A_197, %get3A_194 : vector<16xi32>
    %add3A_199 = arith.addi %sub3A_198, %add3A_192 : vector<16xi32>
    %swap3A_200 = arith.constant 112 : index
    %swap3A_201 = tpu.vector_load %arg7[%swap3A_200] {strides = array<i32>} : memref<256xi32, #tpu.memory_space<vmem>>, vector<16xi32>,
    tpu.vector_store %arg7[%swap3A_200], %add3A_199 {strides = array<i32>} : memref<256xi32, #tpu.memory_space<vmem>>, vector<16xi32>,
    %reduce_sum3A_202 = arith.constant true
    %reduce_sum3A_203 = vector.broadcast %reduce_sum3A_202 : i1 to vector<16xi1>
    %reduce_sum3A_204 = tpu.scan <sum>, %get3A_194 masked %reduce_sum3A_203 : vector<16xi32>, vector<16xi1> -> vector<16xi32>
    %reduce_sum3A_205 = vector.extract %reduce_sum3A_204[15] : i32 from vector<16xi32>
    %broadcast_in_dim3A_206 = arith.constant 1 : i32
    %broadcast_in_dim3A_207 = vector.broadcast %broadcast_in_dim3A_206 : i32 to vector<16xi32>
    %mul3A_208 = vector.broadcast %reduce_sum3A_205 : i32 to vector<16xi32>
    %mul3A_209 = arith.muli %broadcast_in_dim3A_207, %mul3A_208 : vector<16xi32>
    %add3A_210 = arith.addi %add3A_192, %mul3A_209 : vector<16xi32>
    %get3A_211 = arith.constant 128 : index
    %get3A_212 = tpu.vector_load %arg6[%get3A_211] {strides = array<i32>} : memref<256xi32, #tpu.memory_space<vmem>>, vector<16xi32>,
    %broadcast_in_dim3A_213 = arith.constant true
    %broadcast_in_dim3A_214 = vector.broadcast %broadcast_in_dim3A_213 : i1 to vector<16xi1>
    %masked_cumsum3A_215 = tpu.scan <sum>, %get3A_212 masked %broadcast_in_dim3A_214 : vector<16xi32>, vector<16xi1> -> vector<16xi32>
    %sub3A_216 = arith.subi %masked_cumsum3A_215, %get3A_212 : vector<16xi32>
    %add3A_217 = arith.addi %sub3A_216, %add3A_210 : vector<16xi32>
    %swap3A_218 = arith.constant 128 : index
    %swap3A_219 = tpu.vector_load %arg7[%swap3A_218] {strides = array<i32>} : memref<256xi32, #tpu.memory_space<vmem>>, vector<16xi32>,
    tpu.vector_store %arg7[%swap3A_218], %add3A_217 {strides = array<i32>} : memref<256xi32, #tpu.memory_space<vmem>>, vector<16xi32>,
    %reduce_sum3A_220 = arith.constant true
    %reduce_sum3A_221 = vector.broadcast %reduce_sum3A_220 : i1 to vector<16xi1>
    %reduce_sum3A_222 = tpu.scan <sum>, %get3A_212 masked %reduce_sum3A_221 : vector<16xi32>, vector<16xi1> -> vector<16xi32>
    %reduce_sum3A_223 = vector.extract %reduce_sum3A_222[15] : i32 from vector<16xi32>
    %broadcast_in_dim3A_224 = arith.constant 1 : i32
    %broadcast_in_dim3A_225 = vector.broadcast %broadcast_in_dim3A_224 : i32 to vector<16xi32>
    %mul3A_226 = vector.broadcast %reduce_sum3A_223 : i32 to vector<16xi32>
    %mul3A_227 = arith.muli %broadcast_in_dim3A_225, %mul3A_226 : vector<16xi32>
    %add3A_228 = arith.addi %add3A_210, %mul3A_227 : vector<16xi32>
    %get3A_229 = arith.constant 144 : index
    %get3A_230 = tpu.vector_load %arg6[%get3A_229] {strides = array<i32>} : memref<256xi32, #tpu.memory_space<vmem>>, vector<16xi32>,
    %broadcast_in_dim3A_231 = arith.constant true
    %broadcast_in_dim3A_232 = vector.broadcast %broadcast_in_dim3A_231 : i1 to vector<16xi1>
    %masked_cumsum3A_233 = tpu.scan <sum>, %get3A_230 masked %broadcast_in_dim3A_232 : vector<16xi32>, vector<16xi1> -> vector<16xi32>
    %sub3A_234 = arith.subi %masked_cumsum3A_233, %get3A_230 : vector<16xi32>
    %add3A_235 = arith.addi %sub3A_234, %add3A_228 : vector<16xi32>
    %swap3A_236 = arith.constant 144 : index
    %swap3A_237 = tpu.vector_load %arg7[%swap3A_236] {strides = array<i32>} : memref<256xi32, #tpu.memory_space<vmem>>, vector<16xi32>,
    tpu.vector_store %arg7[%swap3A_236], %add3A_235 {strides = array<i32>} : memref<256xi32, #tpu.memory_space<vmem>>, vector<16xi32>,
    %reduce_sum3A_238 = arith.constant true
    %reduce_sum3A_239 = vector.broadcast %reduce_sum3A_238 : i1 to vector<16xi1>
    %reduce_sum3A_240 = tpu.scan <sum>, %get3A_230 masked %reduce_sum3A_239 : vector<16xi32>, vector<16xi1> -> vector<16xi32>
    %reduce_sum3A_241 = vector.extract %reduce_sum3A_240[15] : i32 from vector<16xi32>
    %broadcast_in_dim3A_242 = arith.constant 1 : i32
    %broadcast_in_dim3A_243 = vector.broadcast %broadcast_in_dim3A_242 : i32 to vector<16xi32>
    %mul3A_244 = vector.broadcast %reduce_sum3A_241 : i32 to vector<16xi32>
    %mul3A_245 = arith.muli %broadcast_in_dim3A_243, %mul3A_244 : vector<16xi32>
    %add3A_246 = arith.addi %add3A_228, %mul3A_245 : vector<16xi32>
    %get3A_247 = arith.constant 160 : index
    %get3A_248 = tpu.vector_load %arg6[%get3A_247] {strides = array<i32>} : memref<256xi32, #tpu.memory_space<vmem>>, vector<16xi32>,
    %broadcast_in_dim3A_249 = arith.constant true
    %broadcast_in_dim3A_250 = vector.broadcast %broadcast_in_dim3A_249 : i1 to vector<16xi1>
    %masked_cumsum3A_251 = tpu.scan <sum>, %get3A_248 masked %broadcast_in_dim3A_250 : vector<16xi32>, vector<16xi1> -> vector<16xi32>
    %sub3A_252 = arith.subi %masked_cumsum3A_251, %get3A_248 : vector<16xi32>
    %add3A_253 = arith.addi %sub3A_252, %add3A_246 : vector<16xi32>
    %swap3A_254 = arith.constant 160 : index
    %swap3A_255 = tpu.vector_load %arg7[%swap3A_254] {strides = array<i32>} : memref<256xi32, #tpu.memory_space<vmem>>, vector<16xi32>,
    tpu.vector_store %arg7[%swap3A_254], %add3A_253 {strides = array<i32>} : memref<256xi32, #tpu.memory_space<vmem>>, vector<16xi32>,
    %reduce_sum3A_256 = arith.constant true
    %reduce_sum3A_257 = vector.broadcast %reduce_sum3A_256 : i1 to vector<16xi1>
    %reduce_sum3A_258 = tpu.scan <sum>, %get3A_248 masked %reduce_sum3A_257 : vector<16xi32>, vector<16xi1> -> vector<16xi32>
    %reduce_sum3A_259 = vector.extract %reduce_sum3A_258[15] : i32 from vector<16xi32>
    %broadcast_in_dim3A_260 = arith.constant 1 : i32
    %broadcast_in_dim3A_261 = vector.broadcast %broadcast_in_dim3A_260 : i32 to vector<16xi32>
    %mul3A_262 = vector.broadcast %reduce_sum3A_259 : i32 to vector<16xi32>
    %mul3A_263 = arith.muli %broadcast_in_dim3A_261, %mul3A_262 : vector<16xi32>
    %add3A_264 = arith.addi %add3A_246, %mul3A_263 : vector<16xi32>
    %get3A_265 = arith.constant 176 : index
    %get3A_266 = tpu.vector_load %arg6[%get3A_265] {strides = array<i32>} : memref<256xi32, #tpu.memory_space<vmem>>, vector<16xi32>,
    %broadcast_in_dim3A_267 = arith.constant true
    %broadcast_in_dim3A_268 = vector.broadcast %broadcast_in_dim3A_267 : i1 to vector<16xi1>
    %masked_cumsum3A_269 = tpu.scan <sum>, %get3A_266 masked %broadcast_in_dim3A_268 : vector<16xi32>, vector<16xi1> -> vector<16xi32>
    %sub3A_270 = arith.subi %masked_cumsum3A_269, %get3A_266 : vector<16xi32>
    %add3A_271 = arith.addi %sub3A_270, %add3A_264 : vector<16xi32>
    %swap3A_272 = arith.constant 176 : index
    %swap3A_273 = tpu.vector_load %arg7[%swap3A_272] {strides = array<i32>} : memref<256xi32, #tpu.memory_space<vmem>>, vector<16xi32>,
    tpu.vector_store %arg7[%swap3A_272], %add3A_271 {strides = array<i32>} : memref<256xi32, #tpu.memory_space<vmem>>, vector<16xi32>,
    %reduce_sum3A_274 = arith.constant true
    %reduce_sum3A_275 = vector.broadcast %reduce_sum3A_274 : i1 to vector<16xi1>
    %reduce_sum3A_276 = tpu.scan <sum>, %get3A_266 masked %reduce_sum3A_275 : vector<16xi32>, vector<16xi1> -> vector<16xi32>
    %reduce_sum3A_277 = vector.extract %reduce_sum3A_276[15] : i32 from vector<16xi32>
    %broadcast_in_dim3A_278 = arith.constant 1 : i32
    %broadcast_in_dim3A_279 = vector.broadcast %broadcast_in_dim3A_278 : i32 to vector<16xi32>
    %mul3A_280 = vector.broadcast %reduce_sum3A_277 : i32 to vector<16xi32>
    %mul3A_281 = arith.muli %broadcast_in_dim3A_279, %mul3A_280 : vector<16xi32>
    %add3A_282 = arith.addi %add3A_264, %mul3A_281 : vector<16xi32>
    %get3A_283 = arith.constant 192 : index
    %get3A_284 = tpu.vector_load %arg6[%get3A_283] {strides = array<i32>} : memref<256xi32, #tpu.memory_space<vmem>>, vector<16xi32>,
    %broadcast_in_dim3A_285 = arith.constant true
    %broadcast_in_dim3A_286 = vector.broadcast %broadcast_in_dim3A_285 : i1 to vector<16xi1>
    %masked_cumsum3A_287 = tpu.scan <sum>, %get3A_284 masked %broadcast_in_dim3A_286 : vector<16xi32>, vector<16xi1> -> vector<16xi32>
    %sub3A_288 = arith.subi %masked_cumsum3A_287, %get3A_284 : vector<16xi32>
    %add3A_289 = arith.addi %sub3A_288, %add3A_282 : vector<16xi32>
    %swap3A_290 = arith.constant 192 : index
    %swap3A_291 = tpu.vector_load %arg7[%swap3A_290] {strides = array<i32>} : memref<256xi32, #tpu.memory_space<vmem>>, vector<16xi32>,
    tpu.vector_store %arg7[%swap3A_290], %add3A_289 {strides = array<i32>} : memref<256xi32, #tpu.memory_space<vmem>>, vector<16xi32>,
    %reduce_sum3A_292 = arith.constant true
    %reduce_sum3A_293 = vector.broadcast %reduce_sum3A_292 : i1 to vector<16xi1>
    %reduce_sum3A_294 = tpu.scan <sum>, %get3A_284 masked %reduce_sum3A_293 : vector<16xi32>, vector<16xi1> -> vector<16xi32>
    %reduce_sum3A_295 = vector.extract %reduce_sum3A_294[15] : i32 from vector<16xi32>
    %broadcast_in_dim3A_296 = arith.constant 1 : i32
    %broadcast_in_dim3A_297 = vector.broadcast %broadcast_in_dim3A_296 : i32 to vector<16xi32>
    %mul3A_298 = vector.broadcast %reduce_sum3A_295 : i32 to vector<16xi32>
    %mul3A_299 = arith.muli %broadcast_in_dim3A_297, %mul3A_298 : vector<16xi32>
    %add3A_300 = arith.addi %add3A_282, %mul3A_299 : vector<16xi32>
    %get3A_301 = arith.constant 208 : index
    %get3A_302 = tpu.vector_load %arg6[%get3A_301] {strides = array<i32>} : memref<256xi32, #tpu.memory_space<vmem>>, vector<16xi32>,
    %broadcast_in_dim3A_303 = arith.constant true
    %broadcast_in_dim3A_304 = vector.broadcast %broadcast_in_dim3A_303 : i1 to vector<16xi1>
    %masked_cumsum3A_305 = tpu.scan <sum>, %get3A_302 masked %broadcast_in_dim3A_304 : vector<16xi32>, vector<16xi1> -> vector<16xi32>
    %sub3A_306 = arith.subi %masked_cumsum3A_305, %get3A_302 : vector<16xi32>
    %add3A_307 = arith.addi %sub3A_306, %add3A_300 : vector<16xi32>
    %swap3A_308 = arith.constant 208 : index
    %swap3A_309 = tpu.vector_load %arg7[%swap3A_308] {strides = array<i32>} : memref<256xi32, #tpu.memory_space<vmem>>, vector<16xi32>,
    tpu.vector_store %arg7[%swap3A_308], %add3A_307 {strides = array<i32>} : memref<256xi32, #tpu.memory_space<vmem>>, vector<16xi32>,
    %reduce_sum3A_310 = arith.constant true
    %reduce_sum3A_311 = vector.broadcast %reduce_sum3A_310 : i1 to vector<16xi1>
    %reduce_sum3A_312 = tpu.scan <sum>, %get3A_302 masked %reduce_sum3A_311 : vector<16xi32>, vector<16xi1> -> vector<16xi32>
    %reduce_sum3A_313 = vector.extract %reduce_sum3A_312[15] : i32 from vector<16xi32>
    %broadcast_in_dim3A_314 = arith.constant 1 : i32
    %broadcast_in_dim3A_315 = vector.broadcast %broadcast_in_dim3A_314 : i32 to vector<16xi32>
    %mul3A_316 = vector.broadcast %reduce_sum3A_313 : i32 to vector<16xi32>
    %mul3A_317 = arith.muli %broadcast_in_dim3A_315, %mul3A_316 : vector<16xi32>
    %add3A_318 = arith.addi %add3A_300, %mul3A_317 : vector<16xi32>
    %get3A_319 = arith.constant 224 : index
    %get3A_320 = tpu.vector_load %arg6[%get3A_319] {strides = array<i32>} : memref<256xi32, #tpu.memory_space<vmem>>, vector<16xi32>,
    %broadcast_in_dim3A_321 = arith.constant true
    %broadcast_in_dim3A_322 = vector.broadcast %broadcast_in_dim3A_321 : i1 to vector<16xi1>
    %masked_cumsum3A_323 = tpu.scan <sum>, %get3A_320 masked %broadcast_in_dim3A_322 : vector<16xi32>, vector<16xi1> -> vector<16xi32>
    %sub3A_324 = arith.subi %masked_cumsum3A_323, %get3A_320 : vector<16xi32>
    %add3A_325 = arith.addi %sub3A_324, %add3A_318 : vector<16xi32>
    %swap3A_326 = arith.constant 224 : index
    %swap3A_327 = tpu.vector_load %arg7[%swap3A_326] {strides = array<i32>} : memref<256xi32, #tpu.memory_space<vmem>>, vector<16xi32>,
    tpu.vector_store %arg7[%swap3A_326], %add3A_325 {strides = array<i32>} : memref<256xi32, #tpu.memory_space<vmem>>, vector<16xi32>,
    %reduce_sum3A_328 = arith.constant true
    %reduce_sum3A_329 = vector.broadcast %reduce_sum3A_328 : i1 to vector<16xi1>
    %reduce_sum3A_330 = tpu.scan <sum>, %get3A_320 masked %reduce_sum3A_329 : vector<16xi32>, vector<16xi1> -> vector<16xi32>
    %reduce_sum3A_331 = vector.extract %reduce_sum3A_330[15] : i32 from vector<16xi32>
    %broadcast_in_dim3A_332 = arith.constant 1 : i32
    %broadcast_in_dim3A_333 = vector.broadcast %broadcast_in_dim3A_332 : i32 to vector<16xi32>
    %mul3A_334 = vector.broadcast %reduce_sum3A_331 : i32 to vector<16xi32>
    %mul3A_335 = arith.muli %broadcast_in_dim3A_333, %mul3A_334 : vector<16xi32>
    %add3A_336 = arith.addi %add3A_318, %mul3A_335 : vector<16xi32>
    %get3A_337 = arith.constant 240 : index
    %get3A_338 = tpu.vector_load %arg6[%get3A_337] {strides = array<i32>} : memref<256xi32, #tpu.memory_space<vmem>>, vector<16xi32>,
    %broadcast_in_dim3A_339 = arith.constant true
    %broadcast_in_dim3A_340 = vector.broadcast %broadcast_in_dim3A_339 : i1 to vector<16xi1>
    %masked_cumsum3A_341 = tpu.scan <sum>, %get3A_338 masked %broadcast_in_dim3A_340 : vector<16xi32>, vector<16xi1> -> vector<16xi32>
    %sub3A_342 = arith.subi %masked_cumsum3A_341, %get3A_338 : vector<16xi32>
    %add3A_343 = arith.addi %sub3A_342, %add3A_336 : vector<16xi32>
    %swap3A_344 = arith.constant 240 : index
    %swap3A_345 = tpu.vector_load %arg7[%swap3A_344] {strides = array<i32>} : memref<256xi32, #tpu.memory_space<vmem>>, vector<16xi32>,
    tpu.vector_store %arg7[%swap3A_344], %add3A_343 {strides = array<i32>} : memref<256xi32, #tpu.memory_space<vmem>>, vector<16xi32>,
    %reduce_sum3A_346 = arith.constant true
    %reduce_sum3A_347 = vector.broadcast %reduce_sum3A_346 : i1 to vector<16xi1>
    %reduce_sum3A_348 = tpu.scan <sum>, %get3A_338 masked %reduce_sum3A_347 : vector<16xi32>, vector<16xi1> -> vector<16xi32>
    %reduce_sum3A_349 = vector.extract %reduce_sum3A_348[15] : i32 from vector<16xi32>
    %broadcast_in_dim3A_350 = arith.constant 1 : i32
    %broadcast_in_dim3A_351 = vector.broadcast %broadcast_in_dim3A_350 : i32 to vector<16xi32>
    %mul3A_352 = vector.broadcast %reduce_sum3A_349 : i32 to vector<16xi32>
    %mul3A_353 = arith.muli %broadcast_in_dim3A_351, %mul3A_352 : vector<16xi32>
    %add3A_354 = arith.addi %add3A_336, %mul3A_353 : vector<16xi32>
    %scan3A_355 = arith.constant 0 : i32
    %scan3A_356 = arith.constant 32 : i32
    %scan3A_357 = arith.addi %scan3A_355, %scan3A_356 : i32
    %scan3A_358 = arith.constant 1 : i32
    scf.for %scan3A_384 = %scan3A_355 to %scan3A_357 step %scan3A_358  : i32 {
      %get3A_385 = arith.constant 0 : i32
      %get3A_386 = arith.index_cast %scan3A_384 : i32 to index
      %get3A_387 = arith.index_cast %get3A_385 : i32 to index
      %get3A_388 = arith.constant 0 : index
      %get3A_389 = tpu.vector_load %arg5[%get3A_386, %get3A_387, %get3A_388] {strides = array<i32>} : memref<32x16x32xi32, #tpu.memory_space<vmem>>, vector<16xi32>,
      %shift_right_logical3A = arith.constant 22 : i32
      %shift_right_logical3A_390 = vector.broadcast %shift_right_logical3A : i32 to vector<16xi32>
      %shift_right_logical3A_391 = arith.shrui %get3A_389, %shift_right_logical3A_390 : vector<16xi32>
      %broadcast_in_dim3A_392 = arith.constant true
      %broadcast_in_dim3A_393 = vector.broadcast %broadcast_in_dim3A_392 : i1 to vector<16xi1>
      %unique3A, %unique3A_394 = tpu.scan_count mask(%broadcast_in_dim3A_393 : vector<16xi1>) value(%shift_right_logical3A_391 : vector<16xi32>) : vector<16xi1>, vector<16xi32>
      %gather3A = tpu.vector_load_idx %arg7[%shift_right_logical3A_391] : memref<256xi32, #tpu.memory_space<vmem>>[vector<16xi32>], vector<16xi32>,
      %gather3A_395 = tpu.vector_load_idx %arg8[%shift_right_logical3A_391] : memref<256xi32, #tpu.memory_space<vmem>>[vector<16xi32>], vector<16xi32>,
      %add3A_396 = arith.addi %gather3A, %gather3A_395 : vector<16xi32>
      %add3A_397 = arith.addi %add3A_396, %unique3A_394 : vector<16xi32>
      %sub3A_398 = arith.constant 1 : i32
      %sub3A_399 = vector.broadcast %sub3A_398 : i32 to vector<16xi32>
      %sub3A_400 = arith.subi %add3A_397, %sub3A_399 : vector<16xi32>
      tpu.vector_store_idx %arg9[%sub3A_400], %get3A_389 : memref<16384xi32, #tpu.memory_space<vmem>>[vector<16xi32>], vector<16xi32>,
      %add3A_401 = arith.addi %gather3A_395, %unique3A_394 : vector<16xi32>
      tpu.vector_store_idx %arg8[%shift_right_logical3A_391], %add3A_401 masked %unique3A : memref<256xi32, #tpu.memory_space<vmem>>[vector<16xi32>], vector<16xi32>, vector<16xi1>
      %get3A_402 = arith.constant 0 : i32
      %get3A_403 = arith.index_cast %scan3A_384 : i32 to index
      %get3A_404 = arith.index_cast %get3A_402 : i32 to index
      %get3A_405 = arith.constant 16 : index
      %get3A_406 = tpu.vector_load %arg5[%get3A_403, %get3A_404, %get3A_405] {strides = array<i32>} : memref<32x16x32xi32, #tpu.memory_space<vmem>>, vector<16xi32>,
      %shift_right_logical3A_407 = arith.constant 22 : i32
      %shift_right_logical3A_408 = vector.broadcast %shift_right_logical3A_407 : i32 to vector<16xi32>
      %shift_right_logical3A_409 = arith.shrui %get3A_406, %shift_right_logical3A_408 : vector<16xi32>
      %broadcast_in_dim3A_410 = arith.constant true
      %broadcast_in_dim3A_411 = vector.broadcast %broadcast_in_dim3A_410 : i1 to vector<16xi1>
      %unique3A_412, %unique3A_413 = tpu.scan_count mask(%broadcast_in_dim3A_411 : vector<16xi1>) value(%shift_right_logical3A_409 : vector<16xi32>) : vector<16xi1>, vector<16xi32>
      %gather3A_414 = tpu.vector_load_idx %arg7[%shift_right_logical3A_409] : memref<256xi32, #tpu.memory_space<vmem>>[vector<16xi32>], vector<16xi32>,
      %gather3A_415 = tpu.vector_load_idx %arg8[%shift_right_logical3A_409] : memref<256xi32, #tpu.memory_space<vmem>>[vector<16xi32>], vector<16xi32>,
      %add3A_416 = arith.addi %gather3A_414, %gather3A_415 : vector<16xi32>
      %add3A_417 = arith.addi %add3A_416, %unique3A_413 : vector<16xi32>
      %sub3A_418 = arith.constant 1 : i32
      %sub3A_419 = vector.broadcast %sub3A_418 : i32 to vector<16xi32>
      %sub3A_420 = arith.subi %add3A_417, %sub3A_419 : vector<16xi32>
      tpu.vector_store_idx %arg9[%sub3A_420], %get3A_406 : memref<16384xi32, #tpu.memory_space<vmem>>[vector<16xi32>], vector<16xi32>,
      %add3A_421 = arith.addi %gather3A_415, %unique3A_413 : vector<16xi32>
      tpu.vector_store_idx %arg8[%shift_right_logical3A_409], %add3A_421 masked %unique3A_412 : memref<256xi32, #tpu.memory_space<vmem>>[vector<16xi32>], vector<16xi32>, vector<16xi1>
      %get3A_422 = arith.constant 1 : i32
      %get3A_423 = arith.index_cast %scan3A_384 : i32 to index
      %get3A_424 = arith.index_cast %get3A_422 : i32 to index
      %get3A_425 = arith.constant 0 : index
      %get3A_426 = tpu.vector_load %arg5[%get3A_423, %get3A_424, %get3A_425] {strides = array<i32>} : memref<32x16x32xi32, #tpu.memory_space<vmem>>, vector<16xi32>,
      %shift_right_logical3A_427 = arith.constant 22 : i32
      %shift_right_logical3A_428 = vector.broadcast %shift_right_logical3A_427 : i32 to vector<16xi32>
      %shift_right_logical3A_429 = arith.shrui %get3A_426, %shift_right_logical3A_428 : vector<16xi32>
      %broadcast_in_dim3A_430 = arith.constant true
      %broadcast_in_dim3A_431 = vector.broadcast %broadcast_in_dim3A_430 : i1 to vector<16xi1>
      %unique3A_432, %unique3A_433 = tpu.scan_count mask(%broadcast_in_dim3A_431 : vector<16xi1>) value(%shift_right_logical3A_429 : vector<16xi32>) : vector<16xi1>, vector<16xi32>
      %gather3A_434 = tpu.vector_load_idx %arg7[%shift_right_logical3A_429] : memref<256xi32, #tpu.memory_space<vmem>>[vector<16xi32>], vector<16xi32>,
      %gather3A_435 = tpu.vector_load_idx %arg8[%shift_right_logical3A_429] : memref<256xi32, #tpu.memory_space<vmem>>[vector<16xi32>], vector<16xi32>,
      %add3A_436 = arith.addi %gather3A_434, %gather3A_435 : vector<16xi32>
      %add3A_437 = arith.addi %add3A_436, %unique3A_433 : vector<16xi32>
      %sub3A_438 = arith.constant 1 : i32
      %sub3A_439 = vector.broadcast %sub3A_438 : i32 to vector<16xi32>
      %sub3A_440 = arith.subi %add3A_437, %sub3A_439 : vector<16xi32>
      tpu.vector_store_idx %arg9[%sub3A_440], %get3A_426 : memref<16384xi32, #tpu.memory_space<vmem>>[vector<16xi32>], vector<16xi32>,
      %add3A_441 = arith.addi %gather3A_435, %unique3A_433 : vector<16xi32>
      tpu.vector_store_idx %arg8[%shift_right_logical3A_429], %add3A_441 masked %unique3A_432 : memref<256xi32, #tpu.memory_space<vmem>>[vector<16xi32>], vector<16xi32>, vector<16xi1>
      %get3A_442 = arith.constant 1 : i32
      %get3A_443 = arith.index_cast %scan3A_384 : i32 to index
      %get3A_444 = arith.index_cast %get3A_442 : i32 to index
      %get3A_445 = arith.constant 16 : index
      %get3A_446 = tpu.vector_load %arg5[%get3A_443, %get3A_444, %get3A_445] {strides = array<i32>} : memref<32x16x32xi32, #tpu.memory_space<vmem>>, vector<16xi32>,
      %shift_right_logical3A_447 = arith.constant 22 : i32
      %shift_right_logical3A_448 = vector.broadcast %shift_right_logical3A_447 : i32 to vector<16xi32>
      %shift_right_logical3A_449 = arith.shrui %get3A_446, %shift_right_logical3A_448 : vector<16xi32>
      %broadcast_in_dim3A_450 = arith.constant true
      %broadcast_in_dim3A_451 = vector.broadcast %broadcast_in_dim3A_450 : i1 to vector<16xi1>
      %unique3A_452, %unique3A_453 = tpu.scan_count mask(%broadcast_in_dim3A_451 : vector<16xi1>) value(%shift_right_logical3A_449 : vector<16xi32>) : vector<16xi1>, vector<16xi32>
      %gather3A_454 = tpu.vector_load_idx %arg7[%shift_right_logical3A_449] : memref<256xi32, #tpu.memory_space<vmem>>[vector<16xi32>], vector<16xi32>,
      %gather3A_455 = tpu.vector_load_idx %arg8[%shift_right_logical3A_449] : memref<256xi32, #tpu.memory_space<vmem>>[vector<16xi32>], vector<16xi32>,
      %add3A_456 = arith.addi %gather3A_454, %gather3A_455 : vector<16xi32>
      %add3A_457 = arith.addi %add3A_456, %unique3A_453 : vector<16xi32>
      %sub3A_458 = arith.constant 1 : i32
      %sub3A_459 = vector.broadcast %sub3A_458 : i32 to vector<16xi32>
      %sub3A_460 = arith.subi %add3A_457, %sub3A_459 : vector<16xi32>
      tpu.vector_store_idx %arg9[%sub3A_460], %get3A_446 : memref<16384xi32, #tpu.memory_space<vmem>>[vector<16xi32>], vector<16xi32>,
      %add3A_461 = arith.addi %gather3A_455, %unique3A_453 : vector<16xi32>
      tpu.vector_store_idx %arg8[%shift_right_logical3A_449], %add3A_461 masked %unique3A_452 : memref<256xi32, #tpu.memory_space<vmem>>[vector<16xi32>], vector<16xi32>, vector<16xi1>
      %get3A_462 = arith.constant 2 : i32
      %get3A_463 = arith.index_cast %scan3A_384 : i32 to index
      %get3A_464 = arith.index_cast %get3A_462 : i32 to index
      %get3A_465 = arith.constant 0 : index
      %get3A_466 = tpu.vector_load %arg5[%get3A_463, %get3A_464, %get3A_465] {strides = array<i32>} : memref<32x16x32xi32, #tpu.memory_space<vmem>>, vector<16xi32>,
      %shift_right_logical3A_467 = arith.constant 22 : i32
      %shift_right_logical3A_468 = vector.broadcast %shift_right_logical3A_467 : i32 to vector<16xi32>
      %shift_right_logical3A_469 = arith.shrui %get3A_466, %shift_right_logical3A_468 : vector<16xi32>
      %broadcast_in_dim3A_470 = arith.constant true
      %broadcast_in_dim3A_471 = vector.broadcast %broadcast_in_dim3A_470 : i1 to vector<16xi1>
      %unique3A_472, %unique3A_473 = tpu.scan_count mask(%broadcast_in_dim3A_471 : vector<16xi1>) value(%shift_right_logical3A_469 : vector<16xi32>) : vector<16xi1>, vector<16xi32>
      %gather3A_474 = tpu.vector_load_idx %arg7[%shift_right_logical3A_469] : memref<256xi32, #tpu.memory_space<vmem>>[vector<16xi32>], vector<16xi32>,
      %gather3A_475 = tpu.vector_load_idx %arg8[%shift_right_logical3A_469] : memref<256xi32, #tpu.memory_space<vmem>>[vector<16xi32>], vector<16xi32>,
      %add3A_476 = arith.addi %gather3A_474, %gather3A_475 : vector<16xi32>
      %add3A_477 = arith.addi %add3A_476, %unique3A_473 : vector<16xi32>
      %sub3A_478 = arith.constant 1 : i32
      %sub3A_479 = vector.broadcast %sub3A_478 : i32 to vector<16xi32>
      %sub3A_480 = arith.subi %add3A_477, %sub3A_479 : vector<16xi32>
      tpu.vector_store_idx %arg9[%sub3A_480], %get3A_466 : memref<16384xi32, #tpu.memory_space<vmem>>[vector<16xi32>], vector<16xi32>,
      %add3A_481 = arith.addi %gather3A_475, %unique3A_473 : vector<16xi32>
      tpu.vector_store_idx %arg8[%shift_right_logical3A_469], %add3A_481 masked %unique3A_472 : memref<256xi32, #tpu.memory_space<vmem>>[vector<16xi32>], vector<16xi32>, vector<16xi1>
      %get3A_482 = arith.constant 2 : i32
      %get3A_483 = arith.index_cast %scan3A_384 : i32 to index
      %get3A_484 = arith.index_cast %get3A_482 : i32 to index
      %get3A_485 = arith.constant 16 : index
      %get3A_486 = tpu.vector_load %arg5[%get3A_483, %get3A_484, %get3A_485] {strides = array<i32>} : memref<32x16x32xi32, #tpu.memory_space<vmem>>, vector<16xi32>,
      %shift_right_logical3A_487 = arith.constant 22 : i32
      %shift_right_logical3A_488 = vector.broadcast %shift_right_logical3A_487 : i32 to vector<16xi32>
      %shift_right_logical3A_489 = arith.shrui %get3A_486, %shift_right_logical3A_488 : vector<16xi32>
      %broadcast_in_dim3A_490 = arith.constant true
      %broadcast_in_dim3A_491 = vector.broadcast %broadcast_in_dim3A_490 : i1 to vector<16xi1>
      %unique3A_492, %unique3A_493 = tpu.scan_count mask(%broadcast_in_dim3A_491 : vector<16xi1>) value(%shift_right_logical3A_489 : vector<16xi32>) : vector<16xi1>, vector<16xi32>
      %gather3A_494 = tpu.vector_load_idx %arg7[%shift_right_logical3A_489] : memref<256xi32, #tpu.memory_space<vmem>>[vector<16xi32>], vector<16xi32>,
      %gather3A_495 = tpu.vector_load_idx %arg8[%shift_right_logical3A_489] : memref<256xi32, #tpu.memory_space<vmem>>[vector<16xi32>], vector<16xi32>,
      %add3A_496 = arith.addi %gather3A_494, %gather3A_495 : vector<16xi32>
      %add3A_497 = arith.addi %add3A_496, %unique3A_493 : vector<16xi32>
      %sub3A_498 = arith.constant 1 : i32
      %sub3A_499 = vector.broadcast %sub3A_498 : i32 to vector<16xi32>
      %sub3A_500 = arith.subi %add3A_497, %sub3A_499 : vector<16xi32>
      tpu.vector_store_idx %arg9[%sub3A_500], %get3A_486 : memref<16384xi32, #tpu.memory_space<vmem>>[vector<16xi32>], vector<16xi32>,
      %add3A_501 = arith.addi %gather3A_495, %unique3A_493 : vector<16xi32>
      tpu.vector_store_idx %arg8[%shift_right_logical3A_489], %add3A_501 masked %unique3A_492 : memref<256xi32, #tpu.memory_space<vmem>>[vector<16xi32>], vector<16xi32>, vector<16xi1>
      %get3A_502 = arith.constant 3 : i32
      %get3A_503 = arith.index_cast %scan3A_384 : i32 to index
      %get3A_504 = arith.index_cast %get3A_502 : i32 to index
      %get3A_505 = arith.constant 0 : index
      %get3A_506 = tpu.vector_load %arg5[%get3A_503, %get3A_504, %get3A_505] {strides = array<i32>} : memref<32x16x32xi32, #tpu.memory_space<vmem>>, vector<16xi32>,
      %shift_right_logical3A_507 = arith.constant 22 : i32
      %shift_right_logical3A_508 = vector.broadcast %shift_right_logical3A_507 : i32 to vector<16xi32>
      %shift_right_logical3A_509 = arith.shrui %get3A_506, %shift_right_logical3A_508 : vector<16xi32>
      %broadcast_in_dim3A_510 = arith.constant true
      %broadcast_in_dim3A_511 = vector.broadcast %broadcast_in_dim3A_510 : i1 to vector<16xi1>
      %unique3A_512, %unique3A_513 = tpu.scan_count mask(%broadcast_in_dim3A_511 : vector<16xi1>) value(%shift_right_logical3A_509 : vector<16xi32>) : vector<16xi1>, vector<16xi32>
      %gather3A_514 = tpu.vector_load_idx %arg7[%shift_right_logical3A_509] : memref<256xi32, #tpu.memory_space<vmem>>[vector<16xi32>], vector<16xi32>,
      %gather3A_515 = tpu.vector_load_idx %arg8[%shift_right_logical3A_509] : memref<256xi32, #tpu.memory_space<vmem>>[vector<16xi32>], vector<16xi32>,
      %add3A_516 = arith.addi %gather3A_514, %gather3A_515 : vector<16xi32>
      %add3A_517 = arith.addi %add3A_516, %unique3A_513 : vector<16xi32>
      %sub3A_518 = arith.constant 1 : i32
      %sub3A_519 = vector.broadcast %sub3A_518 : i32 to vector<16xi32>
      %sub3A_520 = arith.subi %add3A_517, %sub3A_519 : vector<16xi32>
      tpu.vector_store_idx %arg9[%sub3A_520], %get3A_506 : memref<16384xi32, #tpu.memory_space<vmem>>[vector<16xi32>], vector<16xi32>,
      %add3A_521 = arith.addi %gather3A_515, %unique3A_513 : vector<16xi32>
      tpu.vector_store_idx %arg8[%shift_right_logical3A_509], %add3A_521 masked %unique3A_512 : memref<256xi32, #tpu.memory_space<vmem>>[vector<16xi32>], vector<16xi32>, vector<16xi1>
      %get3A_522 = arith.constant 3 : i32
      %get3A_523 = arith.index_cast %scan3A_384 : i32 to index
      %get3A_524 = arith.index_cast %get3A_522 : i32 to index
      %get3A_525 = arith.constant 16 : index
      %get3A_526 = tpu.vector_load %arg5[%get3A_523, %get3A_524, %get3A_525] {strides = array<i32>} : memref<32x16x32xi32, #tpu.memory_space<vmem>>, vector<16xi32>,
      %shift_right_logical3A_527 = arith.constant 22 : i32
      %shift_right_logical3A_528 = vector.broadcast %shift_right_logical3A_527 : i32 to vector<16xi32>
      %shift_right_logical3A_529 = arith.shrui %get3A_526, %shift_right_logical3A_528 : vector<16xi32>
      %broadcast_in_dim3A_530 = arith.constant true
      %broadcast_in_dim3A_531 = vector.broadcast %broadcast_in_dim3A_530 : i1 to vector<16xi1>
      %unique3A_532, %unique3A_533 = tpu.scan_count mask(%broadcast_in_dim3A_531 : vector<16xi1>) value(%shift_right_logical3A_529 : vector<16xi32>) : vector<16xi1>, vector<16xi32>
      %gather3A_534 = tpu.vector_load_idx %arg7[%shift_right_logical3A_529] : memref<256xi32, #tpu.memory_space<vmem>>[vector<16xi32>], vector<16xi32>,
      %gather3A_535 = tpu.vector_load_idx %arg8[%shift_right_logical3A_529] : memref<256xi32, #tpu.memory_space<vmem>>[vector<16xi32>], vector<16xi32>,
      %add3A_536 = arith.addi %gather3A_534, %gather3A_535 : vector<16xi32>
      %add3A_537 = arith.addi %add3A_536, %unique3A_533 : vector<16xi32>
      %sub3A_538 = arith.constant 1 : i32
      %sub3A_539 = vector.broadcast %sub3A_538 : i32 to vector<16xi32>
      %sub3A_540 = arith.subi %add3A_537, %sub3A_539 : vector<16xi32>
      tpu.vector_store_idx %arg9[%sub3A_540], %get3A_526 : memref<16384xi32, #tpu.memory_space<vmem>>[vector<16xi32>], vector<16xi32>,
      %add3A_541 = arith.addi %gather3A_535, %unique3A_533 : vector<16xi32>
      tpu.vector_store_idx %arg8[%shift_right_logical3A_529], %add3A_541 masked %unique3A_532 : memref<256xi32, #tpu.memory_space<vmem>>[vector<16xi32>], vector<16xi32>, vector<16xi1>
      %get3A_542 = arith.constant 4 : i32
      %get3A_543 = arith.index_cast %scan3A_384 : i32 to index
      %get3A_544 = arith.index_cast %get3A_542 : i32 to index
      %get3A_545 = arith.constant 0 : index
      %get3A_546 = tpu.vector_load %arg5[%get3A_543, %get3A_544, %get3A_545] {strides = array<i32>} : memref<32x16x32xi32, #tpu.memory_space<vmem>>, vector<16xi32>,
      %shift_right_logical3A_547 = arith.constant 22 : i32
      %shift_right_logical3A_548 = vector.broadcast %shift_right_logical3A_547 : i32 to vector<16xi32>
      %shift_right_logical3A_549 = arith.shrui %get3A_546, %shift_right_logical3A_548 : vector<16xi32>
      %broadcast_in_dim3A_550 = arith.constant true
      %broadcast_in_dim3A_551 = vector.broadcast %broadcast_in_dim3A_550 : i1 to vector<16xi1>
      %unique3A_552, %unique3A_553 = tpu.scan_count mask(%broadcast_in_dim3A_551 : vector<16xi1>) value(%shift_right_logical3A_549 : vector<16xi32>) : vector<16xi1>, vector<16xi32>
      %gather3A_554 = tpu.vector_load_idx %arg7[%shift_right_logical3A_549] : memref<256xi32, #tpu.memory_space<vmem>>[vector<16xi32>], vector<16xi32>,
      %gather3A_555 = tpu.vector_load_idx %arg8[%shift_right_logical3A_549] : memref<256xi32, #tpu.memory_space<vmem>>[vector<16xi32>], vector<16xi32>,
      %add3A_556 = arith.addi %gather3A_554, %gather3A_555 : vector<16xi32>
      %add3A_557 = arith.addi %add3A_556, %unique3A_553 : vector<16xi32>
      %sub3A_558 = arith.constant 1 : i32
      %sub3A_559 = vector.broadcast %sub3A_558 : i32 to vector<16xi32>
      %sub3A_560 = arith.subi %add3A_557, %sub3A_559 : vector<16xi32>
      tpu.vector_store_idx %arg9[%sub3A_560], %get3A_546 : memref<16384xi32, #tpu.memory_space<vmem>>[vector<16xi32>], vector<16xi32>,
      %add3A_561 = arith.addi %gather3A_555, %unique3A_553 : vector<16xi32>
      tpu.vector_store_idx %arg8[%shift_right_logical3A_549], %add3A_561 masked %unique3A_552 : memref<256xi32, #tpu.memory_space<vmem>>[vector<16xi32>], vector<16xi32>, vector<16xi1>
      %get3A_562 = arith.constant 4 : i32
      %get3A_563 = arith.index_cast %scan3A_384 : i32 to index
      %get3A_564 = arith.index_cast %get3A_562 : i32 to index
      %get3A_565 = arith.constant 16 : index
      %get3A_566 = tpu.vector_load %arg5[%get3A_563, %get3A_564, %get3A_565] {strides = array<i32>} : memref<32x16x32xi32, #tpu.memory_space<vmem>>, vector<16xi32>,
      %shift_right_logical3A_567 = arith.constant 22 : i32
      %shift_right_logical3A_568 = vector.broadcast %shift_right_logical3A_567 : i32 to vector<16xi32>
      %shift_right_logical3A_569 = arith.shrui %get3A_566, %shift_right_logical3A_568 : vector<16xi32>
      %broadcast_in_dim3A_570 = arith.constant true
      %broadcast_in_dim3A_571 = vector.broadcast %broadcast_in_dim3A_570 : i1 to vector<16xi1>
      %unique3A_572, %unique3A_573 = tpu.scan_count mask(%broadcast_in_dim3A_571 : vector<16xi1>) value(%shift_right_logical3A_569 : vector<16xi32>) : vector<16xi1>, vector<16xi32>
      %gather3A_574 = tpu.vector_load_idx %arg7[%shift_right_logical3A_569] : memref<256xi32, #tpu.memory_space<vmem>>[vector<16xi32>], vector<16xi32>,
      %gather3A_575 = tpu.vector_load_idx %arg8[%shift_right_logical3A_569] : memref<256xi32, #tpu.memory_space<vmem>>[vector<16xi32>], vector<16xi32>,
      %add3A_576 = arith.addi %gather3A_574, %gather3A_575 : vector<16xi32>
      %add3A_577 = arith.addi %add3A_576, %unique3A_573 : vector<16xi32>
      %sub3A_578 = arith.constant 1 : i32
      %sub3A_579 = vector.broadcast %sub3A_578 : i32 to vector<16xi32>
      %sub3A_580 = arith.subi %add3A_577, %sub3A_579 : vector<16xi32>
      tpu.vector_store_idx %arg9[%sub3A_580], %get3A_566 : memref<16384xi32, #tpu.memory_space<vmem>>[vector<16xi32>], vector<16xi32>,
      %add3A_581 = arith.addi %gather3A_575, %unique3A_573 : vector<16xi32>
      tpu.vector_store_idx %arg8[%shift_right_logical3A_569], %add3A_581 masked %unique3A_572 : memref<256xi32, #tpu.memory_space<vmem>>[vector<16xi32>], vector<16xi32>, vector<16xi1>
      %get3A_582 = arith.constant 5 : i32
      %get3A_583 = arith.index_cast %scan3A_384 : i32 to index
      %get3A_584 = arith.index_cast %get3A_582 : i32 to index
      %get3A_585 = arith.constant 0 : index
      %get3A_586 = tpu.vector_load %arg5[%get3A_583, %get3A_584, %get3A_585] {strides = array<i32>} : memref<32x16x32xi32, #tpu.memory_space<vmem>>, vector<16xi32>,
      %shift_right_logical3A_587 = arith.constant 22 : i32
      %shift_right_logical3A_588 = vector.broadcast %shift_right_logical3A_587 : i32 to vector<16xi32>
      %shift_right_logical3A_589 = arith.shrui %get3A_586, %shift_right_logical3A_588 : vector<16xi32>
      %broadcast_in_dim3A_590 = arith.constant true
      %broadcast_in_dim3A_591 = vector.broadcast %broadcast_in_dim3A_590 : i1 to vector<16xi1>
      %unique3A_592, %unique3A_593 = tpu.scan_count mask(%broadcast_in_dim3A_591 : vector<16xi1>) value(%shift_right_logical3A_589 : vector<16xi32>) : vector<16xi1>, vector<16xi32>
      %gather3A_594 = tpu.vector_load_idx %arg7[%shift_right_logical3A_589] : memref<256xi32, #tpu.memory_space<vmem>>[vector<16xi32>], vector<16xi32>,
      %gather3A_595 = tpu.vector_load_idx %arg8[%shift_right_logical3A_589] : memref<256xi32, #tpu.memory_space<vmem>>[vector<16xi32>], vector<16xi32>,
      %add3A_596 = arith.addi %gather3A_594, %gather3A_595 : vector<16xi32>
      %add3A_597 = arith.addi %add3A_596, %unique3A_593 : vector<16xi32>
      %sub3A_598 = arith.constant 1 : i32
      %sub3A_599 = vector.broadcast %sub3A_598 : i32 to vector<16xi32>
      %sub3A_600 = arith.subi %add3A_597, %sub3A_599 : vector<16xi32>
      tpu.vector_store_idx %arg9[%sub3A_600], %get3A_586 : memref<16384xi32, #tpu.memory_space<vmem>>[vector<16xi32>], vector<16xi32>,
      %add3A_601 = arith.addi %gather3A_595, %unique3A_593 : vector<16xi32>
      tpu.vector_store_idx %arg8[%shift_right_logical3A_589], %add3A_601 masked %unique3A_592 : memref<256xi32, #tpu.memory_space<vmem>>[vector<16xi32>], vector<16xi32>, vector<16xi1>
      %get3A_602 = arith.constant 5 : i32
      %get3A_603 = arith.index_cast %scan3A_384 : i32 to index
      %get3A_604 = arith.index_cast %get3A_602 : i32 to index
      %get3A_605 = arith.constant 16 : index
      %get3A_606 = tpu.vector_load %arg5[%get3A_603, %get3A_604, %get3A_605] {strides = array<i32>} : memref<32x16x32xi32, #tpu.memory_space<vmem>>, vector<16xi32>,
      %shift_right_logical3A_607 = arith.constant 22 : i32
      %shift_right_logical3A_608 = vector.broadcast %shift_right_logical3A_607 : i32 to vector<16xi32>
      %shift_right_logical3A_609 = arith.shrui %get3A_606, %shift_right_logical3A_608 : vector<16xi32>
      %broadcast_in_dim3A_610 = arith.constant true
      %broadcast_in_dim3A_611 = vector.broadcast %broadcast_in_dim3A_610 : i1 to vector<16xi1>
      %unique3A_612, %unique3A_613 = tpu.scan_count mask(%broadcast_in_dim3A_611 : vector<16xi1>) value(%shift_right_logical3A_609 : vector<16xi32>) : vector<16xi1>, vector<16xi32>
      %gather3A_614 = tpu.vector_load_idx %arg7[%shift_right_logical3A_609] : memref<256xi32, #tpu.memory_space<vmem>>[vector<16xi32>], vector<16xi32>,
      %gather3A_615 = tpu.vector_load_idx %arg8[%shift_right_logical3A_609] : memref<256xi32, #tpu.memory_space<vmem>>[vector<16xi32>], vector<16xi32>,
      %add3A_616 = arith.addi %gather3A_614, %gather3A_615 : vector<16xi32>
      %add3A_617 = arith.addi %add3A_616, %unique3A_613 : vector<16xi32>
      %sub3A_618 = arith.constant 1 : i32
      %sub3A_619 = vector.broadcast %sub3A_618 : i32 to vector<16xi32>
      %sub3A_620 = arith.subi %add3A_617, %sub3A_619 : vector<16xi32>
      tpu.vector_store_idx %arg9[%sub3A_620], %get3A_606 : memref<16384xi32, #tpu.memory_space<vmem>>[vector<16xi32>], vector<16xi32>,
      %add3A_621 = arith.addi %gather3A_615, %unique3A_613 : vector<16xi32>
      tpu.vector_store_idx %arg8[%shift_right_logical3A_609], %add3A_621 masked %unique3A_612 : memref<256xi32, #tpu.memory_space<vmem>>[vector<16xi32>], vector<16xi32>, vector<16xi1>
      %get3A_622 = arith.constant 6 : i32
      %get3A_623 = arith.index_cast %scan3A_384 : i32 to index
      %get3A_624 = arith.index_cast %get3A_622 : i32 to index
      %get3A_625 = arith.constant 0 : index
      %get3A_626 = tpu.vector_load %arg5[%get3A_623, %get3A_624, %get3A_625] {strides = array<i32>} : memref<32x16x32xi32, #tpu.memory_space<vmem>>, vector<16xi32>,
      %shift_right_logical3A_627 = arith.constant 22 : i32
      %shift_right_logical3A_628 = vector.broadcast %shift_right_logical3A_627 : i32 to vector<16xi32>
      %shift_right_logical3A_629 = arith.shrui %get3A_626, %shift_right_logical3A_628 : vector<16xi32>
      %broadcast_in_dim3A_630 = arith.constant true
      %broadcast_in_dim3A_631 = vector.broadcast %broadcast_in_dim3A_630 : i1 to vector<16xi1>
      %unique3A_632, %unique3A_633 = tpu.scan_count mask(%broadcast_in_dim3A_631 : vector<16xi1>) value(%shift_right_logical3A_629 : vector<16xi32>) : vector<16xi1>, vector<16xi32>
      %gather3A_634 = tpu.vector_load_idx %arg7[%shift_right_logical3A_629] : memref<256xi32, #tpu.memory_space<vmem>>[vector<16xi32>], vector<16xi32>,
      %gather3A_635 = tpu.vector_load_idx %arg8[%shift_right_logical3A_629] : memref<256xi32, #tpu.memory_space<vmem>>[vector<16xi32>], vector<16xi32>,
      %add3A_636 = arith.addi %gather3A_634, %gather3A_635 : vector<16xi32>
      %add3A_637 = arith.addi %add3A_636, %unique3A_633 : vector<16xi32>
      %sub3A_638 = arith.constant 1 : i32
      %sub3A_639 = vector.broadcast %sub3A_638 : i32 to vector<16xi32>
      %sub3A_640 = arith.subi %add3A_637, %sub3A_639 : vector<16xi32>
      tpu.vector_store_idx %arg9[%sub3A_640], %get3A_626 : memref<16384xi32, #tpu.memory_space<vmem>>[vector<16xi32>], vector<16xi32>,
      %add3A_641 = arith.addi %gather3A_635, %unique3A_633 : vector<16xi32>
      tpu.vector_store_idx %arg8[%shift_right_logical3A_629], %add3A_641 masked %unique3A_632 : memref<256xi32, #tpu.memory_space<vmem>>[vector<16xi32>], vector<16xi32>, vector<16xi1>
      %get3A_642 = arith.constant 6 : i32
      %get3A_643 = arith.index_cast %scan3A_384 : i32 to index
      %get3A_644 = arith.index_cast %get3A_642 : i32 to index
      %get3A_645 = arith.constant 16 : index
      %get3A_646 = tpu.vector_load %arg5[%get3A_643, %get3A_644, %get3A_645] {strides = array<i32>} : memref<32x16x32xi32, #tpu.memory_space<vmem>>, vector<16xi32>,
      %shift_right_logical3A_647 = arith.constant 22 : i32
      %shift_right_logical3A_648 = vector.broadcast %shift_right_logical3A_647 : i32 to vector<16xi32>
      %shift_right_logical3A_649 = arith.shrui %get3A_646, %shift_right_logical3A_648 : vector<16xi32>
      %broadcast_in_dim3A_650 = arith.constant true
      %broadcast_in_dim3A_651 = vector.broadcast %broadcast_in_dim3A_650 : i1 to vector<16xi1>
      %unique3A_652, %unique3A_653 = tpu.scan_count mask(%broadcast_in_dim3A_651 : vector<16xi1>) value(%shift_right_logical3A_649 : vector<16xi32>) : vector<16xi1>, vector<16xi32>
      %gather3A_654 = tpu.vector_load_idx %arg7[%shift_right_logical3A_649] : memref<256xi32, #tpu.memory_space<vmem>>[vector<16xi32>], vector<16xi32>,
      %gather3A_655 = tpu.vector_load_idx %arg8[%shift_right_logical3A_649] : memref<256xi32, #tpu.memory_space<vmem>>[vector<16xi32>], vector<16xi32>,
      %add3A_656 = arith.addi %gather3A_654, %gather3A_655 : vector<16xi32>
      %add3A_657 = arith.addi %add3A_656, %unique3A_653 : vector<16xi32>
      %sub3A_658 = arith.constant 1 : i32
      %sub3A_659 = vector.broadcast %sub3A_658 : i32 to vector<16xi32>
      %sub3A_660 = arith.subi %add3A_657, %sub3A_659 : vector<16xi32>
      tpu.vector_store_idx %arg9[%sub3A_660], %get3A_646 : memref<16384xi32, #tpu.memory_space<vmem>>[vector<16xi32>], vector<16xi32>,
      %add3A_661 = arith.addi %gather3A_655, %unique3A_653 : vector<16xi32>
      tpu.vector_store_idx %arg8[%shift_right_logical3A_649], %add3A_661 masked %unique3A_652 : memref<256xi32, #tpu.memory_space<vmem>>[vector<16xi32>], vector<16xi32>, vector<16xi1>
      %get3A_662 = arith.constant 7 : i32
      %get3A_663 = arith.index_cast %scan3A_384 : i32 to index
      %get3A_664 = arith.index_cast %get3A_662 : i32 to index
      %get3A_665 = arith.constant 0 : index
      %get3A_666 = tpu.vector_load %arg5[%get3A_663, %get3A_664, %get3A_665] {strides = array<i32>} : memref<32x16x32xi32, #tpu.memory_space<vmem>>, vector<16xi32>,
      %shift_right_logical3A_667 = arith.constant 22 : i32
      %shift_right_logical3A_668 = vector.broadcast %shift_right_logical3A_667 : i32 to vector<16xi32>
      %shift_right_logical3A_669 = arith.shrui %get3A_666, %shift_right_logical3A_668 : vector<16xi32>
      %broadcast_in_dim3A_670 = arith.constant true
      %broadcast_in_dim3A_671 = vector.broadcast %broadcast_in_dim3A_670 : i1 to vector<16xi1>
      %unique3A_672, %unique3A_673 = tpu.scan_count mask(%broadcast_in_dim3A_671 : vector<16xi1>) value(%shift_right_logical3A_669 : vector<16xi32>) : vector<16xi1>, vector<16xi32>
      %gather3A_674 = tpu.vector_load_idx %arg7[%shift_right_logical3A_669] : memref<256xi32, #tpu.memory_space<vmem>>[vector<16xi32>], vector<16xi32>,
      %gather3A_675 = tpu.vector_load_idx %arg8[%shift_right_logical3A_669] : memref<256xi32, #tpu.memory_space<vmem>>[vector<16xi32>], vector<16xi32>,
      %add3A_676 = arith.addi %gather3A_674, %gather3A_675 : vector<16xi32>
      %add3A_677 = arith.addi %add3A_676, %unique3A_673 : vector<16xi32>
      %sub3A_678 = arith.constant 1 : i32
      %sub3A_679 = vector.broadcast %sub3A_678 : i32 to vector<16xi32>
      %sub3A_680 = arith.subi %add3A_677, %sub3A_679 : vector<16xi32>
      tpu.vector_store_idx %arg9[%sub3A_680], %get3A_666 : memref<16384xi32, #tpu.memory_space<vmem>>[vector<16xi32>], vector<16xi32>,
      %add3A_681 = arith.addi %gather3A_675, %unique3A_673 : vector<16xi32>
      tpu.vector_store_idx %arg8[%shift_right_logical3A_669], %add3A_681 masked %unique3A_672 : memref<256xi32, #tpu.memory_space<vmem>>[vector<16xi32>], vector<16xi32>, vector<16xi1>
      %get3A_682 = arith.constant 7 : i32
      %get3A_683 = arith.index_cast %scan3A_384 : i32 to index
      %get3A_684 = arith.index_cast %get3A_682 : i32 to index
      %get3A_685 = arith.constant 16 : index
      %get3A_686 = tpu.vector_load %arg5[%get3A_683, %get3A_684, %get3A_685] {strides = array<i32>} : memref<32x16x32xi32, #tpu.memory_space<vmem>>, vector<16xi32>,
      %shift_right_logical3A_687 = arith.constant 22 : i32
      %shift_right_logical3A_688 = vector.broadcast %shift_right_logical3A_687 : i32 to vector<16xi32>
      %shift_right_logical3A_689 = arith.shrui %get3A_686, %shift_right_logical3A_688 : vector<16xi32>
      %broadcast_in_dim3A_690 = arith.constant true
      %broadcast_in_dim3A_691 = vector.broadcast %broadcast_in_dim3A_690 : i1 to vector<16xi1>
      %unique3A_692, %unique3A_693 = tpu.scan_count mask(%broadcast_in_dim3A_691 : vector<16xi1>) value(%shift_right_logical3A_689 : vector<16xi32>) : vector<16xi1>, vector<16xi32>
      %gather3A_694 = tpu.vector_load_idx %arg7[%shift_right_logical3A_689] : memref<256xi32, #tpu.memory_space<vmem>>[vector<16xi32>], vector<16xi32>,
      %gather3A_695 = tpu.vector_load_idx %arg8[%shift_right_logical3A_689] : memref<256xi32, #tpu.memory_space<vmem>>[vector<16xi32>], vector<16xi32>,
      %add3A_696 = arith.addi %gather3A_694, %gather3A_695 : vector<16xi32>
      %add3A_697 = arith.addi %add3A_696, %unique3A_693 : vector<16xi32>
      %sub3A_698 = arith.constant 1 : i32
      %sub3A_699 = vector.broadcast %sub3A_698 : i32 to vector<16xi32>
      %sub3A_700 = arith.subi %add3A_697, %sub3A_699 : vector<16xi32>
      tpu.vector_store_idx %arg9[%sub3A_700], %get3A_686 : memref<16384xi32, #tpu.memory_space<vmem>>[vector<16xi32>], vector<16xi32>,
      %add3A_701 = arith.addi %gather3A_695, %unique3A_693 : vector<16xi32>
      tpu.vector_store_idx %arg8[%shift_right_logical3A_689], %add3A_701 masked %unique3A_692 : memref<256xi32, #tpu.memory_space<vmem>>[vector<16xi32>], vector<16xi32>, vector<16xi1>
      %get3A_702 = arith.constant 8 : i32
      %get3A_703 = arith.index_cast %scan3A_384 : i32 to index
      %get3A_704 = arith.index_cast %get3A_702 : i32 to index
      %get3A_705 = arith.constant 0 : index
      %get3A_706 = tpu.vector_load %arg5[%get3A_703, %get3A_704, %get3A_705] {strides = array<i32>} : memref<32x16x32xi32, #tpu.memory_space<vmem>>, vector<16xi32>,
      %shift_right_logical3A_707 = arith.constant 22 : i32
      %shift_right_logical3A_708 = vector.broadcast %shift_right_logical3A_707 : i32 to vector<16xi32>
      %shift_right_logical3A_709 = arith.shrui %get3A_706, %shift_right_logical3A_708 : vector<16xi32>
      %broadcast_in_dim3A_710 = arith.constant true
      %broadcast_in_dim3A_711 = vector.broadcast %broadcast_in_dim3A_710 : i1 to vector<16xi1>
      %unique3A_712, %unique3A_713 = tpu.scan_count mask(%broadcast_in_dim3A_711 : vector<16xi1>) value(%shift_right_logical3A_709 : vector<16xi32>) : vector<16xi1>, vector<16xi32>
      %gather3A_714 = tpu.vector_load_idx %arg7[%shift_right_logical3A_709] : memref<256xi32, #tpu.memory_space<vmem>>[vector<16xi32>], vector<16xi32>,
      %gather3A_715 = tpu.vector_load_idx %arg8[%shift_right_logical3A_709] : memref<256xi32, #tpu.memory_space<vmem>>[vector<16xi32>], vector<16xi32>,
      %add3A_716 = arith.addi %gather3A_714, %gather3A_715 : vector<16xi32>
      %add3A_717 = arith.addi %add3A_716, %unique3A_713 : vector<16xi32>
      %sub3A_718 = arith.constant 1 : i32
      %sub3A_719 = vector.broadcast %sub3A_718 : i32 to vector<16xi32>
      %sub3A_720 = arith.subi %add3A_717, %sub3A_719 : vector<16xi32>
      tpu.vector_store_idx %arg9[%sub3A_720], %get3A_706 : memref<16384xi32, #tpu.memory_space<vmem>>[vector<16xi32>], vector<16xi32>,
      %add3A_721 = arith.addi %gather3A_715, %unique3A_713 : vector<16xi32>
      tpu.vector_store_idx %arg8[%shift_right_logical3A_709], %add3A_721 masked %unique3A_712 : memref<256xi32, #tpu.memory_space<vmem>>[vector<16xi32>], vector<16xi32>, vector<16xi1>
      %get3A_722 = arith.constant 8 : i32
      %get3A_723 = arith.index_cast %scan3A_384 : i32 to index
      %get3A_724 = arith.index_cast %get3A_722 : i32 to index
      %get3A_725 = arith.constant 16 : index
      %get3A_726 = tpu.vector_load %arg5[%get3A_723, %get3A_724, %get3A_725] {strides = array<i32>} : memref<32x16x32xi32, #tpu.memory_space<vmem>>, vector<16xi32>,
      %shift_right_logical3A_727 = arith.constant 22 : i32
      %shift_right_logical3A_728 = vector.broadcast %shift_right_logical3A_727 : i32 to vector<16xi32>
      %shift_right_logical3A_729 = arith.shrui %get3A_726, %shift_right_logical3A_728 : vector<16xi32>
      %broadcast_in_dim3A_730 = arith.constant true
      %broadcast_in_dim3A_731 = vector.broadcast %broadcast_in_dim3A_730 : i1 to vector<16xi1>
      %unique3A_732, %unique3A_733 = tpu.scan_count mask(%broadcast_in_dim3A_731 : vector<16xi1>) value(%shift_right_logical3A_729 : vector<16xi32>) : vector<16xi1>, vector<16xi32>
      %gather3A_734 = tpu.vector_load_idx %arg7[%shift_right_logical3A_729] : memref<256xi32, #tpu.memory_space<vmem>>[vector<16xi32>], vector<16xi32>,
      %gather3A_735 = tpu.vector_load_idx %arg8[%shift_right_logical3A_729] : memref<256xi32, #tpu.memory_space<vmem>>[vector<16xi32>], vector<16xi32>,
      %add3A_736 = arith.addi %gather3A_734, %gather3A_735 : vector<16xi32>
      %add3A_737 = arith.addi %add3A_736, %unique3A_733 : vector<16xi32>
      %sub3A_738 = arith.constant 1 : i32
      %sub3A_739 = vector.broadcast %sub3A_738 : i32 to vector<16xi32>
      %sub3A_740 = arith.subi %add3A_737, %sub3A_739 : vector<16xi32>
      tpu.vector_store_idx %arg9[%sub3A_740], %get3A_726 : memref<16384xi32, #tpu.memory_space<vmem>>[vector<16xi32>], vector<16xi32>,
      %add3A_741 = arith.addi %gather3A_735, %unique3A_733 : vector<16xi32>
      tpu.vector_store_idx %arg8[%shift_right_logical3A_729], %add3A_741 masked %unique3A_732 : memref<256xi32, #tpu.memory_space<vmem>>[vector<16xi32>], vector<16xi32>, vector<16xi1>
      %get3A_742 = arith.constant 9 : i32
      %get3A_743 = arith.index_cast %scan3A_384 : i32 to index
      %get3A_744 = arith.index_cast %get3A_742 : i32 to index
      %get3A_745 = arith.constant 0 : index
      %get3A_746 = tpu.vector_load %arg5[%get3A_743, %get3A_744, %get3A_745] {strides = array<i32>} : memref<32x16x32xi32, #tpu.memory_space<vmem>>, vector<16xi32>,
      %shift_right_logical3A_747 = arith.constant 22 : i32
      %shift_right_logical3A_748 = vector.broadcast %shift_right_logical3A_747 : i32 to vector<16xi32>
      %shift_right_logical3A_749 = arith.shrui %get3A_746, %shift_right_logical3A_748 : vector<16xi32>
      %broadcast_in_dim3A_750 = arith.constant true
      %broadcast_in_dim3A_751 = vector.broadcast %broadcast_in_dim3A_750 : i1 to vector<16xi1>
      %unique3A_752, %unique3A_753 = tpu.scan_count mask(%broadcast_in_dim3A_751 : vector<16xi1>) value(%shift_right_logical3A_749 : vector<16xi32>) : vector<16xi1>, vector<16xi32>
      %gather3A_754 = tpu.vector_load_idx %arg7[%shift_right_logical3A_749] : memref<256xi32, #tpu.memory_space<vmem>>[vector<16xi32>], vector<16xi32>,
      %gather3A_755 = tpu.vector_load_idx %arg8[%shift_right_logical3A_749] : memref<256xi32, #tpu.memory_space<vmem>>[vector<16xi32>], vector<16xi32>,
      %add3A_756 = arith.addi %gather3A_754, %gather3A_755 : vector<16xi32>
      %add3A_757 = arith.addi %add3A_756, %unique3A_753 : vector<16xi32>
      %sub3A_758 = arith.constant 1 : i32
      %sub3A_759 = vector.broadcast %sub3A_758 : i32 to vector<16xi32>
      %sub3A_760 = arith.subi %add3A_757, %sub3A_759 : vector<16xi32>
      tpu.vector_store_idx %arg9[%sub3A_760], %get3A_746 : memref<16384xi32, #tpu.memory_space<vmem>>[vector<16xi32>], vector<16xi32>,
      %add3A_761 = arith.addi %gather3A_755, %unique3A_753 : vector<16xi32>
      tpu.vector_store_idx %arg8[%shift_right_logical3A_749], %add3A_761 masked %unique3A_752 : memref<256xi32, #tpu.memory_space<vmem>>[vector<16xi32>], vector<16xi32>, vector<16xi1>
      %get3A_762 = arith.constant 9 : i32
      %get3A_763 = arith.index_cast %scan3A_384 : i32 to index
      %get3A_764 = arith.index_cast %get3A_762 : i32 to index
      %get3A_765 = arith.constant 16 : index
      %get3A_766 = tpu.vector_load %arg5[%get3A_763, %get3A_764, %get3A_765] {strides = array<i32>} : memref<32x16x32xi32, #tpu.memory_space<vmem>>, vector<16xi32>,
      %shift_right_logical3A_767 = arith.constant 22 : i32
      %shift_right_logical3A_768 = vector.broadcast %shift_right_logical3A_767 : i32 to vector<16xi32>
      %shift_right_logical3A_769 = arith.shrui %get3A_766, %shift_right_logical3A_768 : vector<16xi32>
      %broadcast_in_dim3A_770 = arith.constant true
      %broadcast_in_dim3A_771 = vector.broadcast %broadcast_in_dim3A_770 : i1 to vector<16xi1>
      %unique3A_772, %unique3A_773 = tpu.scan_count mask(%broadcast_in_dim3A_771 : vector<16xi1>) value(%shift_right_logical3A_769 : vector<16xi32>) : vector<16xi1>, vector<16xi32>
      %gather3A_774 = tpu.vector_load_idx %arg7[%shift_right_logical3A_769] : memref<256xi32, #tpu.memory_space<vmem>>[vector<16xi32>], vector<16xi32>,
      %gather3A_775 = tpu.vector_load_idx %arg8[%shift_right_logical3A_769] : memref<256xi32, #tpu.memory_space<vmem>>[vector<16xi32>], vector<16xi32>,
      %add3A_776 = arith.addi %gather3A_774, %gather3A_775 : vector<16xi32>
      %add3A_777 = arith.addi %add3A_776, %unique3A_773 : vector<16xi32>
      %sub3A_778 = arith.constant 1 : i32
      %sub3A_779 = vector.broadcast %sub3A_778 : i32 to vector<16xi32>
      %sub3A_780 = arith.subi %add3A_777, %sub3A_779 : vector<16xi32>
      tpu.vector_store_idx %arg9[%sub3A_780], %get3A_766 : memref<16384xi32, #tpu.memory_space<vmem>>[vector<16xi32>], vector<16xi32>,
      %add3A_781 = arith.addi %gather3A_775, %unique3A_773 : vector<16xi32>
      tpu.vector_store_idx %arg8[%shift_right_logical3A_769], %add3A_781 masked %unique3A_772 : memref<256xi32, #tpu.memory_space<vmem>>[vector<16xi32>], vector<16xi32>, vector<16xi1>
      %get3A_782 = arith.constant 10 : i32
      %get3A_783 = arith.index_cast %scan3A_384 : i32 to index
      %get3A_784 = arith.index_cast %get3A_782 : i32 to index
      %get3A_785 = arith.constant 0 : index
      %get3A_786 = tpu.vector_load %arg5[%get3A_783, %get3A_784, %get3A_785] {strides = array<i32>} : memref<32x16x32xi32, #tpu.memory_space<vmem>>, vector<16xi32>,
      %shift_right_logical3A_787 = arith.constant 22 : i32
      %shift_right_logical3A_788 = vector.broadcast %shift_right_logical3A_787 : i32 to vector<16xi32>
      %shift_right_logical3A_789 = arith.shrui %get3A_786, %shift_right_logical3A_788 : vector<16xi32>
      %broadcast_in_dim3A_790 = arith.constant true
      %broadcast_in_dim3A_791 = vector.broadcast %broadcast_in_dim3A_790 : i1 to vector<16xi1>
      %unique3A_792, %unique3A_793 = tpu.scan_count mask(%broadcast_in_dim3A_791 : vector<16xi1>) value(%shift_right_logical3A_789 : vector<16xi32>) : vector<16xi1>, vector<16xi32>
      %gather3A_794 = tpu.vector_load_idx %arg7[%shift_right_logical3A_789] : memref<256xi32, #tpu.memory_space<vmem>>[vector<16xi32>], vector<16xi32>,
      %gather3A_795 = tpu.vector_load_idx %arg8[%shift_right_logical3A_789] : memref<256xi32, #tpu.memory_space<vmem>>[vector<16xi32>], vector<16xi32>,
      %add3A_796 = arith.addi %gather3A_794, %gather3A_795 : vector<16xi32>
      %add3A_797 = arith.addi %add3A_796, %unique3A_793 : vector<16xi32>
      %sub3A_798 = arith.constant 1 : i32
      %sub3A_799 = vector.broadcast %sub3A_798 : i32 to vector<16xi32>
      %sub3A_800 = arith.subi %add3A_797, %sub3A_799 : vector<16xi32>
      tpu.vector_store_idx %arg9[%sub3A_800], %get3A_786 : memref<16384xi32, #tpu.memory_space<vmem>>[vector<16xi32>], vector<16xi32>,
      %add3A_801 = arith.addi %gather3A_795, %unique3A_793 : vector<16xi32>
      tpu.vector_store_idx %arg8[%shift_right_logical3A_789], %add3A_801 masked %unique3A_792 : memref<256xi32, #tpu.memory_space<vmem>>[vector<16xi32>], vector<16xi32>, vector<16xi1>
      %get3A_802 = arith.constant 10 : i32
      %get3A_803 = arith.index_cast %scan3A_384 : i32 to index
      %get3A_804 = arith.index_cast %get3A_802 : i32 to index
      %get3A_805 = arith.constant 16 : index
      %get3A_806 = tpu.vector_load %arg5[%get3A_803, %get3A_804, %get3A_805] {strides = array<i32>} : memref<32x16x32xi32, #tpu.memory_space<vmem>>, vector<16xi32>,
      %shift_right_logical3A_807 = arith.constant 22 : i32
      %shift_right_logical3A_808 = vector.broadcast %shift_right_logical3A_807 : i32 to vector<16xi32>
      %shift_right_logical3A_809 = arith.shrui %get3A_806, %shift_right_logical3A_808 : vector<16xi32>
      %broadcast_in_dim3A_810 = arith.constant true
      %broadcast_in_dim3A_811 = vector.broadcast %broadcast_in_dim3A_810 : i1 to vector<16xi1>
      %unique3A_812, %unique3A_813 = tpu.scan_count mask(%broadcast_in_dim3A_811 : vector<16xi1>) value(%shift_right_logical3A_809 : vector<16xi32>) : vector<16xi1>, vector<16xi32>
      %gather3A_814 = tpu.vector_load_idx %arg7[%shift_right_logical3A_809] : memref<256xi32, #tpu.memory_space<vmem>>[vector<16xi32>], vector<16xi32>,
      %gather3A_815 = tpu.vector_load_idx %arg8[%shift_right_logical3A_809] : memref<256xi32, #tpu.memory_space<vmem>>[vector<16xi32>], vector<16xi32>,
      %add3A_816 = arith.addi %gather3A_814, %gather3A_815 : vector<16xi32>
      %add3A_817 = arith.addi %add3A_816, %unique3A_813 : vector<16xi32>
      %sub3A_818 = arith.constant 1 : i32
      %sub3A_819 = vector.broadcast %sub3A_818 : i32 to vector<16xi32>
      %sub3A_820 = arith.subi %add3A_817, %sub3A_819 : vector<16xi32>
      tpu.vector_store_idx %arg9[%sub3A_820], %get3A_806 : memref<16384xi32, #tpu.memory_space<vmem>>[vector<16xi32>], vector<16xi32>,
      %add3A_821 = arith.addi %gather3A_815, %unique3A_813 : vector<16xi32>
      tpu.vector_store_idx %arg8[%shift_right_logical3A_809], %add3A_821 masked %unique3A_812 : memref<256xi32, #tpu.memory_space<vmem>>[vector<16xi32>], vector<16xi32>, vector<16xi1>
      %get3A_822 = arith.constant 11 : i32
      %get3A_823 = arith.index_cast %scan3A_384 : i32 to index
      %get3A_824 = arith.index_cast %get3A_822 : i32 to index
      %get3A_825 = arith.constant 0 : index
      %get3A_826 = tpu.vector_load %arg5[%get3A_823, %get3A_824, %get3A_825] {strides = array<i32>} : memref<32x16x32xi32, #tpu.memory_space<vmem>>, vector<16xi32>,
      %shift_right_logical3A_827 = arith.constant 22 : i32
      %shift_right_logical3A_828 = vector.broadcast %shift_right_logical3A_827 : i32 to vector<16xi32>
      %shift_right_logical3A_829 = arith.shrui %get3A_826, %shift_right_logical3A_828 : vector<16xi32>
      %broadcast_in_dim3A_830 = arith.constant true
      %broadcast_in_dim3A_831 = vector.broadcast %broadcast_in_dim3A_830 : i1 to vector<16xi1>
      %unique3A_832, %unique3A_833 = tpu.scan_count mask(%broadcast_in_dim3A_831 : vector<16xi1>) value(%shift_right_logical3A_829 : vector<16xi32>) : vector<16xi1>, vector<16xi32>
      %gather3A_834 = tpu.vector_load_idx %arg7[%shift_right_logical3A_829] : memref<256xi32, #tpu.memory_space<vmem>>[vector<16xi32>], vector<16xi32>,
      %gather3A_835 = tpu.vector_load_idx %arg8[%shift_right_logical3A_829] : memref<256xi32, #tpu.memory_space<vmem>>[vector<16xi32>], vector<16xi32>,
      %add3A_836 = arith.addi %gather3A_834, %gather3A_835 : vector<16xi32>
      %add3A_837 = arith.addi %add3A_836, %unique3A_833 : vector<16xi32>
      %sub3A_838 = arith.constant 1 : i32
      %sub3A_839 = vector.broadcast %sub3A_838 : i32 to vector<16xi32>
      %sub3A_840 = arith.subi %add3A_837, %sub3A_839 : vector<16xi32>
      tpu.vector_store_idx %arg9[%sub3A_840], %get3A_826 : memref<16384xi32, #tpu.memory_space<vmem>>[vector<16xi32>], vector<16xi32>,
      %add3A_841 = arith.addi %gather3A_835, %unique3A_833 : vector<16xi32>
      tpu.vector_store_idx %arg8[%shift_right_logical3A_829], %add3A_841 masked %unique3A_832 : memref<256xi32, #tpu.memory_space<vmem>>[vector<16xi32>], vector<16xi32>, vector<16xi1>
      %get3A_842 = arith.constant 11 : i32
      %get3A_843 = arith.index_cast %scan3A_384 : i32 to index
      %get3A_844 = arith.index_cast %get3A_842 : i32 to index
      %get3A_845 = arith.constant 16 : index
      %get3A_846 = tpu.vector_load %arg5[%get3A_843, %get3A_844, %get3A_845] {strides = array<i32>} : memref<32x16x32xi32, #tpu.memory_space<vmem>>, vector<16xi32>,
      %shift_right_logical3A_847 = arith.constant 22 : i32
      %shift_right_logical3A_848 = vector.broadcast %shift_right_logical3A_847 : i32 to vector<16xi32>
      %shift_right_logical3A_849 = arith.shrui %get3A_846, %shift_right_logical3A_848 : vector<16xi32>
      %broadcast_in_dim3A_850 = arith.constant true
      %broadcast_in_dim3A_851 = vector.broadcast %broadcast_in_dim3A_850 : i1 to vector<16xi1>
      %unique3A_852, %unique3A_853 = tpu.scan_count mask(%broadcast_in_dim3A_851 : vector<16xi1>) value(%shift_right_logical3A_849 : vector<16xi32>) : vector<16xi1>, vector<16xi32>
      %gather3A_854 = tpu.vector_load_idx %arg7[%shift_right_logical3A_849] : memref<256xi32, #tpu.memory_space<vmem>>[vector<16xi32>], vector<16xi32>,
      %gather3A_855 = tpu.vector_load_idx %arg8[%shift_right_logical3A_849] : memref<256xi32, #tpu.memory_space<vmem>>[vector<16xi32>], vector<16xi32>,
      %add3A_856 = arith.addi %gather3A_854, %gather3A_855 : vector<16xi32>
      %add3A_857 = arith.addi %add3A_856, %unique3A_853 : vector<16xi32>
      %sub3A_858 = arith.constant 1 : i32
      %sub3A_859 = vector.broadcast %sub3A_858 : i32 to vector<16xi32>
      %sub3A_860 = arith.subi %add3A_857, %sub3A_859 : vector<16xi32>
      tpu.vector_store_idx %arg9[%sub3A_860], %get3A_846 : memref<16384xi32, #tpu.memory_space<vmem>>[vector<16xi32>], vector<16xi32>,
      %add3A_861 = arith.addi %gather3A_855, %unique3A_853 : vector<16xi32>
      tpu.vector_store_idx %arg8[%shift_right_logical3A_849], %add3A_861 masked %unique3A_852 : memref<256xi32, #tpu.memory_space<vmem>>[vector<16xi32>], vector<16xi32>, vector<16xi1>
      %get3A_862 = arith.constant 12 : i32
      %get3A_863 = arith.index_cast %scan3A_384 : i32 to index
      %get3A_864 = arith.index_cast %get3A_862 : i32 to index
      %get3A_865 = arith.constant 0 : index
      %get3A_866 = tpu.vector_load %arg5[%get3A_863, %get3A_864, %get3A_865] {strides = array<i32>} : memref<32x16x32xi32, #tpu.memory_space<vmem>>, vector<16xi32>,
      %shift_right_logical3A_867 = arith.constant 22 : i32
      %shift_right_logical3A_868 = vector.broadcast %shift_right_logical3A_867 : i32 to vector<16xi32>
      %shift_right_logical3A_869 = arith.shrui %get3A_866, %shift_right_logical3A_868 : vector<16xi32>
      %broadcast_in_dim3A_870 = arith.constant true
      %broadcast_in_dim3A_871 = vector.broadcast %broadcast_in_dim3A_870 : i1 to vector<16xi1>
      %unique3A_872, %unique3A_873 = tpu.scan_count mask(%broadcast_in_dim3A_871 : vector<16xi1>) value(%shift_right_logical3A_869 : vector<16xi32>) : vector<16xi1>, vector<16xi32>
      %gather3A_874 = tpu.vector_load_idx %arg7[%shift_right_logical3A_869] : memref<256xi32, #tpu.memory_space<vmem>>[vector<16xi32>], vector<16xi32>,
      %gather3A_875 = tpu.vector_load_idx %arg8[%shift_right_logical3A_869] : memref<256xi32, #tpu.memory_space<vmem>>[vector<16xi32>], vector<16xi32>,
      %add3A_876 = arith.addi %gather3A_874, %gather3A_875 : vector<16xi32>
      %add3A_877 = arith.addi %add3A_876, %unique3A_873 : vector<16xi32>
      %sub3A_878 = arith.constant 1 : i32
      %sub3A_879 = vector.broadcast %sub3A_878 : i32 to vector<16xi32>
      %sub3A_880 = arith.subi %add3A_877, %sub3A_879 : vector<16xi32>
      tpu.vector_store_idx %arg9[%sub3A_880], %get3A_866 : memref<16384xi32, #tpu.memory_space<vmem>>[vector<16xi32>], vector<16xi32>,
      %add3A_881 = arith.addi %gather3A_875, %unique3A_873 : vector<16xi32>
      tpu.vector_store_idx %arg8[%shift_right_logical3A_869], %add3A_881 masked %unique3A_872 : memref<256xi32, #tpu.memory_space<vmem>>[vector<16xi32>], vector<16xi32>, vector<16xi1>
      %get3A_882 = arith.constant 12 : i32
      %get3A_883 = arith.index_cast %scan3A_384 : i32 to index
      %get3A_884 = arith.index_cast %get3A_882 : i32 to index
      %get3A_885 = arith.constant 16 : index
      %get3A_886 = tpu.vector_load %arg5[%get3A_883, %get3A_884, %get3A_885] {strides = array<i32>} : memref<32x16x32xi32, #tpu.memory_space<vmem>>, vector<16xi32>,
      %shift_right_logical3A_887 = arith.constant 22 : i32
      %shift_right_logical3A_888 = vector.broadcast %shift_right_logical3A_887 : i32 to vector<16xi32>
      %shift_right_logical3A_889 = arith.shrui %get3A_886, %shift_right_logical3A_888 : vector<16xi32>
      %broadcast_in_dim3A_890 = arith.constant true
      %broadcast_in_dim3A_891 = vector.broadcast %broadcast_in_dim3A_890 : i1 to vector<16xi1>
      %unique3A_892, %unique3A_893 = tpu.scan_count mask(%broadcast_in_dim3A_891 : vector<16xi1>) value(%shift_right_logical3A_889 : vector<16xi32>) : vector<16xi1>, vector<16xi32>
      %gather3A_894 = tpu.vector_load_idx %arg7[%shift_right_logical3A_889] : memref<256xi32, #tpu.memory_space<vmem>>[vector<16xi32>], vector<16xi32>,
      %gather3A_895 = tpu.vector_load_idx %arg8[%shift_right_logical3A_889] : memref<256xi32, #tpu.memory_space<vmem>>[vector<16xi32>], vector<16xi32>,
      %add3A_896 = arith.addi %gather3A_894, %gather3A_895 : vector<16xi32>
      %add3A_897 = arith.addi %add3A_896, %unique3A_893 : vector<16xi32>
      %sub3A_898 = arith.constant 1 : i32
      %sub3A_899 = vector.broadcast %sub3A_898 : i32 to vector<16xi32>
      %sub3A_900 = arith.subi %add3A_897, %sub3A_899 : vector<16xi32>
      tpu.vector_store_idx %arg9[%sub3A_900], %get3A_886 : memref<16384xi32, #tpu.memory_space<vmem>>[vector<16xi32>], vector<16xi32>,
      %add3A_901 = arith.addi %gather3A_895, %unique3A_893 : vector<16xi32>
      tpu.vector_store_idx %arg8[%shift_right_logical3A_889], %add3A_901 masked %unique3A_892 : memref<256xi32, #tpu.memory_space<vmem>>[vector<16xi32>], vector<16xi32>, vector<16xi1>
      %get3A_902 = arith.constant 13 : i32
      %get3A_903 = arith.index_cast %scan3A_384 : i32 to index
      %get3A_904 = arith.index_cast %get3A_902 : i32 to index
      %get3A_905 = arith.constant 0 : index
      %get3A_906 = tpu.vector_load %arg5[%get3A_903, %get3A_904, %get3A_905] {strides = array<i32>} : memref<32x16x32xi32, #tpu.memory_space<vmem>>, vector<16xi32>,
      %shift_right_logical3A_907 = arith.constant 22 : i32
      %shift_right_logical3A_908 = vector.broadcast %shift_right_logical3A_907 : i32 to vector<16xi32>
      %shift_right_logical3A_909 = arith.shrui %get3A_906, %shift_right_logical3A_908 : vector<16xi32>
      %broadcast_in_dim3A_910 = arith.constant true
      %broadcast_in_dim3A_911 = vector.broadcast %broadcast_in_dim3A_910 : i1 to vector<16xi1>
      %unique3A_912, %unique3A_913 = tpu.scan_count mask(%broadcast_in_dim3A_911 : vector<16xi1>) value(%shift_right_logical3A_909 : vector<16xi32>) : vector<16xi1>, vector<16xi32>
      %gather3A_914 = tpu.vector_load_idx %arg7[%shift_right_logical3A_909] : memref<256xi32, #tpu.memory_space<vmem>>[vector<16xi32>], vector<16xi32>,
      %gather3A_915 = tpu.vector_load_idx %arg8[%shift_right_logical3A_909] : memref<256xi32, #tpu.memory_space<vmem>>[vector<16xi32>], vector<16xi32>,
      %add3A_916 = arith.addi %gather3A_914, %gather3A_915 : vector<16xi32>
      %add3A_917 = arith.addi %add3A_916, %unique3A_913 : vector<16xi32>
      %sub3A_918 = arith.constant 1 : i32
      %sub3A_919 = vector.broadcast %sub3A_918 : i32 to vector<16xi32>
      %sub3A_920 = arith.subi %add3A_917, %sub3A_919 : vector<16xi32>
      tpu.vector_store_idx %arg9[%sub3A_920], %get3A_906 : memref<16384xi32, #tpu.memory_space<vmem>>[vector<16xi32>], vector<16xi32>,
      %add3A_921 = arith.addi %gather3A_915, %unique3A_913 : vector<16xi32>
      tpu.vector_store_idx %arg8[%shift_right_logical3A_909], %add3A_921 masked %unique3A_912 : memref<256xi32, #tpu.memory_space<vmem>>[vector<16xi32>], vector<16xi32>, vector<16xi1>
      %get3A_922 = arith.constant 13 : i32
      %get3A_923 = arith.index_cast %scan3A_384 : i32 to index
      %get3A_924 = arith.index_cast %get3A_922 : i32 to index
      %get3A_925 = arith.constant 16 : index
      %get3A_926 = tpu.vector_load %arg5[%get3A_923, %get3A_924, %get3A_925] {strides = array<i32>} : memref<32x16x32xi32, #tpu.memory_space<vmem>>, vector<16xi32>,
      %shift_right_logical3A_927 = arith.constant 22 : i32
      %shift_right_logical3A_928 = vector.broadcast %shift_right_logical3A_927 : i32 to vector<16xi32>
      %shift_right_logical3A_929 = arith.shrui %get3A_926, %shift_right_logical3A_928 : vector<16xi32>
      %broadcast_in_dim3A_930 = arith.constant true
      %broadcast_in_dim3A_931 = vector.broadcast %broadcast_in_dim3A_930 : i1 to vector<16xi1>
      %unique3A_932, %unique3A_933 = tpu.scan_count mask(%broadcast_in_dim3A_931 : vector<16xi1>) value(%shift_right_logical3A_929 : vector<16xi32>) : vector<16xi1>, vector<16xi32>
      %gather3A_934 = tpu.vector_load_idx %arg7[%shift_right_logical3A_929] : memref<256xi32, #tpu.memory_space<vmem>>[vector<16xi32>], vector<16xi32>,
      %gather3A_935 = tpu.vector_load_idx %arg8[%shift_right_logical3A_929] : memref<256xi32, #tpu.memory_space<vmem>>[vector<16xi32>], vector<16xi32>,
      %add3A_936 = arith.addi %gather3A_934, %gather3A_935 : vector<16xi32>
      %add3A_937 = arith.addi %add3A_936, %unique3A_933 : vector<16xi32>
      %sub3A_938 = arith.constant 1 : i32
      %sub3A_939 = vector.broadcast %sub3A_938 : i32 to vector<16xi32>
      %sub3A_940 = arith.subi %add3A_937, %sub3A_939 : vector<16xi32>
      tpu.vector_store_idx %arg9[%sub3A_940], %get3A_926 : memref<16384xi32, #tpu.memory_space<vmem>>[vector<16xi32>], vector<16xi32>,
      %add3A_941 = arith.addi %gather3A_935, %unique3A_933 : vector<16xi32>
      tpu.vector_store_idx %arg8[%shift_right_logical3A_929], %add3A_941 masked %unique3A_932 : memref<256xi32, #tpu.memory_space<vmem>>[vector<16xi32>], vector<16xi32>, vector<16xi1>
      %get3A_942 = arith.constant 14 : i32
      %get3A_943 = arith.index_cast %scan3A_384 : i32 to index
      %get3A_944 = arith.index_cast %get3A_942 : i32 to index
      %get3A_945 = arith.constant 0 : index
      %get3A_946 = tpu.vector_load %arg5[%get3A_943, %get3A_944, %get3A_945] {strides = array<i32>} : memref<32x16x32xi32, #tpu.memory_space<vmem>>, vector<16xi32>,
      %shift_right_logical3A_947 = arith.constant 22 : i32
      %shift_right_logical3A_948 = vector.broadcast %shift_right_logical3A_947 : i32 to vector<16xi32>
      %shift_right_logical3A_949 = arith.shrui %get3A_946, %shift_right_logical3A_948 : vector<16xi32>
      %broadcast_in_dim3A_950 = arith.constant true
      %broadcast_in_dim3A_951 = vector.broadcast %broadcast_in_dim3A_950 : i1 to vector<16xi1>
      %unique3A_952, %unique3A_953 = tpu.scan_count mask(%broadcast_in_dim3A_951 : vector<16xi1>) value(%shift_right_logical3A_949 : vector<16xi32>) : vector<16xi1>, vector<16xi32>
      %gather3A_954 = tpu.vector_load_idx %arg7[%shift_right_logical3A_949] : memref<256xi32, #tpu.memory_space<vmem>>[vector<16xi32>], vector<16xi32>,
      %gather3A_955 = tpu.vector_load_idx %arg8[%shift_right_logical3A_949] : memref<256xi32, #tpu.memory_space<vmem>>[vector<16xi32>], vector<16xi32>,
      %add3A_956 = arith.addi %gather3A_954, %gather3A_955 : vector<16xi32>
      %add3A_957 = arith.addi %add3A_956, %unique3A_953 : vector<16xi32>
      %sub3A_958 = arith.constant 1 : i32
      %sub3A_959 = vector.broadcast %sub3A_958 : i32 to vector<16xi32>
      %sub3A_960 = arith.subi %add3A_957, %sub3A_959 : vector<16xi32>
      tpu.vector_store_idx %arg9[%sub3A_960], %get3A_946 : memref<16384xi32, #tpu.memory_space<vmem>>[vector<16xi32>], vector<16xi32>,
      %add3A_961 = arith.addi %gather3A_955, %unique3A_953 : vector<16xi32>
      tpu.vector_store_idx %arg8[%shift_right_logical3A_949], %add3A_961 masked %unique3A_952 : memref<256xi32, #tpu.memory_space<vmem>>[vector<16xi32>], vector<16xi32>, vector<16xi1>
      %get3A_962 = arith.constant 14 : i32
      %get3A_963 = arith.index_cast %scan3A_384 : i32 to index
      %get3A_964 = arith.index_cast %get3A_962 : i32 to index
      %get3A_965 = arith.constant 16 : index
      %get3A_966 = tpu.vector_load %arg5[%get3A_963, %get3A_964, %get3A_965] {strides = array<i32>} : memref<32x16x32xi32, #tpu.memory_space<vmem>>, vector<16xi32>,
      %shift_right_logical3A_967 = arith.constant 22 : i32
      %shift_right_logical3A_968 = vector.broadcast %shift_right_logical3A_967 : i32 to vector<16xi32>
      %shift_right_logical3A_969 = arith.shrui %get3A_966, %shift_right_logical3A_968 : vector<16xi32>
      %broadcast_in_dim3A_970 = arith.constant true
      %broadcast_in_dim3A_971 = vector.broadcast %broadcast_in_dim3A_970 : i1 to vector<16xi1>
      %unique3A_972, %unique3A_973 = tpu.scan_count mask(%broadcast_in_dim3A_971 : vector<16xi1>) value(%shift_right_logical3A_969 : vector<16xi32>) : vector<16xi1>, vector<16xi32>
      %gather3A_974 = tpu.vector_load_idx %arg7[%shift_right_logical3A_969] : memref<256xi32, #tpu.memory_space<vmem>>[vector<16xi32>], vector<16xi32>,
      %gather3A_975 = tpu.vector_load_idx %arg8[%shift_right_logical3A_969] : memref<256xi32, #tpu.memory_space<vmem>>[vector<16xi32>], vector<16xi32>,
      %add3A_976 = arith.addi %gather3A_974, %gather3A_975 : vector<16xi32>
      %add3A_977 = arith.addi %add3A_976, %unique3A_973 : vector<16xi32>
      %sub3A_978 = arith.constant 1 : i32
      %sub3A_979 = vector.broadcast %sub3A_978 : i32 to vector<16xi32>
      %sub3A_980 = arith.subi %add3A_977, %sub3A_979 : vector<16xi32>
      tpu.vector_store_idx %arg9[%sub3A_980], %get3A_966 : memref<16384xi32, #tpu.memory_space<vmem>>[vector<16xi32>], vector<16xi32>,
      %add3A_981 = arith.addi %gather3A_975, %unique3A_973 : vector<16xi32>
      tpu.vector_store_idx %arg8[%shift_right_logical3A_969], %add3A_981 masked %unique3A_972 : memref<256xi32, #tpu.memory_space<vmem>>[vector<16xi32>], vector<16xi32>, vector<16xi1>
      %get3A_982 = arith.constant 15 : i32
      %get3A_983 = arith.index_cast %scan3A_384 : i32 to index
      %get3A_984 = arith.index_cast %get3A_982 : i32 to index
      %get3A_985 = arith.constant 0 : index
      %get3A_986 = tpu.vector_load %arg5[%get3A_983, %get3A_984, %get3A_985] {strides = array<i32>} : memref<32x16x32xi32, #tpu.memory_space<vmem>>, vector<16xi32>,
      %shift_right_logical3A_987 = arith.constant 22 : i32
      %shift_right_logical3A_988 = vector.broadcast %shift_right_logical3A_987 : i32 to vector<16xi32>
      %shift_right_logical3A_989 = arith.shrui %get3A_986, %shift_right_logical3A_988 : vector<16xi32>
      %broadcast_in_dim3A_990 = arith.constant true
      %broadcast_in_dim3A_991 = vector.broadcast %broadcast_in_dim3A_990 : i1 to vector<16xi1>
      %unique3A_992, %unique3A_993 = tpu.scan_count mask(%broadcast_in_dim3A_991 : vector<16xi1>) value(%shift_right_logical3A_989 : vector<16xi32>) : vector<16xi1>, vector<16xi32>
      %gather3A_994 = tpu.vector_load_idx %arg7[%shift_right_logical3A_989] : memref<256xi32, #tpu.memory_space<vmem>>[vector<16xi32>], vector<16xi32>,
      %gather3A_995 = tpu.vector_load_idx %arg8[%shift_right_logical3A_989] : memref<256xi32, #tpu.memory_space<vmem>>[vector<16xi32>], vector<16xi32>,
      %add3A_996 = arith.addi %gather3A_994, %gather3A_995 : vector<16xi32>
      %add3A_997 = arith.addi %add3A_996, %unique3A_993 : vector<16xi32>
      %sub3A_998 = arith.constant 1 : i32
      %sub3A_999 = vector.broadcast %sub3A_998 : i32 to vector<16xi32>
      %sub3A_1000 = arith.subi %add3A_997, %sub3A_999 : vector<16xi32>
      tpu.vector_store_idx %arg9[%sub3A_1000], %get3A_986 : memref<16384xi32, #tpu.memory_space<vmem>>[vector<16xi32>], vector<16xi32>,
      %add3A_1001 = arith.addi %gather3A_995, %unique3A_993 : vector<16xi32>
      tpu.vector_store_idx %arg8[%shift_right_logical3A_989], %add3A_1001 masked %unique3A_992 : memref<256xi32, #tpu.memory_space<vmem>>[vector<16xi32>], vector<16xi32>, vector<16xi1>
      %get3A_1002 = arith.constant 15 : i32
      %get3A_1003 = arith.index_cast %scan3A_384 : i32 to index
      %get3A_1004 = arith.index_cast %get3A_1002 : i32 to index
      %get3A_1005 = arith.constant 16 : index
      %get3A_1006 = tpu.vector_load %arg5[%get3A_1003, %get3A_1004, %get3A_1005] {strides = array<i32>} : memref<32x16x32xi32, #tpu.memory_space<vmem>>, vector<16xi32>,
      %shift_right_logical3A_1007 = arith.constant 22 : i32
      %shift_right_logical3A_1008 = vector.broadcast %shift_right_logical3A_1007 : i32 to vector<16xi32>
      %shift_right_logical3A_1009 = arith.shrui %get3A_1006, %shift_right_logical3A_1008 : vector<16xi32>
      %broadcast_in_dim3A_1010 = arith.constant true
      %broadcast_in_dim3A_1011 = vector.broadcast %broadcast_in_dim3A_1010 : i1 to vector<16xi1>
      %unique3A_1012, %unique3A_1013 = tpu.scan_count mask(%broadcast_in_dim3A_1011 : vector<16xi1>) value(%shift_right_logical3A_1009 : vector<16xi32>) : vector<16xi1>, vector<16xi32>
      %gather3A_1014 = tpu.vector_load_idx %arg7[%shift_right_logical3A_1009] : memref<256xi32, #tpu.memory_space<vmem>>[vector<16xi32>], vector<16xi32>,
      %gather3A_1015 = tpu.vector_load_idx %arg8[%shift_right_logical3A_1009] : memref<256xi32, #tpu.memory_space<vmem>>[vector<16xi32>], vector<16xi32>,
      %add3A_1016 = arith.addi %gather3A_1014, %gather3A_1015 : vector<16xi32>
      %add3A_1017 = arith.addi %add3A_1016, %unique3A_1013 : vector<16xi32>
      %sub3A_1018 = arith.constant 1 : i32
      %sub3A_1019 = vector.broadcast %sub3A_1018 : i32 to vector<16xi32>
      %sub3A_1020 = arith.subi %add3A_1017, %sub3A_1019 : vector<16xi32>
      tpu.vector_store_idx %arg9[%sub3A_1020], %get3A_1006 : memref<16384xi32, #tpu.memory_space<vmem>>[vector<16xi32>], vector<16xi32>,
      %add3A_1021 = arith.addi %gather3A_1015, %unique3A_1013 : vector<16xi32>
      tpu.vector_store_idx %arg8[%shift_right_logical3A_1009], %add3A_1021 masked %unique3A_1012 : memref<256xi32, #tpu.memory_space<vmem>>[vector<16xi32>], vector<16xi32>, vector<16xi1>
    }
    %scan3A_359 = arith.constant 32 : i32
    %mul3A_360 = arith.constant 246 : i32
    %mul3A_361 = arith.muli %add3A, %mul3A_360 : i32
    %add3A_362 = arith.constant 0 : i32
    %add3A_363 = arith.addi %mul3A_361, %add3A_362 : i32
    %add3A_364 = arith.constant 0 : i32
    %add3A_365 = arith.addi %add3A_363, %add3A_364 : i32
    %lt3A = arith.constant 7813 : i32
    %lt3A_366 = arith.cmpi slt, %add3A_365, %lt3A : i32
    %convert_element_type3A = arith.extui %lt3A_366 : i1 to i32
    %cond3A = arith.constant 0 : i32
    %cond3A_367 = arith.cmpi ne, %convert_element_type3A, %cond3A : i32
    scf.if %cond3A_367 {
      %mul3A_384 = arith.constant 128 : i32
      %mul3A_385 = arith.muli %add3A_365, %mul3A_384 : i32
      %multiple_of3A = tpu.assume_multiple %mul3A_385, 128 : i32
      %dma_start3A = arith.constant 0 : i32
      %dma_start3A_386 = arith.constant 0 : i32
      %dma_start3A_387 = arith.constant 0 : i32
      %dma_start3A_388 = arith.constant 0 : i32
      %dma_start3A_389 = tpu.memref_slice %arg10[%dma_start3A, %dma_start3A_386, %dma_start3A_387, %dma_start3A_388] : memref<2x2x64x128xf32, #tpu.memory_space<vmem>> -> memref<1x1x64x128xf32, #tpu.memory_space<vmem>>
      %dma_start3A_390 = tpu.memref_squeeze %dma_start3A_389 : memref<1x1x64x128xf32, #tpu.memory_space<vmem>> -> memref<64x128xf32, #tpu.memory_space<vmem>>
      %dma_start3A_391 = arith.constant 0 : i32
      %dma_start3A_392 = tpu.memref_slice %arg3[%dma_start3A_391, %multiple_of3A] : memref<64x1000000xf32, #tpu.memory_space<hbm>> -> memref<64x128xf32, #tpu.memory_space<hbm>>
      %dma_start3A_393 = arith.constant 0 : i32
      %dma_start3A_394 = arith.constant 0 : i32
      %dma_start3A_395 = tpu.memref_slice %arg10[%dma_start3A, %dma_start3A_386, %dma_start3A_393, %dma_start3A_394] : memref<2x2x64x128xf32, #tpu.memory_space<vmem>> -> memref<1x1x64x128xf32, #tpu.memory_space<vmem>>
      %dma_start3A_396 = tpu.memref_squeeze %dma_start3A_395 : memref<1x1x64x128xf32, #tpu.memory_space<vmem>> -> memref<64x128xf32, #tpu.memory_space<vmem>>
      %dma_start3A_397 = arith.constant 0 : i32
      %dma_start3A_398 = tpu.memref_slice %arg3[%dma_start3A_397, %multiple_of3A] : memref<64x1000000xf32, #tpu.memory_space<hbm>> -> memref<64x128xf32, #tpu.memory_space<hbm>>
      tpu.enqueue_dma source(%dma_start3A_398 : memref<64x128xf32, #tpu.memory_space<hbm>>) target(%dma_start3A_396 : memref<64x128xf32, #tpu.memory_space<vmem>>) target_semaphore(%arg13 : memref<!tpu.dma_semaphore, #tpu.memory_space<semaphore_mem>>)
    } else {
    }
    %add3A_368 = arith.constant 0 : i32
    %add3A_369 = arith.addi %mul3A_361, %add3A_368 : i32
    %add3A_370 = arith.constant 1 : i32
    %add3A_371 = arith.addi %add3A_369, %add3A_370 : i32
    %lt3A_372 = arith.constant 7813 : i32
    %lt3A_373 = arith.cmpi slt, %add3A_371, %lt3A_372 : i32
    %convert_element_type3A_374 = arith.extui %lt3A_373 : i1 to i32
    %cond3A_375 = arith.constant 0 : i32
    %cond3A_376 = arith.cmpi ne, %convert_element_type3A_374, %cond3A_375 : i32
    scf.if %cond3A_376 {
      %mul3A_384 = arith.constant 128 : i32
      %mul3A_385 = arith.muli %add3A_371, %mul3A_384 : i32
      %multiple_of3A = tpu.assume_multiple %mul3A_385, 128 : i32
      %dma_start3A = arith.constant 0 : i32
      %dma_start3A_386 = arith.constant 1 : i32
      %dma_start3A_387 = arith.constant 0 : i32
      %dma_start3A_388 = arith.constant 0 : i32
      %dma_start3A_389 = tpu.memref_slice %arg10[%dma_start3A, %dma_start3A_386, %dma_start3A_387, %dma_start3A_388] : memref<2x2x64x128xf32, #tpu.memory_space<vmem>> -> memref<1x1x64x128xf32, #tpu.memory_space<vmem>>
      %dma_start3A_390 = tpu.memref_squeeze %dma_start3A_389 : memref<1x1x64x128xf32, #tpu.memory_space<vmem>> -> memref<64x128xf32, #tpu.memory_space<vmem>>
      %dma_start3A_391 = arith.constant 0 : i32
      %dma_start3A_392 = tpu.memref_slice %arg3[%dma_start3A_391, %multiple_of3A] : memref<64x1000000xf32, #tpu.memory_space<hbm>> -> memref<64x128xf32, #tpu.memory_space<hbm>>
      %dma_start3A_393 = arith.constant 0 : i32
      %dma_start3A_394 = arith.constant 0 : i32
      %dma_start3A_395 = tpu.memref_slice %arg10[%dma_start3A, %dma_start3A_386, %dma_start3A_393, %dma_start3A_394] : memref<2x2x64x128xf32, #tpu.memory_space<vmem>> -> memref<1x1x64x128xf32, #tpu.memory_space<vmem>>
      %dma_start3A_396 = tpu.memref_squeeze %dma_start3A_395 : memref<1x1x64x128xf32, #tpu.memory_space<vmem>> -> memref<64x128xf32, #tpu.memory_space<vmem>>
      %dma_start3A_397 = arith.constant 0 : i32
      %dma_start3A_398 = tpu.memref_slice %arg3[%dma_start3A_397, %multiple_of3A] : memref<64x1000000xf32, #tpu.memory_space<hbm>> -> memref<64x128xf32, #tpu.memory_space<hbm>>
      tpu.enqueue_dma source(%dma_start3A_398 : memref<64x128xf32, #tpu.memory_space<hbm>>) target(%dma_start3A_396 : memref<64x128xf32, #tpu.memory_space<vmem>>) target_semaphore(%arg13 : memref<!tpu.dma_semaphore, #tpu.memory_space<semaphore_mem>>)
    } else {
    }
    %scan3A_377 = arith.constant 0 : i32
    %scan3A_378 = arith.constant 0 : i32
    %scan3A_379 = arith.constant 123 : i32
    %scan3A_380 = arith.addi %scan3A_378, %scan3A_379 : i32
    %scan3A_381 = arith.constant 1 : i32
    %scan3A_382 = scf.for %scan3A_384 = %scan3A_378 to %scan3A_380 step %scan3A_381 iter_args(%scan3A_385 = %scan3A_377) -> (i32)  : i32 {
      %rem3A = arith.constant 2 : i32
      %rem3A_386 = arith.remsi %scan3A_384, %rem3A : i32
      %eq3A = arith.constant 0 : i32
      %eq3A_387 = arith.cmpi eq, %rem3A_386, %eq3A : i32
      %add3A_388 = arith.constant 1 : i32
      %add3A_389 = arith.addi %scan3A_384, %add3A_388 : i32
      %lt3A_390 = arith.constant 123 : i32
      %lt3A_391 = arith.cmpi slt, %add3A_389, %lt3A_390 : i32
      %and3A = arith.andi %lt3A_391, %eq3A_387 : i1
      %convert_element_type3A_392 = arith.extui %and3A : i1 to i32
      %cond3A_393 = arith.constant 0 : i32
      %cond3A_394 = arith.cmpi ne, %convert_element_type3A_392, %cond3A_393 : i32
      scf.if %cond3A_394 {
        %add3A_523 = arith.constant 1 : i32
        %add3A_524 = arith.addi %scan3A_384, %add3A_523 : i32
        %mul3A_525 = arith.constant 2 : i32
        %mul3A_526 = arith.muli %add3A_524, %mul3A_525 : i32
        %add3A_527 = arith.addi %mul3A_361, %mul3A_526 : i32
        %add3A_528 = arith.constant 0 : i32
        %add3A_529 = arith.addi %add3A_527, %add3A_528 : i32
        %lt3A_530 = arith.constant 7813 : i32
        %lt3A_531 = arith.cmpi slt, %add3A_529, %lt3A_530 : i32
        %convert_element_type3A_532 = arith.extui %lt3A_531 : i1 to i32
        %cond3A_533 = arith.constant 0 : i32
        %cond3A_534 = arith.cmpi ne, %convert_element_type3A_532, %cond3A_533 : i32
        scf.if %cond3A_534 {
          %mul3A_545 = arith.constant 128 : i32
          %mul3A_546 = arith.muli %add3A_529, %mul3A_545 : i32
          %multiple_of3A_547 = tpu.assume_multiple %mul3A_546, 128 : i32
          %dma_start3A = arith.constant 1 : i32
          %dma_start3A_548 = arith.constant 0 : i32
          %dma_start3A_549 = arith.constant 0 : i32
          %dma_start3A_550 = arith.constant 0 : i32
          %dma_start3A_551 = tpu.memref_slice %arg10[%dma_start3A, %dma_start3A_548, %dma_start3A_549, %dma_start3A_550] : memref<2x2x64x128xf32, #tpu.memory_space<vmem>> -> memref<1x1x64x128xf32, #tpu.memory_space<vmem>>
          %dma_start3A_552 = tpu.memref_squeeze %dma_start3A_551 : memref<1x1x64x128xf32, #tpu.memory_space<vmem>> -> memref<64x128xf32, #tpu.memory_space<vmem>>
          %dma_start3A_553 = arith.constant 0 : i32
          %dma_start3A_554 = tpu.memref_slice %arg3[%dma_start3A_553, %multiple_of3A_547] : memref<64x1000000xf32, #tpu.memory_space<hbm>> -> memref<64x128xf32, #tpu.memory_space<hbm>>
          %dma_start3A_555 = arith.constant 0 : i32
          %dma_start3A_556 = arith.constant 0 : i32
          %dma_start3A_557 = tpu.memref_slice %arg10[%dma_start3A, %dma_start3A_548, %dma_start3A_555, %dma_start3A_556] : memref<2x2x64x128xf32, #tpu.memory_space<vmem>> -> memref<1x1x64x128xf32, #tpu.memory_space<vmem>>
          %dma_start3A_558 = tpu.memref_squeeze %dma_start3A_557 : memref<1x1x64x128xf32, #tpu.memory_space<vmem>> -> memref<64x128xf32, #tpu.memory_space<vmem>>
          %dma_start3A_559 = arith.constant 0 : i32
          %dma_start3A_560 = tpu.memref_slice %arg3[%dma_start3A_559, %multiple_of3A_547] : memref<64x1000000xf32, #tpu.memory_space<hbm>> -> memref<64x128xf32, #tpu.memory_space<hbm>>
          tpu.enqueue_dma source(%dma_start3A_560 : memref<64x128xf32, #tpu.memory_space<hbm>>) target(%dma_start3A_558 : memref<64x128xf32, #tpu.memory_space<vmem>>) target_semaphore(%arg14 : memref<!tpu.dma_semaphore, #tpu.memory_space<semaphore_mem>>)
        } else {
        }
        %mul3A_535 = arith.constant 2 : i32
        %mul3A_536 = arith.muli %add3A_524, %mul3A_535 : i32
        %add3A_537 = arith.addi %mul3A_361, %mul3A_536 : i32
        %add3A_538 = arith.constant 1 : i32
        %add3A_539 = arith.addi %add3A_537, %add3A_538 : i32
        %lt3A_540 = arith.constant 7813 : i32
        %lt3A_541 = arith.cmpi slt, %add3A_539, %lt3A_540 : i32
        %convert_element_type3A_542 = arith.extui %lt3A_541 : i1 to i32
        %cond3A_543 = arith.constant 0 : i32
        %cond3A_544 = arith.cmpi ne, %convert_element_type3A_542, %cond3A_543 : i32
        scf.if %cond3A_544 {
          %mul3A_545 = arith.constant 128 : i32
          %mul3A_546 = arith.muli %add3A_539, %mul3A_545 : i32
          %multiple_of3A_547 = tpu.assume_multiple %mul3A_546, 128 : i32
          %dma_start3A = arith.constant 1 : i32
          %dma_start3A_548 = arith.constant 1 : i32
          %dma_start3A_549 = arith.constant 0 : i32
          %dma_start3A_550 = arith.constant 0 : i32
          %dma_start3A_551 = tpu.memref_slice %arg10[%dma_start3A, %dma_start3A_548, %dma_start3A_549, %dma_start3A_550] : memref<2x2x64x128xf32, #tpu.memory_space<vmem>> -> memref<1x1x64x128xf32, #tpu.memory_space<vmem>>
          %dma_start3A_552 = tpu.memref_squeeze %dma_start3A_551 : memref<1x1x64x128xf32, #tpu.memory_space<vmem>> -> memref<64x128xf32, #tpu.memory_space<vmem>>
          %dma_start3A_553 = arith.constant 0 : i32
          %dma_start3A_554 = tpu.memref_slice %arg3[%dma_start3A_553, %multiple_of3A_547] : memref<64x1000000xf32, #tpu.memory_space<hbm>> -> memref<64x128xf32, #tpu.memory_space<hbm>>
          %dma_start3A_555 = arith.constant 0 : i32
          %dma_start3A_556 = arith.constant 0 : i32
          %dma_start3A_557 = tpu.memref_slice %arg10[%dma_start3A, %dma_start3A_548, %dma_start3A_555, %dma_start3A_556] : memref<2x2x64x128xf32, #tpu.memory_space<vmem>> -> memref<1x1x64x128xf32, #tpu.memory_space<vmem>>
          %dma_start3A_558 = tpu.memref_squeeze %dma_start3A_557 : memref<1x1x64x128xf32, #tpu.memory_space<vmem>> -> memref<64x128xf32, #tpu.memory_space<vmem>>
          %dma_start3A_559 = arith.constant 0 : i32
          %dma_start3A_560 = tpu.memref_slice %arg3[%dma_start3A_559, %multiple_of3A_547] : memref<64x1000000xf32, #tpu.memory_space<hbm>> -> memref<64x128xf32, #tpu.memory_space<hbm>>
          tpu.enqueue_dma source(%dma_start3A_560 : memref<64x128xf32, #tpu.memory_space<hbm>>) target(%dma_start3A_558 : memref<64x128xf32, #tpu.memory_space<vmem>>) target_semaphore(%arg14 : memref<!tpu.dma_semaphore, #tpu.memory_space<semaphore_mem>>)
        } else {
        }
      } else {
      }
      %add3A_395 = arith.constant 1 : i32
      %add3A_396 = arith.addi %scan3A_384, %add3A_395 : i32
      %lt3A_397 = arith.constant 123 : i32
      %lt3A_398 = arith.cmpi slt, %add3A_396, %lt3A_397 : i32
      %not3A = arith.constant true
      %not3A_399 = arith.xori %eq3A_387, %not3A : i1
      %and3A_400 = arith.andi %lt3A_398, %not3A_399 : i1
      %convert_element_type3A_401 = arith.extui %and3A_400 : i1 to i32
      %cond3A_402 = arith.constant 0 : i32
      %cond3A_403 = arith.cmpi ne, %convert_element_type3A_401, %cond3A_402 : i32
      scf.if %cond3A_403 {
        %add3A_523 = arith.constant 1 : i32
        %add3A_524 = arith.addi %scan3A_384, %add3A_523 : i32
        %mul3A_525 = arith.constant 2 : i32
        %mul3A_526 = arith.muli %add3A_524, %mul3A_525 : i32
        %add3A_527 = arith.addi %mul3A_361, %mul3A_526 : i32
        %add3A_528 = arith.constant 0 : i32
        %add3A_529 = arith.addi %add3A_527, %add3A_528 : i32
        %lt3A_530 = arith.constant 7813 : i32
        %lt3A_531 = arith.cmpi slt, %add3A_529, %lt3A_530 : i32
        %convert_element_type3A_532 = arith.extui %lt3A_531 : i1 to i32
        %cond3A_533 = arith.constant 0 : i32
        %cond3A_534 = arith.cmpi ne, %convert_element_type3A_532, %cond3A_533 : i32
        scf.if %cond3A_534 {
          %mul3A_545 = arith.constant 128 : i32
          %mul3A_546 = arith.muli %add3A_529, %mul3A_545 : i32
          %multiple_of3A_547 = tpu.assume_multiple %mul3A_546, 128 : i32
          %dma_start3A = arith.constant 0 : i32
          %dma_start3A_548 = arith.constant 0 : i32
          %dma_start3A_549 = arith.constant 0 : i32
          %dma_start3A_550 = arith.constant 0 : i32
          %dma_start3A_551 = tpu.memref_slice %arg10[%dma_start3A, %dma_start3A_548, %dma_start3A_549, %dma_start3A_550] : memref<2x2x64x128xf32, #tpu.memory_space<vmem>> -> memref<1x1x64x128xf32, #tpu.memory_space<vmem>>
          %dma_start3A_552 = tpu.memref_squeeze %dma_start3A_551 : memref<1x1x64x128xf32, #tpu.memory_space<vmem>> -> memref<64x128xf32, #tpu.memory_space<vmem>>
          %dma_start3A_553 = arith.constant 0 : i32
          %dma_start3A_554 = tpu.memref_slice %arg3[%dma_start3A_553, %multiple_of3A_547] : memref<64x1000000xf32, #tpu.memory_space<hbm>> -> memref<64x128xf32, #tpu.memory_space<hbm>>
          %dma_start3A_555 = arith.constant 0 : i32
          %dma_start3A_556 = arith.constant 0 : i32
          %dma_start3A_557 = tpu.memref_slice %arg10[%dma_start3A, %dma_start3A_548, %dma_start3A_555, %dma_start3A_556] : memref<2x2x64x128xf32, #tpu.memory_space<vmem>> -> memref<1x1x64x128xf32, #tpu.memory_space<vmem>>
          %dma_start3A_558 = tpu.memref_squeeze %dma_start3A_557 : memref<1x1x64x128xf32, #tpu.memory_space<vmem>> -> memref<64x128xf32, #tpu.memory_space<vmem>>
          %dma_start3A_559 = arith.constant 0 : i32
          %dma_start3A_560 = tpu.memref_slice %arg3[%dma_start3A_559, %multiple_of3A_547] : memref<64x1000000xf32, #tpu.memory_space<hbm>> -> memref<64x128xf32, #tpu.memory_space<hbm>>
          tpu.enqueue_dma source(%dma_start3A_560 : memref<64x128xf32, #tpu.memory_space<hbm>>) target(%dma_start3A_558 : memref<64x128xf32, #tpu.memory_space<vmem>>) target_semaphore(%arg13 : memref<!tpu.dma_semaphore, #tpu.memory_space<semaphore_mem>>)
        } else {
        }
        %mul3A_535 = arith.constant 2 : i32
        %mul3A_536 = arith.muli %add3A_524, %mul3A_535 : i32
        %add3A_537 = arith.addi %mul3A_361, %mul3A_536 : i32
        %add3A_538 = arith.constant 1 : i32
        %add3A_539 = arith.addi %add3A_537, %add3A_538 : i32
        %lt3A_540 = arith.constant 7813 : i32
        %lt3A_541 = arith.cmpi slt, %add3A_539, %lt3A_540 : i32
        %convert_element_type3A_542 = arith.extui %lt3A_541 : i1 to i32
        %cond3A_543 = arith.constant 0 : i32
        %cond3A_544 = arith.cmpi ne, %convert_element_type3A_542, %cond3A_543 : i32
        scf.if %cond3A_544 {
          %mul3A_545 = arith.constant 128 : i32
          %mul3A_546 = arith.muli %add3A_539, %mul3A_545 : i32
          %multiple_of3A_547 = tpu.assume_multiple %mul3A_546, 128 : i32
          %dma_start3A = arith.constant 0 : i32
          %dma_start3A_548 = arith.constant 1 : i32
          %dma_start3A_549 = arith.constant 0 : i32
          %dma_start3A_550 = arith.constant 0 : i32
          %dma_start3A_551 = tpu.memref_slice %arg10[%dma_start3A, %dma_start3A_548, %dma_start3A_549, %dma_start3A_550] : memref<2x2x64x128xf32, #tpu.memory_space<vmem>> -> memref<1x1x64x128xf32, #tpu.memory_space<vmem>>
          %dma_start3A_552 = tpu.memref_squeeze %dma_start3A_551 : memref<1x1x64x128xf32, #tpu.memory_space<vmem>> -> memref<64x128xf32, #tpu.memory_space<vmem>>
          %dma_start3A_553 = arith.constant 0 : i32
          %dma_start3A_554 = tpu.memref_slice %arg3[%dma_start3A_553, %multiple_of3A_547] : memref<64x1000000xf32, #tpu.memory_space<hbm>> -> memref<64x128xf32, #tpu.memory_space<hbm>>
          %dma_start3A_555 = arith.constant 0 : i32
          %dma_start3A_556 = arith.constant 0 : i32
          %dma_start3A_557 = tpu.memref_slice %arg10[%dma_start3A, %dma_start3A_548, %dma_start3A_555, %dma_start3A_556] : memref<2x2x64x128xf32, #tpu.memory_space<vmem>> -> memref<1x1x64x128xf32, #tpu.memory_space<vmem>>
          %dma_start3A_558 = tpu.memref_squeeze %dma_start3A_557 : memref<1x1x64x128xf32, #tpu.memory_space<vmem>> -> memref<64x128xf32, #tpu.memory_space<vmem>>
          %dma_start3A_559 = arith.constant 0 : i32
          %dma_start3A_560 = tpu.memref_slice %arg3[%dma_start3A_559, %multiple_of3A_547] : memref<64x1000000xf32, #tpu.memory_space<hbm>> -> memref<64x128xf32, #tpu.memory_space<hbm>>
          tpu.enqueue_dma source(%dma_start3A_560 : memref<64x128xf32, #tpu.memory_space<hbm>>) target(%dma_start3A_558 : memref<64x128xf32, #tpu.memory_space<vmem>>) target_semaphore(%arg13 : memref<!tpu.dma_semaphore, #tpu.memory_space<semaphore_mem>>)
        } else {
        }
      } else {
      }
      %convert_element_type3A_404 = arith.extui %eq3A_387 : i1 to i32
      %cond3A_405 = arith.constant 0 : i32
      %cond3A_406 = arith.cmpi ne, %convert_element_type3A_404, %cond3A_405 : i32
      scf.if %cond3A_406 {
        %mul3A_523 = arith.constant 2 : i32
        %mul3A_524 = arith.muli %scan3A_384, %mul3A_523 : i32
        %add3A_525 = arith.addi %mul3A_361, %mul3A_524 : i32
        %add3A_526 = arith.constant 0 : i32
        %add3A_527 = arith.addi %add3A_525, %add3A_526 : i32
        %lt3A_528 = arith.constant 7813 : i32
        %lt3A_529 = arith.cmpi slt, %add3A_527, %lt3A_528 : i32
        %convert_element_type3A_530 = arith.extui %lt3A_529 : i1 to i32
        %cond3A_531 = arith.constant 0 : i32
        %cond3A_532 = arith.cmpi ne, %convert_element_type3A_530, %cond3A_531 : i32
        scf.if %cond3A_532 {
          %dma_wait3A = arith.constant 0 : i32
          %dma_wait3A_543 = arith.constant 0 : i32
          %dma_wait3A_544 = arith.constant 0 : i32
          %dma_wait3A_545 = arith.constant 0 : i32
          %dma_wait3A_546 = tpu.memref_slice %arg10[%dma_wait3A, %dma_wait3A_543, %dma_wait3A_544, %dma_wait3A_545] : memref<2x2x64x128xf32, #tpu.memory_space<vmem>> -> memref<1x1x64x128xf32, #tpu.memory_space<vmem>>
          %dma_wait3A_547 = tpu.memref_squeeze %dma_wait3A_546 : memref<1x1x64x128xf32, #tpu.memory_space<vmem>> -> memref<64x128xf32, #tpu.memory_space<vmem>>
          %dma_wait3A_548 = arith.constant 0 : i32
          %dma_wait3A_549 = arith.constant 0 : i32
          %dma_wait3A_550 = tpu.memref_slice %arg3[%dma_wait3A_548, %dma_wait3A_549] : memref<64x1000000xf32, #tpu.memory_space<hbm>> -> memref<64x128xf32, #tpu.memory_space<hbm>>
          %dma_wait3A_551 = arith.constant 0 : i32
          %dma_wait3A_552 = arith.constant 0 : i32
          %dma_wait3A_553 = tpu.memref_slice %arg10[%dma_wait3A, %dma_wait3A_543, %dma_wait3A_551, %dma_wait3A_552] : memref<2x2x64x128xf32, #tpu.memory_space<vmem>> -> memref<1x1x64x128xf32, #tpu.memory_space<vmem>>
          %dma_wait3A_554 = tpu.memref_squeeze %dma_wait3A_553 : memref<1x1x64x128xf32, #tpu.memory_space<vmem>> -> memref<64x128xf32, #tpu.memory_space<vmem>>
          %dma_wait3A_555 = arith.constant 0 : i32
          %dma_wait3A_556 = arith.constant 0 : i32
          %dma_wait3A_557 = tpu.memref_slice %arg3[%dma_wait3A_555, %dma_wait3A_556] : memref<64x1000000xf32, #tpu.memory_space<hbm>> -> memref<64x128xf32, #tpu.memory_space<hbm>>
          tpu.wait_dma2 semaphore(%arg13 : memref<!tpu.dma_semaphore, #tpu.memory_space<semaphore_mem>>) src(%dma_wait3A_557 : memref<64x128xf32, #tpu.memory_space<hbm>>) dst(%dma_wait3A_554 : memref<64x128xf32, #tpu.memory_space<vmem>>)
        } else {
        }
        %mul3A_533 = arith.constant 2 : i32
        %mul3A_534 = arith.muli %scan3A_384, %mul3A_533 : i32
        %add3A_535 = arith.addi %mul3A_361, %mul3A_534 : i32
        %add3A_536 = arith.constant 1 : i32
        %add3A_537 = arith.addi %add3A_535, %add3A_536 : i32
        %lt3A_538 = arith.constant 7813 : i32
        %lt3A_539 = arith.cmpi slt, %add3A_537, %lt3A_538 : i32
        %convert_element_type3A_540 = arith.extui %lt3A_539 : i1 to i32
        %cond3A_541 = arith.constant 0 : i32
        %cond3A_542 = arith.cmpi ne, %convert_element_type3A_540, %cond3A_541 : i32
        scf.if %cond3A_542 {
          %dma_wait3A = arith.constant 0 : i32
          %dma_wait3A_543 = arith.constant 1 : i32
          %dma_wait3A_544 = arith.constant 0 : i32
          %dma_wait3A_545 = arith.constant 0 : i32
          %dma_wait3A_546 = tpu.memref_slice %arg10[%dma_wait3A, %dma_wait3A_543, %dma_wait3A_544, %dma_wait3A_545] : memref<2x2x64x128xf32, #tpu.memory_space<vmem>> -> memref<1x1x64x128xf32, #tpu.memory_space<vmem>>
          %dma_wait3A_547 = tpu.memref_squeeze %dma_wait3A_546 : memref<1x1x64x128xf32, #tpu.memory_space<vmem>> -> memref<64x128xf32, #tpu.memory_space<vmem>>
          %dma_wait3A_548 = arith.constant 0 : i32
          %dma_wait3A_549 = arith.constant 0 : i32
          %dma_wait3A_550 = tpu.memref_slice %arg3[%dma_wait3A_548, %dma_wait3A_549] : memref<64x1000000xf32, #tpu.memory_space<hbm>> -> memref<64x128xf32, #tpu.memory_space<hbm>>
          %dma_wait3A_551 = arith.constant 0 : i32
          %dma_wait3A_552 = arith.constant 0 : i32
          %dma_wait3A_553 = tpu.memref_slice %arg10[%dma_wait3A, %dma_wait3A_543, %dma_wait3A_551, %dma_wait3A_552] : memref<2x2x64x128xf32, #tpu.memory_space<vmem>> -> memref<1x1x64x128xf32, #tpu.memory_space<vmem>>
          %dma_wait3A_554 = tpu.memref_squeeze %dma_wait3A_553 : memref<1x1x64x128xf32, #tpu.memory_space<vmem>> -> memref<64x128xf32, #tpu.memory_space<vmem>>
          %dma_wait3A_555 = arith.constant 0 : i32
          %dma_wait3A_556 = arith.constant 0 : i32
          %dma_wait3A_557 = tpu.memref_slice %arg3[%dma_wait3A_555, %dma_wait3A_556] : memref<64x1000000xf32, #tpu.memory_space<hbm>> -> memref<64x128xf32, #tpu.memory_space<hbm>>
          tpu.wait_dma2 semaphore(%arg13 : memref<!tpu.dma_semaphore, #tpu.memory_space<semaphore_mem>>) src(%dma_wait3A_557 : memref<64x128xf32, #tpu.memory_space<hbm>>) dst(%dma_wait3A_554 : memref<64x128xf32, #tpu.memory_space<vmem>>)
        } else {
        }
      } else {
      }
      %not3A_407 = arith.constant true
      %not3A_408 = arith.xori %eq3A_387, %not3A_407 : i1
      %convert_element_type3A_409 = arith.extui %not3A_408 : i1 to i32
      %cond3A_410 = arith.constant 0 : i32
      %cond3A_411 = arith.cmpi ne, %convert_element_type3A_409, %cond3A_410 : i32
      scf.if %cond3A_411 {
        %mul3A_523 = arith.constant 2 : i32
        %mul3A_524 = arith.muli %scan3A_384, %mul3A_523 : i32
        %add3A_525 = arith.addi %mul3A_361, %mul3A_524 : i32
        %add3A_526 = arith.constant 0 : i32
        %add3A_527 = arith.addi %add3A_525, %add3A_526 : i32
        %lt3A_528 = arith.constant 7813 : i32
        %lt3A_529 = arith.cmpi slt, %add3A_527, %lt3A_528 : i32
        %convert_element_type3A_530 = arith.extui %lt3A_529 : i1 to i32
        %cond3A_531 = arith.constant 0 : i32
        %cond3A_532 = arith.cmpi ne, %convert_element_type3A_530, %cond3A_531 : i32
        scf.if %cond3A_532 {
          %dma_wait3A = arith.constant 1 : i32
          %dma_wait3A_543 = arith.constant 0 : i32
          %dma_wait3A_544 = arith.constant 0 : i32
          %dma_wait3A_545 = arith.constant 0 : i32
          %dma_wait3A_546 = tpu.memref_slice %arg10[%dma_wait3A, %dma_wait3A_543, %dma_wait3A_544, %dma_wait3A_545] : memref<2x2x64x128xf32, #tpu.memory_space<vmem>> -> memref<1x1x64x128xf32, #tpu.memory_space<vmem>>
          %dma_wait3A_547 = tpu.memref_squeeze %dma_wait3A_546 : memref<1x1x64x128xf32, #tpu.memory_space<vmem>> -> memref<64x128xf32, #tpu.memory_space<vmem>>
          %dma_wait3A_548 = arith.constant 0 : i32
          %dma_wait3A_549 = arith.constant 0 : i32
          %dma_wait3A_550 = tpu.memref_slice %arg3[%dma_wait3A_548, %dma_wait3A_549] : memref<64x1000000xf32, #tpu.memory_space<hbm>> -> memref<64x128xf32, #tpu.memory_space<hbm>>
          %dma_wait3A_551 = arith.constant 0 : i32
          %dma_wait3A_552 = arith.constant 0 : i32
          %dma_wait3A_553 = tpu.memref_slice %arg10[%dma_wait3A, %dma_wait3A_543, %dma_wait3A_551, %dma_wait3A_552] : memref<2x2x64x128xf32, #tpu.memory_space<vmem>> -> memref<1x1x64x128xf32, #tpu.memory_space<vmem>>
          %dma_wait3A_554 = tpu.memref_squeeze %dma_wait3A_553 : memref<1x1x64x128xf32, #tpu.memory_space<vmem>> -> memref<64x128xf32, #tpu.memory_space<vmem>>
          %dma_wait3A_555 = arith.constant 0 : i32
          %dma_wait3A_556 = arith.constant 0 : i32
          %dma_wait3A_557 = tpu.memref_slice %arg3[%dma_wait3A_555, %dma_wait3A_556] : memref<64x1000000xf32, #tpu.memory_space<hbm>> -> memref<64x128xf32, #tpu.memory_space<hbm>>
          tpu.wait_dma2 semaphore(%arg14 : memref<!tpu.dma_semaphore, #tpu.memory_space<semaphore_mem>>) src(%dma_wait3A_557 : memref<64x128xf32, #tpu.memory_space<hbm>>) dst(%dma_wait3A_554 : memref<64x128xf32, #tpu.memory_space<vmem>>)
        } else {
        }
        %mul3A_533 = arith.constant 2 : i32
        %mul3A_534 = arith.muli %scan3A_384, %mul3A_533 : i32
        %add3A_535 = arith.addi %mul3A_361, %mul3A_534 : i32
        %add3A_536 = arith.constant 1 : i32
        %add3A_537 = arith.addi %add3A_535, %add3A_536 : i32
        %lt3A_538 = arith.constant 7813 : i32
        %lt3A_539 = arith.cmpi slt, %add3A_537, %lt3A_538 : i32
        %convert_element_type3A_540 = arith.extui %lt3A_539 : i1 to i32
        %cond3A_541 = arith.constant 0 : i32
        %cond3A_542 = arith.cmpi ne, %convert_element_type3A_540, %cond3A_541 : i32
        scf.if %cond3A_542 {
          %dma_wait3A = arith.constant 1 : i32
          %dma_wait3A_543 = arith.constant 1 : i32
          %dma_wait3A_544 = arith.constant 0 : i32
          %dma_wait3A_545 = arith.constant 0 : i32
          %dma_wait3A_546 = tpu.memref_slice %arg10[%dma_wait3A, %dma_wait3A_543, %dma_wait3A_544, %dma_wait3A_545] : memref<2x2x64x128xf32, #tpu.memory_space<vmem>> -> memref<1x1x64x128xf32, #tpu.memory_space<vmem>>
          %dma_wait3A_547 = tpu.memref_squeeze %dma_wait3A_546 : memref<1x1x64x128xf32, #tpu.memory_space<vmem>> -> memref<64x128xf32, #tpu.memory_space<vmem>>
          %dma_wait3A_548 = arith.constant 0 : i32
          %dma_wait3A_549 = arith.constant 0 : i32
          %dma_wait3A_550 = tpu.memref_slice %arg3[%dma_wait3A_548, %dma_wait3A_549] : memref<64x1000000xf32, #tpu.memory_space<hbm>> -> memref<64x128xf32, #tpu.memory_space<hbm>>
          %dma_wait3A_551 = arith.constant 0 : i32
          %dma_wait3A_552 = arith.constant 0 : i32
          %dma_wait3A_553 = tpu.memref_slice %arg10[%dma_wait3A, %dma_wait3A_543, %dma_wait3A_551, %dma_wait3A_552] : memref<2x2x64x128xf32, #tpu.memory_space<vmem>> -> memref<1x1x64x128xf32, #tpu.memory_space<vmem>>
          %dma_wait3A_554 = tpu.memref_squeeze %dma_wait3A_553 : memref<1x1x64x128xf32, #tpu.memory_space<vmem>> -> memref<64x128xf32, #tpu.memory_space<vmem>>
          %dma_wait3A_555 = arith.constant 0 : i32
          %dma_wait3A_556 = arith.constant 0 : i32
          %dma_wait3A_557 = tpu.memref_slice %arg3[%dma_wait3A_555, %dma_wait3A_556] : memref<64x1000000xf32, #tpu.memory_space<hbm>> -> memref<64x128xf32, #tpu.memory_space<hbm>>
          tpu.wait_dma2 semaphore(%arg14 : memref<!tpu.dma_semaphore, #tpu.memory_space<semaphore_mem>>) src(%dma_wait3A_557 : memref<64x128xf32, #tpu.memory_space<hbm>>) dst(%dma_wait3A_554 : memref<64x128xf32, #tpu.memory_space<vmem>>)
        } else {
        }
      } else {
      }
      %mul3A_412 = arith.constant 2 : i32
      %mul3A_413 = arith.muli %scan3A_384, %mul3A_412 : i32
      %add3A_414 = arith.constant 0 : i32
      %add3A_415 = arith.addi %mul3A_413, %add3A_414 : i32
      %div3A = arith.constant 16 : i32
      %div3A_416 = arith.divsi %add3A_415, %div3A : i32
      %rem3A_417 = arith.constant 16 : i32
      %rem3A_418 = arith.remsi %add3A_415, %rem3A_417 : i32
      %mul3A_419 = arith.constant 16 : i32
      %mul3A_420 = arith.muli %div3A_416, %mul3A_419 : i32
      %multiple_of3A = tpu.assume_multiple %mul3A_420, 16 : i32
      %get3A_421 = arith.index_cast %multiple_of3A : i32 to index
      %get3A_422 = tpu.vector_load %arg7[%get3A_421] {strides = array<i32>} : memref<256xi32, #tpu.memory_space<vmem>>, vector<16xi32>,
      %eq3A_423 = vector.broadcast %rem3A_418 : i32 to vector<16xi32>
      %eq3A_424 = arith.cmpi eq, %iota3A, %eq3A_423 : vector<16xi32>
      %jit3A = arith.constant 0 : i32
      %broadcast_in_dim3A_425 = vector.broadcast %jit3A : i32 to vector<16xi32>
      %select_n3A = arith.select %eq3A_424, %get3A_422, %broadcast_in_dim3A_425 : vector<16xi1>, vector<16xi32>
      %reduce_sum3A_426 = arith.constant true
      %reduce_sum3A_427 = vector.broadcast %reduce_sum3A_426 : i1 to vector<16xi1>
      %reduce_sum3A_428 = tpu.scan <sum>, %select_n3A masked %reduce_sum3A_427 : vector<16xi32>, vector<16xi1> -> vector<16xi32>
      %reduce_sum3A_429 = vector.extract %reduce_sum3A_428[15] : i32 from vector<16xi32>
      %add3A_430 = arith.constant 1 : i32
      %add3A_431 = arith.addi %add3A_415, %add3A_430 : i32
      %div3A_432 = arith.constant 16 : i32
      %div3A_433 = arith.divsi %add3A_431, %div3A_432 : i32
      %rem3A_434 = arith.constant 16 : i32
      %rem3A_435 = arith.remsi %add3A_431, %rem3A_434 : i32
      %mul3A_436 = arith.constant 16 : i32
      %mul3A_437 = arith.muli %div3A_433, %mul3A_436 : i32
      %multiple_of3A_438 = tpu.assume_multiple %mul3A_437, 16 : i32
      %get3A_439 = arith.index_cast %multiple_of3A_438 : i32 to index
      %get3A_440 = tpu.vector_load %arg7[%get3A_439] {strides = array<i32>} : memref<256xi32, #tpu.memory_space<vmem>>, vector<16xi32>,
      %eq3A_441 = vector.broadcast %rem3A_435 : i32 to vector<16xi32>
      %eq3A_442 = arith.cmpi eq, %iota3A, %eq3A_441 : vector<16xi32>
      %jit3A_443 = arith.constant 0 : i32
      %broadcast_in_dim3A_444 = vector.broadcast %jit3A_443 : i32 to vector<16xi32>
      %select_n3A_445 = arith.select %eq3A_442, %get3A_440, %broadcast_in_dim3A_444 : vector<16xi1>, vector<16xi32>
      %reduce_sum3A_446 = arith.constant true
      %reduce_sum3A_447 = vector.broadcast %reduce_sum3A_446 : i1 to vector<16xi1>
      %reduce_sum3A_448 = tpu.scan <sum>, %select_n3A_445 masked %reduce_sum3A_447 : vector<16xi32>, vector<16xi1> -> vector<16xi32>
      %reduce_sum3A_449 = vector.extract %reduce_sum3A_448[15] : i32 from vector<16xi32>
      %sub3A_450 = arith.subi %reduce_sum3A_449, %reduce_sum3A_429 : i32
      %add3A_451 = arith.constant 15 : i32
      %add3A_452 = arith.addi %sub3A_450, %add3A_451 : i32
      %div3A_453 = arith.constant 16 : i32
      %div3A_454 = arith.divsi %add3A_452, %div3A_453 : i32
      %while3A = arith.constant 0 : i32
      %while3A_455 = arith.subi %div3A_454, %while3A : i32
      %while3A_456 = arith.addi %while3A, %while3A_455 : i32
      %while3A_457 = arith.constant 1 : i32
      %while3A_458 = arith.divsi %while3A_455, %while3A_457 : i32
      %while3A_459 = arith.muli %while3A_458, %while3A_457 : i32
      %while3A_460 = arith.addi %while3A, %while3A_459 : i32
      %while3A_461 = arith.constant 1 : i32
      %while3A_462 = scf.for %while3A_523 = %while3A to %while3A_460 step %while3A_461 iter_args(%while3A_524 = %scan3A_385) -> (i32)  : i32 {
        %mul3A_525 = arith.constant 16 : i32
        %mul3A_526 = arith.muli %while3A_523, %mul3A_525 : i32
        %add3A_527 = arith.addi %reduce_sum3A_429, %mul3A_526 : i32
        %add3A_528 = vector.broadcast %add3A_527 : i32 to vector<16xi32>
        %add3A_529 = arith.addi %add3A_528, %iota3A : vector<16xi32>
        %lt3A_530 = vector.broadcast %reduce_sum3A_449 : i32 to vector<16xi32>
        %lt3A_531 = arith.cmpi slt, %add3A_529, %lt3A_530 : vector<16xi32>
        %jit3A_532 = arith.constant 0 : i32
        %broadcast_in_dim3A_533 = vector.broadcast %jit3A_532 : i32 to vector<16xi32>
        %select_n3A_534 = arith.select %lt3A_531, %add3A_529, %broadcast_in_dim3A_533 : vector<16xi1>, vector<16xi32>
        %gather3A = tpu.vector_load_idx %arg9[%select_n3A_534] : memref<16384xi32, #tpu.memory_space<vmem>>[vector<16xi32>], vector<16xi32>,
        %jit3A_535 = arith.constant 2097152 : i32
        %broadcast_in_dim3A_536 = vector.broadcast %jit3A_535 : i32 to vector<16xi32>
        %select_n3A_537 = arith.select %lt3A_531, %gather3A, %broadcast_in_dim3A_536 : vector<16xi1>, vector<16xi32>
        %and3A_538 = arith.constant 127 : i32
        %and3A_539 = vector.broadcast %and3A_538 : i32 to vector<16xi32>
        %and3A_540 = arith.andi %select_n3A_537, %and3A_539 : vector<16xi32>
        %shift_right_logical3A = arith.constant 7 : i32
        %shift_right_logical3A_541 = vector.broadcast %shift_right_logical3A : i32 to vector<16xi32>
        %shift_right_logical3A_542 = arith.shrui %select_n3A_537, %shift_right_logical3A_541 : vector<16xi32>
        %and3A_543 = arith.constant 32767 : i32
        %and3A_544 = vector.broadcast %and3A_543 : i32 to vector<16xi32>
        %and3A_545 = arith.andi %shift_right_logical3A_542, %and3A_544 : vector<16xi32>
        %rem3A_546 = arith.constant 2 : i32
        %rem3A_547 = arith.remsi %while3A_524, %rem3A_546 : i32
        %broadcast_in_dim3A_548 = vector.broadcast %rem3A_386 : i32 to vector<16xi32>
        %broadcast_in_dim3A_549 = arith.constant 0 : i32
        %broadcast_in_dim3A_550 = vector.broadcast %broadcast_in_dim3A_549 : i32 to vector<16xi32>
        %broadcast_in_dim3A_551 = arith.constant 0 : i32
        %broadcast_in_dim3A_552 = vector.broadcast %broadcast_in_dim3A_551 : i32 to vector<16xi32>
        %gather3A_553 = tpu.vector_load_idx %arg10[%broadcast_in_dim3A_548, %broadcast_in_dim3A_550, %broadcast_in_dim3A_552, %and3A_540] : memref<2x2x64x128xf32, #tpu.memory_space<vmem>>[vector<16xi32>, vector<16xi32>, vector<16xi32>, vector<16xi32>], vector<16xf32>,
        %broadcast_in_dim3A_554 = vector.broadcast %rem3A_547 : i32 to vector<16xi32>
        tpu.vector_store_idx %arg11[%broadcast_in_dim3A_554, %iota3A, %broadcast_in_dim3A_552], %gather3A_553 : memref<2x16x128xf32, #tpu.memory_space<vmem>>[vector<16xi32>, vector<16xi32>, vector<16xi32>], vector<16xf32>,
        %broadcast_in_dim3A_555 = arith.constant 1 : i32
        %broadcast_in_dim3A_556 = vector.broadcast %broadcast_in_dim3A_555 : i32 to vector<16xi32>
        %gather3A_557 = tpu.vector_load_idx %arg10[%broadcast_in_dim3A_548, %broadcast_in_dim3A_550, %broadcast_in_dim3A_556, %and3A_540] : memref<2x2x64x128xf32, #tpu.memory_space<vmem>>[vector<16xi32>, vector<16xi32>, vector<16xi32>, vector<16xi32>], vector<16xf32>,
        %broadcast_in_dim3A_558 = vector.broadcast %rem3A_547 : i32 to vector<16xi32>
        tpu.vector_store_idx %arg11[%broadcast_in_dim3A_558, %iota3A, %broadcast_in_dim3A_556], %gather3A_557 : memref<2x16x128xf32, #tpu.memory_space<vmem>>[vector<16xi32>, vector<16xi32>, vector<16xi32>], vector<16xf32>,
        %broadcast_in_dim3A_559 = arith.constant 2 : i32
        %broadcast_in_dim3A_560 = vector.broadcast %broadcast_in_dim3A_559 : i32 to vector<16xi32>
        %gather3A_561 = tpu.vector_load_idx %arg10[%broadcast_in_dim3A_548, %broadcast_in_dim3A_550, %broadcast_in_dim3A_560, %and3A_540] : memref<2x2x64x128xf32, #tpu.memory_space<vmem>>[vector<16xi32>, vector<16xi32>, vector<16xi32>, vector<16xi32>], vector<16xf32>,
        %broadcast_in_dim3A_562 = vector.broadcast %rem3A_547 : i32 to vector<16xi32>
        tpu.vector_store_idx %arg11[%broadcast_in_dim3A_562, %iota3A, %broadcast_in_dim3A_560], %gather3A_561 : memref<2x16x128xf32, #tpu.memory_space<vmem>>[vector<16xi32>, vector<16xi32>, vector<16xi32>], vector<16xf32>,
        %broadcast_in_dim3A_563 = arith.constant 3 : i32
        %broadcast_in_dim3A_564 = vector.broadcast %broadcast_in_dim3A_563 : i32 to vector<16xi32>
        %gather3A_565 = tpu.vector_load_idx %arg10[%broadcast_in_dim3A_548, %broadcast_in_dim3A_550, %broadcast_in_dim3A_564, %and3A_540] : memref<2x2x64x128xf32, #tpu.memory_space<vmem>>[vector<16xi32>, vector<16xi32>, vector<16xi32>, vector<16xi32>], vector<16xf32>,
        %broadcast_in_dim3A_566 = vector.broadcast %rem3A_547 : i32 to vector<16xi32>
        tpu.vector_store_idx %arg11[%broadcast_in_dim3A_566, %iota3A, %broadcast_in_dim3A_564], %gather3A_565 : memref<2x16x128xf32, #tpu.memory_space<vmem>>[vector<16xi32>, vector<16xi32>, vector<16xi32>], vector<16xf32>,
        %broadcast_in_dim3A_567 = arith.constant 4 : i32
        %broadcast_in_dim3A_568 = vector.broadcast %broadcast_in_dim3A_567 : i32 to vector<16xi32>
        %gather3A_569 = tpu.vector_load_idx %arg10[%broadcast_in_dim3A_548, %broadcast_in_dim3A_550, %broadcast_in_dim3A_568, %and3A_540] : memref<2x2x64x128xf32, #tpu.memory_space<vmem>>[vector<16xi32>, vector<16xi32>, vector<16xi32>, vector<16xi32>], vector<16xf32>,
        %broadcast_in_dim3A_570 = vector.broadcast %rem3A_547 : i32 to vector<16xi32>
        tpu.vector_store_idx %arg11[%broadcast_in_dim3A_570, %iota3A, %broadcast_in_dim3A_568], %gather3A_569 : memref<2x16x128xf32, #tpu.memory_space<vmem>>[vector<16xi32>, vector<16xi32>, vector<16xi32>], vector<16xf32>,
        %broadcast_in_dim3A_571 = arith.constant 5 : i32
        %broadcast_in_dim3A_572 = vector.broadcast %broadcast_in_dim3A_571 : i32 to vector<16xi32>
        %gather3A_573 = tpu.vector_load_idx %arg10[%broadcast_in_dim3A_548, %broadcast_in_dim3A_550, %broadcast_in_dim3A_572, %and3A_540] : memref<2x2x64x128xf32, #tpu.memory_space<vmem>>[vector<16xi32>, vector<16xi32>, vector<16xi32>, vector<16xi32>], vector<16xf32>,
        %broadcast_in_dim3A_574 = vector.broadcast %rem3A_547 : i32 to vector<16xi32>
        tpu.vector_store_idx %arg11[%broadcast_in_dim3A_574, %iota3A, %broadcast_in_dim3A_572], %gather3A_573 : memref<2x16x128xf32, #tpu.memory_space<vmem>>[vector<16xi32>, vector<16xi32>, vector<16xi32>], vector<16xf32>,
        %broadcast_in_dim3A_575 = arith.constant 6 : i32
        %broadcast_in_dim3A_576 = vector.broadcast %broadcast_in_dim3A_575 : i32 to vector<16xi32>
        %gather3A_577 = tpu.vector_load_idx %arg10[%broadcast_in_dim3A_548, %broadcast_in_dim3A_550, %broadcast_in_dim3A_576, %and3A_540] : memref<2x2x64x128xf32, #tpu.memory_space<vmem>>[vector<16xi32>, vector<16xi32>, vector<16xi32>, vector<16xi32>], vector<16xf32>,
        %broadcast_in_dim3A_578 = vector.broadcast %rem3A_547 : i32 to vector<16xi32>
        tpu.vector_store_idx %arg11[%broadcast_in_dim3A_578, %iota3A, %broadcast_in_dim3A_576], %gather3A_577 : memref<2x16x128xf32, #tpu.memory_space<vmem>>[vector<16xi32>, vector<16xi32>, vector<16xi32>], vector<16xf32>,
        %broadcast_in_dim3A_579 = arith.constant 7 : i32
        %broadcast_in_dim3A_580 = vector.broadcast %broadcast_in_dim3A_579 : i32 to vector<16xi32>
        %gather3A_581 = tpu.vector_load_idx %arg10[%broadcast_in_dim3A_548, %broadcast_in_dim3A_550, %broadcast_in_dim3A_580, %and3A_540] : memref<2x2x64x128xf32, #tpu.memory_space<vmem>>[vector<16xi32>, vector<16xi32>, vector<16xi32>, vector<16xi32>], vector<16xf32>,
        %broadcast_in_dim3A_582 = vector.broadcast %rem3A_547 : i32 to vector<16xi32>
        tpu.vector_store_idx %arg11[%broadcast_in_dim3A_582, %iota3A, %broadcast_in_dim3A_580], %gather3A_581 : memref<2x16x128xf32, #tpu.memory_space<vmem>>[vector<16xi32>, vector<16xi32>, vector<16xi32>], vector<16xf32>,
        %broadcast_in_dim3A_583 = arith.constant 8 : i32
        %broadcast_in_dim3A_584 = vector.broadcast %broadcast_in_dim3A_583 : i32 to vector<16xi32>
        %gather3A_585 = tpu.vector_load_idx %arg10[%broadcast_in_dim3A_548, %broadcast_in_dim3A_550, %broadcast_in_dim3A_584, %and3A_540] : memref<2x2x64x128xf32, #tpu.memory_space<vmem>>[vector<16xi32>, vector<16xi32>, vector<16xi32>, vector<16xi32>], vector<16xf32>,
        %broadcast_in_dim3A_586 = vector.broadcast %rem3A_547 : i32 to vector<16xi32>
        tpu.vector_store_idx %arg11[%broadcast_in_dim3A_586, %iota3A, %broadcast_in_dim3A_584], %gather3A_585 : memref<2x16x128xf32, #tpu.memory_space<vmem>>[vector<16xi32>, vector<16xi32>, vector<16xi32>], vector<16xf32>,
        %broadcast_in_dim3A_587 = arith.constant 9 : i32
        %broadcast_in_dim3A_588 = vector.broadcast %broadcast_in_dim3A_587 : i32 to vector<16xi32>
        %gather3A_589 = tpu.vector_load_idx %arg10[%broadcast_in_dim3A_548, %broadcast_in_dim3A_550, %broadcast_in_dim3A_588, %and3A_540] : memref<2x2x64x128xf32, #tpu.memory_space<vmem>>[vector<16xi32>, vector<16xi32>, vector<16xi32>, vector<16xi32>], vector<16xf32>,
        %broadcast_in_dim3A_590 = vector.broadcast %rem3A_547 : i32 to vector<16xi32>
        tpu.vector_store_idx %arg11[%broadcast_in_dim3A_590, %iota3A, %broadcast_in_dim3A_588], %gather3A_589 : memref<2x16x128xf32, #tpu.memory_space<vmem>>[vector<16xi32>, vector<16xi32>, vector<16xi32>], vector<16xf32>,
        %broadcast_in_dim3A_591 = arith.constant 10 : i32
        %broadcast_in_dim3A_592 = vector.broadcast %broadcast_in_dim3A_591 : i32 to vector<16xi32>
        %gather3A_593 = tpu.vector_load_idx %arg10[%broadcast_in_dim3A_548, %broadcast_in_dim3A_550, %broadcast_in_dim3A_592, %and3A_540] : memref<2x2x64x128xf32, #tpu.memory_space<vmem>>[vector<16xi32>, vector<16xi32>, vector<16xi32>, vector<16xi32>], vector<16xf32>,
        %broadcast_in_dim3A_594 = vector.broadcast %rem3A_547 : i32 to vector<16xi32>
        tpu.vector_store_idx %arg11[%broadcast_in_dim3A_594, %iota3A, %broadcast_in_dim3A_592], %gather3A_593 : memref<2x16x128xf32, #tpu.memory_space<vmem>>[vector<16xi32>, vector<16xi32>, vector<16xi32>], vector<16xf32>,
        %broadcast_in_dim3A_595 = arith.constant 11 : i32
        %broadcast_in_dim3A_596 = vector.broadcast %broadcast_in_dim3A_595 : i32 to vector<16xi32>
        %gather3A_597 = tpu.vector_load_idx %arg10[%broadcast_in_dim3A_548, %broadcast_in_dim3A_550, %broadcast_in_dim3A_596, %and3A_540] : memref<2x2x64x128xf32, #tpu.memory_space<vmem>>[vector<16xi32>, vector<16xi32>, vector<16xi32>, vector<16xi32>], vector<16xf32>,
        %broadcast_in_dim3A_598 = vector.broadcast %rem3A_547 : i32 to vector<16xi32>
        tpu.vector_store_idx %arg11[%broadcast_in_dim3A_598, %iota3A, %broadcast_in_dim3A_596], %gather3A_597 : memref<2x16x128xf32, #tpu.memory_space<vmem>>[vector<16xi32>, vector<16xi32>, vector<16xi32>], vector<16xf32>,
        %broadcast_in_dim3A_599 = arith.constant 12 : i32
        %broadcast_in_dim3A_600 = vector.broadcast %broadcast_in_dim3A_599 : i32 to vector<16xi32>
        %gather3A_601 = tpu.vector_load_idx %arg10[%broadcast_in_dim3A_548, %broadcast_in_dim3A_550, %broadcast_in_dim3A_600, %and3A_540] : memref<2x2x64x128xf32, #tpu.memory_space<vmem>>[vector<16xi32>, vector<16xi32>, vector<16xi32>, vector<16xi32>], vector<16xf32>,
        %broadcast_in_dim3A_602 = vector.broadcast %rem3A_547 : i32 to vector<16xi32>
        tpu.vector_store_idx %arg11[%broadcast_in_dim3A_602, %iota3A, %broadcast_in_dim3A_600], %gather3A_601 : memref<2x16x128xf32, #tpu.memory_space<vmem>>[vector<16xi32>, vector<16xi32>, vector<16xi32>], vector<16xf32>,
        %broadcast_in_dim3A_603 = arith.constant 13 : i32
        %broadcast_in_dim3A_604 = vector.broadcast %broadcast_in_dim3A_603 : i32 to vector<16xi32>
        %gather3A_605 = tpu.vector_load_idx %arg10[%broadcast_in_dim3A_548, %broadcast_in_dim3A_550, %broadcast_in_dim3A_604, %and3A_540] : memref<2x2x64x128xf32, #tpu.memory_space<vmem>>[vector<16xi32>, vector<16xi32>, vector<16xi32>, vector<16xi32>], vector<16xf32>,
        %broadcast_in_dim3A_606 = vector.broadcast %rem3A_547 : i32 to vector<16xi32>
        tpu.vector_store_idx %arg11[%broadcast_in_dim3A_606, %iota3A, %broadcast_in_dim3A_604], %gather3A_605 : memref<2x16x128xf32, #tpu.memory_space<vmem>>[vector<16xi32>, vector<16xi32>, vector<16xi32>], vector<16xf32>,
        %broadcast_in_dim3A_607 = arith.constant 14 : i32
        %broadcast_in_dim3A_608 = vector.broadcast %broadcast_in_dim3A_607 : i32 to vector<16xi32>
        %gather3A_609 = tpu.vector_load_idx %arg10[%broadcast_in_dim3A_548, %broadcast_in_dim3A_550, %broadcast_in_dim3A_608, %and3A_540] : memref<2x2x64x128xf32, #tpu.memory_space<vmem>>[vector<16xi32>, vector<16xi32>, vector<16xi32>, vector<16xi32>], vector<16xf32>,
        %broadcast_in_dim3A_610 = vector.broadcast %rem3A_547 : i32 to vector<16xi32>
        tpu.vector_store_idx %arg11[%broadcast_in_dim3A_610, %iota3A, %broadcast_in_dim3A_608], %gather3A_609 : memref<2x16x128xf32, #tpu.memory_space<vmem>>[vector<16xi32>, vector<16xi32>, vector<16xi32>], vector<16xf32>,
        %broadcast_in_dim3A_611 = arith.constant 15 : i32
        %broadcast_in_dim3A_612 = vector.broadcast %broadcast_in_dim3A_611 : i32 to vector<16xi32>
        %gather3A_613 = tpu.vector_load_idx %arg10[%broadcast_in_dim3A_548, %broadcast_in_dim3A_550, %broadcast_in_dim3A_612, %and3A_540] : memref<2x2x64x128xf32, #tpu.memory_space<vmem>>[vector<16xi32>, vector<16xi32>, vector<16xi32>, vector<16xi32>], vector<16xf32>,
        %broadcast_in_dim3A_614 = vector.broadcast %rem3A_547 : i32 to vector<16xi32>
        tpu.vector_store_idx %arg11[%broadcast_in_dim3A_614, %iota3A, %broadcast_in_dim3A_612], %gather3A_613 : memref<2x16x128xf32, #tpu.memory_space<vmem>>[vector<16xi32>, vector<16xi32>, vector<16xi32>], vector<16xf32>,
        %broadcast_in_dim3A_615 = arith.constant 16 : i32
        %broadcast_in_dim3A_616 = vector.broadcast %broadcast_in_dim3A_615 : i32 to vector<16xi32>
        %gather3A_617 = tpu.vector_load_idx %arg10[%broadcast_in_dim3A_548, %broadcast_in_dim3A_550, %broadcast_in_dim3A_616, %and3A_540] : memref<2x2x64x128xf32, #tpu.memory_space<vmem>>[vector<16xi32>, vector<16xi32>, vector<16xi32>, vector<16xi32>], vector<16xf32>,
        %broadcast_in_dim3A_618 = vector.broadcast %rem3A_547 : i32 to vector<16xi32>
        tpu.vector_store_idx %arg11[%broadcast_in_dim3A_618, %iota3A, %broadcast_in_dim3A_616], %gather3A_617 : memref<2x16x128xf32, #tpu.memory_space<vmem>>[vector<16xi32>, vector<16xi32>, vector<16xi32>], vector<16xf32>,
        %broadcast_in_dim3A_619 = arith.constant 17 : i32
        %broadcast_in_dim3A_620 = vector.broadcast %broadcast_in_dim3A_619 : i32 to vector<16xi32>
        %gather3A_621 = tpu.vector_load_idx %arg10[%broadcast_in_dim3A_548, %broadcast_in_dim3A_550, %broadcast_in_dim3A_620, %and3A_540] : memref<2x2x64x128xf32, #tpu.memory_space<vmem>>[vector<16xi32>, vector<16xi32>, vector<16xi32>, vector<16xi32>], vector<16xf32>,
        %broadcast_in_dim3A_622 = vector.broadcast %rem3A_547 : i32 to vector<16xi32>
        tpu.vector_store_idx %arg11[%broadcast_in_dim3A_622, %iota3A, %broadcast_in_dim3A_620], %gather3A_621 : memref<2x16x128xf32, #tpu.memory_space<vmem>>[vector<16xi32>, vector<16xi32>, vector<16xi32>], vector<16xf32>,
        %broadcast_in_dim3A_623 = arith.constant 18 : i32
        %broadcast_in_dim3A_624 = vector.broadcast %broadcast_in_dim3A_623 : i32 to vector<16xi32>
        %gather3A_625 = tpu.vector_load_idx %arg10[%broadcast_in_dim3A_548, %broadcast_in_dim3A_550, %broadcast_in_dim3A_624, %and3A_540] : memref<2x2x64x128xf32, #tpu.memory_space<vmem>>[vector<16xi32>, vector<16xi32>, vector<16xi32>, vector<16xi32>], vector<16xf32>,
        %broadcast_in_dim3A_626 = vector.broadcast %rem3A_547 : i32 to vector<16xi32>
        tpu.vector_store_idx %arg11[%broadcast_in_dim3A_626, %iota3A, %broadcast_in_dim3A_624], %gather3A_625 : memref<2x16x128xf32, #tpu.memory_space<vmem>>[vector<16xi32>, vector<16xi32>, vector<16xi32>], vector<16xf32>,
        %broadcast_in_dim3A_627 = arith.constant 19 : i32
        %broadcast_in_dim3A_628 = vector.broadcast %broadcast_in_dim3A_627 : i32 to vector<16xi32>
        %gather3A_629 = tpu.vector_load_idx %arg10[%broadcast_in_dim3A_548, %broadcast_in_dim3A_550, %broadcast_in_dim3A_628, %and3A_540] : memref<2x2x64x128xf32, #tpu.memory_space<vmem>>[vector<16xi32>, vector<16xi32>, vector<16xi32>, vector<16xi32>], vector<16xf32>,
        %broadcast_in_dim3A_630 = vector.broadcast %rem3A_547 : i32 to vector<16xi32>
        tpu.vector_store_idx %arg11[%broadcast_in_dim3A_630, %iota3A, %broadcast_in_dim3A_628], %gather3A_629 : memref<2x16x128xf32, #tpu.memory_space<vmem>>[vector<16xi32>, vector<16xi32>, vector<16xi32>], vector<16xf32>,
        %broadcast_in_dim3A_631 = arith.constant 20 : i32
        %broadcast_in_dim3A_632 = vector.broadcast %broadcast_in_dim3A_631 : i32 to vector<16xi32>
        %gather3A_633 = tpu.vector_load_idx %arg10[%broadcast_in_dim3A_548, %broadcast_in_dim3A_550, %broadcast_in_dim3A_632, %and3A_540] : memref<2x2x64x128xf32, #tpu.memory_space<vmem>>[vector<16xi32>, vector<16xi32>, vector<16xi32>, vector<16xi32>], vector<16xf32>,
        %broadcast_in_dim3A_634 = vector.broadcast %rem3A_547 : i32 to vector<16xi32>
        tpu.vector_store_idx %arg11[%broadcast_in_dim3A_634, %iota3A, %broadcast_in_dim3A_632], %gather3A_633 : memref<2x16x128xf32, #tpu.memory_space<vmem>>[vector<16xi32>, vector<16xi32>, vector<16xi32>], vector<16xf32>,
        %broadcast_in_dim3A_635 = arith.constant 21 : i32
        %broadcast_in_dim3A_636 = vector.broadcast %broadcast_in_dim3A_635 : i32 to vector<16xi32>
        %gather3A_637 = tpu.vector_load_idx %arg10[%broadcast_in_dim3A_548, %broadcast_in_dim3A_550, %broadcast_in_dim3A_636, %and3A_540] : memref<2x2x64x128xf32, #tpu.memory_space<vmem>>[vector<16xi32>, vector<16xi32>, vector<16xi32>, vector<16xi32>], vector<16xf32>,
        %broadcast_in_dim3A_638 = vector.broadcast %rem3A_547 : i32 to vector<16xi32>
        tpu.vector_store_idx %arg11[%broadcast_in_dim3A_638, %iota3A, %broadcast_in_dim3A_636], %gather3A_637 : memref<2x16x128xf32, #tpu.memory_space<vmem>>[vector<16xi32>, vector<16xi32>, vector<16xi32>], vector<16xf32>,
        %broadcast_in_dim3A_639 = arith.constant 22 : i32
        %broadcast_in_dim3A_640 = vector.broadcast %broadcast_in_dim3A_639 : i32 to vector<16xi32>
        %gather3A_641 = tpu.vector_load_idx %arg10[%broadcast_in_dim3A_548, %broadcast_in_dim3A_550, %broadcast_in_dim3A_640, %and3A_540] : memref<2x2x64x128xf32, #tpu.memory_space<vmem>>[vector<16xi32>, vector<16xi32>, vector<16xi32>, vector<16xi32>], vector<16xf32>,
        %broadcast_in_dim3A_642 = vector.broadcast %rem3A_547 : i32 to vector<16xi32>
        tpu.vector_store_idx %arg11[%broadcast_in_dim3A_642, %iota3A, %broadcast_in_dim3A_640], %gather3A_641 : memref<2x16x128xf32, #tpu.memory_space<vmem>>[vector<16xi32>, vector<16xi32>, vector<16xi32>], vector<16xf32>,
        %broadcast_in_dim3A_643 = arith.constant 23 : i32
        %broadcast_in_dim3A_644 = vector.broadcast %broadcast_in_dim3A_643 : i32 to vector<16xi32>
        %gather3A_645 = tpu.vector_load_idx %arg10[%broadcast_in_dim3A_548, %broadcast_in_dim3A_550, %broadcast_in_dim3A_644, %and3A_540] : memref<2x2x64x128xf32, #tpu.memory_space<vmem>>[vector<16xi32>, vector<16xi32>, vector<16xi32>, vector<16xi32>], vector<16xf32>,
        %broadcast_in_dim3A_646 = vector.broadcast %rem3A_547 : i32 to vector<16xi32>
        tpu.vector_store_idx %arg11[%broadcast_in_dim3A_646, %iota3A, %broadcast_in_dim3A_644], %gather3A_645 : memref<2x16x128xf32, #tpu.memory_space<vmem>>[vector<16xi32>, vector<16xi32>, vector<16xi32>], vector<16xf32>,
        %broadcast_in_dim3A_647 = arith.constant 24 : i32
        %broadcast_in_dim3A_648 = vector.broadcast %broadcast_in_dim3A_647 : i32 to vector<16xi32>
        %gather3A_649 = tpu.vector_load_idx %arg10[%broadcast_in_dim3A_548, %broadcast_in_dim3A_550, %broadcast_in_dim3A_648, %and3A_540] : memref<2x2x64x128xf32, #tpu.memory_space<vmem>>[vector<16xi32>, vector<16xi32>, vector<16xi32>, vector<16xi32>], vector<16xf32>,
        %broadcast_in_dim3A_650 = vector.broadcast %rem3A_547 : i32 to vector<16xi32>
        tpu.vector_store_idx %arg11[%broadcast_in_dim3A_650, %iota3A, %broadcast_in_dim3A_648], %gather3A_649 : memref<2x16x128xf32, #tpu.memory_space<vmem>>[vector<16xi32>, vector<16xi32>, vector<16xi32>], vector<16xf32>,
        %broadcast_in_dim3A_651 = arith.constant 25 : i32
        %broadcast_in_dim3A_652 = vector.broadcast %broadcast_in_dim3A_651 : i32 to vector<16xi32>
        %gather3A_653 = tpu.vector_load_idx %arg10[%broadcast_in_dim3A_548, %broadcast_in_dim3A_550, %broadcast_in_dim3A_652, %and3A_540] : memref<2x2x64x128xf32, #tpu.memory_space<vmem>>[vector<16xi32>, vector<16xi32>, vector<16xi32>, vector<16xi32>], vector<16xf32>,
        %broadcast_in_dim3A_654 = vector.broadcast %rem3A_547 : i32 to vector<16xi32>
        tpu.vector_store_idx %arg11[%broadcast_in_dim3A_654, %iota3A, %broadcast_in_dim3A_652], %gather3A_653 : memref<2x16x128xf32, #tpu.memory_space<vmem>>[vector<16xi32>, vector<16xi32>, vector<16xi32>], vector<16xf32>,
        %broadcast_in_dim3A_655 = arith.constant 26 : i32
        %broadcast_in_dim3A_656 = vector.broadcast %broadcast_in_dim3A_655 : i32 to vector<16xi32>
        %gather3A_657 = tpu.vector_load_idx %arg10[%broadcast_in_dim3A_548, %broadcast_in_dim3A_550, %broadcast_in_dim3A_656, %and3A_540] : memref<2x2x64x128xf32, #tpu.memory_space<vmem>>[vector<16xi32>, vector<16xi32>, vector<16xi32>, vector<16xi32>], vector<16xf32>,
        %broadcast_in_dim3A_658 = vector.broadcast %rem3A_547 : i32 to vector<16xi32>
        tpu.vector_store_idx %arg11[%broadcast_in_dim3A_658, %iota3A, %broadcast_in_dim3A_656], %gather3A_657 : memref<2x16x128xf32, #tpu.memory_space<vmem>>[vector<16xi32>, vector<16xi32>, vector<16xi32>], vector<16xf32>,
        %broadcast_in_dim3A_659 = arith.constant 27 : i32
        %broadcast_in_dim3A_660 = vector.broadcast %broadcast_in_dim3A_659 : i32 to vector<16xi32>
        %gather3A_661 = tpu.vector_load_idx %arg10[%broadcast_in_dim3A_548, %broadcast_in_dim3A_550, %broadcast_in_dim3A_660, %and3A_540] : memref<2x2x64x128xf32, #tpu.memory_space<vmem>>[vector<16xi32>, vector<16xi32>, vector<16xi32>, vector<16xi32>], vector<16xf32>,
        %broadcast_in_dim3A_662 = vector.broadcast %rem3A_547 : i32 to vector<16xi32>
        tpu.vector_store_idx %arg11[%broadcast_in_dim3A_662, %iota3A, %broadcast_in_dim3A_660], %gather3A_661 : memref<2x16x128xf32, #tpu.memory_space<vmem>>[vector<16xi32>, vector<16xi32>, vector<16xi32>], vector<16xf32>,
        %broadcast_in_dim3A_663 = arith.constant 28 : i32
        %broadcast_in_dim3A_664 = vector.broadcast %broadcast_in_dim3A_663 : i32 to vector<16xi32>
        %gather3A_665 = tpu.vector_load_idx %arg10[%broadcast_in_dim3A_548, %broadcast_in_dim3A_550, %broadcast_in_dim3A_664, %and3A_540] : memref<2x2x64x128xf32, #tpu.memory_space<vmem>>[vector<16xi32>, vector<16xi32>, vector<16xi32>, vector<16xi32>], vector<16xf32>,
        %broadcast_in_dim3A_666 = vector.broadcast %rem3A_547 : i32 to vector<16xi32>
        tpu.vector_store_idx %arg11[%broadcast_in_dim3A_666, %iota3A, %broadcast_in_dim3A_664], %gather3A_665 : memref<2x16x128xf32, #tpu.memory_space<vmem>>[vector<16xi32>, vector<16xi32>, vector<16xi32>], vector<16xf32>,
        %broadcast_in_dim3A_667 = arith.constant 29 : i32
        %broadcast_in_dim3A_668 = vector.broadcast %broadcast_in_dim3A_667 : i32 to vector<16xi32>
        %gather3A_669 = tpu.vector_load_idx %arg10[%broadcast_in_dim3A_548, %broadcast_in_dim3A_550, %broadcast_in_dim3A_668, %and3A_540] : memref<2x2x64x128xf32, #tpu.memory_space<vmem>>[vector<16xi32>, vector<16xi32>, vector<16xi32>, vector<16xi32>], vector<16xf32>,
        %broadcast_in_dim3A_670 = vector.broadcast %rem3A_547 : i32 to vector<16xi32>
        tpu.vector_store_idx %arg11[%broadcast_in_dim3A_670, %iota3A, %broadcast_in_dim3A_668], %gather3A_669 : memref<2x16x128xf32, #tpu.memory_space<vmem>>[vector<16xi32>, vector<16xi32>, vector<16xi32>], vector<16xf32>,
        %broadcast_in_dim3A_671 = arith.constant 30 : i32
        %broadcast_in_dim3A_672 = vector.broadcast %broadcast_in_dim3A_671 : i32 to vector<16xi32>
        %gather3A_673 = tpu.vector_load_idx %arg10[%broadcast_in_dim3A_548, %broadcast_in_dim3A_550, %broadcast_in_dim3A_672, %and3A_540] : memref<2x2x64x128xf32, #tpu.memory_space<vmem>>[vector<16xi32>, vector<16xi32>, vector<16xi32>, vector<16xi32>], vector<16xf32>,
        %broadcast_in_dim3A_674 = vector.broadcast %rem3A_547 : i32 to vector<16xi32>
        tpu.vector_store_idx %arg11[%broadcast_in_dim3A_674, %iota3A, %broadcast_in_dim3A_672], %gather3A_673 : memref<2x16x128xf32, #tpu.memory_space<vmem>>[vector<16xi32>, vector<16xi32>, vector<16xi32>], vector<16xf32>,
        %broadcast_in_dim3A_675 = arith.constant 31 : i32
        %broadcast_in_dim3A_676 = vector.broadcast %broadcast_in_dim3A_675 : i32 to vector<16xi32>
        %gather3A_677 = tpu.vector_load_idx %arg10[%broadcast_in_dim3A_548, %broadcast_in_dim3A_550, %broadcast_in_dim3A_676, %and3A_540] : memref<2x2x64x128xf32, #tpu.memory_space<vmem>>[vector<16xi32>, vector<16xi32>, vector<16xi32>, vector<16xi32>], vector<16xf32>,
        %broadcast_in_dim3A_678 = vector.broadcast %rem3A_547 : i32 to vector<16xi32>
        tpu.vector_store_idx %arg11[%broadcast_in_dim3A_678, %iota3A, %broadcast_in_dim3A_676], %gather3A_677 : memref<2x16x128xf32, #tpu.memory_space<vmem>>[vector<16xi32>, vector<16xi32>, vector<16xi32>], vector<16xf32>,
        %broadcast_in_dim3A_679 = arith.constant 32 : i32
        %broadcast_in_dim3A_680 = vector.broadcast %broadcast_in_dim3A_679 : i32 to vector<16xi32>
        %gather3A_681 = tpu.vector_load_idx %arg10[%broadcast_in_dim3A_548, %broadcast_in_dim3A_550, %broadcast_in_dim3A_680, %and3A_540] : memref<2x2x64x128xf32, #tpu.memory_space<vmem>>[vector<16xi32>, vector<16xi32>, vector<16xi32>, vector<16xi32>], vector<16xf32>,
        %broadcast_in_dim3A_682 = vector.broadcast %rem3A_547 : i32 to vector<16xi32>
        tpu.vector_store_idx %arg11[%broadcast_in_dim3A_682, %iota3A, %broadcast_in_dim3A_680], %gather3A_681 : memref<2x16x128xf32, #tpu.memory_space<vmem>>[vector<16xi32>, vector<16xi32>, vector<16xi32>], vector<16xf32>,
        %broadcast_in_dim3A_683 = arith.constant 33 : i32
        %broadcast_in_dim3A_684 = vector.broadcast %broadcast_in_dim3A_683 : i32 to vector<16xi32>
        %gather3A_685 = tpu.vector_load_idx %arg10[%broadcast_in_dim3A_548, %broadcast_in_dim3A_550, %broadcast_in_dim3A_684, %and3A_540] : memref<2x2x64x128xf32, #tpu.memory_space<vmem>>[vector<16xi32>, vector<16xi32>, vector<16xi32>, vector<16xi32>], vector<16xf32>,
        %broadcast_in_dim3A_686 = vector.broadcast %rem3A_547 : i32 to vector<16xi32>
        tpu.vector_store_idx %arg11[%broadcast_in_dim3A_686, %iota3A, %broadcast_in_dim3A_684], %gather3A_685 : memref<2x16x128xf32, #tpu.memory_space<vmem>>[vector<16xi32>, vector<16xi32>, vector<16xi32>], vector<16xf32>,
        %broadcast_in_dim3A_687 = arith.constant 34 : i32
        %broadcast_in_dim3A_688 = vector.broadcast %broadcast_in_dim3A_687 : i32 to vector<16xi32>
        %gather3A_689 = tpu.vector_load_idx %arg10[%broadcast_in_dim3A_548, %broadcast_in_dim3A_550, %broadcast_in_dim3A_688, %and3A_540] : memref<2x2x64x128xf32, #tpu.memory_space<vmem>>[vector<16xi32>, vector<16xi32>, vector<16xi32>, vector<16xi32>], vector<16xf32>,
        %broadcast_in_dim3A_690 = vector.broadcast %rem3A_547 : i32 to vector<16xi32>
        tpu.vector_store_idx %arg11[%broadcast_in_dim3A_690, %iota3A, %broadcast_in_dim3A_688], %gather3A_689 : memref<2x16x128xf32, #tpu.memory_space<vmem>>[vector<16xi32>, vector<16xi32>, vector<16xi32>], vector<16xf32>,
        %broadcast_in_dim3A_691 = arith.constant 35 : i32
        %broadcast_in_dim3A_692 = vector.broadcast %broadcast_in_dim3A_691 : i32 to vector<16xi32>
        %gather3A_693 = tpu.vector_load_idx %arg10[%broadcast_in_dim3A_548, %broadcast_in_dim3A_550, %broadcast_in_dim3A_692, %and3A_540] : memref<2x2x64x128xf32, #tpu.memory_space<vmem>>[vector<16xi32>, vector<16xi32>, vector<16xi32>, vector<16xi32>], vector<16xf32>,
        %broadcast_in_dim3A_694 = vector.broadcast %rem3A_547 : i32 to vector<16xi32>
        tpu.vector_store_idx %arg11[%broadcast_in_dim3A_694, %iota3A, %broadcast_in_dim3A_692], %gather3A_693 : memref<2x16x128xf32, #tpu.memory_space<vmem>>[vector<16xi32>, vector<16xi32>, vector<16xi32>], vector<16xf32>,
        %broadcast_in_dim3A_695 = arith.constant 36 : i32
        %broadcast_in_dim3A_696 = vector.broadcast %broadcast_in_dim3A_695 : i32 to vector<16xi32>
        %gather3A_697 = tpu.vector_load_idx %arg10[%broadcast_in_dim3A_548, %broadcast_in_dim3A_550, %broadcast_in_dim3A_696, %and3A_540] : memref<2x2x64x128xf32, #tpu.memory_space<vmem>>[vector<16xi32>, vector<16xi32>, vector<16xi32>, vector<16xi32>], vector<16xf32>,
        %broadcast_in_dim3A_698 = vector.broadcast %rem3A_547 : i32 to vector<16xi32>
        tpu.vector_store_idx %arg11[%broadcast_in_dim3A_698, %iota3A, %broadcast_in_dim3A_696], %gather3A_697 : memref<2x16x128xf32, #tpu.memory_space<vmem>>[vector<16xi32>, vector<16xi32>, vector<16xi32>], vector<16xf32>,
        %broadcast_in_dim3A_699 = arith.constant 37 : i32
        %broadcast_in_dim3A_700 = vector.broadcast %broadcast_in_dim3A_699 : i32 to vector<16xi32>
        %gather3A_701 = tpu.vector_load_idx %arg10[%broadcast_in_dim3A_548, %broadcast_in_dim3A_550, %broadcast_in_dim3A_700, %and3A_540] : memref<2x2x64x128xf32, #tpu.memory_space<vmem>>[vector<16xi32>, vector<16xi32>, vector<16xi32>, vector<16xi32>], vector<16xf32>,
        %broadcast_in_dim3A_702 = vector.broadcast %rem3A_547 : i32 to vector<16xi32>
        tpu.vector_store_idx %arg11[%broadcast_in_dim3A_702, %iota3A, %broadcast_in_dim3A_700], %gather3A_701 : memref<2x16x128xf32, #tpu.memory_space<vmem>>[vector<16xi32>, vector<16xi32>, vector<16xi32>], vector<16xf32>,
        %broadcast_in_dim3A_703 = arith.constant 38 : i32
        %broadcast_in_dim3A_704 = vector.broadcast %broadcast_in_dim3A_703 : i32 to vector<16xi32>
        %gather3A_705 = tpu.vector_load_idx %arg10[%broadcast_in_dim3A_548, %broadcast_in_dim3A_550, %broadcast_in_dim3A_704, %and3A_540] : memref<2x2x64x128xf32, #tpu.memory_space<vmem>>[vector<16xi32>, vector<16xi32>, vector<16xi32>, vector<16xi32>], vector<16xf32>,
        %broadcast_in_dim3A_706 = vector.broadcast %rem3A_547 : i32 to vector<16xi32>
        tpu.vector_store_idx %arg11[%broadcast_in_dim3A_706, %iota3A, %broadcast_in_dim3A_704], %gather3A_705 : memref<2x16x128xf32, #tpu.memory_space<vmem>>[vector<16xi32>, vector<16xi32>, vector<16xi32>], vector<16xf32>,
        %broadcast_in_dim3A_707 = arith.constant 39 : i32
        %broadcast_in_dim3A_708 = vector.broadcast %broadcast_in_dim3A_707 : i32 to vector<16xi32>
        %gather3A_709 = tpu.vector_load_idx %arg10[%broadcast_in_dim3A_548, %broadcast_in_dim3A_550, %broadcast_in_dim3A_708, %and3A_540] : memref<2x2x64x128xf32, #tpu.memory_space<vmem>>[vector<16xi32>, vector<16xi32>, vector<16xi32>, vector<16xi32>], vector<16xf32>,
        %broadcast_in_dim3A_710 = vector.broadcast %rem3A_547 : i32 to vector<16xi32>
        tpu.vector_store_idx %arg11[%broadcast_in_dim3A_710, %iota3A, %broadcast_in_dim3A_708], %gather3A_709 : memref<2x16x128xf32, #tpu.memory_space<vmem>>[vector<16xi32>, vector<16xi32>, vector<16xi32>], vector<16xf32>,
        %broadcast_in_dim3A_711 = arith.constant 40 : i32
        %broadcast_in_dim3A_712 = vector.broadcast %broadcast_in_dim3A_711 : i32 to vector<16xi32>
        %gather3A_713 = tpu.vector_load_idx %arg10[%broadcast_in_dim3A_548, %broadcast_in_dim3A_550, %broadcast_in_dim3A_712, %and3A_540] : memref<2x2x64x128xf32, #tpu.memory_space<vmem>>[vector<16xi32>, vector<16xi32>, vector<16xi32>, vector<16xi32>], vector<16xf32>,
        %broadcast_in_dim3A_714 = vector.broadcast %rem3A_547 : i32 to vector<16xi32>
        tpu.vector_store_idx %arg11[%broadcast_in_dim3A_714, %iota3A, %broadcast_in_dim3A_712], %gather3A_713 : memref<2x16x128xf32, #tpu.memory_space<vmem>>[vector<16xi32>, vector<16xi32>, vector<16xi32>], vector<16xf32>,
        %broadcast_in_dim3A_715 = arith.constant 41 : i32
        %broadcast_in_dim3A_716 = vector.broadcast %broadcast_in_dim3A_715 : i32 to vector<16xi32>
        %gather3A_717 = tpu.vector_load_idx %arg10[%broadcast_in_dim3A_548, %broadcast_in_dim3A_550, %broadcast_in_dim3A_716, %and3A_540] : memref<2x2x64x128xf32, #tpu.memory_space<vmem>>[vector<16xi32>, vector<16xi32>, vector<16xi32>, vector<16xi32>], vector<16xf32>,
        %broadcast_in_dim3A_718 = vector.broadcast %rem3A_547 : i32 to vector<16xi32>
        tpu.vector_store_idx %arg11[%broadcast_in_dim3A_718, %iota3A, %broadcast_in_dim3A_716], %gather3A_717 : memref<2x16x128xf32, #tpu.memory_space<vmem>>[vector<16xi32>, vector<16xi32>, vector<16xi32>], vector<16xf32>,
        %broadcast_in_dim3A_719 = arith.constant 42 : i32
        %broadcast_in_dim3A_720 = vector.broadcast %broadcast_in_dim3A_719 : i32 to vector<16xi32>
        %gather3A_721 = tpu.vector_load_idx %arg10[%broadcast_in_dim3A_548, %broadcast_in_dim3A_550, %broadcast_in_dim3A_720, %and3A_540] : memref<2x2x64x128xf32, #tpu.memory_space<vmem>>[vector<16xi32>, vector<16xi32>, vector<16xi32>, vector<16xi32>], vector<16xf32>,
        %broadcast_in_dim3A_722 = vector.broadcast %rem3A_547 : i32 to vector<16xi32>
        tpu.vector_store_idx %arg11[%broadcast_in_dim3A_722, %iota3A, %broadcast_in_dim3A_720], %gather3A_721 : memref<2x16x128xf32, #tpu.memory_space<vmem>>[vector<16xi32>, vector<16xi32>, vector<16xi32>], vector<16xf32>,
        %broadcast_in_dim3A_723 = arith.constant 43 : i32
        %broadcast_in_dim3A_724 = vector.broadcast %broadcast_in_dim3A_723 : i32 to vector<16xi32>
        %gather3A_725 = tpu.vector_load_idx %arg10[%broadcast_in_dim3A_548, %broadcast_in_dim3A_550, %broadcast_in_dim3A_724, %and3A_540] : memref<2x2x64x128xf32, #tpu.memory_space<vmem>>[vector<16xi32>, vector<16xi32>, vector<16xi32>, vector<16xi32>], vector<16xf32>,
        %broadcast_in_dim3A_726 = vector.broadcast %rem3A_547 : i32 to vector<16xi32>
        tpu.vector_store_idx %arg11[%broadcast_in_dim3A_726, %iota3A, %broadcast_in_dim3A_724], %gather3A_725 : memref<2x16x128xf32, #tpu.memory_space<vmem>>[vector<16xi32>, vector<16xi32>, vector<16xi32>], vector<16xf32>,
        %broadcast_in_dim3A_727 = arith.constant 44 : i32
        %broadcast_in_dim3A_728 = vector.broadcast %broadcast_in_dim3A_727 : i32 to vector<16xi32>
        %gather3A_729 = tpu.vector_load_idx %arg10[%broadcast_in_dim3A_548, %broadcast_in_dim3A_550, %broadcast_in_dim3A_728, %and3A_540] : memref<2x2x64x128xf32, #tpu.memory_space<vmem>>[vector<16xi32>, vector<16xi32>, vector<16xi32>, vector<16xi32>], vector<16xf32>,
        %broadcast_in_dim3A_730 = vector.broadcast %rem3A_547 : i32 to vector<16xi32>
        tpu.vector_store_idx %arg11[%broadcast_in_dim3A_730, %iota3A, %broadcast_in_dim3A_728], %gather3A_729 : memref<2x16x128xf32, #tpu.memory_space<vmem>>[vector<16xi32>, vector<16xi32>, vector<16xi32>], vector<16xf32>,
        %broadcast_in_dim3A_731 = arith.constant 45 : i32
        %broadcast_in_dim3A_732 = vector.broadcast %broadcast_in_dim3A_731 : i32 to vector<16xi32>
        %gather3A_733 = tpu.vector_load_idx %arg10[%broadcast_in_dim3A_548, %broadcast_in_dim3A_550, %broadcast_in_dim3A_732, %and3A_540] : memref<2x2x64x128xf32, #tpu.memory_space<vmem>>[vector<16xi32>, vector<16xi32>, vector<16xi32>, vector<16xi32>], vector<16xf32>,
        %broadcast_in_dim3A_734 = vector.broadcast %rem3A_547 : i32 to vector<16xi32>
        tpu.vector_store_idx %arg11[%broadcast_in_dim3A_734, %iota3A, %broadcast_in_dim3A_732], %gather3A_733 : memref<2x16x128xf32, #tpu.memory_space<vmem>>[vector<16xi32>, vector<16xi32>, vector<16xi32>], vector<16xf32>,
        %broadcast_in_dim3A_735 = arith.constant 46 : i32
        %broadcast_in_dim3A_736 = vector.broadcast %broadcast_in_dim3A_735 : i32 to vector<16xi32>
        %gather3A_737 = tpu.vector_load_idx %arg10[%broadcast_in_dim3A_548, %broadcast_in_dim3A_550, %broadcast_in_dim3A_736, %and3A_540] : memref<2x2x64x128xf32, #tpu.memory_space<vmem>>[vector<16xi32>, vector<16xi32>, vector<16xi32>, vector<16xi32>], vector<16xf32>,
        %broadcast_in_dim3A_738 = vector.broadcast %rem3A_547 : i32 to vector<16xi32>
        tpu.vector_store_idx %arg11[%broadcast_in_dim3A_738, %iota3A, %broadcast_in_dim3A_736], %gather3A_737 : memref<2x16x128xf32, #tpu.memory_space<vmem>>[vector<16xi32>, vector<16xi32>, vector<16xi32>], vector<16xf32>,
        %broadcast_in_dim3A_739 = arith.constant 47 : i32
        %broadcast_in_dim3A_740 = vector.broadcast %broadcast_in_dim3A_739 : i32 to vector<16xi32>
        %gather3A_741 = tpu.vector_load_idx %arg10[%broadcast_in_dim3A_548, %broadcast_in_dim3A_550, %broadcast_in_dim3A_740, %and3A_540] : memref<2x2x64x128xf32, #tpu.memory_space<vmem>>[vector<16xi32>, vector<16xi32>, vector<16xi32>, vector<16xi32>], vector<16xf32>,
        %broadcast_in_dim3A_742 = vector.broadcast %rem3A_547 : i32 to vector<16xi32>
        tpu.vector_store_idx %arg11[%broadcast_in_dim3A_742, %iota3A, %broadcast_in_dim3A_740], %gather3A_741 : memref<2x16x128xf32, #tpu.memory_space<vmem>>[vector<16xi32>, vector<16xi32>, vector<16xi32>], vector<16xf32>,
        %broadcast_in_dim3A_743 = arith.constant 48 : i32
        %broadcast_in_dim3A_744 = vector.broadcast %broadcast_in_dim3A_743 : i32 to vector<16xi32>
        %gather3A_745 = tpu.vector_load_idx %arg10[%broadcast_in_dim3A_548, %broadcast_in_dim3A_550, %broadcast_in_dim3A_744, %and3A_540] : memref<2x2x64x128xf32, #tpu.memory_space<vmem>>[vector<16xi32>, vector<16xi32>, vector<16xi32>, vector<16xi32>], vector<16xf32>,
        %broadcast_in_dim3A_746 = vector.broadcast %rem3A_547 : i32 to vector<16xi32>
        tpu.vector_store_idx %arg11[%broadcast_in_dim3A_746, %iota3A, %broadcast_in_dim3A_744], %gather3A_745 : memref<2x16x128xf32, #tpu.memory_space<vmem>>[vector<16xi32>, vector<16xi32>, vector<16xi32>], vector<16xf32>,
        %broadcast_in_dim3A_747 = arith.constant 49 : i32
        %broadcast_in_dim3A_748 = vector.broadcast %broadcast_in_dim3A_747 : i32 to vector<16xi32>
        %gather3A_749 = tpu.vector_load_idx %arg10[%broadcast_in_dim3A_548, %broadcast_in_dim3A_550, %broadcast_in_dim3A_748, %and3A_540] : memref<2x2x64x128xf32, #tpu.memory_space<vmem>>[vector<16xi32>, vector<16xi32>, vector<16xi32>, vector<16xi32>], vector<16xf32>,
        %broadcast_in_dim3A_750 = vector.broadcast %rem3A_547 : i32 to vector<16xi32>
        tpu.vector_store_idx %arg11[%broadcast_in_dim3A_750, %iota3A, %broadcast_in_dim3A_748], %gather3A_749 : memref<2x16x128xf32, #tpu.memory_space<vmem>>[vector<16xi32>, vector<16xi32>, vector<16xi32>], vector<16xf32>,
        %broadcast_in_dim3A_751 = arith.constant 50 : i32
        %broadcast_in_dim3A_752 = vector.broadcast %broadcast_in_dim3A_751 : i32 to vector<16xi32>
        %gather3A_753 = tpu.vector_load_idx %arg10[%broadcast_in_dim3A_548, %broadcast_in_dim3A_550, %broadcast_in_dim3A_752, %and3A_540] : memref<2x2x64x128xf32, #tpu.memory_space<vmem>>[vector<16xi32>, vector<16xi32>, vector<16xi32>, vector<16xi32>], vector<16xf32>,
        %broadcast_in_dim3A_754 = vector.broadcast %rem3A_547 : i32 to vector<16xi32>
        tpu.vector_store_idx %arg11[%broadcast_in_dim3A_754, %iota3A, %broadcast_in_dim3A_752], %gather3A_753 : memref<2x16x128xf32, #tpu.memory_space<vmem>>[vector<16xi32>, vector<16xi32>, vector<16xi32>], vector<16xf32>,
        %broadcast_in_dim3A_755 = arith.constant 51 : i32
        %broadcast_in_dim3A_756 = vector.broadcast %broadcast_in_dim3A_755 : i32 to vector<16xi32>
        %gather3A_757 = tpu.vector_load_idx %arg10[%broadcast_in_dim3A_548, %broadcast_in_dim3A_550, %broadcast_in_dim3A_756, %and3A_540] : memref<2x2x64x128xf32, #tpu.memory_space<vmem>>[vector<16xi32>, vector<16xi32>, vector<16xi32>, vector<16xi32>], vector<16xf32>,
        %broadcast_in_dim3A_758 = vector.broadcast %rem3A_547 : i32 to vector<16xi32>
        tpu.vector_store_idx %arg11[%broadcast_in_dim3A_758, %iota3A, %broadcast_in_dim3A_756], %gather3A_757 : memref<2x16x128xf32, #tpu.memory_space<vmem>>[vector<16xi32>, vector<16xi32>, vector<16xi32>], vector<16xf32>,
        %broadcast_in_dim3A_759 = arith.constant 52 : i32
        %broadcast_in_dim3A_760 = vector.broadcast %broadcast_in_dim3A_759 : i32 to vector<16xi32>
        %gather3A_761 = tpu.vector_load_idx %arg10[%broadcast_in_dim3A_548, %broadcast_in_dim3A_550, %broadcast_in_dim3A_760, %and3A_540] : memref<2x2x64x128xf32, #tpu.memory_space<vmem>>[vector<16xi32>, vector<16xi32>, vector<16xi32>, vector<16xi32>], vector<16xf32>,
        %broadcast_in_dim3A_762 = vector.broadcast %rem3A_547 : i32 to vector<16xi32>
        tpu.vector_store_idx %arg11[%broadcast_in_dim3A_762, %iota3A, %broadcast_in_dim3A_760], %gather3A_761 : memref<2x16x128xf32, #tpu.memory_space<vmem>>[vector<16xi32>, vector<16xi32>, vector<16xi32>], vector<16xf32>,
        %broadcast_in_dim3A_763 = arith.constant 53 : i32
        %broadcast_in_dim3A_764 = vector.broadcast %broadcast_in_dim3A_763 : i32 to vector<16xi32>
        %gather3A_765 = tpu.vector_load_idx %arg10[%broadcast_in_dim3A_548, %broadcast_in_dim3A_550, %broadcast_in_dim3A_764, %and3A_540] : memref<2x2x64x128xf32, #tpu.memory_space<vmem>>[vector<16xi32>, vector<16xi32>, vector<16xi32>, vector<16xi32>], vector<16xf32>,
        %broadcast_in_dim3A_766 = vector.broadcast %rem3A_547 : i32 to vector<16xi32>
        tpu.vector_store_idx %arg11[%broadcast_in_dim3A_766, %iota3A, %broadcast_in_dim3A_764], %gather3A_765 : memref<2x16x128xf32, #tpu.memory_space<vmem>>[vector<16xi32>, vector<16xi32>, vector<16xi32>], vector<16xf32>,
        %broadcast_in_dim3A_767 = arith.constant 54 : i32
        %broadcast_in_dim3A_768 = vector.broadcast %broadcast_in_dim3A_767 : i32 to vector<16xi32>
        %gather3A_769 = tpu.vector_load_idx %arg10[%broadcast_in_dim3A_548, %broadcast_in_dim3A_550, %broadcast_in_dim3A_768, %and3A_540] : memref<2x2x64x128xf32, #tpu.memory_space<vmem>>[vector<16xi32>, vector<16xi32>, vector<16xi32>, vector<16xi32>], vector<16xf32>,
        %broadcast_in_dim3A_770 = vector.broadcast %rem3A_547 : i32 to vector<16xi32>
        tpu.vector_store_idx %arg11[%broadcast_in_dim3A_770, %iota3A, %broadcast_in_dim3A_768], %gather3A_769 : memref<2x16x128xf32, #tpu.memory_space<vmem>>[vector<16xi32>, vector<16xi32>, vector<16xi32>], vector<16xf32>,
        %broadcast_in_dim3A_771 = arith.constant 55 : i32
        %broadcast_in_dim3A_772 = vector.broadcast %broadcast_in_dim3A_771 : i32 to vector<16xi32>
        %gather3A_773 = tpu.vector_load_idx %arg10[%broadcast_in_dim3A_548, %broadcast_in_dim3A_550, %broadcast_in_dim3A_772, %and3A_540] : memref<2x2x64x128xf32, #tpu.memory_space<vmem>>[vector<16xi32>, vector<16xi32>, vector<16xi32>, vector<16xi32>], vector<16xf32>,
        %broadcast_in_dim3A_774 = vector.broadcast %rem3A_547 : i32 to vector<16xi32>
        tpu.vector_store_idx %arg11[%broadcast_in_dim3A_774, %iota3A, %broadcast_in_dim3A_772], %gather3A_773 : memref<2x16x128xf32, #tpu.memory_space<vmem>>[vector<16xi32>, vector<16xi32>, vector<16xi32>], vector<16xf32>,
        %broadcast_in_dim3A_775 = arith.constant 56 : i32
        %broadcast_in_dim3A_776 = vector.broadcast %broadcast_in_dim3A_775 : i32 to vector<16xi32>
        %gather3A_777 = tpu.vector_load_idx %arg10[%broadcast_in_dim3A_548, %broadcast_in_dim3A_550, %broadcast_in_dim3A_776, %and3A_540] : memref<2x2x64x128xf32, #tpu.memory_space<vmem>>[vector<16xi32>, vector<16xi32>, vector<16xi32>, vector<16xi32>], vector<16xf32>,
        %broadcast_in_dim3A_778 = vector.broadcast %rem3A_547 : i32 to vector<16xi32>
        tpu.vector_store_idx %arg11[%broadcast_in_dim3A_778, %iota3A, %broadcast_in_dim3A_776], %gather3A_777 : memref<2x16x128xf32, #tpu.memory_space<vmem>>[vector<16xi32>, vector<16xi32>, vector<16xi32>], vector<16xf32>,
        %broadcast_in_dim3A_779 = arith.constant 57 : i32
        %broadcast_in_dim3A_780 = vector.broadcast %broadcast_in_dim3A_779 : i32 to vector<16xi32>
        %gather3A_781 = tpu.vector_load_idx %arg10[%broadcast_in_dim3A_548, %broadcast_in_dim3A_550, %broadcast_in_dim3A_780, %and3A_540] : memref<2x2x64x128xf32, #tpu.memory_space<vmem>>[vector<16xi32>, vector<16xi32>, vector<16xi32>, vector<16xi32>], vector<16xf32>,
        %broadcast_in_dim3A_782 = vector.broadcast %rem3A_547 : i32 to vector<16xi32>
        tpu.vector_store_idx %arg11[%broadcast_in_dim3A_782, %iota3A, %broadcast_in_dim3A_780], %gather3A_781 : memref<2x16x128xf32, #tpu.memory_space<vmem>>[vector<16xi32>, vector<16xi32>, vector<16xi32>], vector<16xf32>,
        %broadcast_in_dim3A_783 = arith.constant 58 : i32
        %broadcast_in_dim3A_784 = vector.broadcast %broadcast_in_dim3A_783 : i32 to vector<16xi32>
        %gather3A_785 = tpu.vector_load_idx %arg10[%broadcast_in_dim3A_548, %broadcast_in_dim3A_550, %broadcast_in_dim3A_784, %and3A_540] : memref<2x2x64x128xf32, #tpu.memory_space<vmem>>[vector<16xi32>, vector<16xi32>, vector<16xi32>, vector<16xi32>], vector<16xf32>,
        %broadcast_in_dim3A_786 = vector.broadcast %rem3A_547 : i32 to vector<16xi32>
        tpu.vector_store_idx %arg11[%broadcast_in_dim3A_786, %iota3A, %broadcast_in_dim3A_784], %gather3A_785 : memref<2x16x128xf32, #tpu.memory_space<vmem>>[vector<16xi32>, vector<16xi32>, vector<16xi32>], vector<16xf32>,
        %broadcast_in_dim3A_787 = arith.constant 59 : i32
        %broadcast_in_dim3A_788 = vector.broadcast %broadcast_in_dim3A_787 : i32 to vector<16xi32>
        %gather3A_789 = tpu.vector_load_idx %arg10[%broadcast_in_dim3A_548, %broadcast_in_dim3A_550, %broadcast_in_dim3A_788, %and3A_540] : memref<2x2x64x128xf32, #tpu.memory_space<vmem>>[vector<16xi32>, vector<16xi32>, vector<16xi32>, vector<16xi32>], vector<16xf32>,
        %broadcast_in_dim3A_790 = vector.broadcast %rem3A_547 : i32 to vector<16xi32>
        tpu.vector_store_idx %arg11[%broadcast_in_dim3A_790, %iota3A, %broadcast_in_dim3A_788], %gather3A_789 : memref<2x16x128xf32, #tpu.memory_space<vmem>>[vector<16xi32>, vector<16xi32>, vector<16xi32>], vector<16xf32>,
        %broadcast_in_dim3A_791 = arith.constant 60 : i32
        %broadcast_in_dim3A_792 = vector.broadcast %broadcast_in_dim3A_791 : i32 to vector<16xi32>
        %gather3A_793 = tpu.vector_load_idx %arg10[%broadcast_in_dim3A_548, %broadcast_in_dim3A_550, %broadcast_in_dim3A_792, %and3A_540] : memref<2x2x64x128xf32, #tpu.memory_space<vmem>>[vector<16xi32>, vector<16xi32>, vector<16xi32>, vector<16xi32>], vector<16xf32>,
        %broadcast_in_dim3A_794 = vector.broadcast %rem3A_547 : i32 to vector<16xi32>
        tpu.vector_store_idx %arg11[%broadcast_in_dim3A_794, %iota3A, %broadcast_in_dim3A_792], %gather3A_793 : memref<2x16x128xf32, #tpu.memory_space<vmem>>[vector<16xi32>, vector<16xi32>, vector<16xi32>], vector<16xf32>,
        %broadcast_in_dim3A_795 = arith.constant 61 : i32
        %broadcast_in_dim3A_796 = vector.broadcast %broadcast_in_dim3A_795 : i32 to vector<16xi32>
        %gather3A_797 = tpu.vector_load_idx %arg10[%broadcast_in_dim3A_548, %broadcast_in_dim3A_550, %broadcast_in_dim3A_796, %and3A_540] : memref<2x2x64x128xf32, #tpu.memory_space<vmem>>[vector<16xi32>, vector<16xi32>, vector<16xi32>, vector<16xi32>], vector<16xf32>,
        %broadcast_in_dim3A_798 = vector.broadcast %rem3A_547 : i32 to vector<16xi32>
        tpu.vector_store_idx %arg11[%broadcast_in_dim3A_798, %iota3A, %broadcast_in_dim3A_796], %gather3A_797 : memref<2x16x128xf32, #tpu.memory_space<vmem>>[vector<16xi32>, vector<16xi32>, vector<16xi32>], vector<16xf32>,
        %broadcast_in_dim3A_799 = arith.constant 62 : i32
        %broadcast_in_dim3A_800 = vector.broadcast %broadcast_in_dim3A_799 : i32 to vector<16xi32>
        %gather3A_801 = tpu.vector_load_idx %arg10[%broadcast_in_dim3A_548, %broadcast_in_dim3A_550, %broadcast_in_dim3A_800, %and3A_540] : memref<2x2x64x128xf32, #tpu.memory_space<vmem>>[vector<16xi32>, vector<16xi32>, vector<16xi32>, vector<16xi32>], vector<16xf32>,
        %broadcast_in_dim3A_802 = vector.broadcast %rem3A_547 : i32 to vector<16xi32>
        tpu.vector_store_idx %arg11[%broadcast_in_dim3A_802, %iota3A, %broadcast_in_dim3A_800], %gather3A_801 : memref<2x16x128xf32, #tpu.memory_space<vmem>>[vector<16xi32>, vector<16xi32>, vector<16xi32>], vector<16xf32>,
        %broadcast_in_dim3A_803 = arith.constant 63 : i32
        %broadcast_in_dim3A_804 = vector.broadcast %broadcast_in_dim3A_803 : i32 to vector<16xi32>
        %gather3A_805 = tpu.vector_load_idx %arg10[%broadcast_in_dim3A_548, %broadcast_in_dim3A_550, %broadcast_in_dim3A_804, %and3A_540] : memref<2x2x64x128xf32, #tpu.memory_space<vmem>>[vector<16xi32>, vector<16xi32>, vector<16xi32>, vector<16xi32>], vector<16xf32>,
        %broadcast_in_dim3A_806 = vector.broadcast %rem3A_547 : i32 to vector<16xi32>
        tpu.vector_store_idx %arg11[%broadcast_in_dim3A_806, %iota3A, %broadcast_in_dim3A_804], %gather3A_805 : memref<2x16x128xf32, #tpu.memory_space<vmem>>[vector<16xi32>, vector<16xi32>, vector<16xi32>], vector<16xf32>,
        %swap3A_807 = arith.constant 0 : i32
        %swap3A_808 = arith.index_cast %rem3A_547 : i32 to index
        %swap3A_809 = arith.index_cast %swap3A_807 : i32 to index
        %swap3A_810 = arith.constant 0 : index
        %swap3A_811 = tpu.vector_load %arg12[%swap3A_808, %swap3A_809, %swap3A_810] {strides = array<i32>} : memref<2x1x16xi32, #tpu.memory_space<vmem>>, vector<16xi32>,
        tpu.vector_store %arg12[%swap3A_808, %swap3A_809, %swap3A_810], %and3A_545 {strides = array<i32>} : memref<2x1x16xi32, #tpu.memory_space<vmem>>, vector<16xi32>,
        %add3A_812 = arith.constant 1 : i32
        %add3A_813 = arith.addi %while3A_524, %add3A_812 : i32
        scf.yield %add3A_813 : i32
      }
      %while3A_463 = arith.constant 1 : i32
      %while3A_464 = scf.for %while3A_523 = %while3A_460 to %while3A_456 step %while3A_463 iter_args(%while3A_524 = %while3A_462) -> (i32)  : i32 {
        %mul3A_525 = arith.constant 16 : i32
        %mul3A_526 = arith.muli %while3A_523, %mul3A_525 : i32
        %add3A_527 = arith.addi %reduce_sum3A_429, %mul3A_526 : i32
        %add3A_528 = vector.broadcast %add3A_527 : i32 to vector<16xi32>
        %add3A_529 = arith.addi %add3A_528, %iota3A : vector<16xi32>
        %lt3A_530 = vector.broadcast %reduce_sum3A_449 : i32 to vector<16xi32>
        %lt3A_531 = arith.cmpi slt, %add3A_529, %lt3A_530 : vector<16xi32>
        %jit3A_532 = arith.constant 0 : i32
        %broadcast_in_dim3A_533 = vector.broadcast %jit3A_532 : i32 to vector<16xi32>
        %select_n3A_534 = arith.select %lt3A_531, %add3A_529, %broadcast_in_dim3A_533 : vector<16xi1>, vector<16xi32>
        %gather3A = tpu.vector_load_idx %arg9[%select_n3A_534] : memref<16384xi32, #tpu.memory_space<vmem>>[vector<16xi32>], vector<16xi32>,
        %jit3A_535 = arith.constant 2097152 : i32
        %broadcast_in_dim3A_536 = vector.broadcast %jit3A_535 : i32 to vector<16xi32>
        %select_n3A_537 = arith.select %lt3A_531, %gather3A, %broadcast_in_dim3A_536 : vector<16xi1>, vector<16xi32>
        %and3A_538 = arith.constant 127 : i32
        %and3A_539 = vector.broadcast %and3A_538 : i32 to vector<16xi32>
        %and3A_540 = arith.andi %select_n3A_537, %and3A_539 : vector<16xi32>
        %shift_right_logical3A = arith.constant 7 : i32
        %shift_right_logical3A_541 = vector.broadcast %shift_right_logical3A : i32 to vector<16xi32>
        %shift_right_logical3A_542 = arith.shrui %select_n3A_537, %shift_right_logical3A_541 : vector<16xi32>
        %and3A_543 = arith.constant 32767 : i32
        %and3A_544 = vector.broadcast %and3A_543 : i32 to vector<16xi32>
        %and3A_545 = arith.andi %shift_right_logical3A_542, %and3A_544 : vector<16xi32>
        %rem3A_546 = arith.constant 2 : i32
        %rem3A_547 = arith.remsi %while3A_524, %rem3A_546 : i32
        %broadcast_in_dim3A_548 = vector.broadcast %rem3A_386 : i32 to vector<16xi32>
        %broadcast_in_dim3A_549 = arith.constant 0 : i32
        %broadcast_in_dim3A_550 = vector.broadcast %broadcast_in_dim3A_549 : i32 to vector<16xi32>
        %broadcast_in_dim3A_551 = arith.constant 0 : i32
        %broadcast_in_dim3A_552 = vector.broadcast %broadcast_in_dim3A_551 : i32 to vector<16xi32>
        %gather3A_553 = tpu.vector_load_idx %arg10[%broadcast_in_dim3A_548, %broadcast_in_dim3A_550, %broadcast_in_dim3A_552, %and3A_540] : memref<2x2x64x128xf32, #tpu.memory_space<vmem>>[vector<16xi32>, vector<16xi32>, vector<16xi32>, vector<16xi32>], vector<16xf32>,
        %broadcast_in_dim3A_554 = vector.broadcast %rem3A_547 : i32 to vector<16xi32>
        tpu.vector_store_idx %arg11[%broadcast_in_dim3A_554, %iota3A, %broadcast_in_dim3A_552], %gather3A_553 : memref<2x16x128xf32, #tpu.memory_space<vmem>>[vector<16xi32>, vector<16xi32>, vector<16xi32>], vector<16xf32>,
        %broadcast_in_dim3A_555 = arith.constant 1 : i32
        %broadcast_in_dim3A_556 = vector.broadcast %broadcast_in_dim3A_555 : i32 to vector<16xi32>
        %gather3A_557 = tpu.vector_load_idx %arg10[%broadcast_in_dim3A_548, %broadcast_in_dim3A_550, %broadcast_in_dim3A_556, %and3A_540] : memref<2x2x64x128xf32, #tpu.memory_space<vmem>>[vector<16xi32>, vector<16xi32>, vector<16xi32>, vector<16xi32>], vector<16xf32>,
        %broadcast_in_dim3A_558 = vector.broadcast %rem3A_547 : i32 to vector<16xi32>
        tpu.vector_store_idx %arg11[%broadcast_in_dim3A_558, %iota3A, %broadcast_in_dim3A_556], %gather3A_557 : memref<2x16x128xf32, #tpu.memory_space<vmem>>[vector<16xi32>, vector<16xi32>, vector<16xi32>], vector<16xf32>,
        %broadcast_in_dim3A_559 = arith.constant 2 : i32
        %broadcast_in_dim3A_560 = vector.broadcast %broadcast_in_dim3A_559 : i32 to vector<16xi32>
        %gather3A_561 = tpu.vector_load_idx %arg10[%broadcast_in_dim3A_548, %broadcast_in_dim3A_550, %broadcast_in_dim3A_560, %and3A_540] : memref<2x2x64x128xf32, #tpu.memory_space<vmem>>[vector<16xi32>, vector<16xi32>, vector<16xi32>, vector<16xi32>], vector<16xf32>,
        %broadcast_in_dim3A_562 = vector.broadcast %rem3A_547 : i32 to vector<16xi32>
        tpu.vector_store_idx %arg11[%broadcast_in_dim3A_562, %iota3A, %broadcast_in_dim3A_560], %gather3A_561 : memref<2x16x128xf32, #tpu.memory_space<vmem>>[vector<16xi32>, vector<16xi32>, vector<16xi32>], vector<16xf32>,
        %broadcast_in_dim3A_563 = arith.constant 3 : i32
        %broadcast_in_dim3A_564 = vector.broadcast %broadcast_in_dim3A_563 : i32 to vector<16xi32>
        %gather3A_565 = tpu.vector_load_idx %arg10[%broadcast_in_dim3A_548, %broadcast_in_dim3A_550, %broadcast_in_dim3A_564, %and3A_540] : memref<2x2x64x128xf32, #tpu.memory_space<vmem>>[vector<16xi32>, vector<16xi32>, vector<16xi32>, vector<16xi32>], vector<16xf32>,
        %broadcast_in_dim3A_566 = vector.broadcast %rem3A_547 : i32 to vector<16xi32>
        tpu.vector_store_idx %arg11[%broadcast_in_dim3A_566, %iota3A, %broadcast_in_dim3A_564], %gather3A_565 : memref<2x16x128xf32, #tpu.memory_space<vmem>>[vector<16xi32>, vector<16xi32>, vector<16xi32>], vector<16xf32>,
        %broadcast_in_dim3A_567 = arith.constant 4 : i32
        %broadcast_in_dim3A_568 = vector.broadcast %broadcast_in_dim3A_567 : i32 to vector<16xi32>
        %gather3A_569 = tpu.vector_load_idx %arg10[%broadcast_in_dim3A_548, %broadcast_in_dim3A_550, %broadcast_in_dim3A_568, %and3A_540] : memref<2x2x64x128xf32, #tpu.memory_space<vmem>>[vector<16xi32>, vector<16xi32>, vector<16xi32>, vector<16xi32>], vector<16xf32>,
        %broadcast_in_dim3A_570 = vector.broadcast %rem3A_547 : i32 to vector<16xi32>
        tpu.vector_store_idx %arg11[%broadcast_in_dim3A_570, %iota3A, %broadcast_in_dim3A_568], %gather3A_569 : memref<2x16x128xf32, #tpu.memory_space<vmem>>[vector<16xi32>, vector<16xi32>, vector<16xi32>], vector<16xf32>,
        %broadcast_in_dim3A_571 = arith.constant 5 : i32
        %broadcast_in_dim3A_572 = vector.broadcast %broadcast_in_dim3A_571 : i32 to vector<16xi32>
        %gather3A_573 = tpu.vector_load_idx %arg10[%broadcast_in_dim3A_548, %broadcast_in_dim3A_550, %broadcast_in_dim3A_572, %and3A_540] : memref<2x2x64x128xf32, #tpu.memory_space<vmem>>[vector<16xi32>, vector<16xi32>, vector<16xi32>, vector<16xi32>], vector<16xf32>,
        %broadcast_in_dim3A_574 = vector.broadcast %rem3A_547 : i32 to vector<16xi32>
        tpu.vector_store_idx %arg11[%broadcast_in_dim3A_574, %iota3A, %broadcast_in_dim3A_572], %gather3A_573 : memref<2x16x128xf32, #tpu.memory_space<vmem>>[vector<16xi32>, vector<16xi32>, vector<16xi32>], vector<16xf32>,
        %broadcast_in_dim3A_575 = arith.constant 6 : i32
        %broadcast_in_dim3A_576 = vector.broadcast %broadcast_in_dim3A_575 : i32 to vector<16xi32>
        %gather3A_577 = tpu.vector_load_idx %arg10[%broadcast_in_dim3A_548, %broadcast_in_dim3A_550, %broadcast_in_dim3A_576, %and3A_540] : memref<2x2x64x128xf32, #tpu.memory_space<vmem>>[vector<16xi32>, vector<16xi32>, vector<16xi32>, vector<16xi32>], vector<16xf32>,
        %broadcast_in_dim3A_578 = vector.broadcast %rem3A_547 : i32 to vector<16xi32>
        tpu.vector_store_idx %arg11[%broadcast_in_dim3A_578, %iota3A, %broadcast_in_dim3A_576], %gather3A_577 : memref<2x16x128xf32, #tpu.memory_space<vmem>>[vector<16xi32>, vector<16xi32>, vector<16xi32>], vector<16xf32>,
        %broadcast_in_dim3A_579 = arith.constant 7 : i32
        %broadcast_in_dim3A_580 = vector.broadcast %broadcast_in_dim3A_579 : i32 to vector<16xi32>
        %gather3A_581 = tpu.vector_load_idx %arg10[%broadcast_in_dim3A_548, %broadcast_in_dim3A_550, %broadcast_in_dim3A_580, %and3A_540] : memref<2x2x64x128xf32, #tpu.memory_space<vmem>>[vector<16xi32>, vector<16xi32>, vector<16xi32>, vector<16xi32>], vector<16xf32>,
        %broadcast_in_dim3A_582 = vector.broadcast %rem3A_547 : i32 to vector<16xi32>
        tpu.vector_store_idx %arg11[%broadcast_in_dim3A_582, %iota3A, %broadcast_in_dim3A_580], %gather3A_581 : memref<2x16x128xf32, #tpu.memory_space<vmem>>[vector<16xi32>, vector<16xi32>, vector<16xi32>], vector<16xf32>,
        %broadcast_in_dim3A_583 = arith.constant 8 : i32
        %broadcast_in_dim3A_584 = vector.broadcast %broadcast_in_dim3A_583 : i32 to vector<16xi32>
        %gather3A_585 = tpu.vector_load_idx %arg10[%broadcast_in_dim3A_548, %broadcast_in_dim3A_550, %broadcast_in_dim3A_584, %and3A_540] : memref<2x2x64x128xf32, #tpu.memory_space<vmem>>[vector<16xi32>, vector<16xi32>, vector<16xi32>, vector<16xi32>], vector<16xf32>,
        %broadcast_in_dim3A_586 = vector.broadcast %rem3A_547 : i32 to vector<16xi32>
        tpu.vector_store_idx %arg11[%broadcast_in_dim3A_586, %iota3A, %broadcast_in_dim3A_584], %gather3A_585 : memref<2x16x128xf32, #tpu.memory_space<vmem>>[vector<16xi32>, vector<16xi32>, vector<16xi32>], vector<16xf32>,
        %broadcast_in_dim3A_587 = arith.constant 9 : i32
        %broadcast_in_dim3A_588 = vector.broadcast %broadcast_in_dim3A_587 : i32 to vector<16xi32>
        %gather3A_589 = tpu.vector_load_idx %arg10[%broadcast_in_dim3A_548, %broadcast_in_dim3A_550, %broadcast_in_dim3A_588, %and3A_540] : memref<2x2x64x128xf32, #tpu.memory_space<vmem>>[vector<16xi32>, vector<16xi32>, vector<16xi32>, vector<16xi32>], vector<16xf32>,
        %broadcast_in_dim3A_590 = vector.broadcast %rem3A_547 : i32 to vector<16xi32>
        tpu.vector_store_idx %arg11[%broadcast_in_dim3A_590, %iota3A, %broadcast_in_dim3A_588], %gather3A_589 : memref<2x16x128xf32, #tpu.memory_space<vmem>>[vector<16xi32>, vector<16xi32>, vector<16xi32>], vector<16xf32>,
        %broadcast_in_dim3A_591 = arith.constant 10 : i32
        %broadcast_in_dim3A_592 = vector.broadcast %broadcast_in_dim3A_591 : i32 to vector<16xi32>
        %gather3A_593 = tpu.vector_load_idx %arg10[%broadcast_in_dim3A_548, %broadcast_in_dim3A_550, %broadcast_in_dim3A_592, %and3A_540] : memref<2x2x64x128xf32, #tpu.memory_space<vmem>>[vector<16xi32>, vector<16xi32>, vector<16xi32>, vector<16xi32>], vector<16xf32>,
        %broadcast_in_dim3A_594 = vector.broadcast %rem3A_547 : i32 to vector<16xi32>
        tpu.vector_store_idx %arg11[%broadcast_in_dim3A_594, %iota3A, %broadcast_in_dim3A_592], %gather3A_593 : memref<2x16x128xf32, #tpu.memory_space<vmem>>[vector<16xi32>, vector<16xi32>, vector<16xi32>], vector<16xf32>,
        %broadcast_in_dim3A_595 = arith.constant 11 : i32
        %broadcast_in_dim3A_596 = vector.broadcast %broadcast_in_dim3A_595 : i32 to vector<16xi32>
        %gather3A_597 = tpu.vector_load_idx %arg10[%broadcast_in_dim3A_548, %broadcast_in_dim3A_550, %broadcast_in_dim3A_596, %and3A_540] : memref<2x2x64x128xf32, #tpu.memory_space<vmem>>[vector<16xi32>, vector<16xi32>, vector<16xi32>, vector<16xi32>], vector<16xf32>,
        %broadcast_in_dim3A_598 = vector.broadcast %rem3A_547 : i32 to vector<16xi32>
        tpu.vector_store_idx %arg11[%broadcast_in_dim3A_598, %iota3A, %broadcast_in_dim3A_596], %gather3A_597 : memref<2x16x128xf32, #tpu.memory_space<vmem>>[vector<16xi32>, vector<16xi32>, vector<16xi32>], vector<16xf32>,
        %broadcast_in_dim3A_599 = arith.constant 12 : i32
        %broadcast_in_dim3A_600 = vector.broadcast %broadcast_in_dim3A_599 : i32 to vector<16xi32>
        %gather3A_601 = tpu.vector_load_idx %arg10[%broadcast_in_dim3A_548, %broadcast_in_dim3A_550, %broadcast_in_dim3A_600, %and3A_540] : memref<2x2x64x128xf32, #tpu.memory_space<vmem>>[vector<16xi32>, vector<16xi32>, vector<16xi32>, vector<16xi32>], vector<16xf32>,
        %broadcast_in_dim3A_602 = vector.broadcast %rem3A_547 : i32 to vector<16xi32>
        tpu.vector_store_idx %arg11[%broadcast_in_dim3A_602, %iota3A, %broadcast_in_dim3A_600], %gather3A_601 : memref<2x16x128xf32, #tpu.memory_space<vmem>>[vector<16xi32>, vector<16xi32>, vector<16xi32>], vector<16xf32>,
        %broadcast_in_dim3A_603 = arith.constant 13 : i32
        %broadcast_in_dim3A_604 = vector.broadcast %broadcast_in_dim3A_603 : i32 to vector<16xi32>
        %gather3A_605 = tpu.vector_load_idx %arg10[%broadcast_in_dim3A_548, %broadcast_in_dim3A_550, %broadcast_in_dim3A_604, %and3A_540] : memref<2x2x64x128xf32, #tpu.memory_space<vmem>>[vector<16xi32>, vector<16xi32>, vector<16xi32>, vector<16xi32>], vector<16xf32>,
        %broadcast_in_dim3A_606 = vector.broadcast %rem3A_547 : i32 to vector<16xi32>
        tpu.vector_store_idx %arg11[%broadcast_in_dim3A_606, %iota3A, %broadcast_in_dim3A_604], %gather3A_605 : memref<2x16x128xf32, #tpu.memory_space<vmem>>[vector<16xi32>, vector<16xi32>, vector<16xi32>], vector<16xf32>,
        %broadcast_in_dim3A_607 = arith.constant 14 : i32
        %broadcast_in_dim3A_608 = vector.broadcast %broadcast_in_dim3A_607 : i32 to vector<16xi32>
        %gather3A_609 = tpu.vector_load_idx %arg10[%broadcast_in_dim3A_548, %broadcast_in_dim3A_550, %broadcast_in_dim3A_608, %and3A_540] : memref<2x2x64x128xf32, #tpu.memory_space<vmem>>[vector<16xi32>, vector<16xi32>, vector<16xi32>, vector<16xi32>], vector<16xf32>,
        %broadcast_in_dim3A_610 = vector.broadcast %rem3A_547 : i32 to vector<16xi32>
        tpu.vector_store_idx %arg11[%broadcast_in_dim3A_610, %iota3A, %broadcast_in_dim3A_608], %gather3A_609 : memref<2x16x128xf32, #tpu.memory_space<vmem>>[vector<16xi32>, vector<16xi32>, vector<16xi32>], vector<16xf32>,
        %broadcast_in_dim3A_611 = arith.constant 15 : i32
        %broadcast_in_dim3A_612 = vector.broadcast %broadcast_in_dim3A_611 : i32 to vector<16xi32>
        %gather3A_613 = tpu.vector_load_idx %arg10[%broadcast_in_dim3A_548, %broadcast_in_dim3A_550, %broadcast_in_dim3A_612, %and3A_540] : memref<2x2x64x128xf32, #tpu.memory_space<vmem>>[vector<16xi32>, vector<16xi32>, vector<16xi32>, vector<16xi32>], vector<16xf32>,
        %broadcast_in_dim3A_614 = vector.broadcast %rem3A_547 : i32 to vector<16xi32>
        tpu.vector_store_idx %arg11[%broadcast_in_dim3A_614, %iota3A, %broadcast_in_dim3A_612], %gather3A_613 : memref<2x16x128xf32, #tpu.memory_space<vmem>>[vector<16xi32>, vector<16xi32>, vector<16xi32>], vector<16xf32>,
        %broadcast_in_dim3A_615 = arith.constant 16 : i32
        %broadcast_in_dim3A_616 = vector.broadcast %broadcast_in_dim3A_615 : i32 to vector<16xi32>
        %gather3A_617 = tpu.vector_load_idx %arg10[%broadcast_in_dim3A_548, %broadcast_in_dim3A_550, %broadcast_in_dim3A_616, %and3A_540] : memref<2x2x64x128xf32, #tpu.memory_space<vmem>>[vector<16xi32>, vector<16xi32>, vector<16xi32>, vector<16xi32>], vector<16xf32>,
        %broadcast_in_dim3A_618 = vector.broadcast %rem3A_547 : i32 to vector<16xi32>
        tpu.vector_store_idx %arg11[%broadcast_in_dim3A_618, %iota3A, %broadcast_in_dim3A_616], %gather3A_617 : memref<2x16x128xf32, #tpu.memory_space<vmem>>[vector<16xi32>, vector<16xi32>, vector<16xi32>], vector<16xf32>,
        %broadcast_in_dim3A_619 = arith.constant 17 : i32
        %broadcast_in_dim3A_620 = vector.broadcast %broadcast_in_dim3A_619 : i32 to vector<16xi32>
        %gather3A_621 = tpu.vector_load_idx %arg10[%broadcast_in_dim3A_548, %broadcast_in_dim3A_550, %broadcast_in_dim3A_620, %and3A_540] : memref<2x2x64x128xf32, #tpu.memory_space<vmem>>[vector<16xi32>, vector<16xi32>, vector<16xi32>, vector<16xi32>], vector<16xf32>,
        %broadcast_in_dim3A_622 = vector.broadcast %rem3A_547 : i32 to vector<16xi32>
        tpu.vector_store_idx %arg11[%broadcast_in_dim3A_622, %iota3A, %broadcast_in_dim3A_620], %gather3A_621 : memref<2x16x128xf32, #tpu.memory_space<vmem>>[vector<16xi32>, vector<16xi32>, vector<16xi32>], vector<16xf32>,
        %broadcast_in_dim3A_623 = arith.constant 18 : i32
        %broadcast_in_dim3A_624 = vector.broadcast %broadcast_in_dim3A_623 : i32 to vector<16xi32>
        %gather3A_625 = tpu.vector_load_idx %arg10[%broadcast_in_dim3A_548, %broadcast_in_dim3A_550, %broadcast_in_dim3A_624, %and3A_540] : memref<2x2x64x128xf32, #tpu.memory_space<vmem>>[vector<16xi32>, vector<16xi32>, vector<16xi32>, vector<16xi32>], vector<16xf32>,
        %broadcast_in_dim3A_626 = vector.broadcast %rem3A_547 : i32 to vector<16xi32>
        tpu.vector_store_idx %arg11[%broadcast_in_dim3A_626, %iota3A, %broadcast_in_dim3A_624], %gather3A_625 : memref<2x16x128xf32, #tpu.memory_space<vmem>>[vector<16xi32>, vector<16xi32>, vector<16xi32>], vector<16xf32>,
        %broadcast_in_dim3A_627 = arith.constant 19 : i32
        %broadcast_in_dim3A_628 = vector.broadcast %broadcast_in_dim3A_627 : i32 to vector<16xi32>
        %gather3A_629 = tpu.vector_load_idx %arg10[%broadcast_in_dim3A_548, %broadcast_in_dim3A_550, %broadcast_in_dim3A_628, %and3A_540] : memref<2x2x64x128xf32, #tpu.memory_space<vmem>>[vector<16xi32>, vector<16xi32>, vector<16xi32>, vector<16xi32>], vector<16xf32>,
        %broadcast_in_dim3A_630 = vector.broadcast %rem3A_547 : i32 to vector<16xi32>
        tpu.vector_store_idx %arg11[%broadcast_in_dim3A_630, %iota3A, %broadcast_in_dim3A_628], %gather3A_629 : memref<2x16x128xf32, #tpu.memory_space<vmem>>[vector<16xi32>, vector<16xi32>, vector<16xi32>], vector<16xf32>,
        %broadcast_in_dim3A_631 = arith.constant 20 : i32
        %broadcast_in_dim3A_632 = vector.broadcast %broadcast_in_dim3A_631 : i32 to vector<16xi32>
        %gather3A_633 = tpu.vector_load_idx %arg10[%broadcast_in_dim3A_548, %broadcast_in_dim3A_550, %broadcast_in_dim3A_632, %and3A_540] : memref<2x2x64x128xf32, #tpu.memory_space<vmem>>[vector<16xi32>, vector<16xi32>, vector<16xi32>, vector<16xi32>], vector<16xf32>,
        %broadcast_in_dim3A_634 = vector.broadcast %rem3A_547 : i32 to vector<16xi32>
        tpu.vector_store_idx %arg11[%broadcast_in_dim3A_634, %iota3A, %broadcast_in_dim3A_632], %gather3A_633 : memref<2x16x128xf32, #tpu.memory_space<vmem>>[vector<16xi32>, vector<16xi32>, vector<16xi32>], vector<16xf32>,
        %broadcast_in_dim3A_635 = arith.constant 21 : i32
        %broadcast_in_dim3A_636 = vector.broadcast %broadcast_in_dim3A_635 : i32 to vector<16xi32>
        %gather3A_637 = tpu.vector_load_idx %arg10[%broadcast_in_dim3A_548, %broadcast_in_dim3A_550, %broadcast_in_dim3A_636, %and3A_540] : memref<2x2x64x128xf32, #tpu.memory_space<vmem>>[vector<16xi32>, vector<16xi32>, vector<16xi32>, vector<16xi32>], vector<16xf32>,
        %broadcast_in_dim3A_638 = vector.broadcast %rem3A_547 : i32 to vector<16xi32>
        tpu.vector_store_idx %arg11[%broadcast_in_dim3A_638, %iota3A, %broadcast_in_dim3A_636], %gather3A_637 : memref<2x16x128xf32, #tpu.memory_space<vmem>>[vector<16xi32>, vector<16xi32>, vector<16xi32>], vector<16xf32>,
        %broadcast_in_dim3A_639 = arith.constant 22 : i32
        %broadcast_in_dim3A_640 = vector.broadcast %broadcast_in_dim3A_639 : i32 to vector<16xi32>
        %gather3A_641 = tpu.vector_load_idx %arg10[%broadcast_in_dim3A_548, %broadcast_in_dim3A_550, %broadcast_in_dim3A_640, %and3A_540] : memref<2x2x64x128xf32, #tpu.memory_space<vmem>>[vector<16xi32>, vector<16xi32>, vector<16xi32>, vector<16xi32>], vector<16xf32>,
        %broadcast_in_dim3A_642 = vector.broadcast %rem3A_547 : i32 to vector<16xi32>
        tpu.vector_store_idx %arg11[%broadcast_in_dim3A_642, %iota3A, %broadcast_in_dim3A_640], %gather3A_641 : memref<2x16x128xf32, #tpu.memory_space<vmem>>[vector<16xi32>, vector<16xi32>, vector<16xi32>], vector<16xf32>,
        %broadcast_in_dim3A_643 = arith.constant 23 : i32
        %broadcast_in_dim3A_644 = vector.broadcast %broadcast_in_dim3A_643 : i32 to vector<16xi32>
        %gather3A_645 = tpu.vector_load_idx %arg10[%broadcast_in_dim3A_548, %broadcast_in_dim3A_550, %broadcast_in_dim3A_644, %and3A_540] : memref<2x2x64x128xf32, #tpu.memory_space<vmem>>[vector<16xi32>, vector<16xi32>, vector<16xi32>, vector<16xi32>], vector<16xf32>,
        %broadcast_in_dim3A_646 = vector.broadcast %rem3A_547 : i32 to vector<16xi32>
        tpu.vector_store_idx %arg11[%broadcast_in_dim3A_646, %iota3A, %broadcast_in_dim3A_644], %gather3A_645 : memref<2x16x128xf32, #tpu.memory_space<vmem>>[vector<16xi32>, vector<16xi32>, vector<16xi32>], vector<16xf32>,
        %broadcast_in_dim3A_647 = arith.constant 24 : i32
        %broadcast_in_dim3A_648 = vector.broadcast %broadcast_in_dim3A_647 : i32 to vector<16xi32>
        %gather3A_649 = tpu.vector_load_idx %arg10[%broadcast_in_dim3A_548, %broadcast_in_dim3A_550, %broadcast_in_dim3A_648, %and3A_540] : memref<2x2x64x128xf32, #tpu.memory_space<vmem>>[vector<16xi32>, vector<16xi32>, vector<16xi32>, vector<16xi32>], vector<16xf32>,
        %broadcast_in_dim3A_650 = vector.broadcast %rem3A_547 : i32 to vector<16xi32>
        tpu.vector_store_idx %arg11[%broadcast_in_dim3A_650, %iota3A, %broadcast_in_dim3A_648], %gather3A_649 : memref<2x16x128xf32, #tpu.memory_space<vmem>>[vector<16xi32>, vector<16xi32>, vector<16xi32>], vector<16xf32>,
        %broadcast_in_dim3A_651 = arith.constant 25 : i32
        %broadcast_in_dim3A_652 = vector.broadcast %broadcast_in_dim3A_651 : i32 to vector<16xi32>
        %gather3A_653 = tpu.vector_load_idx %arg10[%broadcast_in_dim3A_548, %broadcast_in_dim3A_550, %broadcast_in_dim3A_652, %and3A_540] : memref<2x2x64x128xf32, #tpu.memory_space<vmem>>[vector<16xi32>, vector<16xi32>, vector<16xi32>, vector<16xi32>], vector<16xf32>,
        %broadcast_in_dim3A_654 = vector.broadcast %rem3A_547 : i32 to vector<16xi32>
        tpu.vector_store_idx %arg11[%broadcast_in_dim3A_654, %iota3A, %broadcast_in_dim3A_652], %gather3A_653 : memref<2x16x128xf32, #tpu.memory_space<vmem>>[vector<16xi32>, vector<16xi32>, vector<16xi32>], vector<16xf32>,
        %broadcast_in_dim3A_655 = arith.constant 26 : i32
        %broadcast_in_dim3A_656 = vector.broadcast %broadcast_in_dim3A_655 : i32 to vector<16xi32>
        %gather3A_657 = tpu.vector_load_idx %arg10[%broadcast_in_dim3A_548, %broadcast_in_dim3A_550, %broadcast_in_dim3A_656, %and3A_540] : memref<2x2x64x128xf32, #tpu.memory_space<vmem>>[vector<16xi32>, vector<16xi32>, vector<16xi32>, vector<16xi32>], vector<16xf32>,
        %broadcast_in_dim3A_658 = vector.broadcast %rem3A_547 : i32 to vector<16xi32>
        tpu.vector_store_idx %arg11[%broadcast_in_dim3A_658, %iota3A, %broadcast_in_dim3A_656], %gather3A_657 : memref<2x16x128xf32, #tpu.memory_space<vmem>>[vector<16xi32>, vector<16xi32>, vector<16xi32>], vector<16xf32>,
        %broadcast_in_dim3A_659 = arith.constant 27 : i32
        %broadcast_in_dim3A_660 = vector.broadcast %broadcast_in_dim3A_659 : i32 to vector<16xi32>
        %gather3A_661 = tpu.vector_load_idx %arg10[%broadcast_in_dim3A_548, %broadcast_in_dim3A_550, %broadcast_in_dim3A_660, %and3A_540] : memref<2x2x64x128xf32, #tpu.memory_space<vmem>>[vector<16xi32>, vector<16xi32>, vector<16xi32>, vector<16xi32>], vector<16xf32>,
        %broadcast_in_dim3A_662 = vector.broadcast %rem3A_547 : i32 to vector<16xi32>
        tpu.vector_store_idx %arg11[%broadcast_in_dim3A_662, %iota3A, %broadcast_in_dim3A_660], %gather3A_661 : memref<2x16x128xf32, #tpu.memory_space<vmem>>[vector<16xi32>, vector<16xi32>, vector<16xi32>], vector<16xf32>,
        %broadcast_in_dim3A_663 = arith.constant 28 : i32
        %broadcast_in_dim3A_664 = vector.broadcast %broadcast_in_dim3A_663 : i32 to vector<16xi32>
        %gather3A_665 = tpu.vector_load_idx %arg10[%broadcast_in_dim3A_548, %broadcast_in_dim3A_550, %broadcast_in_dim3A_664, %and3A_540] : memref<2x2x64x128xf32, #tpu.memory_space<vmem>>[vector<16xi32>, vector<16xi32>, vector<16xi32>, vector<16xi32>], vector<16xf32>,
        %broadcast_in_dim3A_666 = vector.broadcast %rem3A_547 : i32 to vector<16xi32>
        tpu.vector_store_idx %arg11[%broadcast_in_dim3A_666, %iota3A, %broadcast_in_dim3A_664], %gather3A_665 : memref<2x16x128xf32, #tpu.memory_space<vmem>>[vector<16xi32>, vector<16xi32>, vector<16xi32>], vector<16xf32>,
        %broadcast_in_dim3A_667 = arith.constant 29 : i32
        %broadcast_in_dim3A_668 = vector.broadcast %broadcast_in_dim3A_667 : i32 to vector<16xi32>
        %gather3A_669 = tpu.vector_load_idx %arg10[%broadcast_in_dim3A_548, %broadcast_in_dim3A_550, %broadcast_in_dim3A_668, %and3A_540] : memref<2x2x64x128xf32, #tpu.memory_space<vmem>>[vector<16xi32>, vector<16xi32>, vector<16xi32>, vector<16xi32>], vector<16xf32>,
        %broadcast_in_dim3A_670 = vector.broadcast %rem3A_547 : i32 to vector<16xi32>
        tpu.vector_store_idx %arg11[%broadcast_in_dim3A_670, %iota3A, %broadcast_in_dim3A_668], %gather3A_669 : memref<2x16x128xf32, #tpu.memory_space<vmem>>[vector<16xi32>, vector<16xi32>, vector<16xi32>], vector<16xf32>,
        %broadcast_in_dim3A_671 = arith.constant 30 : i32
        %broadcast_in_dim3A_672 = vector.broadcast %broadcast_in_dim3A_671 : i32 to vector<16xi32>
        %gather3A_673 = tpu.vector_load_idx %arg10[%broadcast_in_dim3A_548, %broadcast_in_dim3A_550, %broadcast_in_dim3A_672, %and3A_540] : memref<2x2x64x128xf32, #tpu.memory_space<vmem>>[vector<16xi32>, vector<16xi32>, vector<16xi32>, vector<16xi32>], vector<16xf32>,
        %broadcast_in_dim3A_674 = vector.broadcast %rem3A_547 : i32 to vector<16xi32>
        tpu.vector_store_idx %arg11[%broadcast_in_dim3A_674, %iota3A, %broadcast_in_dim3A_672], %gather3A_673 : memref<2x16x128xf32, #tpu.memory_space<vmem>>[vector<16xi32>, vector<16xi32>, vector<16xi32>], vector<16xf32>,
        %broadcast_in_dim3A_675 = arith.constant 31 : i32
        %broadcast_in_dim3A_676 = vector.broadcast %broadcast_in_dim3A_675 : i32 to vector<16xi32>
        %gather3A_677 = tpu.vector_load_idx %arg10[%broadcast_in_dim3A_548, %broadcast_in_dim3A_550, %broadcast_in_dim3A_676, %and3A_540] : memref<2x2x64x128xf32, #tpu.memory_space<vmem>>[vector<16xi32>, vector<16xi32>, vector<16xi32>, vector<16xi32>], vector<16xf32>,
        %broadcast_in_dim3A_678 = vector.broadcast %rem3A_547 : i32 to vector<16xi32>
        tpu.vector_store_idx %arg11[%broadcast_in_dim3A_678, %iota3A, %broadcast_in_dim3A_676], %gather3A_677 : memref<2x16x128xf32, #tpu.memory_space<vmem>>[vector<16xi32>, vector<16xi32>, vector<16xi32>], vector<16xf32>,
        %broadcast_in_dim3A_679 = arith.constant 32 : i32
        %broadcast_in_dim3A_680 = vector.broadcast %broadcast_in_dim3A_679 : i32 to vector<16xi32>
        %gather3A_681 = tpu.vector_load_idx %arg10[%broadcast_in_dim3A_548, %broadcast_in_dim3A_550, %broadcast_in_dim3A_680, %and3A_540] : memref<2x2x64x128xf32, #tpu.memory_space<vmem>>[vector<16xi32>, vector<16xi32>, vector<16xi32>, vector<16xi32>], vector<16xf32>,
        %broadcast_in_dim3A_682 = vector.broadcast %rem3A_547 : i32 to vector<16xi32>
        tpu.vector_store_idx %arg11[%broadcast_in_dim3A_682, %iota3A, %broadcast_in_dim3A_680], %gather3A_681 : memref<2x16x128xf32, #tpu.memory_space<vmem>>[vector<16xi32>, vector<16xi32>, vector<16xi32>], vector<16xf32>,
        %broadcast_in_dim3A_683 = arith.constant 33 : i32
        %broadcast_in_dim3A_684 = vector.broadcast %broadcast_in_dim3A_683 : i32 to vector<16xi32>
        %gather3A_685 = tpu.vector_load_idx %arg10[%broadcast_in_dim3A_548, %broadcast_in_dim3A_550, %broadcast_in_dim3A_684, %and3A_540] : memref<2x2x64x128xf32, #tpu.memory_space<vmem>>[vector<16xi32>, vector<16xi32>, vector<16xi32>, vector<16xi32>], vector<16xf32>,
        %broadcast_in_dim3A_686 = vector.broadcast %rem3A_547 : i32 to vector<16xi32>
        tpu.vector_store_idx %arg11[%broadcast_in_dim3A_686, %iota3A, %broadcast_in_dim3A_684], %gather3A_685 : memref<2x16x128xf32, #tpu.memory_space<vmem>>[vector<16xi32>, vector<16xi32>, vector<16xi32>], vector<16xf32>,
        %broadcast_in_dim3A_687 = arith.constant 34 : i32
        %broadcast_in_dim3A_688 = vector.broadcast %broadcast_in_dim3A_687 : i32 to vector<16xi32>
        %gather3A_689 = tpu.vector_load_idx %arg10[%broadcast_in_dim3A_548, %broadcast_in_dim3A_550, %broadcast_in_dim3A_688, %and3A_540] : memref<2x2x64x128xf32, #tpu.memory_space<vmem>>[vector<16xi32>, vector<16xi32>, vector<16xi32>, vector<16xi32>], vector<16xf32>,
        %broadcast_in_dim3A_690 = vector.broadcast %rem3A_547 : i32 to vector<16xi32>
        tpu.vector_store_idx %arg11[%broadcast_in_dim3A_690, %iota3A, %broadcast_in_dim3A_688], %gather3A_689 : memref<2x16x128xf32, #tpu.memory_space<vmem>>[vector<16xi32>, vector<16xi32>, vector<16xi32>], vector<16xf32>,
        %broadcast_in_dim3A_691 = arith.constant 35 : i32
        %broadcast_in_dim3A_692 = vector.broadcast %broadcast_in_dim3A_691 : i32 to vector<16xi32>
        %gather3A_693 = tpu.vector_load_idx %arg10[%broadcast_in_dim3A_548, %broadcast_in_dim3A_550, %broadcast_in_dim3A_692, %and3A_540] : memref<2x2x64x128xf32, #tpu.memory_space<vmem>>[vector<16xi32>, vector<16xi32>, vector<16xi32>, vector<16xi32>], vector<16xf32>,
        %broadcast_in_dim3A_694 = vector.broadcast %rem3A_547 : i32 to vector<16xi32>
        tpu.vector_store_idx %arg11[%broadcast_in_dim3A_694, %iota3A, %broadcast_in_dim3A_692], %gather3A_693 : memref<2x16x128xf32, #tpu.memory_space<vmem>>[vector<16xi32>, vector<16xi32>, vector<16xi32>], vector<16xf32>,
        %broadcast_in_dim3A_695 = arith.constant 36 : i32
        %broadcast_in_dim3A_696 = vector.broadcast %broadcast_in_dim3A_695 : i32 to vector<16xi32>
        %gather3A_697 = tpu.vector_load_idx %arg10[%broadcast_in_dim3A_548, %broadcast_in_dim3A_550, %broadcast_in_dim3A_696, %and3A_540] : memref<2x2x64x128xf32, #tpu.memory_space<vmem>>[vector<16xi32>, vector<16xi32>, vector<16xi32>, vector<16xi32>], vector<16xf32>,
        %broadcast_in_dim3A_698 = vector.broadcast %rem3A_547 : i32 to vector<16xi32>
        tpu.vector_store_idx %arg11[%broadcast_in_dim3A_698, %iota3A, %broadcast_in_dim3A_696], %gather3A_697 : memref<2x16x128xf32, #tpu.memory_space<vmem>>[vector<16xi32>, vector<16xi32>, vector<16xi32>], vector<16xf32>,
        %broadcast_in_dim3A_699 = arith.constant 37 : i32
        %broadcast_in_dim3A_700 = vector.broadcast %broadcast_in_dim3A_699 : i32 to vector<16xi32>
        %gather3A_701 = tpu.vector_load_idx %arg10[%broadcast_in_dim3A_548, %broadcast_in_dim3A_550, %broadcast_in_dim3A_700, %and3A_540] : memref<2x2x64x128xf32, #tpu.memory_space<vmem>>[vector<16xi32>, vector<16xi32>, vector<16xi32>, vector<16xi32>], vector<16xf32>,
        %broadcast_in_dim3A_702 = vector.broadcast %rem3A_547 : i32 to vector<16xi32>
        tpu.vector_store_idx %arg11[%broadcast_in_dim3A_702, %iota3A, %broadcast_in_dim3A_700], %gather3A_701 : memref<2x16x128xf32, #tpu.memory_space<vmem>>[vector<16xi32>, vector<16xi32>, vector<16xi32>], vector<16xf32>,
        %broadcast_in_dim3A_703 = arith.constant 38 : i32
        %broadcast_in_dim3A_704 = vector.broadcast %broadcast_in_dim3A_703 : i32 to vector<16xi32>
        %gather3A_705 = tpu.vector_load_idx %arg10[%broadcast_in_dim3A_548, %broadcast_in_dim3A_550, %broadcast_in_dim3A_704, %and3A_540] : memref<2x2x64x128xf32, #tpu.memory_space<vmem>>[vector<16xi32>, vector<16xi32>, vector<16xi32>, vector<16xi32>], vector<16xf32>,
        %broadcast_in_dim3A_706 = vector.broadcast %rem3A_547 : i32 to vector<16xi32>
        tpu.vector_store_idx %arg11[%broadcast_in_dim3A_706, %iota3A, %broadcast_in_dim3A_704], %gather3A_705 : memref<2x16x128xf32, #tpu.memory_space<vmem>>[vector<16xi32>, vector<16xi32>, vector<16xi32>], vector<16xf32>,
        %broadcast_in_dim3A_707 = arith.constant 39 : i32
        %broadcast_in_dim3A_708 = vector.broadcast %broadcast_in_dim3A_707 : i32 to vector<16xi32>
        %gather3A_709 = tpu.vector_load_idx %arg10[%broadcast_in_dim3A_548, %broadcast_in_dim3A_550, %broadcast_in_dim3A_708, %and3A_540] : memref<2x2x64x128xf32, #tpu.memory_space<vmem>>[vector<16xi32>, vector<16xi32>, vector<16xi32>, vector<16xi32>], vector<16xf32>,
        %broadcast_in_dim3A_710 = vector.broadcast %rem3A_547 : i32 to vector<16xi32>
        tpu.vector_store_idx %arg11[%broadcast_in_dim3A_710, %iota3A, %broadcast_in_dim3A_708], %gather3A_709 : memref<2x16x128xf32, #tpu.memory_space<vmem>>[vector<16xi32>, vector<16xi32>, vector<16xi32>], vector<16xf32>,
        %broadcast_in_dim3A_711 = arith.constant 40 : i32
        %broadcast_in_dim3A_712 = vector.broadcast %broadcast_in_dim3A_711 : i32 to vector<16xi32>
        %gather3A_713 = tpu.vector_load_idx %arg10[%broadcast_in_dim3A_548, %broadcast_in_dim3A_550, %broadcast_in_dim3A_712, %and3A_540] : memref<2x2x64x128xf32, #tpu.memory_space<vmem>>[vector<16xi32>, vector<16xi32>, vector<16xi32>, vector<16xi32>], vector<16xf32>,
        %broadcast_in_dim3A_714 = vector.broadcast %rem3A_547 : i32 to vector<16xi32>
        tpu.vector_store_idx %arg11[%broadcast_in_dim3A_714, %iota3A, %broadcast_in_dim3A_712], %gather3A_713 : memref<2x16x128xf32, #tpu.memory_space<vmem>>[vector<16xi32>, vector<16xi32>, vector<16xi32>], vector<16xf32>,
        %broadcast_in_dim3A_715 = arith.constant 41 : i32
        %broadcast_in_dim3A_716 = vector.broadcast %broadcast_in_dim3A_715 : i32 to vector<16xi32>
        %gather3A_717 = tpu.vector_load_idx %arg10[%broadcast_in_dim3A_548, %broadcast_in_dim3A_550, %broadcast_in_dim3A_716, %and3A_540] : memref<2x2x64x128xf32, #tpu.memory_space<vmem>>[vector<16xi32>, vector<16xi32>, vector<16xi32>, vector<16xi32>], vector<16xf32>,
        %broadcast_in_dim3A_718 = vector.broadcast %rem3A_547 : i32 to vector<16xi32>
        tpu.vector_store_idx %arg11[%broadcast_in_dim3A_718, %iota3A, %broadcast_in_dim3A_716], %gather3A_717 : memref<2x16x128xf32, #tpu.memory_space<vmem>>[vector<16xi32>, vector<16xi32>, vector<16xi32>], vector<16xf32>,
        %broadcast_in_dim3A_719 = arith.constant 42 : i32
        %broadcast_in_dim3A_720 = vector.broadcast %broadcast_in_dim3A_719 : i32 to vector<16xi32>
        %gather3A_721 = tpu.vector_load_idx %arg10[%broadcast_in_dim3A_548, %broadcast_in_dim3A_550, %broadcast_in_dim3A_720, %and3A_540] : memref<2x2x64x128xf32, #tpu.memory_space<vmem>>[vector<16xi32>, vector<16xi32>, vector<16xi32>, vector<16xi32>], vector<16xf32>,
        %broadcast_in_dim3A_722 = vector.broadcast %rem3A_547 : i32 to vector<16xi32>
        tpu.vector_store_idx %arg11[%broadcast_in_dim3A_722, %iota3A, %broadcast_in_dim3A_720], %gather3A_721 : memref<2x16x128xf32, #tpu.memory_space<vmem>>[vector<16xi32>, vector<16xi32>, vector<16xi32>], vector<16xf32>,
        %broadcast_in_dim3A_723 = arith.constant 43 : i32
        %broadcast_in_dim3A_724 = vector.broadcast %broadcast_in_dim3A_723 : i32 to vector<16xi32>
        %gather3A_725 = tpu.vector_load_idx %arg10[%broadcast_in_dim3A_548, %broadcast_in_dim3A_550, %broadcast_in_dim3A_724, %and3A_540] : memref<2x2x64x128xf32, #tpu.memory_space<vmem>>[vector<16xi32>, vector<16xi32>, vector<16xi32>, vector<16xi32>], vector<16xf32>,
        %broadcast_in_dim3A_726 = vector.broadcast %rem3A_547 : i32 to vector<16xi32>
        tpu.vector_store_idx %arg11[%broadcast_in_dim3A_726, %iota3A, %broadcast_in_dim3A_724], %gather3A_725 : memref<2x16x128xf32, #tpu.memory_space<vmem>>[vector<16xi32>, vector<16xi32>, vector<16xi32>], vector<16xf32>,
        %broadcast_in_dim3A_727 = arith.constant 44 : i32
        %broadcast_in_dim3A_728 = vector.broadcast %broadcast_in_dim3A_727 : i32 to vector<16xi32>
        %gather3A_729 = tpu.vector_load_idx %arg10[%broadcast_in_dim3A_548, %broadcast_in_dim3A_550, %broadcast_in_dim3A_728, %and3A_540] : memref<2x2x64x128xf32, #tpu.memory_space<vmem>>[vector<16xi32>, vector<16xi32>, vector<16xi32>, vector<16xi32>], vector<16xf32>,
        %broadcast_in_dim3A_730 = vector.broadcast %rem3A_547 : i32 to vector<16xi32>
        tpu.vector_store_idx %arg11[%broadcast_in_dim3A_730, %iota3A, %broadcast_in_dim3A_728], %gather3A_729 : memref<2x16x128xf32, #tpu.memory_space<vmem>>[vector<16xi32>, vector<16xi32>, vector<16xi32>], vector<16xf32>,
        %broadcast_in_dim3A_731 = arith.constant 45 : i32
        %broadcast_in_dim3A_732 = vector.broadcast %broadcast_in_dim3A_731 : i32 to vector<16xi32>
        %gather3A_733 = tpu.vector_load_idx %arg10[%broadcast_in_dim3A_548, %broadcast_in_dim3A_550, %broadcast_in_dim3A_732, %and3A_540] : memref<2x2x64x128xf32, #tpu.memory_space<vmem>>[vector<16xi32>, vector<16xi32>, vector<16xi32>, vector<16xi32>], vector<16xf32>,
        %broadcast_in_dim3A_734 = vector.broadcast %rem3A_547 : i32 to vector<16xi32>
        tpu.vector_store_idx %arg11[%broadcast_in_dim3A_734, %iota3A, %broadcast_in_dim3A_732], %gather3A_733 : memref<2x16x128xf32, #tpu.memory_space<vmem>>[vector<16xi32>, vector<16xi32>, vector<16xi32>], vector<16xf32>,
        %broadcast_in_dim3A_735 = arith.constant 46 : i32
        %broadcast_in_dim3A_736 = vector.broadcast %broadcast_in_dim3A_735 : i32 to vector<16xi32>
        %gather3A_737 = tpu.vector_load_idx %arg10[%broadcast_in_dim3A_548, %broadcast_in_dim3A_550, %broadcast_in_dim3A_736, %and3A_540] : memref<2x2x64x128xf32, #tpu.memory_space<vmem>>[vector<16xi32>, vector<16xi32>, vector<16xi32>, vector<16xi32>], vector<16xf32>,
        %broadcast_in_dim3A_738 = vector.broadcast %rem3A_547 : i32 to vector<16xi32>
        tpu.vector_store_idx %arg11[%broadcast_in_dim3A_738, %iota3A, %broadcast_in_dim3A_736], %gather3A_737 : memref<2x16x128xf32, #tpu.memory_space<vmem>>[vector<16xi32>, vector<16xi32>, vector<16xi32>], vector<16xf32>,
        %broadcast_in_dim3A_739 = arith.constant 47 : i32
        %broadcast_in_dim3A_740 = vector.broadcast %broadcast_in_dim3A_739 : i32 to vector<16xi32>
        %gather3A_741 = tpu.vector_load_idx %arg10[%broadcast_in_dim3A_548, %broadcast_in_dim3A_550, %broadcast_in_dim3A_740, %and3A_540] : memref<2x2x64x128xf32, #tpu.memory_space<vmem>>[vector<16xi32>, vector<16xi32>, vector<16xi32>, vector<16xi32>], vector<16xf32>,
        %broadcast_in_dim3A_742 = vector.broadcast %rem3A_547 : i32 to vector<16xi32>
        tpu.vector_store_idx %arg11[%broadcast_in_dim3A_742, %iota3A, %broadcast_in_dim3A_740], %gather3A_741 : memref<2x16x128xf32, #tpu.memory_space<vmem>>[vector<16xi32>, vector<16xi32>, vector<16xi32>], vector<16xf32>,
        %broadcast_in_dim3A_743 = arith.constant 48 : i32
        %broadcast_in_dim3A_744 = vector.broadcast %broadcast_in_dim3A_743 : i32 to vector<16xi32>
        %gather3A_745 = tpu.vector_load_idx %arg10[%broadcast_in_dim3A_548, %broadcast_in_dim3A_550, %broadcast_in_dim3A_744, %and3A_540] : memref<2x2x64x128xf32, #tpu.memory_space<vmem>>[vector<16xi32>, vector<16xi32>, vector<16xi32>, vector<16xi32>], vector<16xf32>,
        %broadcast_in_dim3A_746 = vector.broadcast %rem3A_547 : i32 to vector<16xi32>
        tpu.vector_store_idx %arg11[%broadcast_in_dim3A_746, %iota3A, %broadcast_in_dim3A_744], %gather3A_745 : memref<2x16x128xf32, #tpu.memory_space<vmem>>[vector<16xi32>, vector<16xi32>, vector<16xi32>], vector<16xf32>,
        %broadcast_in_dim3A_747 = arith.constant 49 : i32
        %broadcast_in_dim3A_748 = vector.broadcast %broadcast_in_dim3A_747 : i32 to vector<16xi32>
        %gather3A_749 = tpu.vector_load_idx %arg10[%broadcast_in_dim3A_548, %broadcast_in_dim3A_550, %broadcast_in_dim3A_748, %and3A_540] : memref<2x2x64x128xf32, #tpu.memory_space<vmem>>[vector<16xi32>, vector<16xi32>, vector<16xi32>, vector<16xi32>], vector<16xf32>,
        %broadcast_in_dim3A_750 = vector.broadcast %rem3A_547 : i32 to vector<16xi32>
        tpu.vector_store_idx %arg11[%broadcast_in_dim3A_750, %iota3A, %broadcast_in_dim3A_748], %gather3A_749 : memref<2x16x128xf32, #tpu.memory_space<vmem>>[vector<16xi32>, vector<16xi32>, vector<16xi32>], vector<16xf32>,
        %broadcast_in_dim3A_751 = arith.constant 50 : i32
        %broadcast_in_dim3A_752 = vector.broadcast %broadcast_in_dim3A_751 : i32 to vector<16xi32>
        %gather3A_753 = tpu.vector_load_idx %arg10[%broadcast_in_dim3A_548, %broadcast_in_dim3A_550, %broadcast_in_dim3A_752, %and3A_540] : memref<2x2x64x128xf32, #tpu.memory_space<vmem>>[vector<16xi32>, vector<16xi32>, vector<16xi32>, vector<16xi32>], vector<16xf32>,
        %broadcast_in_dim3A_754 = vector.broadcast %rem3A_547 : i32 to vector<16xi32>
        tpu.vector_store_idx %arg11[%broadcast_in_dim3A_754, %iota3A, %broadcast_in_dim3A_752], %gather3A_753 : memref<2x16x128xf32, #tpu.memory_space<vmem>>[vector<16xi32>, vector<16xi32>, vector<16xi32>], vector<16xf32>,
        %broadcast_in_dim3A_755 = arith.constant 51 : i32
        %broadcast_in_dim3A_756 = vector.broadcast %broadcast_in_dim3A_755 : i32 to vector<16xi32>
        %gather3A_757 = tpu.vector_load_idx %arg10[%broadcast_in_dim3A_548, %broadcast_in_dim3A_550, %broadcast_in_dim3A_756, %and3A_540] : memref<2x2x64x128xf32, #tpu.memory_space<vmem>>[vector<16xi32>, vector<16xi32>, vector<16xi32>, vector<16xi32>], vector<16xf32>,
        %broadcast_in_dim3A_758 = vector.broadcast %rem3A_547 : i32 to vector<16xi32>
        tpu.vector_store_idx %arg11[%broadcast_in_dim3A_758, %iota3A, %broadcast_in_dim3A_756], %gather3A_757 : memref<2x16x128xf32, #tpu.memory_space<vmem>>[vector<16xi32>, vector<16xi32>, vector<16xi32>], vector<16xf32>,
        %broadcast_in_dim3A_759 = arith.constant 52 : i32
        %broadcast_in_dim3A_760 = vector.broadcast %broadcast_in_dim3A_759 : i32 to vector<16xi32>
        %gather3A_761 = tpu.vector_load_idx %arg10[%broadcast_in_dim3A_548, %broadcast_in_dim3A_550, %broadcast_in_dim3A_760, %and3A_540] : memref<2x2x64x128xf32, #tpu.memory_space<vmem>>[vector<16xi32>, vector<16xi32>, vector<16xi32>, vector<16xi32>], vector<16xf32>,
        %broadcast_in_dim3A_762 = vector.broadcast %rem3A_547 : i32 to vector<16xi32>
        tpu.vector_store_idx %arg11[%broadcast_in_dim3A_762, %iota3A, %broadcast_in_dim3A_760], %gather3A_761 : memref<2x16x128xf32, #tpu.memory_space<vmem>>[vector<16xi32>, vector<16xi32>, vector<16xi32>], vector<16xf32>,
        %broadcast_in_dim3A_763 = arith.constant 53 : i32
        %broadcast_in_dim3A_764 = vector.broadcast %broadcast_in_dim3A_763 : i32 to vector<16xi32>
        %gather3A_765 = tpu.vector_load_idx %arg10[%broadcast_in_dim3A_548, %broadcast_in_dim3A_550, %broadcast_in_dim3A_764, %and3A_540] : memref<2x2x64x128xf32, #tpu.memory_space<vmem>>[vector<16xi32>, vector<16xi32>, vector<16xi32>, vector<16xi32>], vector<16xf32>,
        %broadcast_in_dim3A_766 = vector.broadcast %rem3A_547 : i32 to vector<16xi32>
        tpu.vector_store_idx %arg11[%broadcast_in_dim3A_766, %iota3A, %broadcast_in_dim3A_764], %gather3A_765 : memref<2x16x128xf32, #tpu.memory_space<vmem>>[vector<16xi32>, vector<16xi32>, vector<16xi32>], vector<16xf32>,
        %broadcast_in_dim3A_767 = arith.constant 54 : i32
        %broadcast_in_dim3A_768 = vector.broadcast %broadcast_in_dim3A_767 : i32 to vector<16xi32>
        %gather3A_769 = tpu.vector_load_idx %arg10[%broadcast_in_dim3A_548, %broadcast_in_dim3A_550, %broadcast_in_dim3A_768, %and3A_540] : memref<2x2x64x128xf32, #tpu.memory_space<vmem>>[vector<16xi32>, vector<16xi32>, vector<16xi32>, vector<16xi32>], vector<16xf32>,
        %broadcast_in_dim3A_770 = vector.broadcast %rem3A_547 : i32 to vector<16xi32>
        tpu.vector_store_idx %arg11[%broadcast_in_dim3A_770, %iota3A, %broadcast_in_dim3A_768], %gather3A_769 : memref<2x16x128xf32, #tpu.memory_space<vmem>>[vector<16xi32>, vector<16xi32>, vector<16xi32>], vector<16xf32>,
        %broadcast_in_dim3A_771 = arith.constant 55 : i32
        %broadcast_in_dim3A_772 = vector.broadcast %broadcast_in_dim3A_771 : i32 to vector<16xi32>
        %gather3A_773 = tpu.vector_load_idx %arg10[%broadcast_in_dim3A_548, %broadcast_in_dim3A_550, %broadcast_in_dim3A_772, %and3A_540] : memref<2x2x64x128xf32, #tpu.memory_space<vmem>>[vector<16xi32>, vector<16xi32>, vector<16xi32>, vector<16xi32>], vector<16xf32>,
        %broadcast_in_dim3A_774 = vector.broadcast %rem3A_547 : i32 to vector<16xi32>
        tpu.vector_store_idx %arg11[%broadcast_in_dim3A_774, %iota3A, %broadcast_in_dim3A_772], %gather3A_773 : memref<2x16x128xf32, #tpu.memory_space<vmem>>[vector<16xi32>, vector<16xi32>, vector<16xi32>], vector<16xf32>,
        %broadcast_in_dim3A_775 = arith.constant 56 : i32
        %broadcast_in_dim3A_776 = vector.broadcast %broadcast_in_dim3A_775 : i32 to vector<16xi32>
        %gather3A_777 = tpu.vector_load_idx %arg10[%broadcast_in_dim3A_548, %broadcast_in_dim3A_550, %broadcast_in_dim3A_776, %and3A_540] : memref<2x2x64x128xf32, #tpu.memory_space<vmem>>[vector<16xi32>, vector<16xi32>, vector<16xi32>, vector<16xi32>], vector<16xf32>,
        %broadcast_in_dim3A_778 = vector.broadcast %rem3A_547 : i32 to vector<16xi32>
        tpu.vector_store_idx %arg11[%broadcast_in_dim3A_778, %iota3A, %broadcast_in_dim3A_776], %gather3A_777 : memref<2x16x128xf32, #tpu.memory_space<vmem>>[vector<16xi32>, vector<16xi32>, vector<16xi32>], vector<16xf32>,
        %broadcast_in_dim3A_779 = arith.constant 57 : i32
        %broadcast_in_dim3A_780 = vector.broadcast %broadcast_in_dim3A_779 : i32 to vector<16xi32>
        %gather3A_781 = tpu.vector_load_idx %arg10[%broadcast_in_dim3A_548, %broadcast_in_dim3A_550, %broadcast_in_dim3A_780, %and3A_540] : memref<2x2x64x128xf32, #tpu.memory_space<vmem>>[vector<16xi32>, vector<16xi32>, vector<16xi32>, vector<16xi32>], vector<16xf32>,
        %broadcast_in_dim3A_782 = vector.broadcast %rem3A_547 : i32 to vector<16xi32>
        tpu.vector_store_idx %arg11[%broadcast_in_dim3A_782, %iota3A, %broadcast_in_dim3A_780], %gather3A_781 : memref<2x16x128xf32, #tpu.memory_space<vmem>>[vector<16xi32>, vector<16xi32>, vector<16xi32>], vector<16xf32>,
        %broadcast_in_dim3A_783 = arith.constant 58 : i32
        %broadcast_in_dim3A_784 = vector.broadcast %broadcast_in_dim3A_783 : i32 to vector<16xi32>
        %gather3A_785 = tpu.vector_load_idx %arg10[%broadcast_in_dim3A_548, %broadcast_in_dim3A_550, %broadcast_in_dim3A_784, %and3A_540] : memref<2x2x64x128xf32, #tpu.memory_space<vmem>>[vector<16xi32>, vector<16xi32>, vector<16xi32>, vector<16xi32>], vector<16xf32>,
        %broadcast_in_dim3A_786 = vector.broadcast %rem3A_547 : i32 to vector<16xi32>
        tpu.vector_store_idx %arg11[%broadcast_in_dim3A_786, %iota3A, %broadcast_in_dim3A_784], %gather3A_785 : memref<2x16x128xf32, #tpu.memory_space<vmem>>[vector<16xi32>, vector<16xi32>, vector<16xi32>], vector<16xf32>,
        %broadcast_in_dim3A_787 = arith.constant 59 : i32
        %broadcast_in_dim3A_788 = vector.broadcast %broadcast_in_dim3A_787 : i32 to vector<16xi32>
        %gather3A_789 = tpu.vector_load_idx %arg10[%broadcast_in_dim3A_548, %broadcast_in_dim3A_550, %broadcast_in_dim3A_788, %and3A_540] : memref<2x2x64x128xf32, #tpu.memory_space<vmem>>[vector<16xi32>, vector<16xi32>, vector<16xi32>, vector<16xi32>], vector<16xf32>,
        %broadcast_in_dim3A_790 = vector.broadcast %rem3A_547 : i32 to vector<16xi32>
        tpu.vector_store_idx %arg11[%broadcast_in_dim3A_790, %iota3A, %broadcast_in_dim3A_788], %gather3A_789 : memref<2x16x128xf32, #tpu.memory_space<vmem>>[vector<16xi32>, vector<16xi32>, vector<16xi32>], vector<16xf32>,
        %broadcast_in_dim3A_791 = arith.constant 60 : i32
        %broadcast_in_dim3A_792 = vector.broadcast %broadcast_in_dim3A_791 : i32 to vector<16xi32>
        %gather3A_793 = tpu.vector_load_idx %arg10[%broadcast_in_dim3A_548, %broadcast_in_dim3A_550, %broadcast_in_dim3A_792, %and3A_540] : memref<2x2x64x128xf32, #tpu.memory_space<vmem>>[vector<16xi32>, vector<16xi32>, vector<16xi32>, vector<16xi32>], vector<16xf32>,
        %broadcast_in_dim3A_794 = vector.broadcast %rem3A_547 : i32 to vector<16xi32>
        tpu.vector_store_idx %arg11[%broadcast_in_dim3A_794, %iota3A, %broadcast_in_dim3A_792], %gather3A_793 : memref<2x16x128xf32, #tpu.memory_space<vmem>>[vector<16xi32>, vector<16xi32>, vector<16xi32>], vector<16xf32>,
        %broadcast_in_dim3A_795 = arith.constant 61 : i32
        %broadcast_in_dim3A_796 = vector.broadcast %broadcast_in_dim3A_795 : i32 to vector<16xi32>
        %gather3A_797 = tpu.vector_load_idx %arg10[%broadcast_in_dim3A_548, %broadcast_in_dim3A_550, %broadcast_in_dim3A_796, %and3A_540] : memref<2x2x64x128xf32, #tpu.memory_space<vmem>>[vector<16xi32>, vector<16xi32>, vector<16xi32>, vector<16xi32>], vector<16xf32>,
        %broadcast_in_dim3A_798 = vector.broadcast %rem3A_547 : i32 to vector<16xi32>
        tpu.vector_store_idx %arg11[%broadcast_in_dim3A_798, %iota3A, %broadcast_in_dim3A_796], %gather3A_797 : memref<2x16x128xf32, #tpu.memory_space<vmem>>[vector<16xi32>, vector<16xi32>, vector<16xi32>], vector<16xf32>,
        %broadcast_in_dim3A_799 = arith.constant 62 : i32
        %broadcast_in_dim3A_800 = vector.broadcast %broadcast_in_dim3A_799 : i32 to vector<16xi32>
        %gather3A_801 = tpu.vector_load_idx %arg10[%broadcast_in_dim3A_548, %broadcast_in_dim3A_550, %broadcast_in_dim3A_800, %and3A_540] : memref<2x2x64x128xf32, #tpu.memory_space<vmem>>[vector<16xi32>, vector<16xi32>, vector<16xi32>, vector<16xi32>], vector<16xf32>,
        %broadcast_in_dim3A_802 = vector.broadcast %rem3A_547 : i32 to vector<16xi32>
        tpu.vector_store_idx %arg11[%broadcast_in_dim3A_802, %iota3A, %broadcast_in_dim3A_800], %gather3A_801 : memref<2x16x128xf32, #tpu.memory_space<vmem>>[vector<16xi32>, vector<16xi32>, vector<16xi32>], vector<16xf32>,
        %broadcast_in_dim3A_803 = arith.constant 63 : i32
        %broadcast_in_dim3A_804 = vector.broadcast %broadcast_in_dim3A_803 : i32 to vector<16xi32>
        %gather3A_805 = tpu.vector_load_idx %arg10[%broadcast_in_dim3A_548, %broadcast_in_dim3A_550, %broadcast_in_dim3A_804, %and3A_540] : memref<2x2x64x128xf32, #tpu.memory_space<vmem>>[vector<16xi32>, vector<16xi32>, vector<16xi32>, vector<16xi32>], vector<16xf32>,
        %broadcast_in_dim3A_806 = vector.broadcast %rem3A_547 : i32 to vector<16xi32>
        tpu.vector_store_idx %arg11[%broadcast_in_dim3A_806, %iota3A, %broadcast_in_dim3A_804], %gather3A_805 : memref<2x16x128xf32, #tpu.memory_space<vmem>>[vector<16xi32>, vector<16xi32>, vector<16xi32>], vector<16xf32>,
        %swap3A_807 = arith.constant 0 : i32
        %swap3A_808 = arith.index_cast %rem3A_547 : i32 to index
        %swap3A_809 = arith.index_cast %swap3A_807 : i32 to index
        %swap3A_810 = arith.constant 0 : index
        %swap3A_811 = tpu.vector_load %arg12[%swap3A_808, %swap3A_809, %swap3A_810] {strides = array<i32>} : memref<2x1x16xi32, #tpu.memory_space<vmem>>, vector<16xi32>,
        tpu.vector_store %arg12[%swap3A_808, %swap3A_809, %swap3A_810], %and3A_545 {strides = array<i32>} : memref<2x1x16xi32, #tpu.memory_space<vmem>>, vector<16xi32>,
        %add3A_812 = arith.constant 1 : i32
        %add3A_813 = arith.addi %while3A_524, %add3A_812 : i32
        scf.yield %add3A_813 : i32
      }
      %mul3A_465 = arith.constant 2 : i32
      %mul3A_466 = arith.muli %scan3A_384, %mul3A_465 : i32
      %add3A_467 = arith.constant 1 : i32
      %add3A_468 = arith.addi %mul3A_466, %add3A_467 : i32
      %div3A_469 = arith.constant 16 : i32
      %div3A_470 = arith.divsi %add3A_468, %div3A_469 : i32
      %rem3A_471 = arith.constant 16 : i32
      %rem3A_472 = arith.remsi %add3A_468, %rem3A_471 : i32
      %mul3A_473 = arith.constant 16 : i32
      %mul3A_474 = arith.muli %div3A_470, %mul3A_473 : i32
      %multiple_of3A_475 = tpu.assume_multiple %mul3A_474, 16 : i32
      %get3A_476 = arith.index_cast %multiple_of3A_475 : i32 to index
      %get3A_477 = tpu.vector_load %arg7[%get3A_476] {strides = array<i32>} : memref<256xi32, #tpu.memory_space<vmem>>, vector<16xi32>,
      %eq3A_478 = vector.broadcast %rem3A_472 : i32 to vector<16xi32>
      %eq3A_479 = arith.cmpi eq, %iota3A, %eq3A_478 : vector<16xi32>
      %jit3A_480 = arith.constant 0 : i32
      %broadcast_in_dim3A_481 = vector.broadcast %jit3A_480 : i32 to vector<16xi32>
      %select_n3A_482 = arith.select %eq3A_479, %get3A_477, %broadcast_in_dim3A_481 : vector<16xi1>, vector<16xi32>
      %reduce_sum3A_483 = arith.constant true
      %reduce_sum3A_484 = vector.broadcast %reduce_sum3A_483 : i1 to vector<16xi1>
      %reduce_sum3A_485 = tpu.scan <sum>, %select_n3A_482 masked %reduce_sum3A_484 : vector<16xi32>, vector<16xi1> -> vector<16xi32>
      %reduce_sum3A_486 = vector.extract %reduce_sum3A_485[15] : i32 from vector<16xi32>
      %add3A_487 = arith.constant 1 : i32
      %add3A_488 = arith.addi %add3A_468, %add3A_487 : i32
      %div3A_489 = arith.constant 16 : i32
      %div3A_490 = arith.divsi %add3A_488, %div3A_489 : i32
      %rem3A_491 = arith.constant 16 : i32
      %rem3A_492 = arith.remsi %add3A_488, %rem3A_491 : i32
      %mul3A_493 = arith.constant 16 : i32
      %mul3A_494 = arith.muli %div3A_490, %mul3A_493 : i32
      %multiple_of3A_495 = tpu.assume_multiple %mul3A_494, 16 : i32
      %get3A_496 = arith.index_cast %multiple_of3A_495 : i32 to index
      %get3A_497 = tpu.vector_load %arg7[%get3A_496] {strides = array<i32>} : memref<256xi32, #tpu.memory_space<vmem>>, vector<16xi32>,
      %eq3A_498 = vector.broadcast %rem3A_492 : i32 to vector<16xi32>
      %eq3A_499 = arith.cmpi eq, %iota3A, %eq3A_498 : vector<16xi32>
      %jit3A_500 = arith.constant 0 : i32
      %broadcast_in_dim3A_501 = vector.broadcast %jit3A_500 : i32 to vector<16xi32>
      %select_n3A_502 = arith.select %eq3A_499, %get3A_497, %broadcast_in_dim3A_501 : vector<16xi1>, vector<16xi32>
      %reduce_sum3A_503 = arith.constant true
      %reduce_sum3A_504 = vector.broadcast %reduce_sum3A_503 : i1 to vector<16xi1>
      %reduce_sum3A_505 = tpu.scan <sum>, %select_n3A_502 masked %reduce_sum3A_504 : vector<16xi32>, vector<16xi1> -> vector<16xi32>
      %reduce_sum3A_506 = vector.extract %reduce_sum3A_505[15] : i32 from vector<16xi32>
      %sub3A_507 = arith.subi %reduce_sum3A_506, %reduce_sum3A_486 : i32
      %add3A_508 = arith.constant 15 : i32
      %add3A_509 = arith.addi %sub3A_507, %add3A_508 : i32
      %div3A_510 = arith.constant 16 : i32
      %div3A_511 = arith.divsi %add3A_509, %div3A_510 : i32
      %while3A_512 = arith.constant 0 : i32
      %while3A_513 = arith.subi %div3A_511, %while3A_512 : i32
      %while3A_514 = arith.addi %while3A_512, %while3A_513 : i32
      %while3A_515 = arith.constant 1 : i32
      %while3A_516 = arith.divsi %while3A_513, %while3A_515 : i32
      %while3A_517 = arith.muli %while3A_516, %while3A_515 : i32
      %while3A_518 = arith.addi %while3A_512, %while3A_517 : i32
      %while3A_519 = arith.constant 1 : i32
      %while3A_520 = scf.for %while3A_523 = %while3A_512 to %while3A_518 step %while3A_519 iter_args(%while3A_524 = %while3A_464) -> (i32)  : i32 {
        %mul3A_525 = arith.constant 16 : i32
        %mul3A_526 = arith.muli %while3A_523, %mul3A_525 : i32
        %add3A_527 = arith.addi %reduce_sum3A_486, %mul3A_526 : i32
        %add3A_528 = vector.broadcast %add3A_527 : i32 to vector<16xi32>
        %add3A_529 = arith.addi %add3A_528, %iota3A : vector<16xi32>
        %lt3A_530 = vector.broadcast %reduce_sum3A_506 : i32 to vector<16xi32>
        %lt3A_531 = arith.cmpi slt, %add3A_529, %lt3A_530 : vector<16xi32>
        %jit3A_532 = arith.constant 0 : i32
        %broadcast_in_dim3A_533 = vector.broadcast %jit3A_532 : i32 to vector<16xi32>
        %select_n3A_534 = arith.select %lt3A_531, %add3A_529, %broadcast_in_dim3A_533 : vector<16xi1>, vector<16xi32>
        %gather3A = tpu.vector_load_idx %arg9[%select_n3A_534] : memref<16384xi32, #tpu.memory_space<vmem>>[vector<16xi32>], vector<16xi32>,
        %jit3A_535 = arith.constant 2097152 : i32
        %broadcast_in_dim3A_536 = vector.broadcast %jit3A_535 : i32 to vector<16xi32>
        %select_n3A_537 = arith.select %lt3A_531, %gather3A, %broadcast_in_dim3A_536 : vector<16xi1>, vector<16xi32>
        %and3A_538 = arith.constant 127 : i32
        %and3A_539 = vector.broadcast %and3A_538 : i32 to vector<16xi32>
        %and3A_540 = arith.andi %select_n3A_537, %and3A_539 : vector<16xi32>
        %shift_right_logical3A = arith.constant 7 : i32
        %shift_right_logical3A_541 = vector.broadcast %shift_right_logical3A : i32 to vector<16xi32>
        %shift_right_logical3A_542 = arith.shrui %select_n3A_537, %shift_right_logical3A_541 : vector<16xi32>
        %and3A_543 = arith.constant 32767 : i32
        %and3A_544 = vector.broadcast %and3A_543 : i32 to vector<16xi32>
        %and3A_545 = arith.andi %shift_right_logical3A_542, %and3A_544 : vector<16xi32>
        %rem3A_546 = arith.constant 2 : i32
        %rem3A_547 = arith.remsi %while3A_524, %rem3A_546 : i32
        %broadcast_in_dim3A_548 = vector.broadcast %rem3A_386 : i32 to vector<16xi32>
        %broadcast_in_dim3A_549 = arith.constant 1 : i32
        %broadcast_in_dim3A_550 = vector.broadcast %broadcast_in_dim3A_549 : i32 to vector<16xi32>
        %broadcast_in_dim3A_551 = arith.constant 0 : i32
        %broadcast_in_dim3A_552 = vector.broadcast %broadcast_in_dim3A_551 : i32 to vector<16xi32>
        %gather3A_553 = tpu.vector_load_idx %arg10[%broadcast_in_dim3A_548, %broadcast_in_dim3A_550, %broadcast_in_dim3A_552, %and3A_540] : memref<2x2x64x128xf32, #tpu.memory_space<vmem>>[vector<16xi32>, vector<16xi32>, vector<16xi32>, vector<16xi32>], vector<16xf32>,
        %broadcast_in_dim3A_554 = vector.broadcast %rem3A_547 : i32 to vector<16xi32>
        tpu.vector_store_idx %arg11[%broadcast_in_dim3A_554, %iota3A, %broadcast_in_dim3A_552], %gather3A_553 : memref<2x16x128xf32, #tpu.memory_space<vmem>>[vector<16xi32>, vector<16xi32>, vector<16xi32>], vector<16xf32>,
        %broadcast_in_dim3A_555 = arith.constant 1 : i32
        %broadcast_in_dim3A_556 = vector.broadcast %broadcast_in_dim3A_555 : i32 to vector<16xi32>
        %gather3A_557 = tpu.vector_load_idx %arg10[%broadcast_in_dim3A_548, %broadcast_in_dim3A_550, %broadcast_in_dim3A_556, %and3A_540] : memref<2x2x64x128xf32, #tpu.memory_space<vmem>>[vector<16xi32>, vector<16xi32>, vector<16xi32>, vector<16xi32>], vector<16xf32>,
        %broadcast_in_dim3A_558 = vector.broadcast %rem3A_547 : i32 to vector<16xi32>
        tpu.vector_store_idx %arg11[%broadcast_in_dim3A_558, %iota3A, %broadcast_in_dim3A_556], %gather3A_557 : memref<2x16x128xf32, #tpu.memory_space<vmem>>[vector<16xi32>, vector<16xi32>, vector<16xi32>], vector<16xf32>,
        %broadcast_in_dim3A_559 = arith.constant 2 : i32
        %broadcast_in_dim3A_560 = vector.broadcast %broadcast_in_dim3A_559 : i32 to vector<16xi32>
        %gather3A_561 = tpu.vector_load_idx %arg10[%broadcast_in_dim3A_548, %broadcast_in_dim3A_550, %broadcast_in_dim3A_560, %and3A_540] : memref<2x2x64x128xf32, #tpu.memory_space<vmem>>[vector<16xi32>, vector<16xi32>, vector<16xi32>, vector<16xi32>], vector<16xf32>,
        %broadcast_in_dim3A_562 = vector.broadcast %rem3A_547 : i32 to vector<16xi32>
        tpu.vector_store_idx %arg11[%broadcast_in_dim3A_562, %iota3A, %broadcast_in_dim3A_560], %gather3A_561 : memref<2x16x128xf32, #tpu.memory_space<vmem>>[vector<16xi32>, vector<16xi32>, vector<16xi32>], vector<16xf32>,
        %broadcast_in_dim3A_563 = arith.constant 3 : i32
        %broadcast_in_dim3A_564 = vector.broadcast %broadcast_in_dim3A_563 : i32 to vector<16xi32>
        %gather3A_565 = tpu.vector_load_idx %arg10[%broadcast_in_dim3A_548, %broadcast_in_dim3A_550, %broadcast_in_dim3A_564, %and3A_540] : memref<2x2x64x128xf32, #tpu.memory_space<vmem>>[vector<16xi32>, vector<16xi32>, vector<16xi32>, vector<16xi32>], vector<16xf32>,
        %broadcast_in_dim3A_566 = vector.broadcast %rem3A_547 : i32 to vector<16xi32>
        tpu.vector_store_idx %arg11[%broadcast_in_dim3A_566, %iota3A, %broadcast_in_dim3A_564], %gather3A_565 : memref<2x16x128xf32, #tpu.memory_space<vmem>>[vector<16xi32>, vector<16xi32>, vector<16xi32>], vector<16xf32>,
        %broadcast_in_dim3A_567 = arith.constant 4 : i32
        %broadcast_in_dim3A_568 = vector.broadcast %broadcast_in_dim3A_567 : i32 to vector<16xi32>
        %gather3A_569 = tpu.vector_load_idx %arg10[%broadcast_in_dim3A_548, %broadcast_in_dim3A_550, %broadcast_in_dim3A_568, %and3A_540] : memref<2x2x64x128xf32, #tpu.memory_space<vmem>>[vector<16xi32>, vector<16xi32>, vector<16xi32>, vector<16xi32>], vector<16xf32>,
        %broadcast_in_dim3A_570 = vector.broadcast %rem3A_547 : i32 to vector<16xi32>
        tpu.vector_store_idx %arg11[%broadcast_in_dim3A_570, %iota3A, %broadcast_in_dim3A_568], %gather3A_569 : memref<2x16x128xf32, #tpu.memory_space<vmem>>[vector<16xi32>, vector<16xi32>, vector<16xi32>], vector<16xf32>,
        %broadcast_in_dim3A_571 = arith.constant 5 : i32
        %broadcast_in_dim3A_572 = vector.broadcast %broadcast_in_dim3A_571 : i32 to vector<16xi32>
        %gather3A_573 = tpu.vector_load_idx %arg10[%broadcast_in_dim3A_548, %broadcast_in_dim3A_550, %broadcast_in_dim3A_572, %and3A_540] : memref<2x2x64x128xf32, #tpu.memory_space<vmem>>[vector<16xi32>, vector<16xi32>, vector<16xi32>, vector<16xi32>], vector<16xf32>,
        %broadcast_in_dim3A_574 = vector.broadcast %rem3A_547 : i32 to vector<16xi32>
        tpu.vector_store_idx %arg11[%broadcast_in_dim3A_574, %iota3A, %broadcast_in_dim3A_572], %gather3A_573 : memref<2x16x128xf32, #tpu.memory_space<vmem>>[vector<16xi32>, vector<16xi32>, vector<16xi32>], vector<16xf32>,
        %broadcast_in_dim3A_575 = arith.constant 6 : i32
        %broadcast_in_dim3A_576 = vector.broadcast %broadcast_in_dim3A_575 : i32 to vector<16xi32>
        %gather3A_577 = tpu.vector_load_idx %arg10[%broadcast_in_dim3A_548, %broadcast_in_dim3A_550, %broadcast_in_dim3A_576, %and3A_540] : memref<2x2x64x128xf32, #tpu.memory_space<vmem>>[vector<16xi32>, vector<16xi32>, vector<16xi32>, vector<16xi32>], vector<16xf32>,
        %broadcast_in_dim3A_578 = vector.broadcast %rem3A_547 : i32 to vector<16xi32>
        tpu.vector_store_idx %arg11[%broadcast_in_dim3A_578, %iota3A, %broadcast_in_dim3A_576], %gather3A_577 : memref<2x16x128xf32, #tpu.memory_space<vmem>>[vector<16xi32>, vector<16xi32>, vector<16xi32>], vector<16xf32>,
        %broadcast_in_dim3A_579 = arith.constant 7 : i32
        %broadcast_in_dim3A_580 = vector.broadcast %broadcast_in_dim3A_579 : i32 to vector<16xi32>
        %gather3A_581 = tpu.vector_load_idx %arg10[%broadcast_in_dim3A_548, %broadcast_in_dim3A_550, %broadcast_in_dim3A_580, %and3A_540] : memref<2x2x64x128xf32, #tpu.memory_space<vmem>>[vector<16xi32>, vector<16xi32>, vector<16xi32>, vector<16xi32>], vector<16xf32>,
        %broadcast_in_dim3A_582 = vector.broadcast %rem3A_547 : i32 to vector<16xi32>
        tpu.vector_store_idx %arg11[%broadcast_in_dim3A_582, %iota3A, %broadcast_in_dim3A_580], %gather3A_581 : memref<2x16x128xf32, #tpu.memory_space<vmem>>[vector<16xi32>, vector<16xi32>, vector<16xi32>], vector<16xf32>,
        %broadcast_in_dim3A_583 = arith.constant 8 : i32
        %broadcast_in_dim3A_584 = vector.broadcast %broadcast_in_dim3A_583 : i32 to vector<16xi32>
        %gather3A_585 = tpu.vector_load_idx %arg10[%broadcast_in_dim3A_548, %broadcast_in_dim3A_550, %broadcast_in_dim3A_584, %and3A_540] : memref<2x2x64x128xf32, #tpu.memory_space<vmem>>[vector<16xi32>, vector<16xi32>, vector<16xi32>, vector<16xi32>], vector<16xf32>,
        %broadcast_in_dim3A_586 = vector.broadcast %rem3A_547 : i32 to vector<16xi32>
        tpu.vector_store_idx %arg11[%broadcast_in_dim3A_586, %iota3A, %broadcast_in_dim3A_584], %gather3A_585 : memref<2x16x128xf32, #tpu.memory_space<vmem>>[vector<16xi32>, vector<16xi32>, vector<16xi32>], vector<16xf32>,
        %broadcast_in_dim3A_587 = arith.constant 9 : i32
        %broadcast_in_dim3A_588 = vector.broadcast %broadcast_in_dim3A_587 : i32 to vector<16xi32>
        %gather3A_589 = tpu.vector_load_idx %arg10[%broadcast_in_dim3A_548, %broadcast_in_dim3A_550, %broadcast_in_dim3A_588, %and3A_540] : memref<2x2x64x128xf32, #tpu.memory_space<vmem>>[vector<16xi32>, vector<16xi32>, vector<16xi32>, vector<16xi32>], vector<16xf32>,
        %broadcast_in_dim3A_590 = vector.broadcast %rem3A_547 : i32 to vector<16xi32>
        tpu.vector_store_idx %arg11[%broadcast_in_dim3A_590, %iota3A, %broadcast_in_dim3A_588], %gather3A_589 : memref<2x16x128xf32, #tpu.memory_space<vmem>>[vector<16xi32>, vector<16xi32>, vector<16xi32>], vector<16xf32>,
        %broadcast_in_dim3A_591 = arith.constant 10 : i32
        %broadcast_in_dim3A_592 = vector.broadcast %broadcast_in_dim3A_591 : i32 to vector<16xi32>
        %gather3A_593 = tpu.vector_load_idx %arg10[%broadcast_in_dim3A_548, %broadcast_in_dim3A_550, %broadcast_in_dim3A_592, %and3A_540] : memref<2x2x64x128xf32, #tpu.memory_space<vmem>>[vector<16xi32>, vector<16xi32>, vector<16xi32>, vector<16xi32>], vector<16xf32>,
        %broadcast_in_dim3A_594 = vector.broadcast %rem3A_547 : i32 to vector<16xi32>
        tpu.vector_store_idx %arg11[%broadcast_in_dim3A_594, %iota3A, %broadcast_in_dim3A_592], %gather3A_593 : memref<2x16x128xf32, #tpu.memory_space<vmem>>[vector<16xi32>, vector<16xi32>, vector<16xi32>], vector<16xf32>,
        %broadcast_in_dim3A_595 = arith.constant 11 : i32
        %broadcast_in_dim3A_596 = vector.broadcast %broadcast_in_dim3A_595 : i32 to vector<16xi32>
        %gather3A_597 = tpu.vector_load_idx %arg10[%broadcast_in_dim3A_548, %broadcast_in_dim3A_550, %broadcast_in_dim3A_596, %and3A_540] : memref<2x2x64x128xf32, #tpu.memory_space<vmem>>[vector<16xi32>, vector<16xi32>, vector<16xi32>, vector<16xi32>], vector<16xf32>,
        %broadcast_in_dim3A_598 = vector.broadcast %rem3A_547 : i32 to vector<16xi32>
        tpu.vector_store_idx %arg11[%broadcast_in_dim3A_598, %iota3A, %broadcast_in_dim3A_596], %gather3A_597 : memref<2x16x128xf32, #tpu.memory_space<vmem>>[vector<16xi32>, vector<16xi32>, vector<16xi32>], vector<16xf32>,
        %broadcast_in_dim3A_599 = arith.constant 12 : i32
        %broadcast_in_dim3A_600 = vector.broadcast %broadcast_in_dim3A_599 : i32 to vector<16xi32>
        %gather3A_601 = tpu.vector_load_idx %arg10[%broadcast_in_dim3A_548, %broadcast_in_dim3A_550, %broadcast_in_dim3A_600, %and3A_540] : memref<2x2x64x128xf32, #tpu.memory_space<vmem>>[vector<16xi32>, vector<16xi32>, vector<16xi32>, vector<16xi32>], vector<16xf32>,
        %broadcast_in_dim3A_602 = vector.broadcast %rem3A_547 : i32 to vector<16xi32>
        tpu.vector_store_idx %arg11[%broadcast_in_dim3A_602, %iota3A, %broadcast_in_dim3A_600], %gather3A_601 : memref<2x16x128xf32, #tpu.memory_space<vmem>>[vector<16xi32>, vector<16xi32>, vector<16xi32>], vector<16xf32>,
        %broadcast_in_dim3A_603 = arith.constant 13 : i32
        %broadcast_in_dim3A_604 = vector.broadcast %broadcast_in_dim3A_603 : i32 to vector<16xi32>
        %gather3A_605 = tpu.vector_load_idx %arg10[%broadcast_in_dim3A_548, %broadcast_in_dim3A_550, %broadcast_in_dim3A_604, %and3A_540] : memref<2x2x64x128xf32, #tpu.memory_space<vmem>>[vector<16xi32>, vector<16xi32>, vector<16xi32>, vector<16xi32>], vector<16xf32>,
        %broadcast_in_dim3A_606 = vector.broadcast %rem3A_547 : i32 to vector<16xi32>
        tpu.vector_store_idx %arg11[%broadcast_in_dim3A_606, %iota3A, %broadcast_in_dim3A_604], %gather3A_605 : memref<2x16x128xf32, #tpu.memory_space<vmem>>[vector<16xi32>, vector<16xi32>, vector<16xi32>], vector<16xf32>,
        %broadcast_in_dim3A_607 = arith.constant 14 : i32
        %broadcast_in_dim3A_608 = vector.broadcast %broadcast_in_dim3A_607 : i32 to vector<16xi32>
        %gather3A_609 = tpu.vector_load_idx %arg10[%broadcast_in_dim3A_548, %broadcast_in_dim3A_550, %broadcast_in_dim3A_608, %and3A_540] : memref<2x2x64x128xf32, #tpu.memory_space<vmem>>[vector<16xi32>, vector<16xi32>, vector<16xi32>, vector<16xi32>], vector<16xf32>,
        %broadcast_in_dim3A_610 = vector.broadcast %rem3A_547 : i32 to vector<16xi32>
        tpu.vector_store_idx %arg11[%broadcast_in_dim3A_610, %iota3A, %broadcast_in_dim3A_608], %gather3A_609 : memref<2x16x128xf32, #tpu.memory_space<vmem>>[vector<16xi32>, vector<16xi32>, vector<16xi32>], vector<16xf32>,
        %broadcast_in_dim3A_611 = arith.constant 15 : i32
        %broadcast_in_dim3A_612 = vector.broadcast %broadcast_in_dim3A_611 : i32 to vector<16xi32>
        %gather3A_613 = tpu.vector_load_idx %arg10[%broadcast_in_dim3A_548, %broadcast_in_dim3A_550, %broadcast_in_dim3A_612, %and3A_540] : memref<2x2x64x128xf32, #tpu.memory_space<vmem>>[vector<16xi32>, vector<16xi32>, vector<16xi32>, vector<16xi32>], vector<16xf32>,
        %broadcast_in_dim3A_614 = vector.broadcast %rem3A_547 : i32 to vector<16xi32>
        tpu.vector_store_idx %arg11[%broadcast_in_dim3A_614, %iota3A, %broadcast_in_dim3A_612], %gather3A_613 : memref<2x16x128xf32, #tpu.memory_space<vmem>>[vector<16xi32>, vector<16xi32>, vector<16xi32>], vector<16xf32>,
        %broadcast_in_dim3A_615 = arith.constant 16 : i32
        %broadcast_in_dim3A_616 = vector.broadcast %broadcast_in_dim3A_615 : i32 to vector<16xi32>
        %gather3A_617 = tpu.vector_load_idx %arg10[%broadcast_in_dim3A_548, %broadcast_in_dim3A_550, %broadcast_in_dim3A_616, %and3A_540] : memref<2x2x64x128xf32, #tpu.memory_space<vmem>>[vector<16xi32>, vector<16xi32>, vector<16xi32>, vector<16xi32>], vector<16xf32>,
        %broadcast_in_dim3A_618 = vector.broadcast %rem3A_547 : i32 to vector<16xi32>
        tpu.vector_store_idx %arg11[%broadcast_in_dim3A_618, %iota3A, %broadcast_in_dim3A_616], %gather3A_617 : memref<2x16x128xf32, #tpu.memory_space<vmem>>[vector<16xi32>, vector<16xi32>, vector<16xi32>], vector<16xf32>,
        %broadcast_in_dim3A_619 = arith.constant 17 : i32
        %broadcast_in_dim3A_620 = vector.broadcast %broadcast_in_dim3A_619 : i32 to vector<16xi32>
        %gather3A_621 = tpu.vector_load_idx %arg10[%broadcast_in_dim3A_548, %broadcast_in_dim3A_550, %broadcast_in_dim3A_620, %and3A_540] : memref<2x2x64x128xf32, #tpu.memory_space<vmem>>[vector<16xi32>, vector<16xi32>, vector<16xi32>, vector<16xi32>], vector<16xf32>,
        %broadcast_in_dim3A_622 = vector.broadcast %rem3A_547 : i32 to vector<16xi32>
        tpu.vector_store_idx %arg11[%broadcast_in_dim3A_622, %iota3A, %broadcast_in_dim3A_620], %gather3A_621 : memref<2x16x128xf32, #tpu.memory_space<vmem>>[vector<16xi32>, vector<16xi32>, vector<16xi32>], vector<16xf32>,
        %broadcast_in_dim3A_623 = arith.constant 18 : i32
        %broadcast_in_dim3A_624 = vector.broadcast %broadcast_in_dim3A_623 : i32 to vector<16xi32>
        %gather3A_625 = tpu.vector_load_idx %arg10[%broadcast_in_dim3A_548, %broadcast_in_dim3A_550, %broadcast_in_dim3A_624, %and3A_540] : memref<2x2x64x128xf32, #tpu.memory_space<vmem>>[vector<16xi32>, vector<16xi32>, vector<16xi32>, vector<16xi32>], vector<16xf32>,
        %broadcast_in_dim3A_626 = vector.broadcast %rem3A_547 : i32 to vector<16xi32>
        tpu.vector_store_idx %arg11[%broadcast_in_dim3A_626, %iota3A, %broadcast_in_dim3A_624], %gather3A_625 : memref<2x16x128xf32, #tpu.memory_space<vmem>>[vector<16xi32>, vector<16xi32>, vector<16xi32>], vector<16xf32>,
        %broadcast_in_dim3A_627 = arith.constant 19 : i32
        %broadcast_in_dim3A_628 = vector.broadcast %broadcast_in_dim3A_627 : i32 to vector<16xi32>
        %gather3A_629 = tpu.vector_load_idx %arg10[%broadcast_in_dim3A_548, %broadcast_in_dim3A_550, %broadcast_in_dim3A_628, %and3A_540] : memref<2x2x64x128xf32, #tpu.memory_space<vmem>>[vector<16xi32>, vector<16xi32>, vector<16xi32>, vector<16xi32>], vector<16xf32>,
        %broadcast_in_dim3A_630 = vector.broadcast %rem3A_547 : i32 to vector<16xi32>
        tpu.vector_store_idx %arg11[%broadcast_in_dim3A_630, %iota3A, %broadcast_in_dim3A_628], %gather3A_629 : memref<2x16x128xf32, #tpu.memory_space<vmem>>[vector<16xi32>, vector<16xi32>, vector<16xi32>], vector<16xf32>,
        %broadcast_in_dim3A_631 = arith.constant 20 : i32
        %broadcast_in_dim3A_632 = vector.broadcast %broadcast_in_dim3A_631 : i32 to vector<16xi32>
        %gather3A_633 = tpu.vector_load_idx %arg10[%broadcast_in_dim3A_548, %broadcast_in_dim3A_550, %broadcast_in_dim3A_632, %and3A_540] : memref<2x2x64x128xf32, #tpu.memory_space<vmem>>[vector<16xi32>, vector<16xi32>, vector<16xi32>, vector<16xi32>], vector<16xf32>,
        %broadcast_in_dim3A_634 = vector.broadcast %rem3A_547 : i32 to vector<16xi32>
        tpu.vector_store_idx %arg11[%broadcast_in_dim3A_634, %iota3A, %broadcast_in_dim3A_632], %gather3A_633 : memref<2x16x128xf32, #tpu.memory_space<vmem>>[vector<16xi32>, vector<16xi32>, vector<16xi32>], vector<16xf32>,
        %broadcast_in_dim3A_635 = arith.constant 21 : i32
        %broadcast_in_dim3A_636 = vector.broadcast %broadcast_in_dim3A_635 : i32 to vector<16xi32>
        %gather3A_637 = tpu.vector_load_idx %arg10[%broadcast_in_dim3A_548, %broadcast_in_dim3A_550, %broadcast_in_dim3A_636, %and3A_540] : memref<2x2x64x128xf32, #tpu.memory_space<vmem>>[vector<16xi32>, vector<16xi32>, vector<16xi32>, vector<16xi32>], vector<16xf32>,
        %broadcast_in_dim3A_638 = vector.broadcast %rem3A_547 : i32 to vector<16xi32>
        tpu.vector_store_idx %arg11[%broadcast_in_dim3A_638, %iota3A, %broadcast_in_dim3A_636], %gather3A_637 : memref<2x16x128xf32, #tpu.memory_space<vmem>>[vector<16xi32>, vector<16xi32>, vector<16xi32>], vector<16xf32>,
        %broadcast_in_dim3A_639 = arith.constant 22 : i32
        %broadcast_in_dim3A_640 = vector.broadcast %broadcast_in_dim3A_639 : i32 to vector<16xi32>
        %gather3A_641 = tpu.vector_load_idx %arg10[%broadcast_in_dim3A_548, %broadcast_in_dim3A_550, %broadcast_in_dim3A_640, %and3A_540] : memref<2x2x64x128xf32, #tpu.memory_space<vmem>>[vector<16xi32>, vector<16xi32>, vector<16xi32>, vector<16xi32>], vector<16xf32>,
        %broadcast_in_dim3A_642 = vector.broadcast %rem3A_547 : i32 to vector<16xi32>
        tpu.vector_store_idx %arg11[%broadcast_in_dim3A_642, %iota3A, %broadcast_in_dim3A_640], %gather3A_641 : memref<2x16x128xf32, #tpu.memory_space<vmem>>[vector<16xi32>, vector<16xi32>, vector<16xi32>], vector<16xf32>,
        %broadcast_in_dim3A_643 = arith.constant 23 : i32
        %broadcast_in_dim3A_644 = vector.broadcast %broadcast_in_dim3A_643 : i32 to vector<16xi32>
        %gather3A_645 = tpu.vector_load_idx %arg10[%broadcast_in_dim3A_548, %broadcast_in_dim3A_550, %broadcast_in_dim3A_644, %and3A_540] : memref<2x2x64x128xf32, #tpu.memory_space<vmem>>[vector<16xi32>, vector<16xi32>, vector<16xi32>, vector<16xi32>], vector<16xf32>,
        %broadcast_in_dim3A_646 = vector.broadcast %rem3A_547 : i32 to vector<16xi32>
        tpu.vector_store_idx %arg11[%broadcast_in_dim3A_646, %iota3A, %broadcast_in_dim3A_644], %gather3A_645 : memref<2x16x128xf32, #tpu.memory_space<vmem>>[vector<16xi32>, vector<16xi32>, vector<16xi32>], vector<16xf32>,
        %broadcast_in_dim3A_647 = arith.constant 24 : i32
        %broadcast_in_dim3A_648 = vector.broadcast %broadcast_in_dim3A_647 : i32 to vector<16xi32>
        %gather3A_649 = tpu.vector_load_idx %arg10[%broadcast_in_dim3A_548, %broadcast_in_dim3A_550, %broadcast_in_dim3A_648, %and3A_540] : memref<2x2x64x128xf32, #tpu.memory_space<vmem>>[vector<16xi32>, vector<16xi32>, vector<16xi32>, vector<16xi32>], vector<16xf32>,
        %broadcast_in_dim3A_650 = vector.broadcast %rem3A_547 : i32 to vector<16xi32>
        tpu.vector_store_idx %arg11[%broadcast_in_dim3A_650, %iota3A, %broadcast_in_dim3A_648], %gather3A_649 : memref<2x16x128xf32, #tpu.memory_space<vmem>>[vector<16xi32>, vector<16xi32>, vector<16xi32>], vector<16xf32>,
        %broadcast_in_dim3A_651 = arith.constant 25 : i32
        %broadcast_in_dim3A_652 = vector.broadcast %broadcast_in_dim3A_651 : i32 to vector<16xi32>
        %gather3A_653 = tpu.vector_load_idx %arg10[%broadcast_in_dim3A_548, %broadcast_in_dim3A_550, %broadcast_in_dim3A_652, %and3A_540] : memref<2x2x64x128xf32, #tpu.memory_space<vmem>>[vector<16xi32>, vector<16xi32>, vector<16xi32>, vector<16xi32>], vector<16xf32>,
        %broadcast_in_dim3A_654 = vector.broadcast %rem3A_547 : i32 to vector<16xi32>
        tpu.vector_store_idx %arg11[%broadcast_in_dim3A_654, %iota3A, %broadcast_in_dim3A_652], %gather3A_653 : memref<2x16x128xf32, #tpu.memory_space<vmem>>[vector<16xi32>, vector<16xi32>, vector<16xi32>], vector<16xf32>,
        %broadcast_in_dim3A_655 = arith.constant 26 : i32
        %broadcast_in_dim3A_656 = vector.broadcast %broadcast_in_dim3A_655 : i32 to vector<16xi32>
        %gather3A_657 = tpu.vector_load_idx %arg10[%broadcast_in_dim3A_548, %broadcast_in_dim3A_550, %broadcast_in_dim3A_656, %and3A_540] : memref<2x2x64x128xf32, #tpu.memory_space<vmem>>[vector<16xi32>, vector<16xi32>, vector<16xi32>, vector<16xi32>], vector<16xf32>,
        %broadcast_in_dim3A_658 = vector.broadcast %rem3A_547 : i32 to vector<16xi32>
        tpu.vector_store_idx %arg11[%broadcast_in_dim3A_658, %iota3A, %broadcast_in_dim3A_656], %gather3A_657 : memref<2x16x128xf32, #tpu.memory_space<vmem>>[vector<16xi32>, vector<16xi32>, vector<16xi32>], vector<16xf32>,
        %broadcast_in_dim3A_659 = arith.constant 27 : i32
        %broadcast_in_dim3A_660 = vector.broadcast %broadcast_in_dim3A_659 : i32 to vector<16xi32>
        %gather3A_661 = tpu.vector_load_idx %arg10[%broadcast_in_dim3A_548, %broadcast_in_dim3A_550, %broadcast_in_dim3A_660, %and3A_540] : memref<2x2x64x128xf32, #tpu.memory_space<vmem>>[vector<16xi32>, vector<16xi32>, vector<16xi32>, vector<16xi32>], vector<16xf32>,
        %broadcast_in_dim3A_662 = vector.broadcast %rem3A_547 : i32 to vector<16xi32>
        tpu.vector_store_idx %arg11[%broadcast_in_dim3A_662, %iota3A, %broadcast_in_dim3A_660], %gather3A_661 : memref<2x16x128xf32, #tpu.memory_space<vmem>>[vector<16xi32>, vector<16xi32>, vector<16xi32>], vector<16xf32>,
        %broadcast_in_dim3A_663 = arith.constant 28 : i32
        %broadcast_in_dim3A_664 = vector.broadcast %broadcast_in_dim3A_663 : i32 to vector<16xi32>
        %gather3A_665 = tpu.vector_load_idx %arg10[%broadcast_in_dim3A_548, %broadcast_in_dim3A_550, %broadcast_in_dim3A_664, %and3A_540] : memref<2x2x64x128xf32, #tpu.memory_space<vmem>>[vector<16xi32>, vector<16xi32>, vector<16xi32>, vector<16xi32>], vector<16xf32>,
        %broadcast_in_dim3A_666 = vector.broadcast %rem3A_547 : i32 to vector<16xi32>
        tpu.vector_store_idx %arg11[%broadcast_in_dim3A_666, %iota3A, %broadcast_in_dim3A_664], %gather3A_665 : memref<2x16x128xf32, #tpu.memory_space<vmem>>[vector<16xi32>, vector<16xi32>, vector<16xi32>], vector<16xf32>,
        %broadcast_in_dim3A_667 = arith.constant 29 : i32
        %broadcast_in_dim3A_668 = vector.broadcast %broadcast_in_dim3A_667 : i32 to vector<16xi32>
        %gather3A_669 = tpu.vector_load_idx %arg10[%broadcast_in_dim3A_548, %broadcast_in_dim3A_550, %broadcast_in_dim3A_668, %and3A_540] : memref<2x2x64x128xf32, #tpu.memory_space<vmem>>[vector<16xi32>, vector<16xi32>, vector<16xi32>, vector<16xi32>], vector<16xf32>,
        %broadcast_in_dim3A_670 = vector.broadcast %rem3A_547 : i32 to vector<16xi32>
        tpu.vector_store_idx %arg11[%broadcast_in_dim3A_670, %iota3A, %broadcast_in_dim3A_668], %gather3A_669 : memref<2x16x128xf32, #tpu.memory_space<vmem>>[vector<16xi32>, vector<16xi32>, vector<16xi32>], vector<16xf32>,
        %broadcast_in_dim3A_671 = arith.constant 30 : i32
        %broadcast_in_dim3A_672 = vector.broadcast %broadcast_in_dim3A_671 : i32 to vector<16xi32>
        %gather3A_673 = tpu.vector_load_idx %arg10[%broadcast_in_dim3A_548, %broadcast_in_dim3A_550, %broadcast_in_dim3A_672, %and3A_540] : memref<2x2x64x128xf32, #tpu.memory_space<vmem>>[vector<16xi32>, vector<16xi32>, vector<16xi32>, vector<16xi32>], vector<16xf32>,
        %broadcast_in_dim3A_674 = vector.broadcast %rem3A_547 : i32 to vector<16xi32>
        tpu.vector_store_idx %arg11[%broadcast_in_dim3A_674, %iota3A, %broadcast_in_dim3A_672], %gather3A_673 : memref<2x16x128xf32, #tpu.memory_space<vmem>>[vector<16xi32>, vector<16xi32>, vector<16xi32>], vector<16xf32>,
        %broadcast_in_dim3A_675 = arith.constant 31 : i32
        %broadcast_in_dim3A_676 = vector.broadcast %broadcast_in_dim3A_675 : i32 to vector<16xi32>
        %gather3A_677 = tpu.vector_load_idx %arg10[%broadcast_in_dim3A_548, %broadcast_in_dim3A_550, %broadcast_in_dim3A_676, %and3A_540] : memref<2x2x64x128xf32, #tpu.memory_space<vmem>>[vector<16xi32>, vector<16xi32>, vector<16xi32>, vector<16xi32>], vector<16xf32>,
        %broadcast_in_dim3A_678 = vector.broadcast %rem3A_547 : i32 to vector<16xi32>
        tpu.vector_store_idx %arg11[%broadcast_in_dim3A_678, %iota3A, %broadcast_in_dim3A_676], %gather3A_677 : memref<2x16x128xf32, #tpu.memory_space<vmem>>[vector<16xi32>, vector<16xi32>, vector<16xi32>], vector<16xf32>,
        %broadcast_in_dim3A_679 = arith.constant 32 : i32
        %broadcast_in_dim3A_680 = vector.broadcast %broadcast_in_dim3A_679 : i32 to vector<16xi32>
        %gather3A_681 = tpu.vector_load_idx %arg10[%broadcast_in_dim3A_548, %broadcast_in_dim3A_550, %broadcast_in_dim3A_680, %and3A_540] : memref<2x2x64x128xf32, #tpu.memory_space<vmem>>[vector<16xi32>, vector<16xi32>, vector<16xi32>, vector<16xi32>], vector<16xf32>,
        %broadcast_in_dim3A_682 = vector.broadcast %rem3A_547 : i32 to vector<16xi32>
        tpu.vector_store_idx %arg11[%broadcast_in_dim3A_682, %iota3A, %broadcast_in_dim3A_680], %gather3A_681 : memref<2x16x128xf32, #tpu.memory_space<vmem>>[vector<16xi32>, vector<16xi32>, vector<16xi32>], vector<16xf32>,
        %broadcast_in_dim3A_683 = arith.constant 33 : i32
        %broadcast_in_dim3A_684 = vector.broadcast %broadcast_in_dim3A_683 : i32 to vector<16xi32>
        %gather3A_685 = tpu.vector_load_idx %arg10[%broadcast_in_dim3A_548, %broadcast_in_dim3A_550, %broadcast_in_dim3A_684, %and3A_540] : memref<2x2x64x128xf32, #tpu.memory_space<vmem>>[vector<16xi32>, vector<16xi32>, vector<16xi32>, vector<16xi32>], vector<16xf32>,
        %broadcast_in_dim3A_686 = vector.broadcast %rem3A_547 : i32 to vector<16xi32>
        tpu.vector_store_idx %arg11[%broadcast_in_dim3A_686, %iota3A, %broadcast_in_dim3A_684], %gather3A_685 : memref<2x16x128xf32, #tpu.memory_space<vmem>>[vector<16xi32>, vector<16xi32>, vector<16xi32>], vector<16xf32>,
        %broadcast_in_dim3A_687 = arith.constant 34 : i32
        %broadcast_in_dim3A_688 = vector.broadcast %broadcast_in_dim3A_687 : i32 to vector<16xi32>
        %gather3A_689 = tpu.vector_load_idx %arg10[%broadcast_in_dim3A_548, %broadcast_in_dim3A_550, %broadcast_in_dim3A_688, %and3A_540] : memref<2x2x64x128xf32, #tpu.memory_space<vmem>>[vector<16xi32>, vector<16xi32>, vector<16xi32>, vector<16xi32>], vector<16xf32>,
        %broadcast_in_dim3A_690 = vector.broadcast %rem3A_547 : i32 to vector<16xi32>
        tpu.vector_store_idx %arg11[%broadcast_in_dim3A_690, %iota3A, %broadcast_in_dim3A_688], %gather3A_689 : memref<2x16x128xf32, #tpu.memory_space<vmem>>[vector<16xi32>, vector<16xi32>, vector<16xi32>], vector<16xf32>,
        %broadcast_in_dim3A_691 = arith.constant 35 : i32
        %broadcast_in_dim3A_692 = vector.broadcast %broadcast_in_dim3A_691 : i32 to vector<16xi32>
        %gather3A_693 = tpu.vector_load_idx %arg10[%broadcast_in_dim3A_548, %broadcast_in_dim3A_550, %broadcast_in_dim3A_692, %and3A_540] : memref<2x2x64x128xf32, #tpu.memory_space<vmem>>[vector<16xi32>, vector<16xi32>, vector<16xi32>, vector<16xi32>], vector<16xf32>,
        %broadcast_in_dim3A_694 = vector.broadcast %rem3A_547 : i32 to vector<16xi32>
        tpu.vector_store_idx %arg11[%broadcast_in_dim3A_694, %iota3A, %broadcast_in_dim3A_692], %gather3A_693 : memref<2x16x128xf32, #tpu.memory_space<vmem>>[vector<16xi32>, vector<16xi32>, vector<16xi32>], vector<16xf32>,
        %broadcast_in_dim3A_695 = arith.constant 36 : i32
        %broadcast_in_dim3A_696 = vector.broadcast %broadcast_in_dim3A_695 : i32 to vector<16xi32>
        %gather3A_697 = tpu.vector_load_idx %arg10[%broadcast_in_dim3A_548, %broadcast_in_dim3A_550, %broadcast_in_dim3A_696, %and3A_540] : memref<2x2x64x128xf32, #tpu.memory_space<vmem>>[vector<16xi32>, vector<16xi32>, vector<16xi32>, vector<16xi32>], vector<16xf32>,
        %broadcast_in_dim3A_698 = vector.broadcast %rem3A_547 : i32 to vector<16xi32>
        tpu.vector_store_idx %arg11[%broadcast_in_dim3A_698, %iota3A, %broadcast_in_dim3A_696], %gather3A_697 : memref<2x16x128xf32, #tpu.memory_space<vmem>>[vector<16xi32>, vector<16xi32>, vector<16xi32>], vector<16xf32>,
        %broadcast_in_dim3A_699 = arith.constant 37 : i32
        %broadcast_in_dim3A_700 = vector.broadcast %broadcast_in_dim3A_699 : i32 to vector<16xi32>
        %gather3A_701 = tpu.vector_load_idx %arg10[%broadcast_in_dim3A_548, %broadcast_in_dim3A_550, %broadcast_in_dim3A_700, %and3A_540] : memref<2x2x64x128xf32, #tpu.memory_space<vmem>>[vector<16xi32>, vector<16xi32>, vector<16xi32>, vector<16xi32>], vector<16xf32>,
        %broadcast_in_dim3A_702 = vector.broadcast %rem3A_547 : i32 to vector<16xi32>
        tpu.vector_store_idx %arg11[%broadcast_in_dim3A_702, %iota3A, %broadcast_in_dim3A_700], %gather3A_701 : memref<2x16x128xf32, #tpu.memory_space<vmem>>[vector<16xi32>, vector<16xi32>, vector<16xi32>], vector<16xf32>,
        %broadcast_in_dim3A_703 = arith.constant 38 : i32
        %broadcast_in_dim3A_704 = vector.broadcast %broadcast_in_dim3A_703 : i32 to vector<16xi32>
        %gather3A_705 = tpu.vector_load_idx %arg10[%broadcast_in_dim3A_548, %broadcast_in_dim3A_550, %broadcast_in_dim3A_704, %and3A_540] : memref<2x2x64x128xf32, #tpu.memory_space<vmem>>[vector<16xi32>, vector<16xi32>, vector<16xi32>, vector<16xi32>], vector<16xf32>,
        %broadcast_in_dim3A_706 = vector.broadcast %rem3A_547 : i32 to vector<16xi32>
        tpu.vector_store_idx %arg11[%broadcast_in_dim3A_706, %iota3A, %broadcast_in_dim3A_704], %gather3A_705 : memref<2x16x128xf32, #tpu.memory_space<vmem>>[vector<16xi32>, vector<16xi32>, vector<16xi32>], vector<16xf32>,
        %broadcast_in_dim3A_707 = arith.constant 39 : i32
        %broadcast_in_dim3A_708 = vector.broadcast %broadcast_in_dim3A_707 : i32 to vector<16xi32>
        %gather3A_709 = tpu.vector_load_idx %arg10[%broadcast_in_dim3A_548, %broadcast_in_dim3A_550, %broadcast_in_dim3A_708, %and3A_540] : memref<2x2x64x128xf32, #tpu.memory_space<vmem>>[vector<16xi32>, vector<16xi32>, vector<16xi32>, vector<16xi32>], vector<16xf32>,
        %broadcast_in_dim3A_710 = vector.broadcast %rem3A_547 : i32 to vector<16xi32>
        tpu.vector_store_idx %arg11[%broadcast_in_dim3A_710, %iota3A, %broadcast_in_dim3A_708], %gather3A_709 : memref<2x16x128xf32, #tpu.memory_space<vmem>>[vector<16xi32>, vector<16xi32>, vector<16xi32>], vector<16xf32>,
        %broadcast_in_dim3A_711 = arith.constant 40 : i32
        %broadcast_in_dim3A_712 = vector.broadcast %broadcast_in_dim3A_711 : i32 to vector<16xi32>
        %gather3A_713 = tpu.vector_load_idx %arg10[%broadcast_in_dim3A_548, %broadcast_in_dim3A_550, %broadcast_in_dim3A_712, %and3A_540] : memref<2x2x64x128xf32, #tpu.memory_space<vmem>>[vector<16xi32>, vector<16xi32>, vector<16xi32>, vector<16xi32>], vector<16xf32>,
        %broadcast_in_dim3A_714 = vector.broadcast %rem3A_547 : i32 to vector<16xi32>
        tpu.vector_store_idx %arg11[%broadcast_in_dim3A_714, %iota3A, %broadcast_in_dim3A_712], %gather3A_713 : memref<2x16x128xf32, #tpu.memory_space<vmem>>[vector<16xi32>, vector<16xi32>, vector<16xi32>], vector<16xf32>,
        %broadcast_in_dim3A_715 = arith.constant 41 : i32
        %broadcast_in_dim3A_716 = vector.broadcast %broadcast_in_dim3A_715 : i32 to vector<16xi32>
        %gather3A_717 = tpu.vector_load_idx %arg10[%broadcast_in_dim3A_548, %broadcast_in_dim3A_550, %broadcast_in_dim3A_716, %and3A_540] : memref<2x2x64x128xf32, #tpu.memory_space<vmem>>[vector<16xi32>, vector<16xi32>, vector<16xi32>, vector<16xi32>], vector<16xf32>,
        %broadcast_in_dim3A_718 = vector.broadcast %rem3A_547 : i32 to vector<16xi32>
        tpu.vector_store_idx %arg11[%broadcast_in_dim3A_718, %iota3A, %broadcast_in_dim3A_716], %gather3A_717 : memref<2x16x128xf32, #tpu.memory_space<vmem>>[vector<16xi32>, vector<16xi32>, vector<16xi32>], vector<16xf32>,
        %broadcast_in_dim3A_719 = arith.constant 42 : i32
        %broadcast_in_dim3A_720 = vector.broadcast %broadcast_in_dim3A_719 : i32 to vector<16xi32>
        %gather3A_721 = tpu.vector_load_idx %arg10[%broadcast_in_dim3A_548, %broadcast_in_dim3A_550, %broadcast_in_dim3A_720, %and3A_540] : memref<2x2x64x128xf32, #tpu.memory_space<vmem>>[vector<16xi32>, vector<16xi32>, vector<16xi32>, vector<16xi32>], vector<16xf32>,
        %broadcast_in_dim3A_722 = vector.broadcast %rem3A_547 : i32 to vector<16xi32>
        tpu.vector_store_idx %arg11[%broadcast_in_dim3A_722, %iota3A, %broadcast_in_dim3A_720], %gather3A_721 : memref<2x16x128xf32, #tpu.memory_space<vmem>>[vector<16xi32>, vector<16xi32>, vector<16xi32>], vector<16xf32>,
        %broadcast_in_dim3A_723 = arith.constant 43 : i32
        %broadcast_in_dim3A_724 = vector.broadcast %broadcast_in_dim3A_723 : i32 to vector<16xi32>
        %gather3A_725 = tpu.vector_load_idx %arg10[%broadcast_in_dim3A_548, %broadcast_in_dim3A_550, %broadcast_in_dim3A_724, %and3A_540] : memref<2x2x64x128xf32, #tpu.memory_space<vmem>>[vector<16xi32>, vector<16xi32>, vector<16xi32>, vector<16xi32>], vector<16xf32>,
        %broadcast_in_dim3A_726 = vector.broadcast %rem3A_547 : i32 to vector<16xi32>
        tpu.vector_store_idx %arg11[%broadcast_in_dim3A_726, %iota3A, %broadcast_in_dim3A_724], %gather3A_725 : memref<2x16x128xf32, #tpu.memory_space<vmem>>[vector<16xi32>, vector<16xi32>, vector<16xi32>], vector<16xf32>,
        %broadcast_in_dim3A_727 = arith.constant 44 : i32
        %broadcast_in_dim3A_728 = vector.broadcast %broadcast_in_dim3A_727 : i32 to vector<16xi32>
        %gather3A_729 = tpu.vector_load_idx %arg10[%broadcast_in_dim3A_548, %broadcast_in_dim3A_550, %broadcast_in_dim3A_728, %and3A_540] : memref<2x2x64x128xf32, #tpu.memory_space<vmem>>[vector<16xi32>, vector<16xi32>, vector<16xi32>, vector<16xi32>], vector<16xf32>,
        %broadcast_in_dim3A_730 = vector.broadcast %rem3A_547 : i32 to vector<16xi32>
        tpu.vector_store_idx %arg11[%broadcast_in_dim3A_730, %iota3A, %broadcast_in_dim3A_728], %gather3A_729 : memref<2x16x128xf32, #tpu.memory_space<vmem>>[vector<16xi32>, vector<16xi32>, vector<16xi32>], vector<16xf32>,
        %broadcast_in_dim3A_731 = arith.constant 45 : i32
        %broadcast_in_dim3A_732 = vector.broadcast %broadcast_in_dim3A_731 : i32 to vector<16xi32>
        %gather3A_733 = tpu.vector_load_idx %arg10[%broadcast_in_dim3A_548, %broadcast_in_dim3A_550, %broadcast_in_dim3A_732, %and3A_540] : memref<2x2x64x128xf32, #tpu.memory_space<vmem>>[vector<16xi32>, vector<16xi32>, vector<16xi32>, vector<16xi32>], vector<16xf32>,
        %broadcast_in_dim3A_734 = vector.broadcast %rem3A_547 : i32 to vector<16xi32>
        tpu.vector_store_idx %arg11[%broadcast_in_dim3A_734, %iota3A, %broadcast_in_dim3A_732], %gather3A_733 : memref<2x16x128xf32, #tpu.memory_space<vmem>>[vector<16xi32>, vector<16xi32>, vector<16xi32>], vector<16xf32>,
        %broadcast_in_dim3A_735 = arith.constant 46 : i32
        %broadcast_in_dim3A_736 = vector.broadcast %broadcast_in_dim3A_735 : i32 to vector<16xi32>
        %gather3A_737 = tpu.vector_load_idx %arg10[%broadcast_in_dim3A_548, %broadcast_in_dim3A_550, %broadcast_in_dim3A_736, %and3A_540] : memref<2x2x64x128xf32, #tpu.memory_space<vmem>>[vector<16xi32>, vector<16xi32>, vector<16xi32>, vector<16xi32>], vector<16xf32>,
        %broadcast_in_dim3A_738 = vector.broadcast %rem3A_547 : i32 to vector<16xi32>
        tpu.vector_store_idx %arg11[%broadcast_in_dim3A_738, %iota3A, %broadcast_in_dim3A_736], %gather3A_737 : memref<2x16x128xf32, #tpu.memory_space<vmem>>[vector<16xi32>, vector<16xi32>, vector<16xi32>], vector<16xf32>,
        %broadcast_in_dim3A_739 = arith.constant 47 : i32
        %broadcast_in_dim3A_740 = vector.broadcast %broadcast_in_dim3A_739 : i32 to vector<16xi32>
        %gather3A_741 = tpu.vector_load_idx %arg10[%broadcast_in_dim3A_548, %broadcast_in_dim3A_550, %broadcast_in_dim3A_740, %and3A_540] : memref<2x2x64x128xf32, #tpu.memory_space<vmem>>[vector<16xi32>, vector<16xi32>, vector<16xi32>, vector<16xi32>], vector<16xf32>,
        %broadcast_in_dim3A_742 = vector.broadcast %rem3A_547 : i32 to vector<16xi32>
        tpu.vector_store_idx %arg11[%broadcast_in_dim3A_742, %iota3A, %broadcast_in_dim3A_740], %gather3A_741 : memref<2x16x128xf32, #tpu.memory_space<vmem>>[vector<16xi32>, vector<16xi32>, vector<16xi32>], vector<16xf32>,
        %broadcast_in_dim3A_743 = arith.constant 48 : i32
        %broadcast_in_dim3A_744 = vector.broadcast %broadcast_in_dim3A_743 : i32 to vector<16xi32>
        %gather3A_745 = tpu.vector_load_idx %arg10[%broadcast_in_dim3A_548, %broadcast_in_dim3A_550, %broadcast_in_dim3A_744, %and3A_540] : memref<2x2x64x128xf32, #tpu.memory_space<vmem>>[vector<16xi32>, vector<16xi32>, vector<16xi32>, vector<16xi32>], vector<16xf32>,
        %broadcast_in_dim3A_746 = vector.broadcast %rem3A_547 : i32 to vector<16xi32>
        tpu.vector_store_idx %arg11[%broadcast_in_dim3A_746, %iota3A, %broadcast_in_dim3A_744], %gather3A_745 : memref<2x16x128xf32, #tpu.memory_space<vmem>>[vector<16xi32>, vector<16xi32>, vector<16xi32>], vector<16xf32>,
        %broadcast_in_dim3A_747 = arith.constant 49 : i32
        %broadcast_in_dim3A_748 = vector.broadcast %broadcast_in_dim3A_747 : i32 to vector<16xi32>
        %gather3A_749 = tpu.vector_load_idx %arg10[%broadcast_in_dim3A_548, %broadcast_in_dim3A_550, %broadcast_in_dim3A_748, %and3A_540] : memref<2x2x64x128xf32, #tpu.memory_space<vmem>>[vector<16xi32>, vector<16xi32>, vector<16xi32>, vector<16xi32>], vector<16xf32>,
        %broadcast_in_dim3A_750 = vector.broadcast %rem3A_547 : i32 to vector<16xi32>
        tpu.vector_store_idx %arg11[%broadcast_in_dim3A_750, %iota3A, %broadcast_in_dim3A_748], %gather3A_749 : memref<2x16x128xf32, #tpu.memory_space<vmem>>[vector<16xi32>, vector<16xi32>, vector<16xi32>], vector<16xf32>,
        %broadcast_in_dim3A_751 = arith.constant 50 : i32
        %broadcast_in_dim3A_752 = vector.broadcast %broadcast_in_dim3A_751 : i32 to vector<16xi32>
        %gather3A_753 = tpu.vector_load_idx %arg10[%broadcast_in_dim3A_548, %broadcast_in_dim3A_550, %broadcast_in_dim3A_752, %and3A_540] : memref<2x2x64x128xf32, #tpu.memory_space<vmem>>[vector<16xi32>, vector<16xi32>, vector<16xi32>, vector<16xi32>], vector<16xf32>,
        %broadcast_in_dim3A_754 = vector.broadcast %rem3A_547 : i32 to vector<16xi32>
        tpu.vector_store_idx %arg11[%broadcast_in_dim3A_754, %iota3A, %broadcast_in_dim3A_752], %gather3A_753 : memref<2x16x128xf32, #tpu.memory_space<vmem>>[vector<16xi32>, vector<16xi32>, vector<16xi32>], vector<16xf32>,
        %broadcast_in_dim3A_755 = arith.constant 51 : i32
        %broadcast_in_dim3A_756 = vector.broadcast %broadcast_in_dim3A_755 : i32 to vector<16xi32>
        %gather3A_757 = tpu.vector_load_idx %arg10[%broadcast_in_dim3A_548, %broadcast_in_dim3A_550, %broadcast_in_dim3A_756, %and3A_540] : memref<2x2x64x128xf32, #tpu.memory_space<vmem>>[vector<16xi32>, vector<16xi32>, vector<16xi32>, vector<16xi32>], vector<16xf32>,
        %broadcast_in_dim3A_758 = vector.broadcast %rem3A_547 : i32 to vector<16xi32>
        tpu.vector_store_idx %arg11[%broadcast_in_dim3A_758, %iota3A, %broadcast_in_dim3A_756], %gather3A_757 : memref<2x16x128xf32, #tpu.memory_space<vmem>>[vector<16xi32>, vector<16xi32>, vector<16xi32>], vector<16xf32>,
        %broadcast_in_dim3A_759 = arith.constant 52 : i32
        %broadcast_in_dim3A_760 = vector.broadcast %broadcast_in_dim3A_759 : i32 to vector<16xi32>
        %gather3A_761 = tpu.vector_load_idx %arg10[%broadcast_in_dim3A_548, %broadcast_in_dim3A_550, %broadcast_in_dim3A_760, %and3A_540] : memref<2x2x64x128xf32, #tpu.memory_space<vmem>>[vector<16xi32>, vector<16xi32>, vector<16xi32>, vector<16xi32>], vector<16xf32>,
        %broadcast_in_dim3A_762 = vector.broadcast %rem3A_547 : i32 to vector<16xi32>
        tpu.vector_store_idx %arg11[%broadcast_in_dim3A_762, %iota3A, %broadcast_in_dim3A_760], %gather3A_761 : memref<2x16x128xf32, #tpu.memory_space<vmem>>[vector<16xi32>, vector<16xi32>, vector<16xi32>], vector<16xf32>,
        %broadcast_in_dim3A_763 = arith.constant 53 : i32
        %broadcast_in_dim3A_764 = vector.broadcast %broadcast_in_dim3A_763 : i32 to vector<16xi32>
        %gather3A_765 = tpu.vector_load_idx %arg10[%broadcast_in_dim3A_548, %broadcast_in_dim3A_550, %broadcast_in_dim3A_764, %and3A_540] : memref<2x2x64x128xf32, #tpu.memory_space<vmem>>[vector<16xi32>, vector<16xi32>, vector<16xi32>, vector<16xi32>], vector<16xf32>,
        %broadcast_in_dim3A_766 = vector.broadcast %rem3A_547 : i32 to vector<16xi32>
        tpu.vector_store_idx %arg11[%broadcast_in_dim3A_766, %iota3A, %broadcast_in_dim3A_764], %gather3A_765 : memref<2x16x128xf32, #tpu.memory_space<vmem>>[vector<16xi32>, vector<16xi32>, vector<16xi32>], vector<16xf32>,
        %broadcast_in_dim3A_767 = arith.constant 54 : i32
        %broadcast_in_dim3A_768 = vector.broadcast %broadcast_in_dim3A_767 : i32 to vector<16xi32>
        %gather3A_769 = tpu.vector_load_idx %arg10[%broadcast_in_dim3A_548, %broadcast_in_dim3A_550, %broadcast_in_dim3A_768, %and3A_540] : memref<2x2x64x128xf32, #tpu.memory_space<vmem>>[vector<16xi32>, vector<16xi32>, vector<16xi32>, vector<16xi32>], vector<16xf32>,
        %broadcast_in_dim3A_770 = vector.broadcast %rem3A_547 : i32 to vector<16xi32>
        tpu.vector_store_idx %arg11[%broadcast_in_dim3A_770, %iota3A, %broadcast_in_dim3A_768], %gather3A_769 : memref<2x16x128xf32, #tpu.memory_space<vmem>>[vector<16xi32>, vector<16xi32>, vector<16xi32>], vector<16xf32>,
        %broadcast_in_dim3A_771 = arith.constant 55 : i32
        %broadcast_in_dim3A_772 = vector.broadcast %broadcast_in_dim3A_771 : i32 to vector<16xi32>
        %gather3A_773 = tpu.vector_load_idx %arg10[%broadcast_in_dim3A_548, %broadcast_in_dim3A_550, %broadcast_in_dim3A_772, %and3A_540] : memref<2x2x64x128xf32, #tpu.memory_space<vmem>>[vector<16xi32>, vector<16xi32>, vector<16xi32>, vector<16xi32>], vector<16xf32>,
        %broadcast_in_dim3A_774 = vector.broadcast %rem3A_547 : i32 to vector<16xi32>
        tpu.vector_store_idx %arg11[%broadcast_in_dim3A_774, %iota3A, %broadcast_in_dim3A_772], %gather3A_773 : memref<2x16x128xf32, #tpu.memory_space<vmem>>[vector<16xi32>, vector<16xi32>, vector<16xi32>], vector<16xf32>,
        %broadcast_in_dim3A_775 = arith.constant 56 : i32
        %broadcast_in_dim3A_776 = vector.broadcast %broadcast_in_dim3A_775 : i32 to vector<16xi32>
        %gather3A_777 = tpu.vector_load_idx %arg10[%broadcast_in_dim3A_548, %broadcast_in_dim3A_550, %broadcast_in_dim3A_776, %and3A_540] : memref<2x2x64x128xf32, #tpu.memory_space<vmem>>[vector<16xi32>, vector<16xi32>, vector<16xi32>, vector<16xi32>], vector<16xf32>,
        %broadcast_in_dim3A_778 = vector.broadcast %rem3A_547 : i32 to vector<16xi32>
        tpu.vector_store_idx %arg11[%broadcast_in_dim3A_778, %iota3A, %broadcast_in_dim3A_776], %gather3A_777 : memref<2x16x128xf32, #tpu.memory_space<vmem>>[vector<16xi32>, vector<16xi32>, vector<16xi32>], vector<16xf32>,
        %broadcast_in_dim3A_779 = arith.constant 57 : i32
        %broadcast_in_dim3A_780 = vector.broadcast %broadcast_in_dim3A_779 : i32 to vector<16xi32>
        %gather3A_781 = tpu.vector_load_idx %arg10[%broadcast_in_dim3A_548, %broadcast_in_dim3A_550, %broadcast_in_dim3A_780, %and3A_540] : memref<2x2x64x128xf32, #tpu.memory_space<vmem>>[vector<16xi32>, vector<16xi32>, vector<16xi32>, vector<16xi32>], vector<16xf32>,
        %broadcast_in_dim3A_782 = vector.broadcast %rem3A_547 : i32 to vector<16xi32>
        tpu.vector_store_idx %arg11[%broadcast_in_dim3A_782, %iota3A, %broadcast_in_dim3A_780], %gather3A_781 : memref<2x16x128xf32, #tpu.memory_space<vmem>>[vector<16xi32>, vector<16xi32>, vector<16xi32>], vector<16xf32>,
        %broadcast_in_dim3A_783 = arith.constant 58 : i32
        %broadcast_in_dim3A_784 = vector.broadcast %broadcast_in_dim3A_783 : i32 to vector<16xi32>
        %gather3A_785 = tpu.vector_load_idx %arg10[%broadcast_in_dim3A_548, %broadcast_in_dim3A_550, %broadcast_in_dim3A_784, %and3A_540] : memref<2x2x64x128xf32, #tpu.memory_space<vmem>>[vector<16xi32>, vector<16xi32>, vector<16xi32>, vector<16xi32>], vector<16xf32>,
        %broadcast_in_dim3A_786 = vector.broadcast %rem3A_547 : i32 to vector<16xi32>
        tpu.vector_store_idx %arg11[%broadcast_in_dim3A_786, %iota3A, %broadcast_in_dim3A_784], %gather3A_785 : memref<2x16x128xf32, #tpu.memory_space<vmem>>[vector<16xi32>, vector<16xi32>, vector<16xi32>], vector<16xf32>,
        %broadcast_in_dim3A_787 = arith.constant 59 : i32
        %broadcast_in_dim3A_788 = vector.broadcast %broadcast_in_dim3A_787 : i32 to vector<16xi32>
        %gather3A_789 = tpu.vector_load_idx %arg10[%broadcast_in_dim3A_548, %broadcast_in_dim3A_550, %broadcast_in_dim3A_788, %and3A_540] : memref<2x2x64x128xf32, #tpu.memory_space<vmem>>[vector<16xi32>, vector<16xi32>, vector<16xi32>, vector<16xi32>], vector<16xf32>,
        %broadcast_in_dim3A_790 = vector.broadcast %rem3A_547 : i32 to vector<16xi32>
        tpu.vector_store_idx %arg11[%broadcast_in_dim3A_790, %iota3A, %broadcast_in_dim3A_788], %gather3A_789 : memref<2x16x128xf32, #tpu.memory_space<vmem>>[vector<16xi32>, vector<16xi32>, vector<16xi32>], vector<16xf32>,
        %broadcast_in_dim3A_791 = arith.constant 60 : i32
        %broadcast_in_dim3A_792 = vector.broadcast %broadcast_in_dim3A_791 : i32 to vector<16xi32>
        %gather3A_793 = tpu.vector_load_idx %arg10[%broadcast_in_dim3A_548, %broadcast_in_dim3A_550, %broadcast_in_dim3A_792, %and3A_540] : memref<2x2x64x128xf32, #tpu.memory_space<vmem>>[vector<16xi32>, vector<16xi32>, vector<16xi32>, vector<16xi32>], vector<16xf32>,
        %broadcast_in_dim3A_794 = vector.broadcast %rem3A_547 : i32 to vector<16xi32>
        tpu.vector_store_idx %arg11[%broadcast_in_dim3A_794, %iota3A, %broadcast_in_dim3A_792], %gather3A_793 : memref<2x16x128xf32, #tpu.memory_space<vmem>>[vector<16xi32>, vector<16xi32>, vector<16xi32>], vector<16xf32>,
        %broadcast_in_dim3A_795 = arith.constant 61 : i32
        %broadcast_in_dim3A_796 = vector.broadcast %broadcast_in_dim3A_795 : i32 to vector<16xi32>
        %gather3A_797 = tpu.vector_load_idx %arg10[%broadcast_in_dim3A_548, %broadcast_in_dim3A_550, %broadcast_in_dim3A_796, %and3A_540] : memref<2x2x64x128xf32, #tpu.memory_space<vmem>>[vector<16xi32>, vector<16xi32>, vector<16xi32>, vector<16xi32>], vector<16xf32>,
        %broadcast_in_dim3A_798 = vector.broadcast %rem3A_547 : i32 to vector<16xi32>
        tpu.vector_store_idx %arg11[%broadcast_in_dim3A_798, %iota3A, %broadcast_in_dim3A_796], %gather3A_797 : memref<2x16x128xf32, #tpu.memory_space<vmem>>[vector<16xi32>, vector<16xi32>, vector<16xi32>], vector<16xf32>,
        %broadcast_in_dim3A_799 = arith.constant 62 : i32
        %broadcast_in_dim3A_800 = vector.broadcast %broadcast_in_dim3A_799 : i32 to vector<16xi32>
        %gather3A_801 = tpu.vector_load_idx %arg10[%broadcast_in_dim3A_548, %broadcast_in_dim3A_550, %broadcast_in_dim3A_800, %and3A_540] : memref<2x2x64x128xf32, #tpu.memory_space<vmem>>[vector<16xi32>, vector<16xi32>, vector<16xi32>, vector<16xi32>], vector<16xf32>,
        %broadcast_in_dim3A_802 = vector.broadcast %rem3A_547 : i32 to vector<16xi32>
        tpu.vector_store_idx %arg11[%broadcast_in_dim3A_802, %iota3A, %broadcast_in_dim3A_800], %gather3A_801 : memref<2x16x128xf32, #tpu.memory_space<vmem>>[vector<16xi32>, vector<16xi32>, vector<16xi32>], vector<16xf32>,
        %broadcast_in_dim3A_803 = arith.constant 63 : i32
        %broadcast_in_dim3A_804 = vector.broadcast %broadcast_in_dim3A_803 : i32 to vector<16xi32>
        %gather3A_805 = tpu.vector_load_idx %arg10[%broadcast_in_dim3A_548, %broadcast_in_dim3A_550, %broadcast_in_dim3A_804, %and3A_540] : memref<2x2x64x128xf32, #tpu.memory_space<vmem>>[vector<16xi32>, vector<16xi32>, vector<16xi32>, vector<16xi32>], vector<16xf32>,
        %broadcast_in_dim3A_806 = vector.broadcast %rem3A_547 : i32 to vector<16xi32>
        tpu.vector_store_idx %arg11[%broadcast_in_dim3A_806, %iota3A, %broadcast_in_dim3A_804], %gather3A_805 : memref<2x16x128xf32, #tpu.memory_space<vmem>>[vector<16xi32>, vector<16xi32>, vector<16xi32>], vector<16xf32>,
        %swap3A_807 = arith.constant 0 : i32
        %swap3A_808 = arith.index_cast %rem3A_547 : i32 to index
        %swap3A_809 = arith.index_cast %swap3A_807 : i32 to index
        %swap3A_810 = arith.constant 0 : index
        %swap3A_811 = tpu.vector_load %arg12[%swap3A_808, %swap3A_809, %swap3A_810] {strides = array<i32>} : memref<2x1x16xi32, #tpu.memory_space<vmem>>, vector<16xi32>,
        tpu.vector_store %arg12[%swap3A_808, %swap3A_809, %swap3A_810], %and3A_545 {strides = array<i32>} : memref<2x1x16xi32, #tpu.memory_space<vmem>>, vector<16xi32>,
        %add3A_812 = arith.constant 1 : i32
        %add3A_813 = arith.addi %while3A_524, %add3A_812 : i32
        scf.yield %add3A_813 : i32
      }
      %while3A_521 = arith.constant 1 : i32
      %while3A_522 = scf.for %while3A_523 = %while3A_518 to %while3A_514 step %while3A_521 iter_args(%while3A_524 = %while3A_520) -> (i32)  : i32 {
        %mul3A_525 = arith.constant 16 : i32
        %mul3A_526 = arith.muli %while3A_523, %mul3A_525 : i32
        %add3A_527 = arith.addi %reduce_sum3A_486, %mul3A_526 : i32
        %add3A_528 = vector.broadcast %add3A_527 : i32 to vector<16xi32>
        %add3A_529 = arith.addi %add3A_528, %iota3A : vector<16xi32>
        %lt3A_530 = vector.broadcast %reduce_sum3A_506 : i32 to vector<16xi32>
        %lt3A_531 = arith.cmpi slt, %add3A_529, %lt3A_530 : vector<16xi32>
        %jit3A_532 = arith.constant 0 : i32
        %broadcast_in_dim3A_533 = vector.broadcast %jit3A_532 : i32 to vector<16xi32>
        %select_n3A_534 = arith.select %lt3A_531, %add3A_529, %broadcast_in_dim3A_533 : vector<16xi1>, vector<16xi32>
        %gather3A = tpu.vector_load_idx %arg9[%select_n3A_534] : memref<16384xi32, #tpu.memory_space<vmem>>[vector<16xi32>], vector<16xi32>,
        %jit3A_535 = arith.constant 2097152 : i32
        %broadcast_in_dim3A_536 = vector.broadcast %jit3A_535 : i32 to vector<16xi32>
        %select_n3A_537 = arith.select %lt3A_531, %gather3A, %broadcast_in_dim3A_536 : vector<16xi1>, vector<16xi32>
        %and3A_538 = arith.constant 127 : i32
        %and3A_539 = vector.broadcast %and3A_538 : i32 to vector<16xi32>
        %and3A_540 = arith.andi %select_n3A_537, %and3A_539 : vector<16xi32>
        %shift_right_logical3A = arith.constant 7 : i32
        %shift_right_logical3A_541 = vector.broadcast %shift_right_logical3A : i32 to vector<16xi32>
        %shift_right_logical3A_542 = arith.shrui %select_n3A_537, %shift_right_logical3A_541 : vector<16xi32>
        %and3A_543 = arith.constant 32767 : i32
        %and3A_544 = vector.broadcast %and3A_543 : i32 to vector<16xi32>
        %and3A_545 = arith.andi %shift_right_logical3A_542, %and3A_544 : vector<16xi32>
        %rem3A_546 = arith.constant 2 : i32
        %rem3A_547 = arith.remsi %while3A_524, %rem3A_546 : i32
        %broadcast_in_dim3A_548 = vector.broadcast %rem3A_386 : i32 to vector<16xi32>
        %broadcast_in_dim3A_549 = arith.constant 1 : i32
        %broadcast_in_dim3A_550 = vector.broadcast %broadcast_in_dim3A_549 : i32 to vector<16xi32>
        %broadcast_in_dim3A_551 = arith.constant 0 : i32
        %broadcast_in_dim3A_552 = vector.broadcast %broadcast_in_dim3A_551 : i32 to vector<16xi32>
        %gather3A_553 = tpu.vector_load_idx %arg10[%broadcast_in_dim3A_548, %broadcast_in_dim3A_550, %broadcast_in_dim3A_552, %and3A_540] : memref<2x2x64x128xf32, #tpu.memory_space<vmem>>[vector<16xi32>, vector<16xi32>, vector<16xi32>, vector<16xi32>], vector<16xf32>,
        %broadcast_in_dim3A_554 = vector.broadcast %rem3A_547 : i32 to vector<16xi32>
        tpu.vector_store_idx %arg11[%broadcast_in_dim3A_554, %iota3A, %broadcast_in_dim3A_552], %gather3A_553 : memref<2x16x128xf32, #tpu.memory_space<vmem>>[vector<16xi32>, vector<16xi32>, vector<16xi32>], vector<16xf32>,
        %broadcast_in_dim3A_555 = arith.constant 1 : i32
        %broadcast_in_dim3A_556 = vector.broadcast %broadcast_in_dim3A_555 : i32 to vector<16xi32>
        %gather3A_557 = tpu.vector_load_idx %arg10[%broadcast_in_dim3A_548, %broadcast_in_dim3A_550, %broadcast_in_dim3A_556, %and3A_540] : memref<2x2x64x128xf32, #tpu.memory_space<vmem>>[vector<16xi32>, vector<16xi32>, vector<16xi32>, vector<16xi32>], vector<16xf32>,
        %broadcast_in_dim3A_558 = vector.broadcast %rem3A_547 : i32 to vector<16xi32>
        tpu.vector_store_idx %arg11[%broadcast_in_dim3A_558, %iota3A, %broadcast_in_dim3A_556], %gather3A_557 : memref<2x16x128xf32, #tpu.memory_space<vmem>>[vector<16xi32>, vector<16xi32>, vector<16xi32>], vector<16xf32>,
        %broadcast_in_dim3A_559 = arith.constant 2 : i32
        %broadcast_in_dim3A_560 = vector.broadcast %broadcast_in_dim3A_559 : i32 to vector<16xi32>
        %gather3A_561 = tpu.vector_load_idx %arg10[%broadcast_in_dim3A_548, %broadcast_in_dim3A_550, %broadcast_in_dim3A_560, %and3A_540] : memref<2x2x64x128xf32, #tpu.memory_space<vmem>>[vector<16xi32>, vector<16xi32>, vector<16xi32>, vector<16xi32>], vector<16xf32>,
        %broadcast_in_dim3A_562 = vector.broadcast %rem3A_547 : i32 to vector<16xi32>
        tpu.vector_store_idx %arg11[%broadcast_in_dim3A_562, %iota3A, %broadcast_in_dim3A_560], %gather3A_561 : memref<2x16x128xf32, #tpu.memory_space<vmem>>[vector<16xi32>, vector<16xi32>, vector<16xi32>], vector<16xf32>,
        %broadcast_in_dim3A_563 = arith.constant 3 : i32
        %broadcast_in_dim3A_564 = vector.broadcast %broadcast_in_dim3A_563 : i32 to vector<16xi32>
        %gather3A_565 = tpu.vector_load_idx %arg10[%broadcast_in_dim3A_548, %broadcast_in_dim3A_550, %broadcast_in_dim3A_564, %and3A_540] : memref<2x2x64x128xf32, #tpu.memory_space<vmem>>[vector<16xi32>, vector<16xi32>, vector<16xi32>, vector<16xi32>], vector<16xf32>,
        %broadcast_in_dim3A_566 = vector.broadcast %rem3A_547 : i32 to vector<16xi32>
        tpu.vector_store_idx %arg11[%broadcast_in_dim3A_566, %iota3A, %broadcast_in_dim3A_564], %gather3A_565 : memref<2x16x128xf32, #tpu.memory_space<vmem>>[vector<16xi32>, vector<16xi32>, vector<16xi32>], vector<16xf32>,
        %broadcast_in_dim3A_567 = arith.constant 4 : i32
        %broadcast_in_dim3A_568 = vector.broadcast %broadcast_in_dim3A_567 : i32 to vector<16xi32>
        %gather3A_569 = tpu.vector_load_idx %arg10[%broadcast_in_dim3A_548, %broadcast_in_dim3A_550, %broadcast_in_dim3A_568, %and3A_540] : memref<2x2x64x128xf32, #tpu.memory_space<vmem>>[vector<16xi32>, vector<16xi32>, vector<16xi32>, vector<16xi32>], vector<16xf32>,
        %broadcast_in_dim3A_570 = vector.broadcast %rem3A_547 : i32 to vector<16xi32>
        tpu.vector_store_idx %arg11[%broadcast_in_dim3A_570, %iota3A, %broadcast_in_dim3A_568], %gather3A_569 : memref<2x16x128xf32, #tpu.memory_space<vmem>>[vector<16xi32>, vector<16xi32>, vector<16xi32>], vector<16xf32>,
        %broadcast_in_dim3A_571 = arith.constant 5 : i32
        %broadcast_in_dim3A_572 = vector.broadcast %broadcast_in_dim3A_571 : i32 to vector<16xi32>
        %gather3A_573 = tpu.vector_load_idx %arg10[%broadcast_in_dim3A_548, %broadcast_in_dim3A_550, %broadcast_in_dim3A_572, %and3A_540] : memref<2x2x64x128xf32, #tpu.memory_space<vmem>>[vector<16xi32>, vector<16xi32>, vector<16xi32>, vector<16xi32>], vector<16xf32>,
        %broadcast_in_dim3A_574 = vector.broadcast %rem3A_547 : i32 to vector<16xi32>
        tpu.vector_store_idx %arg11[%broadcast_in_dim3A_574, %iota3A, %broadcast_in_dim3A_572], %gather3A_573 : memref<2x16x128xf32, #tpu.memory_space<vmem>>[vector<16xi32>, vector<16xi32>, vector<16xi32>], vector<16xf32>,
        %broadcast_in_dim3A_575 = arith.constant 6 : i32
        %broadcast_in_dim3A_576 = vector.broadcast %broadcast_in_dim3A_575 : i32 to vector<16xi32>
        %gather3A_577 = tpu.vector_load_idx %arg10[%broadcast_in_dim3A_548, %broadcast_in_dim3A_550, %broadcast_in_dim3A_576, %and3A_540] : memref<2x2x64x128xf32, #tpu.memory_space<vmem>>[vector<16xi32>, vector<16xi32>, vector<16xi32>, vector<16xi32>], vector<16xf32>,
        %broadcast_in_dim3A_578 = vector.broadcast %rem3A_547 : i32 to vector<16xi32>
        tpu.vector_store_idx %arg11[%broadcast_in_dim3A_578, %iota3A, %broadcast_in_dim3A_576], %gather3A_577 : memref<2x16x128xf32, #tpu.memory_space<vmem>>[vector<16xi32>, vector<16xi32>, vector<16xi32>], vector<16xf32>,
        %broadcast_in_dim3A_579 = arith.constant 7 : i32
        %broadcast_in_dim3A_580 = vector.broadcast %broadcast_in_dim3A_579 : i32 to vector<16xi32>
        %gather3A_581 = tpu.vector_load_idx %arg10[%broadcast_in_dim3A_548, %broadcast_in_dim3A_550, %broadcast_in_dim3A_580, %and3A_540] : memref<2x2x64x128xf32, #tpu.memory_space<vmem>>[vector<16xi32>, vector<16xi32>, vector<16xi32>, vector<16xi32>], vector<16xf32>,
        %broadcast_in_dim3A_582 = vector.broadcast %rem3A_547 : i32 to vector<16xi32>
        tpu.vector_store_idx %arg11[%broadcast_in_dim3A_582, %iota3A, %broadcast_in_dim3A_580], %gather3A_581 : memref<2x16x128xf32, #tpu.memory_space<vmem>>[vector<16xi32>, vector<16xi32>, vector<16xi32>], vector<16xf32>,
        %broadcast_in_dim3A_583 = arith.constant 8 : i32
        %broadcast_in_dim3A_584 = vector.broadcast %broadcast_in_dim3A_583 : i32 to vector<16xi32>
        %gather3A_585 = tpu.vector_load_idx %arg10[%broadcast_in_dim3A_548, %broadcast_in_dim3A_550, %broadcast_in_dim3A_584, %and3A_540] : memref<2x2x64x128xf32, #tpu.memory_space<vmem>>[vector<16xi32>, vector<16xi32>, vector<16xi32>, vector<16xi32>], vector<16xf32>,
        %broadcast_in_dim3A_586 = vector.broadcast %rem3A_547 : i32 to vector<16xi32>
        tpu.vector_store_idx %arg11[%broadcast_in_dim3A_586, %iota3A, %broadcast_in_dim3A_584], %gather3A_585 : memref<2x16x128xf32, #tpu.memory_space<vmem>>[vector<16xi32>, vector<16xi32>, vector<16xi32>], vector<16xf32>,
        %broadcast_in_dim3A_587 = arith.constant 9 : i32
        %broadcast_in_dim3A_588 = vector.broadcast %broadcast_in_dim3A_587 : i32 to vector<16xi32>
        %gather3A_589 = tpu.vector_load_idx %arg10[%broadcast_in_dim3A_548, %broadcast_in_dim3A_550, %broadcast_in_dim3A_588, %and3A_540] : memref<2x2x64x128xf32, #tpu.memory_space<vmem>>[vector<16xi32>, vector<16xi32>, vector<16xi32>, vector<16xi32>], vector<16xf32>,
        %broadcast_in_dim3A_590 = vector.broadcast %rem3A_547 : i32 to vector<16xi32>
        tpu.vector_store_idx %arg11[%broadcast_in_dim3A_590, %iota3A, %broadcast_in_dim3A_588], %gather3A_589 : memref<2x16x128xf32, #tpu.memory_space<vmem>>[vector<16xi32>, vector<16xi32>, vector<16xi32>], vector<16xf32>,
        %broadcast_in_dim3A_591 = arith.constant 10 : i32
        %broadcast_in_dim3A_592 = vector.broadcast %broadcast_in_dim3A_591 : i32 to vector<16xi32>
        %gather3A_593 = tpu.vector_load_idx %arg10[%broadcast_in_dim3A_548, %broadcast_in_dim3A_550, %broadcast_in_dim3A_592, %and3A_540] : memref<2x2x64x128xf32, #tpu.memory_space<vmem>>[vector<16xi32>, vector<16xi32>, vector<16xi32>, vector<16xi32>], vector<16xf32>,
        %broadcast_in_dim3A_594 = vector.broadcast %rem3A_547 : i32 to vector<16xi32>
        tpu.vector_store_idx %arg11[%broadcast_in_dim3A_594, %iota3A, %broadcast_in_dim3A_592], %gather3A_593 : memref<2x16x128xf32, #tpu.memory_space<vmem>>[vector<16xi32>, vector<16xi32>, vector<16xi32>], vector<16xf32>,
        %broadcast_in_dim3A_595 = arith.constant 11 : i32
        %broadcast_in_dim3A_596 = vector.broadcast %broadcast_in_dim3A_595 : i32 to vector<16xi32>
        %gather3A_597 = tpu.vector_load_idx %arg10[%broadcast_in_dim3A_548, %broadcast_in_dim3A_550, %broadcast_in_dim3A_596, %and3A_540] : memref<2x2x64x128xf32, #tpu.memory_space<vmem>>[vector<16xi32>, vector<16xi32>, vector<16xi32>, vector<16xi32>], vector<16xf32>,
        %broadcast_in_dim3A_598 = vector.broadcast %rem3A_547 : i32 to vector<16xi32>
        tpu.vector_store_idx %arg11[%broadcast_in_dim3A_598, %iota3A, %broadcast_in_dim3A_596], %gather3A_597 : memref<2x16x128xf32, #tpu.memory_space<vmem>>[vector<16xi32>, vector<16xi32>, vector<16xi32>], vector<16xf32>,
        %broadcast_in_dim3A_599 = arith.constant 12 : i32
        %broadcast_in_dim3A_600 = vector.broadcast %broadcast_in_dim3A_599 : i32 to vector<16xi32>
        %gather3A_601 = tpu.vector_load_idx %arg10[%broadcast_in_dim3A_548, %broadcast_in_dim3A_550, %broadcast_in_dim3A_600, %and3A_540] : memref<2x2x64x128xf32, #tpu.memory_space<vmem>>[vector<16xi32>, vector<16xi32>, vector<16xi32>, vector<16xi32>], vector<16xf32>,
        %broadcast_in_dim3A_602 = vector.broadcast %rem3A_547 : i32 to vector<16xi32>
        tpu.vector_store_idx %arg11[%broadcast_in_dim3A_602, %iota3A, %broadcast_in_dim3A_600], %gather3A_601 : memref<2x16x128xf32, #tpu.memory_space<vmem>>[vector<16xi32>, vector<16xi32>, vector<16xi32>], vector<16xf32>,
        %broadcast_in_dim3A_603 = arith.constant 13 : i32
        %broadcast_in_dim3A_604 = vector.broadcast %broadcast_in_dim3A_603 : i32 to vector<16xi32>
        %gather3A_605 = tpu.vector_load_idx %arg10[%broadcast_in_dim3A_548, %broadcast_in_dim3A_550, %broadcast_in_dim3A_604, %and3A_540] : memref<2x2x64x128xf32, #tpu.memory_space<vmem>>[vector<16xi32>, vector<16xi32>, vector<16xi32>, vector<16xi32>], vector<16xf32>,
        %broadcast_in_dim3A_606 = vector.broadcast %rem3A_547 : i32 to vector<16xi32>
        tpu.vector_store_idx %arg11[%broadcast_in_dim3A_606, %iota3A, %broadcast_in_dim3A_604], %gather3A_605 : memref<2x16x128xf32, #tpu.memory_space<vmem>>[vector<16xi32>, vector<16xi32>, vector<16xi32>], vector<16xf32>,
        %broadcast_in_dim3A_607 = arith.constant 14 : i32
        %broadcast_in_dim3A_608 = vector.broadcast %broadcast_in_dim3A_607 : i32 to vector<16xi32>
        %gather3A_609 = tpu.vector_load_idx %arg10[%broadcast_in_dim3A_548, %broadcast_in_dim3A_550, %broadcast_in_dim3A_608, %and3A_540] : memref<2x2x64x128xf32, #tpu.memory_space<vmem>>[vector<16xi32>, vector<16xi32>, vector<16xi32>, vector<16xi32>], vector<16xf32>,
        %broadcast_in_dim3A_610 = vector.broadcast %rem3A_547 : i32 to vector<16xi32>
        tpu.vector_store_idx %arg11[%broadcast_in_dim3A_610, %iota3A, %broadcast_in_dim3A_608], %gather3A_609 : memref<2x16x128xf32, #tpu.memory_space<vmem>>[vector<16xi32>, vector<16xi32>, vector<16xi32>], vector<16xf32>,
        %broadcast_in_dim3A_611 = arith.constant 15 : i32
        %broadcast_in_dim3A_612 = vector.broadcast %broadcast_in_dim3A_611 : i32 to vector<16xi32>
        %gather3A_613 = tpu.vector_load_idx %arg10[%broadcast_in_dim3A_548, %broadcast_in_dim3A_550, %broadcast_in_dim3A_612, %and3A_540] : memref<2x2x64x128xf32, #tpu.memory_space<vmem>>[vector<16xi32>, vector<16xi32>, vector<16xi32>, vector<16xi32>], vector<16xf32>,
        %broadcast_in_dim3A_614 = vector.broadcast %rem3A_547 : i32 to vector<16xi32>
        tpu.vector_store_idx %arg11[%broadcast_in_dim3A_614, %iota3A, %broadcast_in_dim3A_612], %gather3A_613 : memref<2x16x128xf32, #tpu.memory_space<vmem>>[vector<16xi32>, vector<16xi32>, vector<16xi32>], vector<16xf32>,
        %broadcast_in_dim3A_615 = arith.constant 16 : i32
        %broadcast_in_dim3A_616 = vector.broadcast %broadcast_in_dim3A_615 : i32 to vector<16xi32>
        %gather3A_617 = tpu.vector_load_idx %arg10[%broadcast_in_dim3A_548, %broadcast_in_dim3A_550, %broadcast_in_dim3A_616, %and3A_540] : memref<2x2x64x128xf32, #tpu.memory_space<vmem>>[vector<16xi32>, vector<16xi32>, vector<16xi32>, vector<16xi32>], vector<16xf32>,
        %broadcast_in_dim3A_618 = vector.broadcast %rem3A_547 : i32 to vector<16xi32>
        tpu.vector_store_idx %arg11[%broadcast_in_dim3A_618, %iota3A, %broadcast_in_dim3A_616], %gather3A_617 : memref<2x16x128xf32, #tpu.memory_space<vmem>>[vector<16xi32>, vector<16xi32>, vector<16xi32>], vector<16xf32>,
        %broadcast_in_dim3A_619 = arith.constant 17 : i32
        %broadcast_in_dim3A_620 = vector.broadcast %broadcast_in_dim3A_619 : i32 to vector<16xi32>
        %gather3A_621 = tpu.vector_load_idx %arg10[%broadcast_in_dim3A_548, %broadcast_in_dim3A_550, %broadcast_in_dim3A_620, %and3A_540] : memref<2x2x64x128xf32, #tpu.memory_space<vmem>>[vector<16xi32>, vector<16xi32>, vector<16xi32>, vector<16xi32>], vector<16xf32>,
        %broadcast_in_dim3A_622 = vector.broadcast %rem3A_547 : i32 to vector<16xi32>
        tpu.vector_store_idx %arg11[%broadcast_in_dim3A_622, %iota3A, %broadcast_in_dim3A_620], %gather3A_621 : memref<2x16x128xf32, #tpu.memory_space<vmem>>[vector<16xi32>, vector<16xi32>, vector<16xi32>], vector<16xf32>,
        %broadcast_in_dim3A_623 = arith.constant 18 : i32
        %broadcast_in_dim3A_624 = vector.broadcast %broadcast_in_dim3A_623 : i32 to vector<16xi32>
        %gather3A_625 = tpu.vector_load_idx %arg10[%broadcast_in_dim3A_548, %broadcast_in_dim3A_550, %broadcast_in_dim3A_624, %and3A_540] : memref<2x2x64x128xf32, #tpu.memory_space<vmem>>[vector<16xi32>, vector<16xi32>, vector<16xi32>, vector<16xi32>], vector<16xf32>,
        %broadcast_in_dim3A_626 = vector.broadcast %rem3A_547 : i32 to vector<16xi32>
        tpu.vector_store_idx %arg11[%broadcast_in_dim3A_626, %iota3A, %broadcast_in_dim3A_624], %gather3A_625 : memref<2x16x128xf32, #tpu.memory_space<vmem>>[vector<16xi32>, vector<16xi32>, vector<16xi32>], vector<16xf32>,
        %broadcast_in_dim3A_627 = arith.constant 19 : i32
        %broadcast_in_dim3A_628 = vector.broadcast %broadcast_in_dim3A_627 : i32 to vector<16xi32>
        %gather3A_629 = tpu.vector_load_idx %arg10[%broadcast_in_dim3A_548, %broadcast_in_dim3A_550, %broadcast_in_dim3A_628, %and3A_540] : memref<2x2x64x128xf32, #tpu.memory_space<vmem>>[vector<16xi32>, vector<16xi32>, vector<16xi32>, vector<16xi32>], vector<16xf32>,
        %broadcast_in_dim3A_630 = vector.broadcast %rem3A_547 : i32 to vector<16xi32>
        tpu.vector_store_idx %arg11[%broadcast_in_dim3A_630, %iota3A, %broadcast_in_dim3A_628], %gather3A_629 : memref<2x16x128xf32, #tpu.memory_space<vmem>>[vector<16xi32>, vector<16xi32>, vector<16xi32>], vector<16xf32>,
        %broadcast_in_dim3A_631 = arith.constant 20 : i32
        %broadcast_in_dim3A_632 = vector.broadcast %broadcast_in_dim3A_631 : i32 to vector<16xi32>
        %gather3A_633 = tpu.vector_load_idx %arg10[%broadcast_in_dim3A_548, %broadcast_in_dim3A_550, %broadcast_in_dim3A_632, %and3A_540] : memref<2x2x64x128xf32, #tpu.memory_space<vmem>>[vector<16xi32>, vector<16xi32>, vector<16xi32>, vector<16xi32>], vector<16xf32>,
        %broadcast_in_dim3A_634 = vector.broadcast %rem3A_547 : i32 to vector<16xi32>
        tpu.vector_store_idx %arg11[%broadcast_in_dim3A_634, %iota3A, %broadcast_in_dim3A_632], %gather3A_633 : memref<2x16x128xf32, #tpu.memory_space<vmem>>[vector<16xi32>, vector<16xi32>, vector<16xi32>], vector<16xf32>,
        %broadcast_in_dim3A_635 = arith.constant 21 : i32
        %broadcast_in_dim3A_636 = vector.broadcast %broadcast_in_dim3A_635 : i32 to vector<16xi32>
        %gather3A_637 = tpu.vector_load_idx %arg10[%broadcast_in_dim3A_548, %broadcast_in_dim3A_550, %broadcast_in_dim3A_636, %and3A_540] : memref<2x2x64x128xf32, #tpu.memory_space<vmem>>[vector<16xi32>, vector<16xi32>, vector<16xi32>, vector<16xi32>], vector<16xf32>,
        %broadcast_in_dim3A_638 = vector.broadcast %rem3A_547 : i32 to vector<16xi32>
        tpu.vector_store_idx %arg11[%broadcast_in_dim3A_638, %iota3A, %broadcast_in_dim3A_636], %gather3A_637 : memref<2x16x128xf32, #tpu.memory_space<vmem>>[vector<16xi32>, vector<16xi32>, vector<16xi32>], vector<16xf32>,
        %broadcast_in_dim3A_639 = arith.constant 22 : i32
        %broadcast_in_dim3A_640 = vector.broadcast %broadcast_in_dim3A_639 : i32 to vector<16xi32>
        %gather3A_641 = tpu.vector_load_idx %arg10[%broadcast_in_dim3A_548, %broadcast_in_dim3A_550, %broadcast_in_dim3A_640, %and3A_540] : memref<2x2x64x128xf32, #tpu.memory_space<vmem>>[vector<16xi32>, vector<16xi32>, vector<16xi32>, vector<16xi32>], vector<16xf32>,
        %broadcast_in_dim3A_642 = vector.broadcast %rem3A_547 : i32 to vector<16xi32>
        tpu.vector_store_idx %arg11[%broadcast_in_dim3A_642, %iota3A, %broadcast_in_dim3A_640], %gather3A_641 : memref<2x16x128xf32, #tpu.memory_space<vmem>>[vector<16xi32>, vector<16xi32>, vector<16xi32>], vector<16xf32>,
        %broadcast_in_dim3A_643 = arith.constant 23 : i32
        %broadcast_in_dim3A_644 = vector.broadcast %broadcast_in_dim3A_643 : i32 to vector<16xi32>
        %gather3A_645 = tpu.vector_load_idx %arg10[%broadcast_in_dim3A_548, %broadcast_in_dim3A_550, %broadcast_in_dim3A_644, %and3A_540] : memref<2x2x64x128xf32, #tpu.memory_space<vmem>>[vector<16xi32>, vector<16xi32>, vector<16xi32>, vector<16xi32>], vector<16xf32>,
        %broadcast_in_dim3A_646 = vector.broadcast %rem3A_547 : i32 to vector<16xi32>
        tpu.vector_store_idx %arg11[%broadcast_in_dim3A_646, %iota3A, %broadcast_in_dim3A_644], %gather3A_645 : memref<2x16x128xf32, #tpu.memory_space<vmem>>[vector<16xi32>, vector<16xi32>, vector<16xi32>], vector<16xf32>,
        %broadcast_in_dim3A_647 = arith.constant 24 : i32
        %broadcast_in_dim3A_648 = vector.broadcast %broadcast_in_dim3A_647 : i32 to vector<16xi32>
        %gather3A_649 = tpu.vector_load_idx %arg10[%broadcast_in_dim3A_548, %broadcast_in_dim3A_550, %broadcast_in_dim3A_648, %and3A_540] : memref<2x2x64x128xf32, #tpu.memory_space<vmem>>[vector<16xi32>, vector<16xi32>, vector<16xi32>, vector<16xi32>], vector<16xf32>,
        %broadcast_in_dim3A_650 = vector.broadcast %rem3A_547 : i32 to vector<16xi32>
        tpu.vector_store_idx %arg11[%broadcast_in_dim3A_650, %iota3A, %broadcast_in_dim3A_648], %gather3A_649 : memref<2x16x128xf32, #tpu.memory_space<vmem>>[vector<16xi32>, vector<16xi32>, vector<16xi32>], vector<16xf32>,
        %broadcast_in_dim3A_651 = arith.constant 25 : i32
        %broadcast_in_dim3A_652 = vector.broadcast %broadcast_in_dim3A_651 : i32 to vector<16xi32>
        %gather3A_653 = tpu.vector_load_idx %arg10[%broadcast_in_dim3A_548, %broadcast_in_dim3A_550, %broadcast_in_dim3A_652, %and3A_540] : memref<2x2x64x128xf32, #tpu.memory_space<vmem>>[vector<16xi32>, vector<16xi32>, vector<16xi32>, vector<16xi32>], vector<16xf32>,
        %broadcast_in_dim3A_654 = vector.broadcast %rem3A_547 : i32 to vector<16xi32>
        tpu.vector_store_idx %arg11[%broadcast_in_dim3A_654, %iota3A, %broadcast_in_dim3A_652], %gather3A_653 : memref<2x16x128xf32, #tpu.memory_space<vmem>>[vector<16xi32>, vector<16xi32>, vector<16xi32>], vector<16xf32>,
        %broadcast_in_dim3A_655 = arith.constant 26 : i32
        %broadcast_in_dim3A_656 = vector.broadcast %broadcast_in_dim3A_655 : i32 to vector<16xi32>
        %gather3A_657 = tpu.vector_load_idx %arg10[%broadcast_in_dim3A_548, %broadcast_in_dim3A_550, %broadcast_in_dim3A_656, %and3A_540] : memref<2x2x64x128xf32, #tpu.memory_space<vmem>>[vector<16xi32>, vector<16xi32>, vector<16xi32>, vector<16xi32>], vector<16xf32>,
        %broadcast_in_dim3A_658 = vector.broadcast %rem3A_547 : i32 to vector<16xi32>
        tpu.vector_store_idx %arg11[%broadcast_in_dim3A_658, %iota3A, %broadcast_in_dim3A_656], %gather3A_657 : memref<2x16x128xf32, #tpu.memory_space<vmem>>[vector<16xi32>, vector<16xi32>, vector<16xi32>], vector<16xf32>,
        %broadcast_in_dim3A_659 = arith.constant 27 : i32
        %broadcast_in_dim3A_660 = vector.broadcast %broadcast_in_dim3A_659 : i32 to vector<16xi32>
        %gather3A_661 = tpu.vector_load_idx %arg10[%broadcast_in_dim3A_548, %broadcast_in_dim3A_550, %broadcast_in_dim3A_660, %and3A_540] : memref<2x2x64x128xf32, #tpu.memory_space<vmem>>[vector<16xi32>, vector<16xi32>, vector<16xi32>, vector<16xi32>], vector<16xf32>,
        %broadcast_in_dim3A_662 = vector.broadcast %rem3A_547 : i32 to vector<16xi32>
        tpu.vector_store_idx %arg11[%broadcast_in_dim3A_662, %iota3A, %broadcast_in_dim3A_660], %gather3A_661 : memref<2x16x128xf32, #tpu.memory_space<vmem>>[vector<16xi32>, vector<16xi32>, vector<16xi32>], vector<16xf32>,
        %broadcast_in_dim3A_663 = arith.constant 28 : i32
        %broadcast_in_dim3A_664 = vector.broadcast %broadcast_in_dim3A_663 : i32 to vector<16xi32>
        %gather3A_665 = tpu.vector_load_idx %arg10[%broadcast_in_dim3A_548, %broadcast_in_dim3A_550, %broadcast_in_dim3A_664, %and3A_540] : memref<2x2x64x128xf32, #tpu.memory_space<vmem>>[vector<16xi32>, vector<16xi32>, vector<16xi32>, vector<16xi32>], vector<16xf32>,
        %broadcast_in_dim3A_666 = vector.broadcast %rem3A_547 : i32 to vector<16xi32>
        tpu.vector_store_idx %arg11[%broadcast_in_dim3A_666, %iota3A, %broadcast_in_dim3A_664], %gather3A_665 : memref<2x16x128xf32, #tpu.memory_space<vmem>>[vector<16xi32>, vector<16xi32>, vector<16xi32>], vector<16xf32>,
        %broadcast_in_dim3A_667 = arith.constant 29 : i32
        %broadcast_in_dim3A_668 = vector.broadcast %broadcast_in_dim3A_667 : i32 to vector<16xi32>
        %gather3A_669 = tpu.vector_load_idx %arg10[%broadcast_in_dim3A_548, %broadcast_in_dim3A_550, %broadcast_in_dim3A_668, %and3A_540] : memref<2x2x64x128xf32, #tpu.memory_space<vmem>>[vector<16xi32>, vector<16xi32>, vector<16xi32>, vector<16xi32>], vector<16xf32>,
        %broadcast_in_dim3A_670 = vector.broadcast %rem3A_547 : i32 to vector<16xi32>
        tpu.vector_store_idx %arg11[%broadcast_in_dim3A_670, %iota3A, %broadcast_in_dim3A_668], %gather3A_669 : memref<2x16x128xf32, #tpu.memory_space<vmem>>[vector<16xi32>, vector<16xi32>, vector<16xi32>], vector<16xf32>,
        %broadcast_in_dim3A_671 = arith.constant 30 : i32
        %broadcast_in_dim3A_672 = vector.broadcast %broadcast_in_dim3A_671 : i32 to vector<16xi32>
        %gather3A_673 = tpu.vector_load_idx %arg10[%broadcast_in_dim3A_548, %broadcast_in_dim3A_550, %broadcast_in_dim3A_672, %and3A_540] : memref<2x2x64x128xf32, #tpu.memory_space<vmem>>[vector<16xi32>, vector<16xi32>, vector<16xi32>, vector<16xi32>], vector<16xf32>,
        %broadcast_in_dim3A_674 = vector.broadcast %rem3A_547 : i32 to vector<16xi32>
        tpu.vector_store_idx %arg11[%broadcast_in_dim3A_674, %iota3A, %broadcast_in_dim3A_672], %gather3A_673 : memref<2x16x128xf32, #tpu.memory_space<vmem>>[vector<16xi32>, vector<16xi32>, vector<16xi32>], vector<16xf32>,
        %broadcast_in_dim3A_675 = arith.constant 31 : i32
        %broadcast_in_dim3A_676 = vector.broadcast %broadcast_in_dim3A_675 : i32 to vector<16xi32>
        %gather3A_677 = tpu.vector_load_idx %arg10[%broadcast_in_dim3A_548, %broadcast_in_dim3A_550, %broadcast_in_dim3A_676, %and3A_540] : memref<2x2x64x128xf32, #tpu.memory_space<vmem>>[vector<16xi32>, vector<16xi32>, vector<16xi32>, vector<16xi32>], vector<16xf32>,
        %broadcast_in_dim3A_678 = vector.broadcast %rem3A_547 : i32 to vector<16xi32>
        tpu.vector_store_idx %arg11[%broadcast_in_dim3A_678, %iota3A, %broadcast_in_dim3A_676], %gather3A_677 : memref<2x16x128xf32, #tpu.memory_space<vmem>>[vector<16xi32>, vector<16xi32>, vector<16xi32>], vector<16xf32>,
        %broadcast_in_dim3A_679 = arith.constant 32 : i32
        %broadcast_in_dim3A_680 = vector.broadcast %broadcast_in_dim3A_679 : i32 to vector<16xi32>
        %gather3A_681 = tpu.vector_load_idx %arg10[%broadcast_in_dim3A_548, %broadcast_in_dim3A_550, %broadcast_in_dim3A_680, %and3A_540] : memref<2x2x64x128xf32, #tpu.memory_space<vmem>>[vector<16xi32>, vector<16xi32>, vector<16xi32>, vector<16xi32>], vector<16xf32>,
        %broadcast_in_dim3A_682 = vector.broadcast %rem3A_547 : i32 to vector<16xi32>
        tpu.vector_store_idx %arg11[%broadcast_in_dim3A_682, %iota3A, %broadcast_in_dim3A_680], %gather3A_681 : memref<2x16x128xf32, #tpu.memory_space<vmem>>[vector<16xi32>, vector<16xi32>, vector<16xi32>], vector<16xf32>,
        %broadcast_in_dim3A_683 = arith.constant 33 : i32
        %broadcast_in_dim3A_684 = vector.broadcast %broadcast_in_dim3A_683 : i32 to vector<16xi32>
        %gather3A_685 = tpu.vector_load_idx %arg10[%broadcast_in_dim3A_548, %broadcast_in_dim3A_550, %broadcast_in_dim3A_684, %and3A_540] : memref<2x2x64x128xf32, #tpu.memory_space<vmem>>[vector<16xi32>, vector<16xi32>, vector<16xi32>, vector<16xi32>], vector<16xf32>,
        %broadcast_in_dim3A_686 = vector.broadcast %rem3A_547 : i32 to vector<16xi32>
        tpu.vector_store_idx %arg11[%broadcast_in_dim3A_686, %iota3A, %broadcast_in_dim3A_684], %gather3A_685 : memref<2x16x128xf32, #tpu.memory_space<vmem>>[vector<16xi32>, vector<16xi32>, vector<16xi32>], vector<16xf32>,
        %broadcast_in_dim3A_687 = arith.constant 34 : i32
        %broadcast_in_dim3A_688 = vector.broadcast %broadcast_in_dim3A_687 : i32 to vector<16xi32>
        %gather3A_689 = tpu.vector_load_idx %arg10[%broadcast_in_dim3A_548, %broadcast_in_dim3A_550, %broadcast_in_dim3A_688, %and3A_540] : memref<2x2x64x128xf32, #tpu.memory_space<vmem>>[vector<16xi32>, vector<16xi32>, vector<16xi32>, vector<16xi32>], vector<16xf32>,
        %broadcast_in_dim3A_690 = vector.broadcast %rem3A_547 : i32 to vector<16xi32>
        tpu.vector_store_idx %arg11[%broadcast_in_dim3A_690, %iota3A, %broadcast_in_dim3A_688], %gather3A_689 : memref<2x16x128xf32, #tpu.memory_space<vmem>>[vector<16xi32>, vector<16xi32>, vector<16xi32>], vector<16xf32>,
        %broadcast_in_dim3A_691 = arith.constant 35 : i32
        %broadcast_in_dim3A_692 = vector.broadcast %broadcast_in_dim3A_691 : i32 to vector<16xi32>
        %gather3A_693 = tpu.vector_load_idx %arg10[%broadcast_in_dim3A_548, %broadcast_in_dim3A_550, %broadcast_in_dim3A_692, %and3A_540] : memref<2x2x64x128xf32, #tpu.memory_space<vmem>>[vector<16xi32>, vector<16xi32>, vector<16xi32>, vector<16xi32>], vector<16xf32>,
        %broadcast_in_dim3A_694 = vector.broadcast %rem3A_547 : i32 to vector<16xi32>
        tpu.vector_store_idx %arg11[%broadcast_in_dim3A_694, %iota3A, %broadcast_in_dim3A_692], %gather3A_693 : memref<2x16x128xf32, #tpu.memory_space<vmem>>[vector<16xi32>, vector<16xi32>, vector<16xi32>], vector<16xf32>,
        %broadcast_in_dim3A_695 = arith.constant 36 : i32
        %broadcast_in_dim3A_696 = vector.broadcast %broadcast_in_dim3A_695 : i32 to vector<16xi32>
        %gather3A_697 = tpu.vector_load_idx %arg10[%broadcast_in_dim3A_548, %broadcast_in_dim3A_550, %broadcast_in_dim3A_696, %and3A_540] : memref<2x2x64x128xf32, #tpu.memory_space<vmem>>[vector<16xi32>, vector<16xi32>, vector<16xi32>, vector<16xi32>], vector<16xf32>,
        %broadcast_in_dim3A_698 = vector.broadcast %rem3A_547 : i32 to vector<16xi32>
        tpu.vector_store_idx %arg11[%broadcast_in_dim3A_698, %iota3A, %broadcast_in_dim3A_696], %gather3A_697 : memref<2x16x128xf32, #tpu.memory_space<vmem>>[vector<16xi32>, vector<16xi32>, vector<16xi32>], vector<16xf32>,
        %broadcast_in_dim3A_699 = arith.constant 37 : i32
        %broadcast_in_dim3A_700 = vector.broadcast %broadcast_in_dim3A_699 : i32 to vector<16xi32>
        %gather3A_701 = tpu.vector_load_idx %arg10[%broadcast_in_dim3A_548, %broadcast_in_dim3A_550, %broadcast_in_dim3A_700, %and3A_540] : memref<2x2x64x128xf32, #tpu.memory_space<vmem>>[vector<16xi32>, vector<16xi32>, vector<16xi32>, vector<16xi32>], vector<16xf32>,
        %broadcast_in_dim3A_702 = vector.broadcast %rem3A_547 : i32 to vector<16xi32>
        tpu.vector_store_idx %arg11[%broadcast_in_dim3A_702, %iota3A, %broadcast_in_dim3A_700], %gather3A_701 : memref<2x16x128xf32, #tpu.memory_space<vmem>>[vector<16xi32>, vector<16xi32>, vector<16xi32>], vector<16xf32>,
        %broadcast_in_dim3A_703 = arith.constant 38 : i32
        %broadcast_in_dim3A_704 = vector.broadcast %broadcast_in_dim3A_703 : i32 to vector<16xi32>
        %gather3A_705 = tpu.vector_load_idx %arg10[%broadcast_in_dim3A_548, %broadcast_in_dim3A_550, %broadcast_in_dim3A_704, %and3A_540] : memref<2x2x64x128xf32, #tpu.memory_space<vmem>>[vector<16xi32>, vector<16xi32>, vector<16xi32>, vector<16xi32>], vector<16xf32>,
        %broadcast_in_dim3A_706 = vector.broadcast %rem3A_547 : i32 to vector<16xi32>
        tpu.vector_store_idx %arg11[%broadcast_in_dim3A_706, %iota3A, %broadcast_in_dim3A_704], %gather3A_705 : memref<2x16x128xf32, #tpu.memory_space<vmem>>[vector<16xi32>, vector<16xi32>, vector<16xi32>], vector<16xf32>,
        %broadcast_in_dim3A_707 = arith.constant 39 : i32
        %broadcast_in_dim3A_708 = vector.broadcast %broadcast_in_dim3A_707 : i32 to vector<16xi32>
        %gather3A_709 = tpu.vector_load_idx %arg10[%broadcast_in_dim3A_548, %broadcast_in_dim3A_550, %broadcast_in_dim3A_708, %and3A_540] : memref<2x2x64x128xf32, #tpu.memory_space<vmem>>[vector<16xi32>, vector<16xi32>, vector<16xi32>, vector<16xi32>], vector<16xf32>,
        %broadcast_in_dim3A_710 = vector.broadcast %rem3A_547 : i32 to vector<16xi32>
        tpu.vector_store_idx %arg11[%broadcast_in_dim3A_710, %iota3A, %broadcast_in_dim3A_708], %gather3A_709 : memref<2x16x128xf32, #tpu.memory_space<vmem>>[vector<16xi32>, vector<16xi32>, vector<16xi32>], vector<16xf32>,
        %broadcast_in_dim3A_711 = arith.constant 40 : i32
        %broadcast_in_dim3A_712 = vector.broadcast %broadcast_in_dim3A_711 : i32 to vector<16xi32>
        %gather3A_713 = tpu.vector_load_idx %arg10[%broadcast_in_dim3A_548, %broadcast_in_dim3A_550, %broadcast_in_dim3A_712, %and3A_540] : memref<2x2x64x128xf32, #tpu.memory_space<vmem>>[vector<16xi32>, vector<16xi32>, vector<16xi32>, vector<16xi32>], vector<16xf32>,
        %broadcast_in_dim3A_714 = vector.broadcast %rem3A_547 : i32 to vector<16xi32>
        tpu.vector_store_idx %arg11[%broadcast_in_dim3A_714, %iota3A, %broadcast_in_dim3A_712], %gather3A_713 : memref<2x16x128xf32, #tpu.memory_space<vmem>>[vector<16xi32>, vector<16xi32>, vector<16xi32>], vector<16xf32>,
        %broadcast_in_dim3A_715 = arith.constant 41 : i32
        %broadcast_in_dim3A_716 = vector.broadcast %broadcast_in_dim3A_715 : i32 to vector<16xi32>
        %gather3A_717 = tpu.vector_load_idx %arg10[%broadcast_in_dim3A_548, %broadcast_in_dim3A_550, %broadcast_in_dim3A_716, %and3A_540] : memref<2x2x64x128xf32, #tpu.memory_space<vmem>>[vector<16xi32>, vector<16xi32>, vector<16xi32>, vector<16xi32>], vector<16xf32>,
        %broadcast_in_dim3A_718 = vector.broadcast %rem3A_547 : i32 to vector<16xi32>
        tpu.vector_store_idx %arg11[%broadcast_in_dim3A_718, %iota3A, %broadcast_in_dim3A_716], %gather3A_717 : memref<2x16x128xf32, #tpu.memory_space<vmem>>[vector<16xi32>, vector<16xi32>, vector<16xi32>], vector<16xf32>,
        %broadcast_in_dim3A_719 = arith.constant 42 : i32
        %broadcast_in_dim3A_720 = vector.broadcast %broadcast_in_dim3A_719 : i32 to vector<16xi32>
        %gather3A_721 = tpu.vector_load_idx %arg10[%broadcast_in_dim3A_548, %broadcast_in_dim3A_550, %broadcast_in_dim3A_720, %and3A_540] : memref<2x2x64x128xf32, #tpu.memory_space<vmem>>[vector<16xi32>, vector<16xi32>, vector<16xi32>, vector<16xi32>], vector<16xf32>,
        %broadcast_in_dim3A_722 = vector.broadcast %rem3A_547 : i32 to vector<16xi32>
        tpu.vector_store_idx %arg11[%broadcast_in_dim3A_722, %iota3A, %broadcast_in_dim3A_720], %gather3A_721 : memref<2x16x128xf32, #tpu.memory_space<vmem>>[vector<16xi32>, vector<16xi32>, vector<16xi32>], vector<16xf32>,
        %broadcast_in_dim3A_723 = arith.constant 43 : i32
        %broadcast_in_dim3A_724 = vector.broadcast %broadcast_in_dim3A_723 : i32 to vector<16xi32>
        %gather3A_725 = tpu.vector_load_idx %arg10[%broadcast_in_dim3A_548, %broadcast_in_dim3A_550, %broadcast_in_dim3A_724, %and3A_540] : memref<2x2x64x128xf32, #tpu.memory_space<vmem>>[vector<16xi32>, vector<16xi32>, vector<16xi32>, vector<16xi32>], vector<16xf32>,
        %broadcast_in_dim3A_726 = vector.broadcast %rem3A_547 : i32 to vector<16xi32>
        tpu.vector_store_idx %arg11[%broadcast_in_dim3A_726, %iota3A, %broadcast_in_dim3A_724], %gather3A_725 : memref<2x16x128xf32, #tpu.memory_space<vmem>>[vector<16xi32>, vector<16xi32>, vector<16xi32>], vector<16xf32>,
        %broadcast_in_dim3A_727 = arith.constant 44 : i32
        %broadcast_in_dim3A_728 = vector.broadcast %broadcast_in_dim3A_727 : i32 to vector<16xi32>
        %gather3A_729 = tpu.vector_load_idx %arg10[%broadcast_in_dim3A_548, %broadcast_in_dim3A_550, %broadcast_in_dim3A_728, %and3A_540] : memref<2x2x64x128xf32, #tpu.memory_space<vmem>>[vector<16xi32>, vector<16xi32>, vector<16xi32>, vector<16xi32>], vector<16xf32>,
        %broadcast_in_dim3A_730 = vector.broadcast %rem3A_547 : i32 to vector<16xi32>
        tpu.vector_store_idx %arg11[%broadcast_in_dim3A_730, %iota3A, %broadcast_in_dim3A_728], %gather3A_729 : memref<2x16x128xf32, #tpu.memory_space<vmem>>[vector<16xi32>, vector<16xi32>, vector<16xi32>], vector<16xf32>,
        %broadcast_in_dim3A_731 = arith.constant 45 : i32
        %broadcast_in_dim3A_732 = vector.broadcast %broadcast_in_dim3A_731 : i32 to vector<16xi32>
        %gather3A_733 = tpu.vector_load_idx %arg10[%broadcast_in_dim3A_548, %broadcast_in_dim3A_550, %broadcast_in_dim3A_732, %and3A_540] : memref<2x2x64x128xf32, #tpu.memory_space<vmem>>[vector<16xi32>, vector<16xi32>, vector<16xi32>, vector<16xi32>], vector<16xf32>,
        %broadcast_in_dim3A_734 = vector.broadcast %rem3A_547 : i32 to vector<16xi32>
        tpu.vector_store_idx %arg11[%broadcast_in_dim3A_734, %iota3A, %broadcast_in_dim3A_732], %gather3A_733 : memref<2x16x128xf32, #tpu.memory_space<vmem>>[vector<16xi32>, vector<16xi32>, vector<16xi32>], vector<16xf32>,
        %broadcast_in_dim3A_735 = arith.constant 46 : i32
        %broadcast_in_dim3A_736 = vector.broadcast %broadcast_in_dim3A_735 : i32 to vector<16xi32>
        %gather3A_737 = tpu.vector_load_idx %arg10[%broadcast_in_dim3A_548, %broadcast_in_dim3A_550, %broadcast_in_dim3A_736, %and3A_540] : memref<2x2x64x128xf32, #tpu.memory_space<vmem>>[vector<16xi32>, vector<16xi32>, vector<16xi32>, vector<16xi32>], vector<16xf32>,
        %broadcast_in_dim3A_738 = vector.broadcast %rem3A_547 : i32 to vector<16xi32>
        tpu.vector_store_idx %arg11[%broadcast_in_dim3A_738, %iota3A, %broadcast_in_dim3A_736], %gather3A_737 : memref<2x16x128xf32, #tpu.memory_space<vmem>>[vector<16xi32>, vector<16xi32>, vector<16xi32>], vector<16xf32>,
        %broadcast_in_dim3A_739 = arith.constant 47 : i32
        %broadcast_in_dim3A_740 = vector.broadcast %broadcast_in_dim3A_739 : i32 to vector<16xi32>
        %gather3A_741 = tpu.vector_load_idx %arg10[%broadcast_in_dim3A_548, %broadcast_in_dim3A_550, %broadcast_in_dim3A_740, %and3A_540] : memref<2x2x64x128xf32, #tpu.memory_space<vmem>>[vector<16xi32>, vector<16xi32>, vector<16xi32>, vector<16xi32>], vector<16xf32>,
        %broadcast_in_dim3A_742 = vector.broadcast %rem3A_547 : i32 to vector<16xi32>
        tpu.vector_store_idx %arg11[%broadcast_in_dim3A_742, %iota3A, %broadcast_in_dim3A_740], %gather3A_741 : memref<2x16x128xf32, #tpu.memory_space<vmem>>[vector<16xi32>, vector<16xi32>, vector<16xi32>], vector<16xf32>,
        %broadcast_in_dim3A_743 = arith.constant 48 : i32
        %broadcast_in_dim3A_744 = vector.broadcast %broadcast_in_dim3A_743 : i32 to vector<16xi32>
        %gather3A_745 = tpu.vector_load_idx %arg10[%broadcast_in_dim3A_548, %broadcast_in_dim3A_550, %broadcast_in_dim3A_744, %and3A_540] : memref<2x2x64x128xf32, #tpu.memory_space<vmem>>[vector<16xi32>, vector<16xi32>, vector<16xi32>, vector<16xi32>], vector<16xf32>,
        %broadcast_in_dim3A_746 = vector.broadcast %rem3A_547 : i32 to vector<16xi32>
        tpu.vector_store_idx %arg11[%broadcast_in_dim3A_746, %iota3A, %broadcast_in_dim3A_744], %gather3A_745 : memref<2x16x128xf32, #tpu.memory_space<vmem>>[vector<16xi32>, vector<16xi32>, vector<16xi32>], vector<16xf32>,
        %broadcast_in_dim3A_747 = arith.constant 49 : i32
        %broadcast_in_dim3A_748 = vector.broadcast %broadcast_in_dim3A_747 : i32 to vector<16xi32>
        %gather3A_749 = tpu.vector_load_idx %arg10[%broadcast_in_dim3A_548, %broadcast_in_dim3A_550, %broadcast_in_dim3A_748, %and3A_540] : memref<2x2x64x128xf32, #tpu.memory_space<vmem>>[vector<16xi32>, vector<16xi32>, vector<16xi32>, vector<16xi32>], vector<16xf32>,
        %broadcast_in_dim3A_750 = vector.broadcast %rem3A_547 : i32 to vector<16xi32>
        tpu.vector_store_idx %arg11[%broadcast_in_dim3A_750, %iota3A, %broadcast_in_dim3A_748], %gather3A_749 : memref<2x16x128xf32, #tpu.memory_space<vmem>>[vector<16xi32>, vector<16xi32>, vector<16xi32>], vector<16xf32>,
        %broadcast_in_dim3A_751 = arith.constant 50 : i32
        %broadcast_in_dim3A_752 = vector.broadcast %broadcast_in_dim3A_751 : i32 to vector<16xi32>
        %gather3A_753 = tpu.vector_load_idx %arg10[%broadcast_in_dim3A_548, %broadcast_in_dim3A_550, %broadcast_in_dim3A_752, %and3A_540] : memref<2x2x64x128xf32, #tpu.memory_space<vmem>>[vector<16xi32>, vector<16xi32>, vector<16xi32>, vector<16xi32>], vector<16xf32>,
        %broadcast_in_dim3A_754 = vector.broadcast %rem3A_547 : i32 to vector<16xi32>
        tpu.vector_store_idx %arg11[%broadcast_in_dim3A_754, %iota3A, %broadcast_in_dim3A_752], %gather3A_753 : memref<2x16x128xf32, #tpu.memory_space<vmem>>[vector<16xi32>, vector<16xi32>, vector<16xi32>], vector<16xf32>,
        %broadcast_in_dim3A_755 = arith.constant 51 : i32
        %broadcast_in_dim3A_756 = vector.broadcast %broadcast_in_dim3A_755 : i32 to vector<16xi32>
        %gather3A_757 = tpu.vector_load_idx %arg10[%broadcast_in_dim3A_548, %broadcast_in_dim3A_550, %broadcast_in_dim3A_756, %and3A_540] : memref<2x2x64x128xf32, #tpu.memory_space<vmem>>[vector<16xi32>, vector<16xi32>, vector<16xi32>, vector<16xi32>], vector<16xf32>,
        %broadcast_in_dim3A_758 = vector.broadcast %rem3A_547 : i32 to vector<16xi32>
        tpu.vector_store_idx %arg11[%broadcast_in_dim3A_758, %iota3A, %broadcast_in_dim3A_756], %gather3A_757 : memref<2x16x128xf32, #tpu.memory_space<vmem>>[vector<16xi32>, vector<16xi32>, vector<16xi32>], vector<16xf32>,
        %broadcast_in_dim3A_759 = arith.constant 52 : i32
        %broadcast_in_dim3A_760 = vector.broadcast %broadcast_in_dim3A_759 : i32 to vector<16xi32>
        %gather3A_761 = tpu.vector_load_idx %arg10[%broadcast_in_dim3A_548, %broadcast_in_dim3A_550, %broadcast_in_dim3A_760, %and3A_540] : memref<2x2x64x128xf32, #tpu.memory_space<vmem>>[vector<16xi32>, vector<16xi32>, vector<16xi32>, vector<16xi32>], vector<16xf32>,
        %broadcast_in_dim3A_762 = vector.broadcast %rem3A_547 : i32 to vector<16xi32>
        tpu.vector_store_idx %arg11[%broadcast_in_dim3A_762, %iota3A, %broadcast_in_dim3A_760], %gather3A_761 : memref<2x16x128xf32, #tpu.memory_space<vmem>>[vector<16xi32>, vector<16xi32>, vector<16xi32>], vector<16xf32>,
        %broadcast_in_dim3A_763 = arith.constant 53 : i32
        %broadcast_in_dim3A_764 = vector.broadcast %broadcast_in_dim3A_763 : i32 to vector<16xi32>
        %gather3A_765 = tpu.vector_load_idx %arg10[%broadcast_in_dim3A_548, %broadcast_in_dim3A_550, %broadcast_in_dim3A_764, %and3A_540] : memref<2x2x64x128xf32, #tpu.memory_space<vmem>>[vector<16xi32>, vector<16xi32>, vector<16xi32>, vector<16xi32>], vector<16xf32>,
        %broadcast_in_dim3A_766 = vector.broadcast %rem3A_547 : i32 to vector<16xi32>
        tpu.vector_store_idx %arg11[%broadcast_in_dim3A_766, %iota3A, %broadcast_in_dim3A_764], %gather3A_765 : memref<2x16x128xf32, #tpu.memory_space<vmem>>[vector<16xi32>, vector<16xi32>, vector<16xi32>], vector<16xf32>,
        %broadcast_in_dim3A_767 = arith.constant 54 : i32
        %broadcast_in_dim3A_768 = vector.broadcast %broadcast_in_dim3A_767 : i32 to vector<16xi32>
        %gather3A_769 = tpu.vector_load_idx %arg10[%broadcast_in_dim3A_548, %broadcast_in_dim3A_550, %broadcast_in_dim3A_768, %and3A_540] : memref<2x2x64x128xf32, #tpu.memory_space<vmem>>[vector<16xi32>, vector<16xi32>, vector<16xi32>, vector<16xi32>], vector<16xf32>,
        %broadcast_in_dim3A_770 = vector.broadcast %rem3A_547 : i32 to vector<16xi32>
        tpu.vector_store_idx %arg11[%broadcast_in_dim3A_770, %iota3A, %broadcast_in_dim3A_768], %gather3A_769 : memref<2x16x128xf32, #tpu.memory_space<vmem>>[vector<16xi32>, vector<16xi32>, vector<16xi32>], vector<16xf32>,
        %broadcast_in_dim3A_771 = arith.constant 55 : i32
        %broadcast_in_dim3A_772 = vector.broadcast %broadcast_in_dim3A_771 : i32 to vector<16xi32>
        %gather3A_773 = tpu.vector_load_idx %arg10[%broadcast_in_dim3A_548, %broadcast_in_dim3A_550, %broadcast_in_dim3A_772, %and3A_540] : memref<2x2x64x128xf32, #tpu.memory_space<vmem>>[vector<16xi32>, vector<16xi32>, vector<16xi32>, vector<16xi32>], vector<16xf32>,
        %broadcast_in_dim3A_774 = vector.broadcast %rem3A_547 : i32 to vector<16xi32>
        tpu.vector_store_idx %arg11[%broadcast_in_dim3A_774, %iota3A, %broadcast_in_dim3A_772], %gather3A_773 : memref<2x16x128xf32, #tpu.memory_space<vmem>>[vector<16xi32>, vector<16xi32>, vector<16xi32>], vector<16xf32>,
        %broadcast_in_dim3A_775 = arith.constant 56 : i32
        %broadcast_in_dim3A_776 = vector.broadcast %broadcast_in_dim3A_775 : i32 to vector<16xi32>
        %gather3A_777 = tpu.vector_load_idx %arg10[%broadcast_in_dim3A_548, %broadcast_in_dim3A_550, %broadcast_in_dim3A_776, %and3A_540] : memref<2x2x64x128xf32, #tpu.memory_space<vmem>>[vector<16xi32>, vector<16xi32>, vector<16xi32>, vector<16xi32>], vector<16xf32>,
        %broadcast_in_dim3A_778 = vector.broadcast %rem3A_547 : i32 to vector<16xi32>
        tpu.vector_store_idx %arg11[%broadcast_in_dim3A_778, %iota3A, %broadcast_in_dim3A_776], %gather3A_777 : memref<2x16x128xf32, #tpu.memory_space<vmem>>[vector<16xi32>, vector<16xi32>, vector<16xi32>], vector<16xf32>,
        %broadcast_in_dim3A_779 = arith.constant 57 : i32
        %broadcast_in_dim3A_780 = vector.broadcast %broadcast_in_dim3A_779 : i32 to vector<16xi32>
        %gather3A_781 = tpu.vector_load_idx %arg10[%broadcast_in_dim3A_548, %broadcast_in_dim3A_550, %broadcast_in_dim3A_780, %and3A_540] : memref<2x2x64x128xf32, #tpu.memory_space<vmem>>[vector<16xi32>, vector<16xi32>, vector<16xi32>, vector<16xi32>], vector<16xf32>,
        %broadcast_in_dim3A_782 = vector.broadcast %rem3A_547 : i32 to vector<16xi32>
        tpu.vector_store_idx %arg11[%broadcast_in_dim3A_782, %iota3A, %broadcast_in_dim3A_780], %gather3A_781 : memref<2x16x128xf32, #tpu.memory_space<vmem>>[vector<16xi32>, vector<16xi32>, vector<16xi32>], vector<16xf32>,
        %broadcast_in_dim3A_783 = arith.constant 58 : i32
        %broadcast_in_dim3A_784 = vector.broadcast %broadcast_in_dim3A_783 : i32 to vector<16xi32>
        %gather3A_785 = tpu.vector_load_idx %arg10[%broadcast_in_dim3A_548, %broadcast_in_dim3A_550, %broadcast_in_dim3A_784, %and3A_540] : memref<2x2x64x128xf32, #tpu.memory_space<vmem>>[vector<16xi32>, vector<16xi32>, vector<16xi32>, vector<16xi32>], vector<16xf32>,
        %broadcast_in_dim3A_786 = vector.broadcast %rem3A_547 : i32 to vector<16xi32>
        tpu.vector_store_idx %arg11[%broadcast_in_dim3A_786, %iota3A, %broadcast_in_dim3A_784], %gather3A_785 : memref<2x16x128xf32, #tpu.memory_space<vmem>>[vector<16xi32>, vector<16xi32>, vector<16xi32>], vector<16xf32>,
        %broadcast_in_dim3A_787 = arith.constant 59 : i32
        %broadcast_in_dim3A_788 = vector.broadcast %broadcast_in_dim3A_787 : i32 to vector<16xi32>
        %gather3A_789 = tpu.vector_load_idx %arg10[%broadcast_in_dim3A_548, %broadcast_in_dim3A_550, %broadcast_in_dim3A_788, %and3A_540] : memref<2x2x64x128xf32, #tpu.memory_space<vmem>>[vector<16xi32>, vector<16xi32>, vector<16xi32>, vector<16xi32>], vector<16xf32>,
        %broadcast_in_dim3A_790 = vector.broadcast %rem3A_547 : i32 to vector<16xi32>
        tpu.vector_store_idx %arg11[%broadcast_in_dim3A_790, %iota3A, %broadcast_in_dim3A_788], %gather3A_789 : memref<2x16x128xf32, #tpu.memory_space<vmem>>[vector<16xi32>, vector<16xi32>, vector<16xi32>], vector<16xf32>,
        %broadcast_in_dim3A_791 = arith.constant 60 : i32
        %broadcast_in_dim3A_792 = vector.broadcast %broadcast_in_dim3A_791 : i32 to vector<16xi32>
        %gather3A_793 = tpu.vector_load_idx %arg10[%broadcast_in_dim3A_548, %broadcast_in_dim3A_550, %broadcast_in_dim3A_792, %and3A_540] : memref<2x2x64x128xf32, #tpu.memory_space<vmem>>[vector<16xi32>, vector<16xi32>, vector<16xi32>, vector<16xi32>], vector<16xf32>,
        %broadcast_in_dim3A_794 = vector.broadcast %rem3A_547 : i32 to vector<16xi32>
        tpu.vector_store_idx %arg11[%broadcast_in_dim3A_794, %iota3A, %broadcast_in_dim3A_792], %gather3A_793 : memref<2x16x128xf32, #tpu.memory_space<vmem>>[vector<16xi32>, vector<16xi32>, vector<16xi32>], vector<16xf32>,
        %broadcast_in_dim3A_795 = arith.constant 61 : i32
        %broadcast_in_dim3A_796 = vector.broadcast %broadcast_in_dim3A_795 : i32 to vector<16xi32>
        %gather3A_797 = tpu.vector_load_idx %arg10[%broadcast_in_dim3A_548, %broadcast_in_dim3A_550, %broadcast_in_dim3A_796, %and3A_540] : memref<2x2x64x128xf32, #tpu.memory_space<vmem>>[vector<16xi32>, vector<16xi32>, vector<16xi32>, vector<16xi32>], vector<16xf32>,
        %broadcast_in_dim3A_798 = vector.broadcast %rem3A_547 : i32 to vector<16xi32>
        tpu.vector_store_idx %arg11[%broadcast_in_dim3A_798, %iota3A, %broadcast_in_dim3A_796], %gather3A_797 : memref<2x16x128xf32, #tpu.memory_space<vmem>>[vector<16xi32>, vector<16xi32>, vector<16xi32>], vector<16xf32>,
        %broadcast_in_dim3A_799 = arith.constant 62 : i32
        %broadcast_in_dim3A_800 = vector.broadcast %broadcast_in_dim3A_799 : i32 to vector<16xi32>
        %gather3A_801 = tpu.vector_load_idx %arg10[%broadcast_in_dim3A_548, %broadcast_in_dim3A_550, %broadcast_in_dim3A_800, %and3A_540] : memref<2x2x64x128xf32, #tpu.memory_space<vmem>>[vector<16xi32>, vector<16xi32>, vector<16xi32>, vector<16xi32>], vector<16xf32>,
        %broadcast_in_dim3A_802 = vector.broadcast %rem3A_547 : i32 to vector<16xi32>
        tpu.vector_store_idx %arg11[%broadcast_in_dim3A_802, %iota3A, %broadcast_in_dim3A_800], %gather3A_801 : memref<2x16x128xf32, #tpu.memory_space<vmem>>[vector<16xi32>, vector<16xi32>, vector<16xi32>], vector<16xf32>,
        %broadcast_in_dim3A_803 = arith.constant 63 : i32
        %broadcast_in_dim3A_804 = vector.broadcast %broadcast_in_dim3A_803 : i32 to vector<16xi32>
        %gather3A_805 = tpu.vector_load_idx %arg10[%broadcast_in_dim3A_548, %broadcast_in_dim3A_550, %broadcast_in_dim3A_804, %and3A_540] : memref<2x2x64x128xf32, #tpu.memory_space<vmem>>[vector<16xi32>, vector<16xi32>, vector<16xi32>, vector<16xi32>], vector<16xf32>,
        %broadcast_in_dim3A_806 = vector.broadcast %rem3A_547 : i32 to vector<16xi32>
        tpu.vector_store_idx %arg11[%broadcast_in_dim3A_806, %iota3A, %broadcast_in_dim3A_804], %gather3A_805 : memref<2x16x128xf32, #tpu.memory_space<vmem>>[vector<16xi32>, vector<16xi32>, vector<16xi32>], vector<16xf32>,
        %swap3A_807 = arith.constant 0 : i32
        %swap3A_808 = arith.index_cast %rem3A_547 : i32 to index
        %swap3A_809 = arith.index_cast %swap3A_807 : i32 to index
        %swap3A_810 = arith.constant 0 : index
        %swap3A_811 = tpu.vector_load %arg12[%swap3A_808, %swap3A_809, %swap3A_810] {strides = array<i32>} : memref<2x1x16xi32, #tpu.memory_space<vmem>>, vector<16xi32>,
        tpu.vector_store %arg12[%swap3A_808, %swap3A_809, %swap3A_810], %and3A_545 {strides = array<i32>} : memref<2x1x16xi32, #tpu.memory_space<vmem>>, vector<16xi32>,
        %add3A_812 = arith.constant 1 : i32
        %add3A_813 = arith.addi %while3A_524, %add3A_812 : i32
        scf.yield %add3A_813 : i32
      }
      scf.yield %while3A_522 : i32
    }
    %scan3A_383 = arith.constant 123 : i32
    return
  }
}

#map = affine_map<(d0, d1) -> (0, 0)>
#map1 = affine_map<(d0, d1) -> (0, 0, 0, 0)>
module attributes {stable_mosaic.version = 14 : i64} {
  func.func @_bucket_kernel(%arg0: i32, %arg1: i32, %arg2: memref<32x512xi32, #tpu.memory_space<hbm>>, %arg3: memref<32x32x16x32xi32, #tpu.memory_space<hbm>>, %arg4: memref<512xi32, #tpu.memory_space<vmem>>, %arg5: memref<32x1x16x32xi32, #tpu.memory_space<vmem>>, %arg6: memref<16x32xi32, #tpu.memory_space<vmem>>) attributes {dimension_semantics = [#tpu.dimension_semantics<core_parallel>, #tpu.dimension_semantics<subcore_parallel>], iteration_bounds = array<i64: 2, 16>, scalar_prefetch = 0 : i64, scratch_operands = 3 : i64, tpu.core_type = #tpu.core_type<sc_vector_subcore>, window_params = [{transform_indices = #map}, {transform_indices = #map1}]} {
    %mul3A = arith.constant 2 : i32
    %mul3A_0 = arith.muli %arg1, %mul3A : i32
    %add3A = arith.addi %mul3A_0, %arg0 : i32
    "tpu.region"() ({
      %run_scoped3A = tpu.sem_alloc : memref<!tpu.dma_semaphore, #tpu.memory_space<semaphore_mem>>
      %dma_start3A = arith.constant 0 : i32
      %dma_start3A_140 = tpu.memref_slice %arg2[%add3A, %dma_start3A] : memref<32x512xi32, #tpu.memory_space<hbm>> -> memref<1x512xi32, #tpu.memory_space<hbm>>
      %dma_start3A_141 = tpu.memref_squeeze %dma_start3A_140 : memref<1x512xi32, #tpu.memory_space<hbm>> -> memref<512xi32, #tpu.memory_space<hbm>>
      %dma_start3A_142 = arith.constant 0 : i32
      %dma_start3A_143 = tpu.memref_slice %arg2[%add3A, %dma_start3A_142] : memref<32x512xi32, #tpu.memory_space<hbm>> -> memref<1x512xi32, #tpu.memory_space<hbm>>
      %dma_start3A_144 = tpu.memref_squeeze %dma_start3A_143 : memref<1x512xi32, #tpu.memory_space<hbm>> -> memref<512xi32, #tpu.memory_space<hbm>>
      tpu.enqueue_dma source(%dma_start3A_144 : memref<512xi32, #tpu.memory_space<hbm>>) target(%arg4 : memref<512xi32, #tpu.memory_space<vmem>>) target_semaphore(%run_scoped3A : memref<!tpu.dma_semaphore, #tpu.memory_space<semaphore_mem>>)
      %dma_wait3A = arith.constant 0 : i32
      %dma_wait3A_145 = tpu.memref_slice %arg2[%add3A, %dma_wait3A] : memref<32x512xi32, #tpu.memory_space<hbm>> -> memref<1x512xi32, #tpu.memory_space<hbm>>
      %dma_wait3A_146 = tpu.memref_squeeze %dma_wait3A_145 : memref<1x512xi32, #tpu.memory_space<hbm>> -> memref<512xi32, #tpu.memory_space<hbm>>
      %dma_wait3A_147 = arith.constant 0 : i32
      %dma_wait3A_148 = tpu.memref_slice %arg2[%add3A, %dma_wait3A_147] : memref<32x512xi32, #tpu.memory_space<hbm>> -> memref<1x512xi32, #tpu.memory_space<hbm>>
      %dma_wait3A_149 = tpu.memref_squeeze %dma_wait3A_148 : memref<1x512xi32, #tpu.memory_space<hbm>> -> memref<512xi32, #tpu.memory_space<hbm>>
      tpu.wait_dma2 semaphore(%run_scoped3A : memref<!tpu.dma_semaphore, #tpu.memory_space<semaphore_mem>>) src(%dma_wait3A_149 : memref<512xi32, #tpu.memory_space<hbm>>) dst(%arg4 : memref<512xi32, #tpu.memory_space<vmem>>)
      tpu.yield
    }) : () -> ()
    %iota3A = tpu.iota {dimensions = array<i32: 0>} : vector<16xi32>
    %broadcast_in_dim3A = arith.constant 1069547520 : i32
    %broadcast_in_dim3A_1 = vector.broadcast %broadcast_in_dim3A : i32 to vector<16xi32>
    %broadcast_in_dim3A_2 = arith.constant 0 : i32
    %broadcast_in_dim3A_3 = vector.broadcast %broadcast_in_dim3A_2 : i32 to vector<16xi32>
    %scan3A = arith.constant 0 : i32
    %scan3A_4 = arith.constant 32 : i32
    %scan3A_5 = arith.addi %scan3A, %scan3A_4 : i32
    %scan3A_6 = arith.constant 1 : i32
    scf.for %scan3A_140 = %scan3A to %scan3A_5 step %scan3A_6  : i32 {
      %swap3A_141 = arith.constant 0 : i32
      %swap3A_142 = arith.constant 0 : i32
      %swap3A_143 = arith.index_cast %scan3A_140 : i32 to index
      %swap3A_144 = arith.index_cast %swap3A_141 : i32 to index
      %swap3A_145 = arith.index_cast %swap3A_142 : i32 to index
      %swap3A_146 = arith.constant 0 : index
      %swap3A_147 = tpu.vector_load %arg5[%swap3A_143, %swap3A_144, %swap3A_145, %swap3A_146] {strides = array<i32>} : memref<32x1x16x32xi32, #tpu.memory_space<vmem>>, vector<16xi32>,
      tpu.vector_store %arg5[%swap3A_143, %swap3A_144, %swap3A_145, %swap3A_146], %broadcast_in_dim3A_1 {strides = array<i32>} : memref<32x1x16x32xi32, #tpu.memory_space<vmem>>, vector<16xi32>,
      %swap3A_148 = arith.constant 0 : i32
      %swap3A_149 = arith.constant 0 : i32
      %swap3A_150 = arith.index_cast %scan3A_140 : i32 to index
      %swap3A_151 = arith.index_cast %swap3A_148 : i32 to index
      %swap3A_152 = arith.index_cast %swap3A_149 : i32 to index
      %swap3A_153 = arith.constant 16 : index
      %swap3A_154 = tpu.vector_load %arg5[%swap3A_150, %swap3A_151, %swap3A_152, %swap3A_153] {strides = array<i32>} : memref<32x1x16x32xi32, #tpu.memory_space<vmem>>, vector<16xi32>,
      tpu.vector_store %arg5[%swap3A_150, %swap3A_151, %swap3A_152, %swap3A_153], %broadcast_in_dim3A_1 {strides = array<i32>} : memref<32x1x16x32xi32, #tpu.memory_space<vmem>>, vector<16xi32>,
      %swap3A_155 = arith.constant 0 : i32
      %swap3A_156 = arith.constant 1 : i32
      %swap3A_157 = arith.index_cast %scan3A_140 : i32 to index
      %swap3A_158 = arith.index_cast %swap3A_155 : i32 to index
      %swap3A_159 = arith.index_cast %swap3A_156 : i32 to index
      %swap3A_160 = arith.constant 0 : index
      %swap3A_161 = tpu.vector_load %arg5[%swap3A_157, %swap3A_158, %swap3A_159, %swap3A_160] {strides = array<i32>} : memref<32x1x16x32xi32, #tpu.memory_space<vmem>>, vector<16xi32>,
      tpu.vector_store %arg5[%swap3A_157, %swap3A_158, %swap3A_159, %swap3A_160], %broadcast_in_dim3A_1 {strides = array<i32>} : memref<32x1x16x32xi32, #tpu.memory_space<vmem>>, vector<16xi32>,
      %swap3A_162 = arith.constant 0 : i32
      %swap3A_163 = arith.constant 1 : i32
      %swap3A_164 = arith.index_cast %scan3A_140 : i32 to index
      %swap3A_165 = arith.index_cast %swap3A_162 : i32 to index
      %swap3A_166 = arith.index_cast %swap3A_163 : i32 to index
      %swap3A_167 = arith.constant 16 : index
      %swap3A_168 = tpu.vector_load %arg5[%swap3A_164, %swap3A_165, %swap3A_166, %swap3A_167] {strides = array<i32>} : memref<32x1x16x32xi32, #tpu.memory_space<vmem>>, vector<16xi32>,
      tpu.vector_store %arg5[%swap3A_164, %swap3A_165, %swap3A_166, %swap3A_167], %broadcast_in_dim3A_1 {strides = array<i32>} : memref<32x1x16x32xi32, #tpu.memory_space<vmem>>, vector<16xi32>,
      %swap3A_169 = arith.constant 0 : i32
      %swap3A_170 = arith.constant 2 : i32
      %swap3A_171 = arith.index_cast %scan3A_140 : i32 to index
      %swap3A_172 = arith.index_cast %swap3A_169 : i32 to index
      %swap3A_173 = arith.index_cast %swap3A_170 : i32 to index
      %swap3A_174 = arith.constant 0 : index
      %swap3A_175 = tpu.vector_load %arg5[%swap3A_171, %swap3A_172, %swap3A_173, %swap3A_174] {strides = array<i32>} : memref<32x1x16x32xi32, #tpu.memory_space<vmem>>, vector<16xi32>,
      tpu.vector_store %arg5[%swap3A_171, %swap3A_172, %swap3A_173, %swap3A_174], %broadcast_in_dim3A_1 {strides = array<i32>} : memref<32x1x16x32xi32, #tpu.memory_space<vmem>>, vector<16xi32>,
      %swap3A_176 = arith.constant 0 : i32
      %swap3A_177 = arith.constant 2 : i32
      %swap3A_178 = arith.index_cast %scan3A_140 : i32 to index
      %swap3A_179 = arith.index_cast %swap3A_176 : i32 to index
      %swap3A_180 = arith.index_cast %swap3A_177 : i32 to index
      %swap3A_181 = arith.constant 16 : index
      %swap3A_182 = tpu.vector_load %arg5[%swap3A_178, %swap3A_179, %swap3A_180, %swap3A_181] {strides = array<i32>} : memref<32x1x16x32xi32, #tpu.memory_space<vmem>>, vector<16xi32>,
      tpu.vector_store %arg5[%swap3A_178, %swap3A_179, %swap3A_180, %swap3A_181], %broadcast_in_dim3A_1 {strides = array<i32>} : memref<32x1x16x32xi32, #tpu.memory_space<vmem>>, vector<16xi32>,
      %swap3A_183 = arith.constant 0 : i32
      %swap3A_184 = arith.constant 3 : i32
      %swap3A_185 = arith.index_cast %scan3A_140 : i32 to index
      %swap3A_186 = arith.index_cast %swap3A_183 : i32 to index
      %swap3A_187 = arith.index_cast %swap3A_184 : i32 to index
      %swap3A_188 = arith.constant 0 : index
      %swap3A_189 = tpu.vector_load %arg5[%swap3A_185, %swap3A_186, %swap3A_187, %swap3A_188] {strides = array<i32>} : memref<32x1x16x32xi32, #tpu.memory_space<vmem>>, vector<16xi32>,
      tpu.vector_store %arg5[%swap3A_185, %swap3A_186, %swap3A_187, %swap3A_188], %broadcast_in_dim3A_1 {strides = array<i32>} : memref<32x1x16x32xi32, #tpu.memory_space<vmem>>, vector<16xi32>,
      %swap3A_190 = arith.constant 0 : i32
      %swap3A_191 = arith.constant 3 : i32
      %swap3A_192 = arith.index_cast %scan3A_140 : i32 to index
      %swap3A_193 = arith.index_cast %swap3A_190 : i32 to index
      %swap3A_194 = arith.index_cast %swap3A_191 : i32 to index
      %swap3A_195 = arith.constant 16 : index
      %swap3A_196 = tpu.vector_load %arg5[%swap3A_192, %swap3A_193, %swap3A_194, %swap3A_195] {strides = array<i32>} : memref<32x1x16x32xi32, #tpu.memory_space<vmem>>, vector<16xi32>,
      tpu.vector_store %arg5[%swap3A_192, %swap3A_193, %swap3A_194, %swap3A_195], %broadcast_in_dim3A_1 {strides = array<i32>} : memref<32x1x16x32xi32, #tpu.memory_space<vmem>>, vector<16xi32>,
      %swap3A_197 = arith.constant 0 : i32
      %swap3A_198 = arith.constant 4 : i32
      %swap3A_199 = arith.index_cast %scan3A_140 : i32 to index
      %swap3A_200 = arith.index_cast %swap3A_197 : i32 to index
      %swap3A_201 = arith.index_cast %swap3A_198 : i32 to index
      %swap3A_202 = arith.constant 0 : index
      %swap3A_203 = tpu.vector_load %arg5[%swap3A_199, %swap3A_200, %swap3A_201, %swap3A_202] {strides = array<i32>} : memref<32x1x16x32xi32, #tpu.memory_space<vmem>>, vector<16xi32>,
      tpu.vector_store %arg5[%swap3A_199, %swap3A_200, %swap3A_201, %swap3A_202], %broadcast_in_dim3A_1 {strides = array<i32>} : memref<32x1x16x32xi32, #tpu.memory_space<vmem>>, vector<16xi32>,
      %swap3A_204 = arith.constant 0 : i32
      %swap3A_205 = arith.constant 4 : i32
      %swap3A_206 = arith.index_cast %scan3A_140 : i32 to index
      %swap3A_207 = arith.index_cast %swap3A_204 : i32 to index
      %swap3A_208 = arith.index_cast %swap3A_205 : i32 to index
      %swap3A_209 = arith.constant 16 : index
      %swap3A_210 = tpu.vector_load %arg5[%swap3A_206, %swap3A_207, %swap3A_208, %swap3A_209] {strides = array<i32>} : memref<32x1x16x32xi32, #tpu.memory_space<vmem>>, vector<16xi32>,
      tpu.vector_store %arg5[%swap3A_206, %swap3A_207, %swap3A_208, %swap3A_209], %broadcast_in_dim3A_1 {strides = array<i32>} : memref<32x1x16x32xi32, #tpu.memory_space<vmem>>, vector<16xi32>,
      %swap3A_211 = arith.constant 0 : i32
      %swap3A_212 = arith.constant 5 : i32
      %swap3A_213 = arith.index_cast %scan3A_140 : i32 to index
      %swap3A_214 = arith.index_cast %swap3A_211 : i32 to index
      %swap3A_215 = arith.index_cast %swap3A_212 : i32 to index
      %swap3A_216 = arith.constant 0 : index
      %swap3A_217 = tpu.vector_load %arg5[%swap3A_213, %swap3A_214, %swap3A_215, %swap3A_216] {strides = array<i32>} : memref<32x1x16x32xi32, #tpu.memory_space<vmem>>, vector<16xi32>,
      tpu.vector_store %arg5[%swap3A_213, %swap3A_214, %swap3A_215, %swap3A_216], %broadcast_in_dim3A_1 {strides = array<i32>} : memref<32x1x16x32xi32, #tpu.memory_space<vmem>>, vector<16xi32>,
      %swap3A_218 = arith.constant 0 : i32
      %swap3A_219 = arith.constant 5 : i32
      %swap3A_220 = arith.index_cast %scan3A_140 : i32 to index
      %swap3A_221 = arith.index_cast %swap3A_218 : i32 to index
      %swap3A_222 = arith.index_cast %swap3A_219 : i32 to index
      %swap3A_223 = arith.constant 16 : index
      %swap3A_224 = tpu.vector_load %arg5[%swap3A_220, %swap3A_221, %swap3A_222, %swap3A_223] {strides = array<i32>} : memref<32x1x16x32xi32, #tpu.memory_space<vmem>>, vector<16xi32>,
      tpu.vector_store %arg5[%swap3A_220, %swap3A_221, %swap3A_222, %swap3A_223], %broadcast_in_dim3A_1 {strides = array<i32>} : memref<32x1x16x32xi32, #tpu.memory_space<vmem>>, vector<16xi32>,
      %swap3A_225 = arith.constant 0 : i32
      %swap3A_226 = arith.constant 6 : i32
      %swap3A_227 = arith.index_cast %scan3A_140 : i32 to index
      %swap3A_228 = arith.index_cast %swap3A_225 : i32 to index
      %swap3A_229 = arith.index_cast %swap3A_226 : i32 to index
      %swap3A_230 = arith.constant 0 : index
      %swap3A_231 = tpu.vector_load %arg5[%swap3A_227, %swap3A_228, %swap3A_229, %swap3A_230] {strides = array<i32>} : memref<32x1x16x32xi32, #tpu.memory_space<vmem>>, vector<16xi32>,
      tpu.vector_store %arg5[%swap3A_227, %swap3A_228, %swap3A_229, %swap3A_230], %broadcast_in_dim3A_1 {strides = array<i32>} : memref<32x1x16x32xi32, #tpu.memory_space<vmem>>, vector<16xi32>,
      %swap3A_232 = arith.constant 0 : i32
      %swap3A_233 = arith.constant 6 : i32
      %swap3A_234 = arith.index_cast %scan3A_140 : i32 to index
      %swap3A_235 = arith.index_cast %swap3A_232 : i32 to index
      %swap3A_236 = arith.index_cast %swap3A_233 : i32 to index
      %swap3A_237 = arith.constant 16 : index
      %swap3A_238 = tpu.vector_load %arg5[%swap3A_234, %swap3A_235, %swap3A_236, %swap3A_237] {strides = array<i32>} : memref<32x1x16x32xi32, #tpu.memory_space<vmem>>, vector<16xi32>,
      tpu.vector_store %arg5[%swap3A_234, %swap3A_235, %swap3A_236, %swap3A_237], %broadcast_in_dim3A_1 {strides = array<i32>} : memref<32x1x16x32xi32, #tpu.memory_space<vmem>>, vector<16xi32>,
      %swap3A_239 = arith.constant 0 : i32
      %swap3A_240 = arith.constant 7 : i32
      %swap3A_241 = arith.index_cast %scan3A_140 : i32 to index
      %swap3A_242 = arith.index_cast %swap3A_239 : i32 to index
      %swap3A_243 = arith.index_cast %swap3A_240 : i32 to index
      %swap3A_244 = arith.constant 0 : index
      %swap3A_245 = tpu.vector_load %arg5[%swap3A_241, %swap3A_242, %swap3A_243, %swap3A_244] {strides = array<i32>} : memref<32x1x16x32xi32, #tpu.memory_space<vmem>>, vector<16xi32>,
      tpu.vector_store %arg5[%swap3A_241, %swap3A_242, %swap3A_243, %swap3A_244], %broadcast_in_dim3A_1 {strides = array<i32>} : memref<32x1x16x32xi32, #tpu.memory_space<vmem>>, vector<16xi32>,
      %swap3A_246 = arith.constant 0 : i32
      %swap3A_247 = arith.constant 7 : i32
      %swap3A_248 = arith.index_cast %scan3A_140 : i32 to index
      %swap3A_249 = arith.index_cast %swap3A_246 : i32 to index
      %swap3A_250 = arith.index_cast %swap3A_247 : i32 to index
      %swap3A_251 = arith.constant 16 : index
      %swap3A_252 = tpu.vector_load %arg5[%swap3A_248, %swap3A_249, %swap3A_250, %swap3A_251] {strides = array<i32>} : memref<32x1x16x32xi32, #tpu.memory_space<vmem>>, vector<16xi32>,
      tpu.vector_store %arg5[%swap3A_248, %swap3A_249, %swap3A_250, %swap3A_251], %broadcast_in_dim3A_1 {strides = array<i32>} : memref<32x1x16x32xi32, #tpu.memory_space<vmem>>, vector<16xi32>,
      %swap3A_253 = arith.constant 0 : i32
      %swap3A_254 = arith.constant 8 : i32
      %swap3A_255 = arith.index_cast %scan3A_140 : i32 to index
      %swap3A_256 = arith.index_cast %swap3A_253 : i32 to index
      %swap3A_257 = arith.index_cast %swap3A_254 : i32 to index
      %swap3A_258 = arith.constant 0 : index
      %swap3A_259 = tpu.vector_load %arg5[%swap3A_255, %swap3A_256, %swap3A_257, %swap3A_258] {strides = array<i32>} : memref<32x1x16x32xi32, #tpu.memory_space<vmem>>, vector<16xi32>,
      tpu.vector_store %arg5[%swap3A_255, %swap3A_256, %swap3A_257, %swap3A_258], %broadcast_in_dim3A_1 {strides = array<i32>} : memref<32x1x16x32xi32, #tpu.memory_space<vmem>>, vector<16xi32>,
      %swap3A_260 = arith.constant 0 : i32
      %swap3A_261 = arith.constant 8 : i32
      %swap3A_262 = arith.index_cast %scan3A_140 : i32 to index
      %swap3A_263 = arith.index_cast %swap3A_260 : i32 to index
      %swap3A_264 = arith.index_cast %swap3A_261 : i32 to index
      %swap3A_265 = arith.constant 16 : index
      %swap3A_266 = tpu.vector_load %arg5[%swap3A_262, %swap3A_263, %swap3A_264, %swap3A_265] {strides = array<i32>} : memref<32x1x16x32xi32, #tpu.memory_space<vmem>>, vector<16xi32>,
      tpu.vector_store %arg5[%swap3A_262, %swap3A_263, %swap3A_264, %swap3A_265], %broadcast_in_dim3A_1 {strides = array<i32>} : memref<32x1x16x32xi32, #tpu.memory_space<vmem>>, vector<16xi32>,
      %swap3A_267 = arith.constant 0 : i32
      %swap3A_268 = arith.constant 9 : i32
      %swap3A_269 = arith.index_cast %scan3A_140 : i32 to index
      %swap3A_270 = arith.index_cast %swap3A_267 : i32 to index
      %swap3A_271 = arith.index_cast %swap3A_268 : i32 to index
      %swap3A_272 = arith.constant 0 : index
      %swap3A_273 = tpu.vector_load %arg5[%swap3A_269, %swap3A_270, %swap3A_271, %swap3A_272] {strides = array<i32>} : memref<32x1x16x32xi32, #tpu.memory_space<vmem>>, vector<16xi32>,
      tpu.vector_store %arg5[%swap3A_269, %swap3A_270, %swap3A_271, %swap3A_272], %broadcast_in_dim3A_1 {strides = array<i32>} : memref<32x1x16x32xi32, #tpu.memory_space<vmem>>, vector<16xi32>,
      %swap3A_274 = arith.constant 0 : i32
      %swap3A_275 = arith.constant 9 : i32
      %swap3A_276 = arith.index_cast %scan3A_140 : i32 to index
      %swap3A_277 = arith.index_cast %swap3A_274 : i32 to index
      %swap3A_278 = arith.index_cast %swap3A_275 : i32 to index
      %swap3A_279 = arith.constant 16 : index
      %swap3A_280 = tpu.vector_load %arg5[%swap3A_276, %swap3A_277, %swap3A_278, %swap3A_279] {strides = array<i32>} : memref<32x1x16x32xi32, #tpu.memory_space<vmem>>, vector<16xi32>,
      tpu.vector_store %arg5[%swap3A_276, %swap3A_277, %swap3A_278, %swap3A_279], %broadcast_in_dim3A_1 {strides = array<i32>} : memref<32x1x16x32xi32, #tpu.memory_space<vmem>>, vector<16xi32>,
      %swap3A_281 = arith.constant 0 : i32
      %swap3A_282 = arith.constant 10 : i32
      %swap3A_283 = arith.index_cast %scan3A_140 : i32 to index
      %swap3A_284 = arith.index_cast %swap3A_281 : i32 to index
      %swap3A_285 = arith.index_cast %swap3A_282 : i32 to index
      %swap3A_286 = arith.constant 0 : index
      %swap3A_287 = tpu.vector_load %arg5[%swap3A_283, %swap3A_284, %swap3A_285, %swap3A_286] {strides = array<i32>} : memref<32x1x16x32xi32, #tpu.memory_space<vmem>>, vector<16xi32>,
      tpu.vector_store %arg5[%swap3A_283, %swap3A_284, %swap3A_285, %swap3A_286], %broadcast_in_dim3A_1 {strides = array<i32>} : memref<32x1x16x32xi32, #tpu.memory_space<vmem>>, vector<16xi32>,
      %swap3A_288 = arith.constant 0 : i32
      %swap3A_289 = arith.constant 10 : i32
      %swap3A_290 = arith.index_cast %scan3A_140 : i32 to index
      %swap3A_291 = arith.index_cast %swap3A_288 : i32 to index
      %swap3A_292 = arith.index_cast %swap3A_289 : i32 to index
      %swap3A_293 = arith.constant 16 : index
      %swap3A_294 = tpu.vector_load %arg5[%swap3A_290, %swap3A_291, %swap3A_292, %swap3A_293] {strides = array<i32>} : memref<32x1x16x32xi32, #tpu.memory_space<vmem>>, vector<16xi32>,
      tpu.vector_store %arg5[%swap3A_290, %swap3A_291, %swap3A_292, %swap3A_293], %broadcast_in_dim3A_1 {strides = array<i32>} : memref<32x1x16x32xi32, #tpu.memory_space<vmem>>, vector<16xi32>,
      %swap3A_295 = arith.constant 0 : i32
      %swap3A_296 = arith.constant 11 : i32
      %swap3A_297 = arith.index_cast %scan3A_140 : i32 to index
      %swap3A_298 = arith.index_cast %swap3A_295 : i32 to index
      %swap3A_299 = arith.index_cast %swap3A_296 : i32 to index
      %swap3A_300 = arith.constant 0 : index
      %swap3A_301 = tpu.vector_load %arg5[%swap3A_297, %swap3A_298, %swap3A_299, %swap3A_300] {strides = array<i32>} : memref<32x1x16x32xi32, #tpu.memory_space<vmem>>, vector<16xi32>,
      tpu.vector_store %arg5[%swap3A_297, %swap3A_298, %swap3A_299, %swap3A_300], %broadcast_in_dim3A_1 {strides = array<i32>} : memref<32x1x16x32xi32, #tpu.memory_space<vmem>>, vector<16xi32>,
      %swap3A_302 = arith.constant 0 : i32
      %swap3A_303 = arith.constant 11 : i32
      %swap3A_304 = arith.index_cast %scan3A_140 : i32 to index
      %swap3A_305 = arith.index_cast %swap3A_302 : i32 to index
      %swap3A_306 = arith.index_cast %swap3A_303 : i32 to index
      %swap3A_307 = arith.constant 16 : index
      %swap3A_308 = tpu.vector_load %arg5[%swap3A_304, %swap3A_305, %swap3A_306, %swap3A_307] {strides = array<i32>} : memref<32x1x16x32xi32, #tpu.memory_space<vmem>>, vector<16xi32>,
      tpu.vector_store %arg5[%swap3A_304, %swap3A_305, %swap3A_306, %swap3A_307], %broadcast_in_dim3A_1 {strides = array<i32>} : memref<32x1x16x32xi32, #tpu.memory_space<vmem>>, vector<16xi32>,
      %swap3A_309 = arith.constant 0 : i32
      %swap3A_310 = arith.constant 12 : i32
      %swap3A_311 = arith.index_cast %scan3A_140 : i32 to index
      %swap3A_312 = arith.index_cast %swap3A_309 : i32 to index
      %swap3A_313 = arith.index_cast %swap3A_310 : i32 to index
      %swap3A_314 = arith.constant 0 : index
      %swap3A_315 = tpu.vector_load %arg5[%swap3A_311, %swap3A_312, %swap3A_313, %swap3A_314] {strides = array<i32>} : memref<32x1x16x32xi32, #tpu.memory_space<vmem>>, vector<16xi32>,
      tpu.vector_store %arg5[%swap3A_311, %swap3A_312, %swap3A_313, %swap3A_314], %broadcast_in_dim3A_1 {strides = array<i32>} : memref<32x1x16x32xi32, #tpu.memory_space<vmem>>, vector<16xi32>,
      %swap3A_316 = arith.constant 0 : i32
      %swap3A_317 = arith.constant 12 : i32
      %swap3A_318 = arith.index_cast %scan3A_140 : i32 to index
      %swap3A_319 = arith.index_cast %swap3A_316 : i32 to index
      %swap3A_320 = arith.index_cast %swap3A_317 : i32 to index
      %swap3A_321 = arith.constant 16 : index
      %swap3A_322 = tpu.vector_load %arg5[%swap3A_318, %swap3A_319, %swap3A_320, %swap3A_321] {strides = array<i32>} : memref<32x1x16x32xi32, #tpu.memory_space<vmem>>, vector<16xi32>,
      tpu.vector_store %arg5[%swap3A_318, %swap3A_319, %swap3A_320, %swap3A_321], %broadcast_in_dim3A_1 {strides = array<i32>} : memref<32x1x16x32xi32, #tpu.memory_space<vmem>>, vector<16xi32>,
      %swap3A_323 = arith.constant 0 : i32
      %swap3A_324 = arith.constant 13 : i32
      %swap3A_325 = arith.index_cast %scan3A_140 : i32 to index
      %swap3A_326 = arith.index_cast %swap3A_323 : i32 to index
      %swap3A_327 = arith.index_cast %swap3A_324 : i32 to index
      %swap3A_328 = arith.constant 0 : index
      %swap3A_329 = tpu.vector_load %arg5[%swap3A_325, %swap3A_326, %swap3A_327, %swap3A_328] {strides = array<i32>} : memref<32x1x16x32xi32, #tpu.memory_space<vmem>>, vector<16xi32>,
      tpu.vector_store %arg5[%swap3A_325, %swap3A_326, %swap3A_327, %swap3A_328], %broadcast_in_dim3A_1 {strides = array<i32>} : memref<32x1x16x32xi32, #tpu.memory_space<vmem>>, vector<16xi32>,
      %swap3A_330 = arith.constant 0 : i32
      %swap3A_331 = arith.constant 13 : i32
      %swap3A_332 = arith.index_cast %scan3A_140 : i32 to index
      %swap3A_333 = arith.index_cast %swap3A_330 : i32 to index
      %swap3A_334 = arith.index_cast %swap3A_331 : i32 to index
      %swap3A_335 = arith.constant 16 : index
      %swap3A_336 = tpu.vector_load %arg5[%swap3A_332, %swap3A_333, %swap3A_334, %swap3A_335] {strides = array<i32>} : memref<32x1x16x32xi32, #tpu.memory_space<vmem>>, vector<16xi32>,
      tpu.vector_store %arg5[%swap3A_332, %swap3A_333, %swap3A_334, %swap3A_335], %broadcast_in_dim3A_1 {strides = array<i32>} : memref<32x1x16x32xi32, #tpu.memory_space<vmem>>, vector<16xi32>,
      %swap3A_337 = arith.constant 0 : i32
      %swap3A_338 = arith.constant 14 : i32
      %swap3A_339 = arith.index_cast %scan3A_140 : i32 to index
      %swap3A_340 = arith.index_cast %swap3A_337 : i32 to index
      %swap3A_341 = arith.index_cast %swap3A_338 : i32 to index
      %swap3A_342 = arith.constant 0 : index
      %swap3A_343 = tpu.vector_load %arg5[%swap3A_339, %swap3A_340, %swap3A_341, %swap3A_342] {strides = array<i32>} : memref<32x1x16x32xi32, #tpu.memory_space<vmem>>, vector<16xi32>,
      tpu.vector_store %arg5[%swap3A_339, %swap3A_340, %swap3A_341, %swap3A_342], %broadcast_in_dim3A_1 {strides = array<i32>} : memref<32x1x16x32xi32, #tpu.memory_space<vmem>>, vector<16xi32>,
      %swap3A_344 = arith.constant 0 : i32
      %swap3A_345 = arith.constant 14 : i32
      %swap3A_346 = arith.index_cast %scan3A_140 : i32 to index
      %swap3A_347 = arith.index_cast %swap3A_344 : i32 to index
      %swap3A_348 = arith.index_cast %swap3A_345 : i32 to index
      %swap3A_349 = arith.constant 16 : index
      %swap3A_350 = tpu.vector_load %arg5[%swap3A_346, %swap3A_347, %swap3A_348, %swap3A_349] {strides = array<i32>} : memref<32x1x16x32xi32, #tpu.memory_space<vmem>>, vector<16xi32>,
      tpu.vector_store %arg5[%swap3A_346, %swap3A_347, %swap3A_348, %swap3A_349], %broadcast_in_dim3A_1 {strides = array<i32>} : memref<32x1x16x32xi32, #tpu.memory_space<vmem>>, vector<16xi32>,
      %swap3A_351 = arith.constant 0 : i32
      %swap3A_352 = arith.constant 15 : i32
      %swap3A_353 = arith.index_cast %scan3A_140 : i32 to index
      %swap3A_354 = arith.index_cast %swap3A_351 : i32 to index
      %swap3A_355 = arith.index_cast %swap3A_352 : i32 to index
      %swap3A_356 = arith.constant 0 : index
      %swap3A_357 = tpu.vector_load %arg5[%swap3A_353, %swap3A_354, %swap3A_355, %swap3A_356] {strides = array<i32>} : memref<32x1x16x32xi32, #tpu.memory_space<vmem>>, vector<16xi32>,
      tpu.vector_store %arg5[%swap3A_353, %swap3A_354, %swap3A_355, %swap3A_356], %broadcast_in_dim3A_1 {strides = array<i32>} : memref<32x1x16x32xi32, #tpu.memory_space<vmem>>, vector<16xi32>,
      %swap3A_358 = arith.constant 0 : i32
      %swap3A_359 = arith.constant 15 : i32
      %swap3A_360 = arith.index_cast %scan3A_140 : i32 to index
      %swap3A_361 = arith.index_cast %swap3A_358 : i32 to index
      %swap3A_362 = arith.index_cast %swap3A_359 : i32 to index
      %swap3A_363 = arith.constant 16 : index
      %swap3A_364 = tpu.vector_load %arg5[%swap3A_360, %swap3A_361, %swap3A_362, %swap3A_363] {strides = array<i32>} : memref<32x1x16x32xi32, #tpu.memory_space<vmem>>, vector<16xi32>,
      tpu.vector_store %arg5[%swap3A_360, %swap3A_361, %swap3A_362, %swap3A_363], %broadcast_in_dim3A_1 {strides = array<i32>} : memref<32x1x16x32xi32, #tpu.memory_space<vmem>>, vector<16xi32>,
    }
    %scan3A_7 = arith.constant 32 : i32
    %swap3A = arith.constant 0 : i32
    %swap3A_8 = arith.index_cast %swap3A : i32 to index
    %swap3A_9 = arith.constant 0 : index
    %swap3A_10 = tpu.vector_load %arg6[%swap3A_8, %swap3A_9] {strides = array<i32>} : memref<16x32xi32, #tpu.memory_space<vmem>>, vector<16xi32>,
    tpu.vector_store %arg6[%swap3A_8, %swap3A_9], %broadcast_in_dim3A_3 {strides = array<i32>} : memref<16x32xi32, #tpu.memory_space<vmem>>, vector<16xi32>,
    %swap3A_11 = arith.constant 0 : i32
    %swap3A_12 = arith.index_cast %swap3A_11 : i32 to index
    %swap3A_13 = arith.constant 16 : index
    %swap3A_14 = tpu.vector_load %arg6[%swap3A_12, %swap3A_13] {strides = array<i32>} : memref<16x32xi32, #tpu.memory_space<vmem>>, vector<16xi32>,
    tpu.vector_store %arg6[%swap3A_12, %swap3A_13], %broadcast_in_dim3A_3 {strides = array<i32>} : memref<16x32xi32, #tpu.memory_space<vmem>>, vector<16xi32>,
    %swap3A_15 = arith.constant 1 : i32
    %swap3A_16 = arith.index_cast %swap3A_15 : i32 to index
    %swap3A_17 = arith.constant 0 : index
    %swap3A_18 = tpu.vector_load %arg6[%swap3A_16, %swap3A_17] {strides = array<i32>} : memref<16x32xi32, #tpu.memory_space<vmem>>, vector<16xi32>,
    tpu.vector_store %arg6[%swap3A_16, %swap3A_17], %broadcast_in_dim3A_3 {strides = array<i32>} : memref<16x32xi32, #tpu.memory_space<vmem>>, vector<16xi32>,
    %swap3A_19 = arith.constant 1 : i32
    %swap3A_20 = arith.index_cast %swap3A_19 : i32 to index
    %swap3A_21 = arith.constant 16 : index
    %swap3A_22 = tpu.vector_load %arg6[%swap3A_20, %swap3A_21] {strides = array<i32>} : memref<16x32xi32, #tpu.memory_space<vmem>>, vector<16xi32>,
    tpu.vector_store %arg6[%swap3A_20, %swap3A_21], %broadcast_in_dim3A_3 {strides = array<i32>} : memref<16x32xi32, #tpu.memory_space<vmem>>, vector<16xi32>,
    %swap3A_23 = arith.constant 2 : i32
    %swap3A_24 = arith.index_cast %swap3A_23 : i32 to index
    %swap3A_25 = arith.constant 0 : index
    %swap3A_26 = tpu.vector_load %arg6[%swap3A_24, %swap3A_25] {strides = array<i32>} : memref<16x32xi32, #tpu.memory_space<vmem>>, vector<16xi32>,
    tpu.vector_store %arg6[%swap3A_24, %swap3A_25], %broadcast_in_dim3A_3 {strides = array<i32>} : memref<16x32xi32, #tpu.memory_space<vmem>>, vector<16xi32>,
    %swap3A_27 = arith.constant 2 : i32
    %swap3A_28 = arith.index_cast %swap3A_27 : i32 to index
    %swap3A_29 = arith.constant 16 : index
    %swap3A_30 = tpu.vector_load %arg6[%swap3A_28, %swap3A_29] {strides = array<i32>} : memref<16x32xi32, #tpu.memory_space<vmem>>, vector<16xi32>,
    tpu.vector_store %arg6[%swap3A_28, %swap3A_29], %broadcast_in_dim3A_3 {strides = array<i32>} : memref<16x32xi32, #tpu.memory_space<vmem>>, vector<16xi32>,
    %swap3A_31 = arith.constant 3 : i32
    %swap3A_32 = arith.index_cast %swap3A_31 : i32 to index
    %swap3A_33 = arith.constant 0 : index
    %swap3A_34 = tpu.vector_load %arg6[%swap3A_32, %swap3A_33] {strides = array<i32>} : memref<16x32xi32, #tpu.memory_space<vmem>>, vector<16xi32>,
    tpu.vector_store %arg6[%swap3A_32, %swap3A_33], %broadcast_in_dim3A_3 {strides = array<i32>} : memref<16x32xi32, #tpu.memory_space<vmem>>, vector<16xi32>,
    %swap3A_35 = arith.constant 3 : i32
    %swap3A_36 = arith.index_cast %swap3A_35 : i32 to index
    %swap3A_37 = arith.constant 16 : index
    %swap3A_38 = tpu.vector_load %arg6[%swap3A_36, %swap3A_37] {strides = array<i32>} : memref<16x32xi32, #tpu.memory_space<vmem>>, vector<16xi32>,
    tpu.vector_store %arg6[%swap3A_36, %swap3A_37], %broadcast_in_dim3A_3 {strides = array<i32>} : memref<16x32xi32, #tpu.memory_space<vmem>>, vector<16xi32>,
    %swap3A_39 = arith.constant 4 : i32
    %swap3A_40 = arith.index_cast %swap3A_39 : i32 to index
    %swap3A_41 = arith.constant 0 : index
    %swap3A_42 = tpu.vector_load %arg6[%swap3A_40, %swap3A_41] {strides = array<i32>} : memref<16x32xi32, #tpu.memory_space<vmem>>, vector<16xi32>,
    tpu.vector_store %arg6[%swap3A_40, %swap3A_41], %broadcast_in_dim3A_3 {strides = array<i32>} : memref<16x32xi32, #tpu.memory_space<vmem>>, vector<16xi32>,
    %swap3A_43 = arith.constant 4 : i32
    %swap3A_44 = arith.index_cast %swap3A_43 : i32 to index
    %swap3A_45 = arith.constant 16 : index
    %swap3A_46 = tpu.vector_load %arg6[%swap3A_44, %swap3A_45] {strides = array<i32>} : memref<16x32xi32, #tpu.memory_space<vmem>>, vector<16xi32>,
    tpu.vector_store %arg6[%swap3A_44, %swap3A_45], %broadcast_in_dim3A_3 {strides = array<i32>} : memref<16x32xi32, #tpu.memory_space<vmem>>, vector<16xi32>,
    %swap3A_47 = arith.constant 5 : i32
    %swap3A_48 = arith.index_cast %swap3A_47 : i32 to index
    %swap3A_49 = arith.constant 0 : index
    %swap3A_50 = tpu.vector_load %arg6[%swap3A_48, %swap3A_49] {strides = array<i32>} : memref<16x32xi32, #tpu.memory_space<vmem>>, vector<16xi32>,
    tpu.vector_store %arg6[%swap3A_48, %swap3A_49], %broadcast_in_dim3A_3 {strides = array<i32>} : memref<16x32xi32, #tpu.memory_space<vmem>>, vector<16xi32>,
    %swap3A_51 = arith.constant 5 : i32
    %swap3A_52 = arith.index_cast %swap3A_51 : i32 to index
    %swap3A_53 = arith.constant 16 : index
    %swap3A_54 = tpu.vector_load %arg6[%swap3A_52, %swap3A_53] {strides = array<i32>} : memref<16x32xi32, #tpu.memory_space<vmem>>, vector<16xi32>,
    tpu.vector_store %arg6[%swap3A_52, %swap3A_53], %broadcast_in_dim3A_3 {strides = array<i32>} : memref<16x32xi32, #tpu.memory_space<vmem>>, vector<16xi32>,
    %swap3A_55 = arith.constant 6 : i32
    %swap3A_56 = arith.index_cast %swap3A_55 : i32 to index
    %swap3A_57 = arith.constant 0 : index
    %swap3A_58 = tpu.vector_load %arg6[%swap3A_56, %swap3A_57] {strides = array<i32>} : memref<16x32xi32, #tpu.memory_space<vmem>>, vector<16xi32>,
    tpu.vector_store %arg6[%swap3A_56, %swap3A_57], %broadcast_in_dim3A_3 {strides = array<i32>} : memref<16x32xi32, #tpu.memory_space<vmem>>, vector<16xi32>,
    %swap3A_59 = arith.constant 6 : i32
    %swap3A_60 = arith.index_cast %swap3A_59 : i32 to index
    %swap3A_61 = arith.constant 16 : index
    %swap3A_62 = tpu.vector_load %arg6[%swap3A_60, %swap3A_61] {strides = array<i32>} : memref<16x32xi32, #tpu.memory_space<vmem>>, vector<16xi32>,
    tpu.vector_store %arg6[%swap3A_60, %swap3A_61], %broadcast_in_dim3A_3 {strides = array<i32>} : memref<16x32xi32, #tpu.memory_space<vmem>>, vector<16xi32>,
    %swap3A_63 = arith.constant 7 : i32
    %swap3A_64 = arith.index_cast %swap3A_63 : i32 to index
    %swap3A_65 = arith.constant 0 : index
    %swap3A_66 = tpu.vector_load %arg6[%swap3A_64, %swap3A_65] {strides = array<i32>} : memref<16x32xi32, #tpu.memory_space<vmem>>, vector<16xi32>,
    tpu.vector_store %arg6[%swap3A_64, %swap3A_65], %broadcast_in_dim3A_3 {strides = array<i32>} : memref<16x32xi32, #tpu.memory_space<vmem>>, vector<16xi32>,
    %swap3A_67 = arith.constant 7 : i32
    %swap3A_68 = arith.index_cast %swap3A_67 : i32 to index
    %swap3A_69 = arith.constant 16 : index
    %swap3A_70 = tpu.vector_load %arg6[%swap3A_68, %swap3A_69] {strides = array<i32>} : memref<16x32xi32, #tpu.memory_space<vmem>>, vector<16xi32>,
    tpu.vector_store %arg6[%swap3A_68, %swap3A_69], %broadcast_in_dim3A_3 {strides = array<i32>} : memref<16x32xi32, #tpu.memory_space<vmem>>, vector<16xi32>,
    %swap3A_71 = arith.constant 8 : i32
    %swap3A_72 = arith.index_cast %swap3A_71 : i32 to index
    %swap3A_73 = arith.constant 0 : index
    %swap3A_74 = tpu.vector_load %arg6[%swap3A_72, %swap3A_73] {strides = array<i32>} : memref<16x32xi32, #tpu.memory_space<vmem>>, vector<16xi32>,
    tpu.vector_store %arg6[%swap3A_72, %swap3A_73], %broadcast_in_dim3A_3 {strides = array<i32>} : memref<16x32xi32, #tpu.memory_space<vmem>>, vector<16xi32>,
    %swap3A_75 = arith.constant 8 : i32
    %swap3A_76 = arith.index_cast %swap3A_75 : i32 to index
    %swap3A_77 = arith.constant 16 : index
    %swap3A_78 = tpu.vector_load %arg6[%swap3A_76, %swap3A_77] {strides = array<i32>} : memref<16x32xi32, #tpu.memory_space<vmem>>, vector<16xi32>,
    tpu.vector_store %arg6[%swap3A_76, %swap3A_77], %broadcast_in_dim3A_3 {strides = array<i32>} : memref<16x32xi32, #tpu.memory_space<vmem>>, vector<16xi32>,
    %swap3A_79 = arith.constant 9 : i32
    %swap3A_80 = arith.index_cast %swap3A_79 : i32 to index
    %swap3A_81 = arith.constant 0 : index
    %swap3A_82 = tpu.vector_load %arg6[%swap3A_80, %swap3A_81] {strides = array<i32>} : memref<16x32xi32, #tpu.memory_space<vmem>>, vector<16xi32>,
    tpu.vector_store %arg6[%swap3A_80, %swap3A_81], %broadcast_in_dim3A_3 {strides = array<i32>} : memref<16x32xi32, #tpu.memory_space<vmem>>, vector<16xi32>,
    %swap3A_83 = arith.constant 9 : i32
    %swap3A_84 = arith.index_cast %swap3A_83 : i32 to index
    %swap3A_85 = arith.constant 16 : index
    %swap3A_86 = tpu.vector_load %arg6[%swap3A_84, %swap3A_85] {strides = array<i32>} : memref<16x32xi32, #tpu.memory_space<vmem>>, vector<16xi32>,
    tpu.vector_store %arg6[%swap3A_84, %swap3A_85], %broadcast_in_dim3A_3 {strides = array<i32>} : memref<16x32xi32, #tpu.memory_space<vmem>>, vector<16xi32>,
    %swap3A_87 = arith.constant 10 : i32
    %swap3A_88 = arith.index_cast %swap3A_87 : i32 to index
    %swap3A_89 = arith.constant 0 : index
    %swap3A_90 = tpu.vector_load %arg6[%swap3A_88, %swap3A_89] {strides = array<i32>} : memref<16x32xi32, #tpu.memory_space<vmem>>, vector<16xi32>,
    tpu.vector_store %arg6[%swap3A_88, %swap3A_89], %broadcast_in_dim3A_3 {strides = array<i32>} : memref<16x32xi32, #tpu.memory_space<vmem>>, vector<16xi32>,
    %swap3A_91 = arith.constant 10 : i32
    %swap3A_92 = arith.index_cast %swap3A_91 : i32 to index
    %swap3A_93 = arith.constant 16 : index
    %swap3A_94 = tpu.vector_load %arg6[%swap3A_92, %swap3A_93] {strides = array<i32>} : memref<16x32xi32, #tpu.memory_space<vmem>>, vector<16xi32>,
    tpu.vector_store %arg6[%swap3A_92, %swap3A_93], %broadcast_in_dim3A_3 {strides = array<i32>} : memref<16x32xi32, #tpu.memory_space<vmem>>, vector<16xi32>,
    %swap3A_95 = arith.constant 11 : i32
    %swap3A_96 = arith.index_cast %swap3A_95 : i32 to index
    %swap3A_97 = arith.constant 0 : index
    %swap3A_98 = tpu.vector_load %arg6[%swap3A_96, %swap3A_97] {strides = array<i32>} : memref<16x32xi32, #tpu.memory_space<vmem>>, vector<16xi32>,
    tpu.vector_store %arg6[%swap3A_96, %swap3A_97], %broadcast_in_dim3A_3 {strides = array<i32>} : memref<16x32xi32, #tpu.memory_space<vmem>>, vector<16xi32>,
    %swap3A_99 = arith.constant 11 : i32
    %swap3A_100 = arith.index_cast %swap3A_99 : i32 to index
    %swap3A_101 = arith.constant 16 : index
    %swap3A_102 = tpu.vector_load %arg6[%swap3A_100, %swap3A_101] {strides = array<i32>} : memref<16x32xi32, #tpu.memory_space<vmem>>, vector<16xi32>,
    tpu.vector_store %arg6[%swap3A_100, %swap3A_101], %broadcast_in_dim3A_3 {strides = array<i32>} : memref<16x32xi32, #tpu.memory_space<vmem>>, vector<16xi32>,
    %swap3A_103 = arith.constant 12 : i32
    %swap3A_104 = arith.index_cast %swap3A_103 : i32 to index
    %swap3A_105 = arith.constant 0 : index
    %swap3A_106 = tpu.vector_load %arg6[%swap3A_104, %swap3A_105] {strides = array<i32>} : memref<16x32xi32, #tpu.memory_space<vmem>>, vector<16xi32>,
    tpu.vector_store %arg6[%swap3A_104, %swap3A_105], %broadcast_in_dim3A_3 {strides = array<i32>} : memref<16x32xi32, #tpu.memory_space<vmem>>, vector<16xi32>,
    %swap3A_107 = arith.constant 12 : i32
    %swap3A_108 = arith.index_cast %swap3A_107 : i32 to index
    %swap3A_109 = arith.constant 16 : index
    %swap3A_110 = tpu.vector_load %arg6[%swap3A_108, %swap3A_109] {strides = array<i32>} : memref<16x32xi32, #tpu.memory_space<vmem>>, vector<16xi32>,
    tpu.vector_store %arg6[%swap3A_108, %swap3A_109], %broadcast_in_dim3A_3 {strides = array<i32>} : memref<16x32xi32, #tpu.memory_space<vmem>>, vector<16xi32>,
    %swap3A_111 = arith.constant 13 : i32
    %swap3A_112 = arith.index_cast %swap3A_111 : i32 to index
    %swap3A_113 = arith.constant 0 : index
    %swap3A_114 = tpu.vector_load %arg6[%swap3A_112, %swap3A_113] {strides = array<i32>} : memref<16x32xi32, #tpu.memory_space<vmem>>, vector<16xi32>,
    tpu.vector_store %arg6[%swap3A_112, %swap3A_113], %broadcast_in_dim3A_3 {strides = array<i32>} : memref<16x32xi32, #tpu.memory_space<vmem>>, vector<16xi32>,
    %swap3A_115 = arith.constant 13 : i32
    %swap3A_116 = arith.index_cast %swap3A_115 : i32 to index
    %swap3A_117 = arith.constant 16 : index
    %swap3A_118 = tpu.vector_load %arg6[%swap3A_116, %swap3A_117] {strides = array<i32>} : memref<16x32xi32, #tpu.memory_space<vmem>>, vector<16xi32>,
    tpu.vector_store %arg6[%swap3A_116, %swap3A_117], %broadcast_in_dim3A_3 {strides = array<i32>} : memref<16x32xi32, #tpu.memory_space<vmem>>, vector<16xi32>,
    %swap3A_119 = arith.constant 14 : i32
    %swap3A_120 = arith.index_cast %swap3A_119 : i32 to index
    %swap3A_121 = arith.constant 0 : index
    %swap3A_122 = tpu.vector_load %arg6[%swap3A_120, %swap3A_121] {strides = array<i32>} : memref<16x32xi32, #tpu.memory_space<vmem>>, vector<16xi32>,
    tpu.vector_store %arg6[%swap3A_120, %swap3A_121], %broadcast_in_dim3A_3 {strides = array<i32>} : memref<16x32xi32, #tpu.memory_space<vmem>>, vector<16xi32>,
    %swap3A_123 = arith.constant 14 : i32
    %swap3A_124 = arith.index_cast %swap3A_123 : i32 to index
    %swap3A_125 = arith.constant 16 : index
    %swap3A_126 = tpu.vector_load %arg6[%swap3A_124, %swap3A_125] {strides = array<i32>} : memref<16x32xi32, #tpu.memory_space<vmem>>, vector<16xi32>,
    tpu.vector_store %arg6[%swap3A_124, %swap3A_125], %broadcast_in_dim3A_3 {strides = array<i32>} : memref<16x32xi32, #tpu.memory_space<vmem>>, vector<16xi32>,
    %swap3A_127 = arith.constant 15 : i32
    %swap3A_128 = arith.index_cast %swap3A_127 : i32 to index
    %swap3A_129 = arith.constant 0 : index
    %swap3A_130 = tpu.vector_load %arg6[%swap3A_128, %swap3A_129] {strides = array<i32>} : memref<16x32xi32, #tpu.memory_space<vmem>>, vector<16xi32>,
    tpu.vector_store %arg6[%swap3A_128, %swap3A_129], %broadcast_in_dim3A_3 {strides = array<i32>} : memref<16x32xi32, #tpu.memory_space<vmem>>, vector<16xi32>,
    %swap3A_131 = arith.constant 15 : i32
    %swap3A_132 = arith.index_cast %swap3A_131 : i32 to index
    %swap3A_133 = arith.constant 16 : index
    %swap3A_134 = tpu.vector_load %arg6[%swap3A_132, %swap3A_133] {strides = array<i32>} : memref<16x32xi32, #tpu.memory_space<vmem>>, vector<16xi32>,
    tpu.vector_store %arg6[%swap3A_132, %swap3A_133], %broadcast_in_dim3A_3 {strides = array<i32>} : memref<16x32xi32, #tpu.memory_space<vmem>>, vector<16xi32>,
    %scan3A_135 = arith.constant 0 : i32
    %scan3A_136 = arith.constant 32 : i32
    %scan3A_137 = arith.addi %scan3A_135, %scan3A_136 : i32
    %scan3A_138 = arith.constant 1 : i32
    scf.for %scan3A_140 = %scan3A_135 to %scan3A_137 step %scan3A_138  : i32 {
      %mul3A_141 = arith.constant 16 : i32
      %mul3A_142 = arith.muli %scan3A_140, %mul3A_141 : i32
      %get3A = arith.index_cast %mul3A_142 : i32 to index
      %get3A_143 = tpu.vector_load %arg4[%get3A] {strides = array<i32>} : memref<512xi32, #tpu.memory_space<vmem>>, vector<16xi32>,
      %shift_right_logical3A = arith.constant 7 : i32
      %shift_right_logical3A_144 = vector.broadcast %shift_right_logical3A : i32 to vector<16xi32>
      %shift_right_logical3A_145 = arith.shrui %get3A_143, %shift_right_logical3A_144 : vector<16xi32>
      %and3A = arith.constant 127 : i32
      %and3A_146 = vector.broadcast %and3A : i32 to vector<16xi32>
      %and3A_147 = arith.andi %get3A_143, %and3A_146 : vector<16xi32>
      %mul3A_148 = arith.constant 512 : i32
      %mul3A_149 = arith.muli %add3A, %mul3A_148 : i32
      %mul3A_150 = arith.constant 16 : i32
      %mul3A_151 = arith.muli %scan3A_140, %mul3A_150 : i32
      %add3A_152 = arith.addi %mul3A_149, %mul3A_151 : i32
      %add3A_153 = vector.broadcast %add3A_152 : i32 to vector<16xi32>
      %add3A_154 = arith.addi %add3A_153, %iota3A : vector<16xi32>
      %div3A = arith.constant 246 : i32
      %div3A_155 = vector.broadcast %div3A : i32 to vector<16xi32>
      %div3A_156 = arith.divsi %shift_right_logical3A_145, %div3A_155 : vector<16xi32>
      %mul3A_157 = arith.constant 246 : i32
      %mul3A_158 = vector.broadcast %mul3A_157 : i32 to vector<16xi32>
      %mul3A_159 = arith.muli %div3A_156, %mul3A_158 : vector<16xi32>
      %sub3A = arith.subi %shift_right_logical3A_145, %mul3A_159 : vector<16xi32>
      %mul3A_160 = arith.constant 4194304 : i32
      %mul3A_161 = vector.broadcast %mul3A_160 : i32 to vector<16xi32>
      %mul3A_162 = arith.muli %sub3A, %mul3A_161 : vector<16xi32>
      %mul3A_163 = arith.constant 128 : i32
      %mul3A_164 = vector.broadcast %mul3A_163 : i32 to vector<16xi32>
      %mul3A_165 = arith.muli %add3A_154, %mul3A_164 : vector<16xi32>
      %add3A_166 = arith.addi %mul3A_162, %mul3A_165 : vector<16xi32>
      %add3A_167 = arith.addi %add3A_166, %and3A_147 : vector<16xi32>
      %gather3A = tpu.vector_load_idx %arg6[%iota3A, %div3A_156] : memref<16x32xi32, #tpu.memory_space<vmem>>[vector<16xi32>, vector<16xi32>], vector<16xi32>,
      tpu.vector_store_idx %arg5[%div3A_156, %broadcast_in_dim3A_3, %iota3A, %gather3A], %add3A_167 : memref<32x1x16x32xi32, #tpu.memory_space<vmem>>[vector<16xi32>, vector<16xi32>, vector<16xi32>, vector<16xi32>], vector<16xi32>,
      %add3A_168 = arith.constant 1 : i32
      %add3A_169 = vector.broadcast %add3A_168 : i32 to vector<16xi32>
      %add3A_170 = arith.addi %gather3A, %add3A_169 : vector<16xi32>
      tpu.vector_store_idx %arg6[%iota3A, %div3A_156], %add3A_170 : memref<16x32xi32, #tpu.memory_space<vmem>>[vector<16xi32>, vector<16xi32>], vector<16xi32>,
    }
    %scan3A_139 = arith.constant 32 : i32
    "tpu.region"() ({
      %run_scoped3A = tpu.sem_alloc : memref<!tpu.dma_semaphore, #tpu.memory_space<semaphore_mem>>
      %dma_start3A = arith.constant 0 : i32
      %dma_start3A_140 = arith.constant 0 : i32
      %dma_start3A_141 = arith.constant 0 : i32
      %dma_start3A_142 = tpu.memref_slice %arg3[%dma_start3A, %add3A, %dma_start3A_140, %dma_start3A_141] : memref<32x32x16x32xi32, #tpu.memory_space<hbm>> -> memref<32x1x16x32xi32, #tpu.memory_space<hbm>>
      %dma_start3A_143 = arith.constant 0 : i32
      %dma_start3A_144 = arith.constant 0 : i32
      %dma_start3A_145 = arith.constant 0 : i32
      %dma_start3A_146 = tpu.memref_slice %arg3[%dma_start3A_143, %add3A, %dma_start3A_144, %dma_start3A_145] : memref<32x32x16x32xi32, #tpu.memory_space<hbm>> -> memref<32x1x16x32xi32, #tpu.memory_space<hbm>>
      tpu.enqueue_dma source(%arg5 : memref<32x1x16x32xi32, #tpu.memory_space<vmem>>) target(%dma_start3A_146 : memref<32x1x16x32xi32, #tpu.memory_space<hbm>>) target_semaphore(%run_scoped3A : memref<!tpu.dma_semaphore, #tpu.memory_space<semaphore_mem>>)
      %dma_wait3A = arith.constant 0 : i32
      %dma_wait3A_147 = arith.constant 0 : i32
      %dma_wait3A_148 = arith.constant 0 : i32
      %dma_wait3A_149 = tpu.memref_slice %arg3[%dma_wait3A, %add3A, %dma_wait3A_147, %dma_wait3A_148] : memref<32x32x16x32xi32, #tpu.memory_space<hbm>> -> memref<32x1x16x32xi32, #tpu.memory_space<hbm>>
      %dma_wait3A_150 = arith.constant 0 : i32
      %dma_wait3A_151 = arith.constant 0 : i32
      %dma_wait3A_152 = arith.constant 0 : i32
      %dma_wait3A_153 = tpu.memref_slice %arg3[%dma_wait3A_150, %add3A, %dma_wait3A_151, %dma_wait3A_152] : memref<32x32x16x32xi32, #tpu.memory_space<hbm>> -> memref<32x1x16x32xi32, #tpu.memory_space<hbm>>
      tpu.wait_dma2 semaphore(%run_scoped3A : memref<!tpu.dma_semaphore, #tpu.memory_space<semaphore_mem>>) src(%arg5 : memref<32x1x16x32xi32, #tpu.memory_space<vmem>>) dst(%dma_wait3A_153 : memref<32x1x16x32xi32, #tpu.memory_space<hbm>>)
      tpu.yield
    }) : () -> ()
    return
  }
}

</mosaic_0001>

<sc_bundles>
// kernel: kernel.4.cloned.1.call-start
scs
__scs_entry_jumppad:
0x0: {  	(pc) =	sbr.rel $0x88, $3  }
0x1: {  	(tag) =	ssettag $0x0;
	lr =	simm.s32 $0x1  }
0x2: {  	[smem:$0x3F9F] =	sst lr;
	_ =	strace $0xD0000000  }
0x3: {  	_ = 	snop  }
0x4: {  	_ = 	snop  }
0x5: {  	_ = 	snop  }
0x6: {  	_ = 	snop  }
0x7: {  	_ = 	snop  }
__scs_overlays_trampoline_lowered:
0x8: {  	[smem:$0x3FAE] =	sst s0  }
0x9: {  	[smem:$0x3FAF] =	sst s1  }
0xa: {  	[smem:$0x3FB0] =	sst s2  }
0xb: {  	[smem:$0x3FB1] =	sst s3  }
0xc: {  	[smem:$0x3FB2] =	sst s4  }
0xd: {  	[smem:$0x3FB3] =	sst s5  }
0xe: {  	[smem:$0x3FB4] =	sst s6  }
0xf: {  	[smem:$0x3FB5] =	sst s7  }
0x10: {  	[smem:$0x3FB6] =	sst s8  }
0x11: {  	[smem:$0x3FB7] =	sst s9;
	s0 =	simm.s32 @!p0 $0x0  }
0x12: {  	s1 =	sld [smem:$0x3F9D];
	s0 =	simm.s32 @p0 $0x1  }
0x13: {  	[smem:$0x3FB8] =	sst s0;
	s0 =	simm.s32 @!p1 $0x0  }
0x14: {  	s2 =	sld [smem:$0x3F9C];
	s0 =	simm.s32 @p1 $0x1  }
0x15: {  	[smem:$0x3FB9] =	sst s0;
	s0 =	simm.s32 @!p2 $0x0  }
0x16: {  	s3 =	sld [smem:$0x3FDB];
	s0 =	simm.s32 @p2 $0x1  }
0x17: {  	s4 =	simm.s32 $0x1BF5;
	[smem:$0x3FBB] =	sst s0  }
0x18: {  	s0 =	sld [smem:$0x3F9E];
	_ =	swait.ge [sflag:s4], $0x0  }
0x19: {  	s7 =	sld [smem:$0x3F9F]  }
0x1a: {  	s8 =	sadd.s32 $0xFFFFE003, lr  }
0x1b: {  	s9 =	sadd.s32 $0xFFFFFEF7, lr;
	s5 =	simm.s32 $0xFFFFFFFF;
	p2 =	slt.u32 s8, $0xFFFFF086  }
0x1c: {  	p1 =	slt.u32 s9, $0xF7A;
	s5 =	simm.s32 @!p2 $0x0  }
0x1d: {  	s5 =	simm.s32 @p1 $0x1;
	p0 =	seq.s32 s7, s2  }
0x1e: {  	s7 =	smul.u32 @!p0 $0xF7A, s2;
	p2 =	seq.s32 @!p0 s5, $0x0  }
0x1f: {  	s9 =	smul.u32 $0xF7A, s1;
	s8 =	simm.s32 @!p0 $0x1BF5;
	p2 =	por !p2, p0  }
0x20: {  	[sflag:s8] =	ssyncset.s32 @!p0 $0xFFFFF086;
	s6 =	sadd.s32 @!p0 s3, s7;
	s7 =	simm.s32 @!p0 $0x108  }
0x21: {  	s3 =	sadd.s32 s3, s9;
	s6 =	sadd.s32 @!p0 $0x88, s6;
	s7 =	simm.s32 @p2 $0x1082  }
0x22: {  	[simem:s7], [sflag:s8] =	dma.local @!p0 [hbm:s6], $0xF7A  }
0x23: {  	s9 =	sor.u32 $0xD0000000, s2;
	s6 =	simm.s32 $0x108;
	_ =	swait.ge @!p0 [sflag:s8], $0x0  }
0x24: {  	s3 =	sadd.s32 $0x88, s3;
	s6 =	simm.s32 @!p1 $0x1082;
	[sflag:s4] =	ssyncset.s32 $0xFFFFF086  }
0x25: {  	[simem:s6], [sflag:s4] =	dma.local [hbm:s3], $0xF7A  }
0x26: {  	[smem:$0x3F9F] =	sst s1;
	(tag) =	ssettag s2;
	_ =	strace s9  }
0x27: {  	s1 =	sld [smem:$0x3FAF]  }
0x28: {  	s2 =	sld [smem:$0x3FB0]  }
0x29: {  	s4 =	sld [smem:$0x3FB2]  }
0x2a: {  	p0 =	seq.s32 s5, $0x0;
	s5 =	sld [smem:$0x3FB3]  }
0x2b: {  	s6 =	sld [smem:$0x3FB4]  }
0x2c: {  	s7 =	sld [smem:$0x3FB5]  }
0x2d: {  	s3 =	simm.s32 $0x108;
	s8 =	sld [smem:$0x3FB6]  }
0x2e: {  	s3 =	simm.s32 @!p0 $0x1082;
	s9 =	sld [smem:$0x3FB7]  }
0x2f: {  	lr =	sadd.s32 s0, s3;
	s0 =	sld [smem:$0x3FAE]  }
0x30: {  	s3 =	sld [smem:$0x3FB1]  }
0x31: {  	[smem:$0x3FBA] =	sst s10  }
0x32: {  	s10 =	sld [smem:$0x3FB8];
	_ =	sdelay $0x3  }
0x33: {  	p0 =	seq.s32 s10, $0x1;
	s10 =	sld [smem:$0x3FBA];
	_ =	sdelay $0x3  }
0x34: {  	[smem:$0x3FBA] =	sst s10  }
0x35: {  	s10 =	sld [smem:$0x3FB9];
	_ =	sdelay $0x3  }
0x36: {  	p1 =	seq.s32 s10, $0x1;
	s10 =	sld [smem:$0x3FBA];
	_ =	sdelay $0x3  }
0x37: {  	[smem:$0x3FBA] =	sst s10  }
0x38: {  	s10 =	sld [smem:$0x3FBB]  }
0x39: {  	_ = 	snop;
	(pc) =	sbr.ind lr, $3  }
0x3a: {  	_ = 	snop  }
0x3b: {  	_ = 	snop  }
0x3c: {  	p2 =	seq.s32 s10, $0x1;
	s10 =	sld [smem:$0x3FBA]  }
0x3d: {  	_ =	shalt  }
0x3e: {  	_ =	shalt  }
0x3f: {  	_ =	shalt  }
0x40: {  	_ =	shalt  }
0x41: {  	_ =	shalt  }
0x42: {  	_ =	shalt  }
0x43: {  	_ =	shalt  }
0x44: {  	_ =	shalt  }
0x45: {  	_ =	shalt  }
0x46: {  	_ =	shalt  }
0x47: {  	_ =	shalt  }
0x48: {  	_ =	shalt  }
0x49: {  	_ =	shalt  }
0x4a: {  	_ =	shalt  }
0x4b: {  	_ =	shalt  }
0x4c: {  	_ =	shalt  }
0x4d: {  	_ =	shalt  }
0x4e: {  	_ =	shalt  }
0x4f: {  	_ =	shalt  }
0x50: {  	_ =	shalt  }
0x51: {  	_ =	shalt  }
0x52: {  	_ =	shalt  }
0x53: {  	_ =	shalt  }
0x54: {  	_ =	shalt  }
0x55: {  	_ =	shalt  }
0x56: {  	_ =	shalt  }
0x57: {  	_ =	shalt  }
0x58: {  	_ =	shalt  }
0x59: {  	_ =	shalt  }
0x5a: {  	_ =	shalt  }
0x5b: {  	_ =	shalt  }
0x5c: {  	_ =	shalt  }
0x5d: {  	_ =	shalt  }
0x5e: {  	_ =	shalt  }
0x5f: {  	_ =	shalt  }
0x60: {  	_ =	shalt  }
0x61: {  	_ =	shalt  }
0x62: {  	_ =	shalt  }
0x63: {  	_ =	shalt  }
0x64: {  	_ =	shalt  }
0x65: {  	_ =	shalt  }
0x66: {  	_ =	shalt  }
0x67: {  	_ =	shalt  }
0x68: {  	_ =	shalt  }
0x69: {  	_ =	shalt  }
0x6a: {  	_ =	shalt  }
0x6b: {  	_ =	shalt  }
0x6c: {  	_ =	shalt  }
0x6d: {  	_ =	shalt  }
0x6e: {  	_ =	shalt  }
0x6f: {  	_ =	shalt  }
0x70: {  	_ =	shalt  }
0x71: {  	_ =	shalt  }
0x72: {  	_ =	shalt  }
0x73: {  	_ =	shalt  }
0x74: {  	_ =	shalt  }
0x75: {  	_ =	shalt  }
0x76: {  	_ =	shalt  }
0x77: {  	_ =	shalt  }
0x78: {  	_ =	shalt  }
0x79: {  	_ =	shalt  }
0x7a: {  	_ =	shalt  }
0x7b: {  	_ =	shalt  }
0x7c: {  	_ =	shalt  }
0x7d: {  	_ =	shalt  }
0x7e: {  	_ =	shalt  }
0x7f: {  	_ =	shalt  }
0x80: {  	_ =	shalt  }
0x81: {  	_ =	shalt  }
0x82: {  	_ =	shalt  }
0x83: {  	_ =	shalt  }
0x84: {  	_ =	shalt  }
0x85: {  	_ =	shalt  }
0x86: {  	_ =	shalt  }
0x87: {  	_ =	shalt  }
.Lfunc_end0:
.L_simem_size_0:
called_computation_lowered:
.L_overlay_start_0:
0x88: {  	s2 =	sld [smem:$0x3FD9]  }
0x89: {  	s3 =	sld [smem:$0x3FFE];
	_ =	sdelay $0x1  }
0x8a: {  	s1 =	srdreg.scid  }
0x8b: {  	s0 =	sand.u32 $0x1, s1  }
0x8c: {  	s17 =	sshll.u32 s0, $0xA;
	s2 =	sadd.s32 s3, s2  }
0x8d: {  	s2 =	sadd.s32 s2, s17  }
0x8e: {  	[smem:$0x3FC6] =	sst s2  }
0x8f: {  	_ = 	snop  }
0x90: {  	s2 =	sld [smem:$0x3FD0];
	(tm) =	ssettm $0x1  }
0x91: {  	s18 =	sld [smem:$0x3FFB];
	_ =	sdelay $0x3  }
0x92: {  	_ =	strace s18  }
0x93: {  	s3 =	sld [smem:$0x3FFC];
	_ =	sdelay $0x3  }
0x94: {  	_ =	strace s3  }
0x95: {  	s3 =	sld [smem:$0x3FFD];
	_ =	sdelay $0x3  }
0x96: {  	_ =	strace s3  }
0x97: {  	_ =	strace $0x8FFFFFFF  }
0x98: {  	s19 =	sld [smem:$0x3FDB];
	_ =	sdelay $0x1  }
0x99: {  	s4 =	simm.s32 $_scs_section_size  }
0x9a: {  	s5 =	simm.s32 $_size__tile_overlayer_lowered;
	s6 =	simm.s32 $_tile_overlayer_lowered  }
0x9b: {  	s22 =	simm.s32 $0x1BFF;
	s21 =	sshll.u32 s6, $0x1;
	s3 =	sadd.s32 s4, s19  }
0x9c: {  	s7 =	simm.s32 $0x0;
	s20 =	sshll.u32 s5, $0x1;
	s5 =	sadd.s32 s21, s3  }
0x9d: {  	[timem:s7], [sflag:s22] =	dma.local [hbm:s5], s20  }
0x9e: {  	_ =	swait.ge [sflag:s22], s20  }
0x9f: {  	s4 =	ssub.s32 $0x0, s20;
	[sflag:s22] =	ssyncset.done $0x0  }
0xa0: {  	[sflag:s22] =	ssyncadd.s32 s4;
	_ =	sdelay $0x1  }
0xa1: {  	s23 =	simm.s32 $0x1B8B  }
0xa2: {  	_ =	swait.ge [sflag:s23], $0x1  }
0xa3: {  	[sflag:s23] =	ssyncset.done $0x0  }
0xa4: {  	s25 =	simm.s32 $0x1B8E;
	s24 =	sld [smem:$0x3FFE];
	[sflag:s23] =	ssyncadd.s32 $0xFFFFFFFF  }
0xa5: {  	s26 =	simm.s32 $execute0_lowered;
	[smem:$0x3FD2] =	sst s25  }
0xa6: {  	s5 =	sshll.u32 s26, $0x1;
	_ =	strace $0x80000046;
	[dreg:$0x1] =	wrdreg $0xFFFFFFFF  }
0xa7: {  	s28 =	simm.s32 $_size_execute0_lowered;
	s3 =	sadd.s32 s3, s5;
	[dreg:$0x0] =	wrdreg $0x0  }
0xa8: {  	s5 =	sshll.u32 s28, $0x1;
	[dreg:$0x2] =	wrdreg s3  }
0xa9: {  	[dreg:$0x3] =	wrdreg s5  }
0xaa: {  	[dreg:$0x4] =	wrdreg $0xC0  }
0xab: {  	_ =	task [dreg:s7], $0x5FFFF  }
0xac: {  	[dreg:$0x1] =	wrdreg $0xFFFFFFFF  }
0xad: {  	[dreg:$0x0] =	wrdreg $0x60  }
0xae: {  	[dreg:$0x2] =	wrdreg s2  }
0xaf: {  	[dreg:$0x3] =	wrdreg s24  }
0xb0: {  	[dreg:$0x4] =	wrdreg $0x9  }
0xb1: {  	_ =	task.clear_ibuf [dreg:s7], $0x5FFFF;
	_ =	strace $0x90000046  }
0xb2: {  	s29 =	simm.s32 $0x9;
	_ =	strace $0x80000048  }
0xb3: {  	_ =	swait.ge [sflag:s29], $0x1  }
0xb4: {  	[sflag:s29] =	ssyncadd.s32 $0xFFFFFFFF  }
0xb5: {  	_ =	strace $0x90000048  }
0xb6: {  	_ =	sfence  }
0xb7: {  	s30 =	sld [smem:$0x0];
	_ =	sdelay $0x2  }
0xb8: {  	s31 =	sshll.u32 s1, $0xD;
	s1 =	sshrl.u32 s1, $0x2  }
0xb9: {  	s3 =	sand.u32 $0x4000, s31;
	s1 =	sadd.s32 s1, s30  }
0xba: {  	s0 =	sor.u32 s3, s0;
	s1 =	sshll.u32 s1, $0x11  }
0xbb: {  	s0 =	sor.u32 s1, s0  }
0xbc: {  	s0 =	sadd.s32 $0x8F2B, s0  }
0xbd: {  	[sflag:s0] =	ssyncadd.remote.s32 $0x1  }
0xbe: {  	_ =	sfence.sel $0xFFFF  }
0xbf: {  	[dreg:$0x0] =	wrdreg $0xFFFFFFFF;
	(pc) =	sbr.abs _section_cstart, $3  }
0xc0: {  	[dreg:$0x1] =	wrdreg $0xFFFFFFFF  }
0xc1: {  	_ =	task.clear_ibuf [dreg:s7], $0x2FFFF;
	_ =	strace $0x9FFFFFFF  }
0xc2: {  	(tm) =	ssettm $0x7FFFFFFF  }
0xc3: {  	_ =	shalt  }
tec
execute0_lowered:
.L_overlay_start_1:
0x0: {  	(tag) =	ssettag $0x1  }
0x1: {  	s3 =	rddreg [dreg:$0x0];
	s1 =	srdreg.scid  }
0x2: {  	s0 =	stileid.u32;
	s4 =	rddreg [dreg:$0x1]  }
0x3: {  	s11 =	simm.s32 $0x200;
	s12 =	simm.s32 $0x800;
	s13 =	simm.s32 $0x10000  }
0x4: {  	s14 =	simm.s32 $0x0;
	s6 =	sand.u32 $0x1, s1;
	s2 =	sshll.u32 s0, $0x1  }
0x5: {  	s1 =	rddreg [dreg:$0x2];
	s8 =	sshll.u32 s0, $0xA;
	s5 =	sor.u32 s6, s2  }
0x6: {  	s2 =	simm.s32 $0x0;
	s9 =	ssub.s32 $0x2, s6;
	s6 =	sshll.u32 s6, $0x9  }
0x7: {  	s7 =	sshll.u32 s5, $0x7;
	[smem:$0x7FF] =	sst s2;
	s5 =	sshll.u32 s5, $0x8  }
0x8: {  	s10 =	sshrl.u32 s9, $0x1;
	s6 =	sor.u32 s6, s8;
	s7 =	sor.u32 s7, s8  }
0x9: {  	_ =	strace $0x80000047;
	s4 =	sadd.s32 s5, s4;
	s31 =	ssub.s32 s9, s10  }
0xa: {  	s8 =	simm.s32 $0x400;
	s9 =	simm.s32 $0x1;
	s7 =	sand.u32 $0x3380, s7  }
0xb: {  	v2 =	vlaneseq.u32;
	s10 =	simm.s32 $0x10200;
	s4 =	sadd.s32 $0x800, s4;
	s7 =	sshrl.u32 s7, $0x3  }
0xc: {  	v0 =	vimm.s32 $0x3FC00000;
	v1 =	vimm.s32 $0x0;
	v2 =	vmul.u32 $0x80, v2;
	s5 =	smax.u32 s31, $0x1;
	s3 =	sadd.s32 s3, s7;
	s7 =	simm.s32 $0x80  }
.LBB2_1:
0xd: {  	[tilespmem:s2], [sflag:$0x1] =	stream.strided.gather [hbm4b:s3+s7], $0x200, s8, s7, $0x38;
	[tilespmem:$0x10A00] =	vst v63  }
0xe: {  	_ =	swait.ge [sflag:s9], $0x200  }
0xf: {  	[sflag:s9] =	ssyncset.done $0x0  }
0x10: {  	s15 =	simm.s32 $0x0;
	s16 =	simm.s32 $0x2000;
	[sflag:s9] =	ssyncadd.s32 $0xFFFFFE00  }
.LBB2_2:
0x11: {  	p0 =	sne.s32 s16, $0x3E000;
	[tilespmem:s15+$0x990] =	vst v0  }
0x12: {  	[tilespmem:s15+$0x200] =	vst v0  }
0x13: {  	[tilespmem:s15+$0x210] =	vst v0  }
0x14: {  	[tilespmem:s15+$0x280] =	vst v0  }
0x15: {  	[tilespmem:s15+$0x290] =	vst v0  }
0x16: {  	[tilespmem:s15+$0x300] =	vst v0  }
0x17: {  	[tilespmem:s15+$0x310] =	vst v0  }
0x18: {  	[tilespmem:s15+$0x380] =	vst v0  }
0x19: {  	[tilespmem:s15+$0x390] =	vst v0  }
0x1a: {  	[tilespmem:s15+$0x400] =	vst v0  }
0x1b: {  	[tilespmem:s15+$0x410] =	vst v0  }
0x1c: {  	[tilespmem:s15+$0x480] =	vst v0  }
0x1d: {  	[tilespmem:s15+$0x490] =	vst v0  }
0x1e: {  	[tilespmem:s15+$0x500] =	vst v0  }
0x1f: {  	[tilespmem:s15+$0x510] =	vst v0  }
0x20: {  	[tilespmem:s15+$0x580] =	vst v0  }
0x21: {  	[tilespmem:s15+$0x590] =	vst v0  }
0x22: {  	[tilespmem:s15+$0x600] =	vst v0  }
0x23: {  	[tilespmem:s15+$0x610] =	vst v0  }
0x24: {  	[tilespmem:s15+$0x680] =	vst v0  }
0x25: {  	[tilespmem:s15+$0x690] =	vst v0  }
0x26: {  	[tilespmem:s15+$0x700] =	vst v0  }
0x27: {  	[tilespmem:s15+$0x710] =	vst v0  }
0x28: {  	[tilespmem:s15+$0x780] =	vst v0  }
0x29: {  	[tilespmem:s15+$0x790] =	vst v0  }
0x2a: {  	[tilespmem:s15+$0x800] =	vst v0  }
0x2b: {  	[tilespmem:s15+$0x810] =	vst v0  }
.Ltmp0:
0x2c: {  	[tilespmem:s15+$0x880] =	vst v0;
	(pc) =	sbr.rel @p0 .LBB2_2-.Ltmp0, $4  }
0x2d: {  	[tilespmem:s15+$0x890] =	vst v0  }
0x2e: {  	[tilespmem:s15+$0x900] =	vst v0  }
0x2f: {  	[tilespmem:s15+$0x910] =	vst v0  }
0x30: {  	[tilespmem:s15+$0x980] =	vst v0;
	s15 =	sshra.s32 s16, $0x2;
	s16 =	sadd.s32 $0x2000, s16  }
0x31: {  	[tilespmem:s15+$0x990] =	vst v0  }
0x32: {  	[tilespmem:s15+$0x200] =	vst v0  }
0x33: {  	[tilespmem:s15+$0x210] =	vst v0  }
0x34: {  	[tilespmem:s15+$0x280] =	vst v0  }
0x35: {  	[tilespmem:s15+$0x290] =	vst v0  }
0x36: {  	[tilespmem:s15+$0x300] =	vst v0  }
0x37: {  	[tilespmem:s15+$0x310] =	vst v0  }
0x38: {  	[tilespmem:s15+$0x380] =	vst v0  }
0x39: {  	[tilespmem:s15+$0x390] =	vst v0  }
0x3a: {  	[tilespmem:s15+$0x400] =	vst v0  }
0x3b: {  	[tilespmem:s15+$0x410] =	vst v0  }
0x3c: {  	[tilespmem:s15+$0x480] =	vst v0  }
0x3d: {  	[tilespmem:s15+$0x490] =	vst v0  }
0x3e: {  	[tilespmem:s15+$0x500] =	vst v0  }
0x3f: {  	[tilespmem:s15+$0x510] =	vst v0  }
0x40: {  	[tilespmem:s15+$0x580] =	vst v0  }
0x41: {  	[tilespmem:s15+$0x590] =	vst v0  }
0x42: {  	[tilespmem:s15+$0x600] =	vst v0  }
0x43: {  	[tilespmem:s15+$0x610] =	vst v0  }
0x44: {  	[tilespmem:s15+$0x680] =	vst v0  }
0x45: {  	[tilespmem:s15+$0x690] =	vst v0  }
0x46: {  	[tilespmem:s15+$0x700] =	vst v0  }
0x47: {  	[tilespmem:s15+$0x710] =	vst v0  }
0x48: {  	[tilespmem:s15+$0x780] =	vst v0  }
0x49: {  	[tilespmem:s15+$0x790] =	vst v0  }
0x4a: {  	[tilespmem:s15+$0x800] =	vst v0  }
0x4b: {  	[tilespmem:s15+$0x810] =	vst v0  }
0x4c: {  	[tilespmem:s15+$0x880] =	vst v0  }
0x4d: {  	[tilespmem:s15+$0x890] =	vst v0  }
0x4e: {  	[tilespmem:s15+$0x900] =	vst v0  }
0x4f: {  	[tilespmem:s15+$0x910] =	vst v0  }
0x50: {  	[tilespmem:s15+$0x980] =	vst v0  }
0x51: {  	[tilespmem:$0x10200] =	vst v1  }
0x52: {  	[tilespmem:$0x10210] =	vst v1  }
0x53: {  	[tilespmem:$0x10280] =	vst v1  }
0x54: {  	[tilespmem:$0x10290] =	vst v1  }
0x55: {  	[tilespmem:$0x10300] =	vst v1  }
0x56: {  	[tilespmem:$0x10310] =	vst v1  }
0x57: {  	[tilespmem:$0x10380] =	vst v1  }
0x58: {  	[tilespmem:$0x10390] =	vst v1  }
0x59: {  	[tilespmem:$0x10400] =	vst v1  }
0x5a: {  	[tilespmem:$0x10410] =	vst v1  }
0x5b: {  	[tilespmem:$0x10480] =	vst v1  }
0x5c: {  	[tilespmem:$0x10490] =	vst v1  }
0x5d: {  	[tilespmem:$0x10500] =	vst v1  }
0x5e: {  	[tilespmem:$0x10510] =	vst v1  }
0x5f: {  	[tilespmem:$0x10580] =	vst v1  }
0x60: {  	[tilespmem:$0x10590] =	vst v1  }
0x61: {  	[tilespmem:$0x10600] =	vst v1  }
0x62: {  	[tilespmem:$0x10610] =	vst v1  }
0x63: {  	[tilespmem:$0x10680] =	vst v1  }
0x64: {  	[tilespmem:$0x10690] =	vst v1  }
0x65: {  	[tilespmem:$0x10700] =	vst v1  }
0x66: {  	[tilespmem:$0x10710] =	vst v1  }
0x67: {  	[tilespmem:$0x10780] =	vst v1  }
0x68: {  	[tilespmem:$0x10790] =	vst v1  }
0x69: {  	[tilespmem:$0x10800] =	vst v1  }
0x6a: {  	[tilespmem:$0x10810] =	vst v1  }
0x6b: {  	[tilespmem:$0x10880] =	vst v1  }
0x6c: {  	[tilespmem:$0x10890] =	vst v1  }
0x6d: {  	[tilespmem:$0x10900] =	vst v1  }
0x6e: {  	[tilespmem:$0x10910] =	vst v1  }
0x6f: {  	[tilespmem:$0x10980] =	vst v1  }
0x70: {  	s15 =	simm.s32 $0x0;
	s16 =	smov.u32 s6;
	[tilespmem:$0x10990] =	vst v1  }
.LBB2_4:
0x71: {  	s17 =	sshra.s32 s15, $0x2  }
0x72: {  	v3 =	vld [tilespmem:s17+$0x0];
	_ =	sdelay $0x4  }
0x73: {  	v4 =	vshrl.u32 v3, $0x8  }
0x74: {  	v5 =	vshrl.u32 v3, $0xF;
	v4 =	vmulhi.u32 $0x214D022, v4  }
0x75: {  	v5 =	vmulhi.u32 $0x214D022, v5;
	_ =	sdelay $0x1  }
0x76: {  	v6 =	vand.u32 $0x7F, v4;
	v5 =	vshll.u32 v5, $0x7  }
0x77: {  	v5 =	vor.u32 v6, v5  }
0x78: {  	v5 =	vadd.s32 v2, v5;
	_ =	sdelay $0x4  }
0x79: {  	v60 =	vld.idx.msk [tilespmem:v5+s10+$0x0], $0xffff;
	_ =	sdelay $0x4  }
0x7a: {  	v8 =	vshll.u32 v4, $0xB;
	v7 =	vand.u32 $0xFFFFFF80, v60  }
0x7b: {  	v9 =	vand.u32 $0x7F, v60;
	v7 =	vadd.s32 v8, v7  }
0x7c: {  	v4 =	vmul.u32 $0x30A, v4;
	v7 =	vor.u32 v9, v7  }
0x7d: {  	v62 =	vmov s16;
	v61 =	vshrl.u32 v3, $0x7;
	v7 =	vadd.s32 v2, v7  }
0x7e: {  	p0 =	sne.s32 s15, $0x7C0;
	v63 =	vshll.u32 v62, $0x7;
	v4 =	vadd.s32 v61, v4  }
.Ltmp1:
0x7f: {  	v4 =	vshll.u32 v4, $0x16;
	v8 =	vor.u32 v2, v63;
	(pc) =	sbr.rel @p0 .LBB2_4-.Ltmp1, $4  }
0x80: {  	v3 =	vand.u32 $0x7F, v3;
	v4 =	vadd.s32 v8, v4  }
0x81: {  	v3 =	vor.u32 v3, v4  }
0x82: {  	[tilespmem:v7+s11+$0x0] =	vst.idx.msk $0xffff, v3;
	v3 =	vadd.s32 $0x1, v60  }
0x83: {  	s16 =	sadd.s32 $0x10, s16;
	s15 =	sadd.s32 $0x40, s15;
	[tilespmem:v5+s10+$0x0] =	vst.idx.msk $0xffff, v3  }
0x84: {  	s14 =	sadd.s32 $0x1, s14  }
0x85: {  	p0 =	sne.s32 s14, s5  }
.Ltmp2:
0x86: {  	_ = 	snop;
	(pc) =	sbr.rel @p0 .LBB2_1-.Ltmp2, $4  }
0x87: {  	[hbm4b:s4+s12] =	stream.strided.scatter [tilespmem:s11], [sflag:$0x1], $0x10000, s13, s12, $0x38;
	[tilespmem:$0x10A00] =	vst v63  }
0x88: {  	_ =	swait.ge [sflag:s9], $0x10000  }
0x89: {  	[sflag:s9] =	ssyncset.done $0x0  }
0x8a: {  	[sflag:s9] =	ssyncadd.s32 $0xFFFF0000  }
0x8b: {  	_ =	sfence.sel $0x180000  }
0x8c: {  	[bflag:$0x0] =	sbarrier.arrive $0xFFFF  }
0x8d: {  	p0 =	sne.s32 s0, $0x0;
	_ =	strace $0x90000047  }
0x8e: {  	s0 =	sadd.s32 @!p0 $0x100000, s1;
	[bflag:$0x2] =	sbarrier.arrive $0xFFFF  }
0x8f: {  	[sflag:s0] =	ssyncadd.tile.s32 @!p0 $0x1;
	_ =	shalt  }
.Lfunc_end2:
_tile_overlayer_lowered:
.L_overlay_start_2:
0x90: {  	(tag) =	ssettag $0x2  }
0x91: {  	s0 =	rddreg [dreg:$0x0];
	s2 =	stileid.u32  }
0x92: {  	s1 =	rddreg [dreg:$0x1];
	p0 =	sne.s32 s2, $0x0  }
0x93: {  	s3 =	rddreg [dreg:$0x2];
	[bflag:$0x3] =	sbarrier.arrive $0xFFFF;
	s2 =	simm.s32 @!p0 $0x1C01  }
0x94: {  	[timem:s3], [sflag:s2] =	dma.local @!p0 [hbm:s0], s1  }
0x95: {  	s0 =	simm.s32 @!p0 $0x1  }
0x96: {  	_ =	swait.ge @!p0 [sflag:s0], s1  }
0x97: {  	s1 =	ssub.s32 @!p0 $0x0, s1;
	[sflag:s0] =	ssyncset.done @!p0 $0x0  }
0x98: {  	[sflag:s0] =	ssyncadd.s32 @!p0 s1  }
0x99: {  	[bflag:$0x3] =	sbarrier.arrive $0xFFFF  }
0x9a: {  	_ =	shalt  }

// kernel: kernel.7.cloned.1.call-start
scs
__scs_entry_jumppad:
0x0: {  	(pc) =	sbr.rel $0x88, $3  }
0x1: {  	(tag) =	ssettag $0x0;
	lr =	simm.s32 $0x1  }
0x2: {  	[smem:$0x3F9F] =	sst lr;
	_ =	strace $0xD0000000  }
0x3: {  	_ = 	snop  }
0x4: {  	_ = 	snop  }
0x5: {  	_ = 	snop  }
0x6: {  	_ = 	snop  }
0x7: {  	_ = 	snop  }
__scs_overlays_trampoline_lowered:
0x8: {  	[smem:$0x3FAE] =	sst s0  }
0x9: {  	[smem:$0x3FAF] =	sst s1  }
0xa: {  	[smem:$0x3FB0] =	sst s2  }
0xb: {  	[smem:$0x3FB1] =	sst s3  }
0xc: {  	[smem:$0x3FB2] =	sst s4  }
0xd: {  	[smem:$0x3FB3] =	sst s5  }
0xe: {  	[smem:$0x3FB4] =	sst s6  }
0xf: {  	[smem:$0x3FB5] =	sst s7  }
0x10: {  	[smem:$0x3FB6] =	sst s8  }
0x11: {  	[smem:$0x3FB7] =	sst s9;
	s0 =	simm.s32 @!p0 $0x0  }
0x12: {  	s1 =	sld [smem:$0x3F9D];
	s0 =	simm.s32 @p0 $0x1  }
0x13: {  	[smem:$0x3FB8] =	sst s0;
	s0 =	simm.s32 @!p1 $0x0  }
0x14: {  	s2 =	sld [smem:$0x3F9C];
	s0 =	simm.s32 @p1 $0x1  }
0x15: {  	[smem:$0x3FB9] =	sst s0;
	s0 =	simm.s32 @!p2 $0x0  }
0x16: {  	s3 =	sld [smem:$0x3FDB];
	s0 =	simm.s32 @p2 $0x1  }
0x17: {  	s4 =	simm.s32 $0x1BF5;
	[smem:$0x3FBB] =	sst s0  }
0x18: {  	s0 =	sld [smem:$0x3F9E];
	_ =	swait.ge [sflag:s4], $0x0  }
0x19: {  	s7 =	sld [smem:$0x3F9F]  }
0x1a: {  	s8 =	sadd.s32 $0xFFFFE003, lr  }
0x1b: {  	s9 =	sadd.s32 $0xFFFFFEF7, lr;
	s5 =	simm.s32 $0xFFFFFFFF;
	p2 =	slt.u32 s8, $0xFFFFF086  }
0x1c: {  	p1 =	slt.u32 s9, $0xF7A;
	s5 =	simm.s32 @!p2 $0x0  }
0x1d: {  	s5 =	simm.s32 @p1 $0x1;
	p0 =	seq.s32 s7, s2  }
0x1e: {  	s7 =	smul.u32 @!p0 $0xF7A, s2;
	p2 =	seq.s32 @!p0 s5, $0x0  }
0x1f: {  	s9 =	smul.u32 $0xF7A, s1;
	s8 =	simm.s32 @!p0 $0x1BF5;
	p2 =	por !p2, p0  }
0x20: {  	[sflag:s8] =	ssyncset.s32 @!p0 $0xFFFFF086;
	s6 =	sadd.s32 @!p0 s3, s7;
	s7 =	simm.s32 @!p0 $0x108  }
0x21: {  	s3 =	sadd.s32 s3, s9;
	s6 =	sadd.s32 @!p0 $0x88, s6;
	s7 =	simm.s32 @p2 $0x1082  }
0x22: {  	[simem:s7], [sflag:s8] =	dma.local @!p0 [hbm:s6], $0xF7A  }
0x23: {  	s9 =	sor.u32 $0xD0000000, s2;
	s6 =	simm.s32 $0x108;
	_ =	swait.ge @!p0 [sflag:s8], $0x0  }
0x24: {  	s3 =	sadd.s32 $0x88, s3;
	s6 =	simm.s32 @!p1 $0x1082;
	[sflag:s4] =	ssyncset.s32 $0xFFFFF086  }
0x25: {  	[simem:s6], [sflag:s4] =	dma.local [hbm:s3], $0xF7A  }
0x26: {  	[smem:$0x3F9F] =	sst s1;
	(tag) =	ssettag s2;
	_ =	strace s9  }
0x27: {  	s1 =	sld [smem:$0x3FAF]  }
0x28: {  	s2 =	sld [smem:$0x3FB0]  }
0x29: {  	s4 =	sld [smem:$0x3FB2]  }
0x2a: {  	p0 =	seq.s32 s5, $0x0;
	s5 =	sld [smem:$0x3FB3]  }
0x2b: {  	s6 =	sld [smem:$0x3FB4]  }
0x2c: {  	s7 =	sld [smem:$0x3FB5]  }
0x2d: {  	s3 =	simm.s32 $0x108;
	s8 =	sld [smem:$0x3FB6]  }
0x2e: {  	s3 =	simm.s32 @!p0 $0x1082;
	s9 =	sld [smem:$0x3FB7]  }
0x2f: {  	lr =	sadd.s32 s0, s3;
	s0 =	sld [smem:$0x3FAE]  }
0x30: {  	s3 =	sld [smem:$0x3FB1]  }
0x31: {  	[smem:$0x3FBA] =	sst s10  }
0x32: {  	s10 =	sld [smem:$0x3FB8];
	_ =	sdelay $0x3  }
0x33: {  	p0 =	seq.s32 s10, $0x1;
	s10 =	sld [smem:$0x3FBA];
	_ =	sdelay $0x3  }
0x34: {  	[smem:$0x3FBA] =	sst s10  }
0x35: {  	s10 =	sld [smem:$0x3FB9];
	_ =	sdelay $0x3  }
0x36: {  	p1 =	seq.s32 s10, $0x1;
	s10 =	sld [smem:$0x3FBA];
	_ =	sdelay $0x3  }
0x37: {  	[smem:$0x3FBA] =	sst s10  }
0x38: {  	s10 =	sld [smem:$0x3FBB]  }
0x39: {  	_ = 	snop;
	(pc) =	sbr.ind lr, $3  }
0x3a: {  	_ = 	snop  }
0x3b: {  	_ = 	snop  }
0x3c: {  	p2 =	seq.s32 s10, $0x1;
	s10 =	sld [smem:$0x3FBA]  }
0x3d: {  	_ =	shalt  }
0x3e: {  	_ =	shalt  }
0x3f: {  	_ =	shalt  }
0x40: {  	_ =	shalt  }
0x41: {  	_ =	shalt  }
0x42: {  	_ =	shalt  }
0x43: {  	_ =	shalt  }
0x44: {  	_ =	shalt  }
0x45: {  	_ =	shalt  }
0x46: {  	_ =	shalt  }
0x47: {  	_ =	shalt  }
0x48: {  	_ =	shalt  }
0x49: {  	_ =	shalt  }
0x4a: {  	_ =	shalt  }
0x4b: {  	_ =	shalt  }
0x4c: {  	_ =	shalt  }
0x4d: {  	_ =	shalt  }
0x4e: {  	_ =	shalt  }
0x4f: {  	_ =	shalt  }
0x50: {  	_ =	shalt  }
0x51: {  	_ =	shalt  }
0x52: {  	_ =	shalt  }
0x53: {  	_ =	shalt  }
0x54: {  	_ =	shalt  }
0x55: {  	_ =	shalt  }
0x56: {  	_ =	shalt  }
0x57: {  	_ =	shalt  }
0x58: {  	_ =	shalt  }
0x59: {  	_ =	shalt  }
0x5a: {  	_ =	shalt  }
0x5b: {  	_ =	shalt  }
0x5c: {  	_ =	shalt  }
0x5d: {  	_ =	shalt  }
0x5e: {  	_ =	shalt  }
0x5f: {  	_ =	shalt  }
0x60: {  	_ =	shalt  }
0x61: {  	_ =	shalt  }
0x62: {  	_ =	shalt  }
0x63: {  	_ =	shalt  }
0x64: {  	_ =	shalt  }
0x65: {  	_ =	shalt  }
0x66: {  	_ =	shalt  }
0x67: {  	_ =	shalt  }
0x68: {  	_ =	shalt  }
0x69: {  	_ =	shalt  }
0x6a: {  	_ =	shalt  }
0x6b: {  	_ =	shalt  }
0x6c: {  	_ =	shalt  }
0x6d: {  	_ =	shalt  }
0x6e: {  	_ =	shalt  }
0x6f: {  	_ =	shalt  }
0x70: {  	_ =	shalt  }
0x71: {  	_ =	shalt  }
0x72: {  	_ =	shalt  }
0x73: {  	_ =	shalt  }
0x74: {  	_ =	shalt  }
0x75: {  	_ =	shalt  }
0x76: {  	_ =	shalt  }
0x77: {  	_ =	shalt  }
0x78: {  	_ =	shalt  }
0x79: {  	_ =	shalt  }
0x7a: {  	_ =	shalt  }
0x7b: {  	_ =	shalt  }
0x7c: {  	_ =	shalt  }
0x7d: {  	_ =	shalt  }
0x7e: {  	_ =	shalt  }
0x7f: {  	_ =	shalt  }
0x80: {  	_ =	shalt  }
0x81: {  	_ =	shalt  }
0x82: {  	_ =	shalt  }
0x83: {  	_ =	shalt  }
0x84: {  	_ =	shalt  }
0x85: {  	_ =	shalt  }
0x86: {  	_ =	shalt  }
0x87: {  	_ =	shalt  }
.Lfunc_end0:
.L_simem_size_0:
called_computation.1_lowered:
.L_overlay_start_0:
0x88: {  	s2 =	sld [smem:$0x3FD9]  }
0x89: {  	s3 =	sld [smem:$0x3FFE];
	_ =	sdelay $0x1  }
0x8a: {  	s1 =	srdreg.scid  }
0x8b: {  	s0 =	sand.u32 $0x1, s1  }
0x8c: {  	s17 =	sshll.u32 s0, $0xA;
	s2 =	sadd.s32 s3, s2  }
0x8d: {  	s2 =	sadd.s32 s2, s17  }
0x8e: {  	[smem:$0x3FC6] =	sst s2  }
0x8f: {  	_ = 	snop  }
0x90: {  	s2 =	sld [smem:$0x3FC8];
	(tm) =	ssettm $0x1  }
0x91: {  	s18 =	sld [smem:$0x3FFB];
	_ =	sdelay $0x3  }
0x92: {  	_ =	strace s18  }
0x93: {  	s3 =	sld [smem:$0x3FFC];
	_ =	sdelay $0x3  }
0x94: {  	_ =	strace s3  }
0x95: {  	s3 =	sld [smem:$0x3FFD];
	_ =	sdelay $0x3  }
0x96: {  	_ =	strace s3  }
0x97: {  	_ =	strace $0x8FFFFFFF  }
0x98: {  	s19 =	sld [smem:$0x3FDB];
	_ =	sdelay $0x1  }
0x99: {  	s4 =	simm.s32 $_scs_section_size  }
0x9a: {  	s5 =	simm.s32 $_size__tile_overlayer_lowered;
	s6 =	simm.s32 $_tile_overlayer_lowered  }
0x9b: {  	s22 =	simm.s32 $0x1BFF;
	s21 =	sshll.u32 s6, $0x1;
	s3 =	sadd.s32 s4, s19  }
0x9c: {  	s7 =	simm.s32 $0x0;
	s20 =	sshll.u32 s5, $0x1;
	s5 =	sadd.s32 s21, s3  }
0x9d: {  	[timem:s7], [sflag:s22] =	dma.local [hbm:s5], s20  }
0x9e: {  	_ =	swait.ge [sflag:s22], s20  }
0x9f: {  	s4 =	ssub.s32 $0x0, s20;
	[sflag:s22] =	ssyncset.done $0x0  }
0xa0: {  	[sflag:s22] =	ssyncadd.s32 s4;
	_ =	sdelay $0x1  }
0xa1: {  	s23 =	simm.s32 $0x1B8B  }
0xa2: {  	_ =	swait.ge [sflag:s23], $0x1  }
0xa3: {  	[sflag:s23] =	ssyncset.done $0x0  }
0xa4: {  	s25 =	simm.s32 $0x1B8E;
	s24 =	sld [smem:$0x3FFE];
	[sflag:s23] =	ssyncadd.s32 $0xFFFFFFFF  }
0xa5: {  	s26 =	simm.s32 $execute0_lowered;
	[smem:$0x3FD2] =	sst s25  }
0xa6: {  	s5 =	sshll.u32 s26, $0x1;
	_ =	strace $0x80000049;
	[dreg:$0x1] =	wrdreg $0xFFFFFFFF  }
0xa7: {  	s28 =	simm.s32 $_size_execute0_lowered;
	s3 =	sadd.s32 s3, s5;
	[dreg:$0x0] =	wrdreg $0x0  }
0xa8: {  	s5 =	sshll.u32 s28, $0x1;
	[dreg:$0x2] =	wrdreg s3  }
0xa9: {  	[dreg:$0x3] =	wrdreg s5  }
0xaa: {  	[dreg:$0x4] =	wrdreg $0xC0  }
0xab: {  	_ =	task [dreg:s7], $0x5FFFF  }
0xac: {  	[dreg:$0x1] =	wrdreg $0xFFFFFFFF  }
0xad: {  	[dreg:$0x0] =	wrdreg $0x60  }
0xae: {  	[dreg:$0x2] =	wrdreg s24  }
0xaf: {  	[dreg:$0x3] =	wrdreg s2  }
0xb0: {  	[dreg:$0x4] =	wrdreg $0x9  }
0xb1: {  	_ =	task.clear_ibuf [dreg:s7], $0x5FFFF;
	_ =	strace $0x90000049  }
0xb2: {  	s29 =	simm.s32 $0x9;
	_ =	strace $0x8000004B  }
0xb3: {  	_ =	swait.ge [sflag:s29], $0x1  }
0xb4: {  	[sflag:s29] =	ssyncadd.s32 $0xFFFFFFFF  }
0xb5: {  	_ =	strace $0x9000004B  }
0xb6: {  	_ =	sfence  }
0xb7: {  	s30 =	sld [smem:$0x0];
	_ =	sdelay $0x2  }
0xb8: {  	s31 =	sshll.u32 s1, $0xD;
	s1 =	sshrl.u32 s1, $0x2  }
0xb9: {  	s3 =	sand.u32 $0x4000, s31;
	s1 =	sadd.s32 s1, s30  }
0xba: {  	s0 =	sor.u32 s3, s0;
	s1 =	sshll.u32 s1, $0x11  }
0xbb: {  	s0 =	sor.u32 s1, s0  }
0xbc: {  	s0 =	sadd.s32 $0x8F2B, s0  }
0xbd: {  	[sflag:s0] =	ssyncadd.remote.s32 $0x1  }
0xbe: {  	_ =	sfence.sel $0xFFFF  }
0xbf: {  	[dreg:$0x0] =	wrdreg $0xFFFFFFFF;
	(pc) =	sbr.abs _section_cstart, $3  }
0xc0: {  	[dreg:$0x1] =	wrdreg $0xFFFFFFFF  }
0xc1: {  	_ =	task.clear_ibuf [dreg:s7], $0x2FFFF;
	_ =	strace $0x9FFFFFFF  }
0xc2: {  	(tm) =	ssettm $0x7FFFFFFF  }
0xc3: {  	_ =	shalt  }
tec
execute0_lowered:
.L_overlay_start_1:
0x0: {  	(tag) =	ssettag $0x1  }
0x1: {  	s4 =	rddreg [dreg:$0x0];
	s1 =	srdreg.scid  }
0x2: {  	s0 =	stileid.u32;
	s2 =	rddreg [dreg:$0x1]  }
0x3: {  	s3 =	simm.s32 $0x0;
	s10 =	simm.s32 $0x10000;
	s11 =	simm.s32 $0x10100  }
0x4: {  	s12 =	simm.s32 $0x10200;
	s13 =	simm.s32 $0x10300;
	s14 =	simm.s32 $0x400  }
0x5: {  	s15 =	simm.s32 $0x7A1400;
	s16 =	simm.s32 $0x14300;
	s17 =	simm.s32 $0x16300  }
0x6: {  	s18 =	simm.s32 $0x1C300;
	s5 =	sand.u32 $0x1, s1;
	s1 =	rddreg [dreg:$0x2]  }
0x7: {  	s19 =	simm.s32 $0x0;
	s6 =	sshll.u32 s0, $0x1;
	[smem:$0x7FF] =	sst s3  }
.Ltmp0:
0x8: {  	s6 =	sor.u32 s5, s6;
	s5 =	ssub.s32 $0x2, s5;
	(pc) =	sbr.rel .LBB2_1-.Ltmp0, $4  }
0x9: {  	_ =	strace $0x8000004A;
	s7 =	smul.u32 $0x7B00, s6;
	s8 =	sshll.u32 s6, $0xD  }
0xa: {  	s9 =	sshrl.u32 s5, $0x1;
	s6 =	smul.u32 $0xF6, s6;
	s8 =	sadd.s32 s8, s4  }
0xb: {  	s9 =	ssub.s32 s5, s9;
	s4 =	sadd.s32 s2, s7;
	s5 =	sadd.s32 $0x800, s8  }
0xc: {  	s8 =	smax.u32 s9, $0x1;
	s9 =	simm.s32 $0x3;
	s7 =	sadd.s32 $0x80, s4  }
.LBB2_13:
0xd: {  	s19 =	sadd.s32 $0x1, s19  }
0xe: {  	p0 =	sne.s32 s19, s8  }
.Ltmp1:
0xf: {  	_ = 	snop;
	(pc) =	sbr.rel @!p0 .LBB2_14-.Ltmp1, $1  }
0x10: {  	_ =	sdelay $0x3  }
.LBB2_1:
0x11: {  	[tilespmem:s3], [sflag:$0x3] =	stream.linear.gather [hbm4b:s5+s3], $0x10000, $0x38;
	[tilespmem:$0x1D400] =	vst v63  }
0x12: {  	_ =	swait.ge [sflag:s9], $0x10000  }
0x13: {  	[sflag:s9] =	ssyncset.done $0x0  }
0x14: {  	v0 =	vimm.s32 $0x0;
	[sflag:s9] =	ssyncadd.s32 $0xFFFF0000  }
0x15: {  	[tilespmem:$0x10000] =	vst v0  }
0x16: {  	[tilespmem:$0x10200] =	vst v0  }
0x17: {  	[tilespmem:$0x10010] =	vst v0  }
0x18: {  	[tilespmem:$0x10210] =	vst v0  }
0x19: {  	[tilespmem:$0x10020] =	vst v0  }
0x1a: {  	[tilespmem:$0x10220] =	vst v0  }
0x1b: {  	[tilespmem:$0x10030] =	vst v0  }
0x1c: {  	[tilespmem:$0x10230] =	vst v0  }
0x1d: {  	[tilespmem:$0x10040] =	vst v0  }
0x1e: {  	[tilespmem:$0x10240] =	vst v0  }
0x1f: {  	[tilespmem:$0x10050] =	vst v0  }
0x20: {  	[tilespmem:$0x10250] =	vst v0  }
0x21: {  	[tilespmem:$0x10060] =	vst v0  }
0x22: {  	[tilespmem:$0x10260] =	vst v0  }
0x23: {  	[tilespmem:$0x10070] =	vst v0  }
0x24: {  	[tilespmem:$0x10270] =	vst v0  }
0x25: {  	[tilespmem:$0x10080] =	vst v0  }
0x26: {  	[tilespmem:$0x10280] =	vst v0  }
0x27: {  	[tilespmem:$0x10090] =	vst v0  }
0x28: {  	[tilespmem:$0x10290] =	vst v0  }
0x29: {  	[tilespmem:$0x100A0] =	vst v0  }
0x2a: {  	[tilespmem:$0x102A0] =	vst v0  }
0x2b: {  	[tilespmem:$0x100B0] =	vst v0  }
0x2c: {  	[tilespmem:$0x102B0] =	vst v0  }
0x2d: {  	[tilespmem:$0x100C0] =	vst v0  }
0x2e: {  	[tilespmem:$0x102C0] =	vst v0  }
0x2f: {  	[tilespmem:$0x100D0] =	vst v0  }
0x30: {  	[tilespmem:$0x102D0] =	vst v0  }
0x31: {  	[tilespmem:$0x100E0] =	vst v0  }
0x32: {  	[tilespmem:$0x102E0] =	vst v0  }
0x33: {  	[tilespmem:$0x100F0] =	vst v0  }
0x34: {  	s20 =	simm.s32 $0x0;
	[tilespmem:$0x102F0] =	vst v0  }
.LBB2_2:
0x35: {  	s21 =	sshra.s32 s20, $0x2  }
0x36: {  	v0 =	vld [tilespmem:s21+$0x0];
	_ =	sdelay $0x4  }
0x37: {  	v0 =	vshrl.u32 v0, $0x16  }
0x38: {  	(xrf1) =	vunique.msk.u32 $0xffff, v0;
	_ =	sdelay $0xd  }
0x39: {  	v2 =	vld.idx.msk [tilespmem:v0+s10+$0x0], $0xffff;
	_, v1, vm0 =	vpop (xrf1);
	_ =	sdelay $0x4  }
0x3a: {  	v1 =	vadd.s32 v2, v1  }
0x3b: {  	[tilespmem:v0+s10+$0x0] =	vst.idx.msk vm0, v1  }
0x3c: {  	v0 =	vld [tilespmem:s21+$0x10];
	_ =	sdelay $0x4  }
0x3d: {  	v0 =	vshrl.u32 v0, $0x16  }
0x3e: {  	(xrf1) =	vunique.msk.u32 $0xffff, v0;
	_ =	sdelay $0xd  }
0x3f: {  	v33 =	vld.idx.msk [tilespmem:v0+s10+$0x0], $0xffff;
	_, v1, vm0 =	vpop (xrf1);
	_ =	sdelay $0x4  }
0x40: {  	v1 =	vadd.s32 v33, v1  }
0x41: {  	[tilespmem:v0+s10+$0x0] =	vst.idx.msk vm0, v1  }
0x42: {  	v0 =	vld [tilespmem:s21+$0x80];
	_ =	sdelay $0x4  }
0x43: {  	v0 =	vshrl.u32 v0, $0x16  }
0x44: {  	(xrf1) =	vunique.msk.u32 $0xffff, v0;
	_ =	sdelay $0xd  }
0x45: {  	v34 =	vld.idx.msk [tilespmem:v0+s10+$0x0], $0xffff;
	_, v1, vm0 =	vpop (xrf1);
	_ =	sdelay $0x4  }
0x46: {  	v1 =	vadd.s32 v34, v1  }
0x47: {  	[tilespmem:v0+s10+$0x0] =	vst.idx.msk vm0, v1  }
0x48: {  	v0 =	vld [tilespmem:s21+$0x90];
	_ =	sdelay $0x4  }
0x49: {  	v0 =	vshrl.u32 v0, $0x16  }
0x4a: {  	(xrf1) =	vunique.msk.u32 $0xffff, v0;
	_ =	sdelay $0xd  }
0x4b: {  	v35 =	vld.idx.msk [tilespmem:v0+s10+$0x0], $0xffff;
	_, v1, vm0 =	vpop (xrf1);
	_ =	sdelay $0x4  }
0x4c: {  	v1 =	vadd.s32 v35, v1  }
0x4d: {  	[tilespmem:v0+s10+$0x0] =	vst.idx.msk vm0, v1  }
0x4e: {  	v0 =	vld [tilespmem:s21+$0x100];
	_ =	sdelay $0x4  }
0x4f: {  	v0 =	vshrl.u32 v0, $0x16  }
0x50: {  	(xrf1) =	vunique.msk.u32 $0xffff, v0;
	_ =	sdelay $0xd  }
0x51: {  	v36 =	vld.idx.msk [tilespmem:v0+s10+$0x0], $0xffff;
	_, v1, vm0 =	vpop (xrf1);
	_ =	sdelay $0x4  }
0x52: {  	v1 =	vadd.s32 v36, v1  }
0x53: {  	[tilespmem:v0+s10+$0x0] =	vst.idx.msk vm0, v1  }
0x54: {  	v0 =	vld [tilespmem:s21+$0x110];
	_ =	sdelay $0x4  }
0x55: {  	v0 =	vshrl.u32 v0, $0x16  }
0x56: {  	(xrf1) =	vunique.msk.u32 $0xffff, v0;
	_ =	sdelay $0xd  }
0x57: {  	v37 =	vld.idx.msk [tilespmem:v0+s10+$0x0], $0xffff;
	_, v1, vm0 =	vpop (xrf1);
	_ =	sdelay $0x4  }
0x58: {  	v1 =	vadd.s32 v37, v1  }
0x59: {  	[tilespmem:v0+s10+$0x0] =	vst.idx.msk vm0, v1  }
0x5a: {  	v0 =	vld [tilespmem:s21+$0x180];
	_ =	sdelay $0x4  }
0x5b: {  	v0 =	vshrl.u32 v0, $0x16  }
0x5c: {  	(xrf1) =	vunique.msk.u32 $0xffff, v0;
	_ =	sdelay $0xd  }
0x5d: {  	v38 =	vld.idx.msk [tilespmem:v0+s10+$0x0], $0xffff;
	_, v1, vm0 =	vpop (xrf1);
	_ =	sdelay $0x4  }
0x5e: {  	v1 =	vadd.s32 v38, v1  }
0x5f: {  	[tilespmem:v0+s10+$0x0] =	vst.idx.msk vm0, v1  }
0x60: {  	v0 =	vld [tilespmem:s21+$0x190];
	_ =	sdelay $0x4  }
0x61: {  	v0 =	vshrl.u32 v0, $0x16  }
0x62: {  	(xrf1) =	vunique.msk.u32 $0xffff, v0;
	_ =	sdelay $0xd  }
0x63: {  	v39 =	vld.idx.msk [tilespmem:v0+s10+$0x0], $0xffff;
	_, v1, vm0 =	vpop (xrf1);
	_ =	sdelay $0x4  }
0x64: {  	v1 =	vadd.s32 v39, v1  }
0x65: {  	[tilespmem:v0+s10+$0x0] =	vst.idx.msk vm0, v1  }
0x66: {  	v0 =	vld [tilespmem:s21+$0x200];
	_ =	sdelay $0x4  }
0x67: {  	v0 =	vshrl.u32 v0, $0x16  }
0x68: {  	(xrf1) =	vunique.msk.u32 $0xffff, v0;
	_ =	sdelay $0xd  }
0x69: {  	v40 =	vld.idx.msk [tilespmem:v0+s10+$0x0], $0xffff;
	_, v1, vm0 =	vpop (xrf1);
	_ =	sdelay $0x4  }
0x6a: {  	v1 =	vadd.s32 v40, v1  }
0x6b: {  	[tilespmem:v0+s10+$0x0] =	vst.idx.msk vm0, v1  }
0x6c: {  	v0 =	vld [tilespmem:s21+$0x210];
	_ =	sdelay $0x4  }
0x6d: {  	v0 =	vshrl.u32 v0, $0x16  }
0x6e: {  	(xrf1) =	vunique.msk.u32 $0xffff, v0;
	_ =	sdelay $0xd  }
0x6f: {  	v41 =	vld.idx.msk [tilespmem:v0+s10+$0x0], $0xffff;
	_, v1, vm0 =	vpop (xrf1);
	_ =	sdelay $0x4  }
0x70: {  	v1 =	vadd.s32 v41, v1  }
0x71: {  	[tilespmem:v0+s10+$0x0] =	vst.idx.msk vm0, v1  }
0x72: {  	v0 =	vld [tilespmem:s21+$0x280];
	_ =	sdelay $0x4  }
0x73: {  	v0 =	vshrl.u32 v0, $0x16  }
0x74: {  	(xrf1) =	vunique.msk.u32 $0xffff, v0;
	_ =	sdelay $0xd  }
0x75: {  	v42 =	vld.idx.msk [tilespmem:v0+s10+$0x0], $0xffff;
	_, v1, vm0 =	vpop (xrf1);
	_ =	sdelay $0x4  }
0x76: {  	v1 =	vadd.s32 v42, v1  }
0x77: {  	[tilespmem:v0+s10+$0x0] =	vst.idx.msk vm0, v1  }
0x78: {  	v0 =	vld [tilespmem:s21+$0x290];
	_ =	sdelay $0x4  }
0x79: {  	v0 =	vshrl.u32 v0, $0x16  }
0x7a: {  	(xrf1) =	vunique.msk.u32 $0xffff, v0;
	_ =	sdelay $0xd  }
0x7b: {  	v43 =	vld.idx.msk [tilespmem:v0+s10+$0x0], $0xffff;
	_, v1, vm0 =	vpop (xrf1);
	_ =	sdelay $0x4  }
0x7c: {  	v1 =	vadd.s32 v43, v1  }
0x7d: {  	[tilespmem:v0+s10+$0x0] =	vst.idx.msk vm0, v1  }
0x7e: {  	v0 =	vld [tilespmem:s21+$0x300];
	_ =	sdelay $0x4  }
0x7f: {  	v0 =	vshrl.u32 v0, $0x16  }
0x80: {  	(xrf1) =	vunique.msk.u32 $0xffff, v0;
	_ =	sdelay $0xd  }
0x81: {  	v44 =	vld.idx.msk [tilespmem:v0+s10+$0x0], $0xffff;
	_, v1, vm0 =	vpop (xrf1);
	_ =	sdelay $0x4  }
0x82: {  	v1 =	vadd.s32 v44, v1  }
0x83: {  	[tilespmem:v0+s10+$0x0] =	vst.idx.msk vm0, v1  }
0x84: {  	v0 =	vld [tilespmem:s21+$0x310];
	_ =	sdelay $0x4  }
0x85: {  	v0 =	vshrl.u32 v0, $0x16  }
0x86: {  	(xrf1) =	vunique.msk.u32 $0xffff, v0;
	_ =	sdelay $0xd  }
0x87: {  	v45 =	vld.idx.msk [tilespmem:v0+s10+$0x0], $0xffff;
	_, v1, vm0 =	vpop (xrf1);
	_ =	sdelay $0x4  }
0x88: {  	v1 =	vadd.s32 v45, v1  }
0x89: {  	[tilespmem:v0+s10+$0x0] =	vst.idx.msk vm0, v1  }
0x8a: {  	v0 =	vld [tilespmem:s21+$0x380];
	_ =	sdelay $0x4  }
0x8b: {  	v0 =	vshrl.u32 v0, $0x16  }
0x8c: {  	(xrf1) =	vunique.msk.u32 $0xffff, v0;
	_ =	sdelay $0xd  }
0x8d: {  	v46 =	vld.idx.msk [tilespmem:v0+s10+$0x0], $0xffff;
	_, v1, vm0 =	vpop (xrf1);
	_ =	sdelay $0x4  }
0x8e: {  	v1 =	vadd.s32 v46, v1  }
0x8f: {  	[tilespmem:v0+s10+$0x0] =	vst.idx.msk vm0, v1  }
0x90: {  	v0 =	vld [tilespmem:s21+$0x390];
	_ =	sdelay $0x4  }
0x91: {  	v0 =	vshrl.u32 v0, $0x16  }
0x92: {  	(xrf1) =	vunique.msk.u32 $0xffff, v0;
	_ =	sdelay $0xd  }
0x93: {  	v47 =	vld.idx.msk [tilespmem:v0+s10+$0x0], $0xffff;
	_, v1, vm0 =	vpop (xrf1);
	_ =	sdelay $0x4  }
0x94: {  	v1 =	vadd.s32 v47, v1  }
0x95: {  	[tilespmem:v0+s10+$0x0] =	vst.idx.msk vm0, v1  }
0x96: {  	v0 =	vld [tilespmem:s21+$0x400];
	_ =	sdelay $0x4  }
0x97: {  	v0 =	vshrl.u32 v0, $0x16  }
0x98: {  	(xrf1) =	vunique.msk.u32 $0xffff, v0;
	_ =	sdelay $0xd  }
0x99: {  	v48 =	vld.idx.msk [tilespmem:v0+s10+$0x0], $0xffff;
	_, v1, vm0 =	vpop (xrf1);
	_ =	sdelay $0x4  }
0x9a: {  	v1 =	vadd.s32 v48, v1  }
0x9b: {  	[tilespmem:v0+s10+$0x0] =	vst.idx.msk vm0, v1  }
0x9c: {  	v0 =	vld [tilespmem:s21+$0x410];
	_ =	sdelay $0x4  }
0x9d: {  	v0 =	vshrl.u32 v0, $0x16  }
0x9e: {  	(xrf1) =	vunique.msk.u32 $0xffff, v0;
	_ =	sdelay $0xd  }
0x9f: {  	v49 =	vld.idx.msk [tilespmem:v0+s10+$0x0], $0xffff;
	_, v1, vm0 =	vpop (xrf1);
	_ =	sdelay $0x4  }
0xa0: {  	v1 =	vadd.s32 v49, v1  }
0xa1: {  	[tilespmem:v0+s10+$0x0] =	vst.idx.msk vm0, v1  }
0xa2: {  	v0 =	vld [tilespmem:s21+$0x480];
	_ =	sdelay $0x4  }
0xa3: {  	v0 =	vshrl.u32 v0, $0x16  }
0xa4: {  	(xrf1) =	vunique.msk.u32 $0xffff, v0;
	_ =	sdelay $0xd  }
0xa5: {  	v50 =	vld.idx.msk [tilespmem:v0+s10+$0x0], $0xffff;
	_, v1, vm0 =	vpop (xrf1);
	_ =	sdelay $0x4  }
0xa6: {  	v1 =	vadd.s32 v50, v1  }
0xa7: {  	[tilespmem:v0+s10+$0x0] =	vst.idx.msk vm0, v1  }
0xa8: {  	v0 =	vld [tilespmem:s21+$0x490];
	_ =	sdelay $0x4  }
0xa9: {  	v0 =	vshrl.u32 v0, $0x16  }
0xaa: {  	(xrf1) =	vunique.msk.u32 $0xffff, v0;
	_ =	sdelay $0xd  }
0xab: {  	v51 =	vld.idx.msk [tilespmem:v0+s10+$0x0], $0xffff;
	_, v1, vm0 =	vpop (xrf1);
	_ =	sdelay $0x4  }
0xac: {  	v1 =	vadd.s32 v51, v1  }
0xad: {  	[tilespmem:v0+s10+$0x0] =	vst.idx.msk vm0, v1  }
0xae: {  	v0 =	vld [tilespmem:s21+$0x500];
	_ =	sdelay $0x4  }
0xaf: {  	v0 =	vshrl.u32 v0, $0x16  }
0xb0: {  	(xrf1) =	vunique.msk.u32 $0xffff, v0;
	_ =	sdelay $0xd  }
0xb1: {  	v52 =	vld.idx.msk [tilespmem:v0+s10+$0x0], $0xffff;
	_, v1, vm0 =	vpop (xrf1);
	_ =	sdelay $0x4  }
0xb2: {  	v1 =	vadd.s32 v52, v1  }
0xb3: {  	[tilespmem:v0+s10+$0x0] =	vst.idx.msk vm0, v1  }
0xb4: {  	v0 =	vld [tilespmem:s21+$0x510];
	_ =	sdelay $0x4  }
0xb5: {  	v0 =	vshrl.u32 v0, $0x16  }
0xb6: {  	(xrf1) =	vunique.msk.u32 $0xffff, v0;
	_ =	sdelay $0xd  }
0xb7: {  	v53 =	vld.idx.msk [tilespmem:v0+s10+$0x0], $0xffff;
	_, v1, vm0 =	vpop (xrf1);
	_ =	sdelay $0x4  }
0xb8: {  	v1 =	vadd.s32 v53, v1  }
0xb9: {  	[tilespmem:v0+s10+$0x0] =	vst.idx.msk vm0, v1  }
0xba: {  	v0 =	vld [tilespmem:s21+$0x580];
	_ =	sdelay $0x4  }
0xbb: {  	v0 =	vshrl.u32 v0, $0x16  }
0xbc: {  	(xrf1) =	vunique.msk.u32 $0xffff, v0;
	_ =	sdelay $0xd  }
0xbd: {  	v54 =	vld.idx.msk [tilespmem:v0+s10+$0x0], $0xffff;
	_, v1, vm0 =	vpop (xrf1);
	_ =	sdelay $0x4  }
0xbe: {  	v1 =	vadd.s32 v54, v1  }
0xbf: {  	[tilespmem:v0+s10+$0x0] =	vst.idx.msk vm0, v1  }
0xc0: {  	v0 =	vld [tilespmem:s21+$0x590];
	_ =	sdelay $0x4  }
0xc1: {  	v0 =	vshrl.u32 v0, $0x16  }
0xc2: {  	(xrf1) =	vunique.msk.u32 $0xffff, v0;
	_ =	sdelay $0xd  }
0xc3: {  	v55 =	vld.idx.msk [tilespmem:v0+s10+$0x0], $0xffff;
	_, v1, vm0 =	vpop (xrf1);
	_ =	sdelay $0x4  }
0xc4: {  	v1 =	vadd.s32 v55, v1  }
0xc5: {  	[tilespmem:v0+s10+$0x0] =	vst.idx.msk vm0, v1  }
0xc6: {  	v0 =	vld [tilespmem:s21+$0x600];
	_ =	sdelay $0x4  }
0xc7: {  	v0 =	vshrl.u32 v0, $0x16  }
0xc8: {  	(xrf1) =	vunique.msk.u32 $0xffff, v0;
	_ =	sdelay $0xd  }
0xc9: {  	v56 =	vld.idx.msk [tilespmem:v0+s10+$0x0], $0xffff;
	_, v1, vm0 =	vpop (xrf1);
	_ =	sdelay $0x4  }
0xca: {  	v1 =	vadd.s32 v56, v1  }
0xcb: {  	[tilespmem:v0+s10+$0x0] =	vst.idx.msk vm0, v1  }
0xcc: {  	v0 =	vld [tilespmem:s21+$0x610];
	_ =	sdelay $0x4  }
0xcd: {  	v0 =	vshrl.u32 v0, $0x16  }
0xce: {  	(xrf1) =	vunique.msk.u32 $0xffff, v0;
	_ =	sdelay $0xd  }
0xcf: {  	v57 =	vld.idx.msk [tilespmem:v0+s10+$0x0], $0xffff;
	_, v1, vm0 =	vpop (xrf1);
	_ =	sdelay $0x4  }
0xd0: {  	v1 =	vadd.s32 v57, v1  }
0xd1: {  	[tilespmem:v0+s10+$0x0] =	vst.idx.msk vm0, v1  }
0xd2: {  	v0 =	vld [tilespmem:s21+$0x680];
	_ =	sdelay $0x4  }
0xd3: {  	v0 =	vshrl.u32 v0, $0x16  }
0xd4: {  	(xrf1) =	vunique.msk.u32 $0xffff, v0;
	_ =	sdelay $0xd  }
0xd5: {  	v58 =	vld.idx.msk [tilespmem:v0+s10+$0x0], $0xffff;
	_, v1, vm0 =	vpop (xrf1);
	_ =	sdelay $0x4  }
0xd6: {  	v1 =	vadd.s32 v58, v1  }
0xd7: {  	[tilespmem:v0+s10+$0x0] =	vst.idx.msk vm0, v1  }
0xd8: {  	v0 =	vld [tilespmem:s21+$0x690];
	_ =	sdelay $0x4  }
0xd9: {  	v0 =	vshrl.u32 v0, $0x16  }
0xda: {  	(xrf1) =	vunique.msk.u32 $0xffff, v0;
	_ =	sdelay $0xd  }
0xdb: {  	v59 =	vld.idx.msk [tilespmem:v0+s10+$0x0], $0xffff;
	_, v1, vm0 =	vpop (xrf1);
	_ =	sdelay $0x4  }
0xdc: {  	v1 =	vadd.s32 v59, v1  }
0xdd: {  	[tilespmem:v0+s10+$0x0] =	vst.idx.msk vm0, v1  }
0xde: {  	v0 =	vld [tilespmem:s21+$0x700];
	_ =	sdelay $0x4  }
0xdf: {  	v0 =	vshrl.u32 v0, $0x16  }
0xe0: {  	(xrf1) =	vunique.msk.u32 $0xffff, v0;
	_ =	sdelay $0xd  }
0xe1: {  	v60 =	vld.idx.msk [tilespmem:v0+s10+$0x0], $0xffff;
	_, v1, vm0 =	vpop (xrf1);
	_ =	sdelay $0x4  }
0xe2: {  	v1 =	vadd.s32 v60, v1  }
0xe3: {  	[tilespmem:v0+s10+$0x0] =	vst.idx.msk vm0, v1  }
0xe4: {  	v0 =	vld [tilespmem:s21+$0x710];
	_ =	sdelay $0x4  }
0xe5: {  	v0 =	vshrl.u32 v0, $0x16  }
0xe6: {  	(xrf1) =	vunique.msk.u32 $0xffff, v0;
	_ =	sdelay $0xd  }
0xe7: {  	v61 =	vld.idx.msk [tilespmem:v0+s10+$0x0], $0xffff;
	_, v1, vm0 =	vpop (xrf1);
	_ =	sdelay $0x4  }
0xe8: {  	v1 =	vadd.s32 v61, v1  }
0xe9: {  	[tilespmem:v0+s10+$0x0] =	vst.idx.msk vm0, v1  }
0xea: {  	v0 =	vld [tilespmem:s21+$0x780];
	_ =	sdelay $0x4  }
0xeb: {  	v0 =	vshrl.u32 v0, $0x16  }
0xec: {  	(xrf1) =	vunique.msk.u32 $0xffff, v0;
	_ =	sdelay $0xd  }
0xed: {  	v62 =	vld.idx.msk [tilespmem:v0+s10+$0x0], $0xffff;
	_, v1, vm0 =	vpop (xrf1);
	_ =	sdelay $0x4  }
0xee: {  	v1 =	vadd.s32 v62, v1  }
0xef: {  	[tilespmem:v0+s10+$0x0] =	vst.idx.msk vm0, v1  }
0xf0: {  	v0 =	vld [tilespmem:s21+$0x790];
	_ =	sdelay $0x4  }
0xf1: {  	v0 =	vshrl.u32 v0, $0x16  }
0xf2: {  	(xrf1) =	vunique.msk.u32 $0xffff, v0;
	_ =	sdelay $0xd  }
0xf3: {  	v63 =	vld.idx.msk [tilespmem:v0+s10+$0x0], $0xffff;
	_, v1, vm0 =	vpop (xrf1)  }
0xf4: {  	p0 =	sne.s32 s20, $0x3E000  }
.Ltmp2:
0xf5: {  	_ = 	snop;
	(pc) =	sbr.rel @p0 .LBB2_2-.Ltmp2, $3  }
0xf6: {  	_ =	sdelay $0x1  }
0xf7: {  	v1 =	vadd.s32 v63, v1  }
0xf8: {  	s20 =	sadd.s32 $0x2000, s20;
	[tilespmem:v0+s10+$0x0] =	vst.idx.msk vm0, v1  }
0xf9: {  	v0 =	vld [tilespmem:$0x10000];
	_ =	sdelay $0x1  }
0xfa: {  	v1 =	vld [tilespmem:$0x10010]  }
0xfb: {  	v2 =	vld [tilespmem:$0x10020]  }
0xfc: {  	v3 =	vld [tilespmem:$0x10030]  }
0xfd: {  	(xrf0) =	vadd.scan.msk.s32 $0xffff, v0  }
0xfe: {  	v4 =	vld [tilespmem:$0x10040]  }
0xff: {  	(xrf0) =	vadd.scan.msk.s32 $0xffff, v1  }
0x100: {  	v5 =	vld [tilespmem:$0x10050];
	(xrf0) =	vadd.scan.msk.s32 $0xffff, v2  }
0x101: {  	v6 =	vld [tilespmem:$0x10060];
	(xrf0) =	vadd.scan.msk.s32 $0xffff, v3;
	_ =	sdelay $0x1  }
0x102: {  	v8 =	vld [tilespmem:$0x10070];
	v7, _, _ =	vpop (xrf0);
	(xrf0) =	vadd.scan.msk.s32 $0xffff, v4  }
0x103: {  	v10 =	vld [tilespmem:$0x10080];
	v9 =	vbroadcast v7, $0xF  }
0x104: {  	v11, _, _ =	vpop (xrf0);
	(xrf0) =	vadd.scan.msk.s32 $0xffff, v5  }
0x105: {  	v63 =	vld [tilespmem:$0x10090];
	v0 =	vsub.s32 v7, v0;
	v61 =	vadd.s32 v7, v11;
	v62, _, _ =	vpop (xrf0);
	(xrf0) =	vadd.scan.msk.s32 $0xffff, v6;
	v60 =	vsub.s32 v9, v1  }
0x106: {  	v12 =	vld [tilespmem:$0x100A0];
	[tilespmem:$0x10100] =	vst v0;
	v16 =	vbroadcast v61, $0xF;
	v1 =	vadd.s32 v61, v62;
	v17 =	vsub.s32 v62, v2;
	v19, _, _ =	vpop (xrf0)  }
0x107: {  	v13 =	vld [tilespmem:$0x100B0];
	(xrf0) =	vadd.scan.msk.s32 $0xffff, v8;
	v0 =	vadd.s32 v11, v60;
	v18 =	vbroadcast v1, $0xF;
	v3 =	vsub.s32 v19, v3  }
0x108: {  	v1 =	vadd.s32 v1, v19;
	[tilespmem:$0x10110] =	vst v0;
	v0 =	vadd.s32 v16, v17;
	v20, _, _ =	vpop (xrf0);
	(xrf0) =	vadd.scan.msk.s32 $0xffff, v10  }
0x109: {  	v23 =	vld [tilespmem:$0x100C0];
	v22 =	vbroadcast v1, $0xF;
	[tilespmem:$0x10120] =	vst v0;
	v21 =	vadd.s32 v18, v3  }
0x10a: {  	v27 =	vld [tilespmem:$0x100D0];
	v1 =	vadd.s32 v1, v20;
	[tilespmem:$0x10130] =	vst v21;
	v24 =	vsub.s32 v20, v4;
	v26, _, _ =	vpop (xrf0);
	(xrf0) =	vadd.scan.msk.s32 $0xffff, v63  }
0x10b: {  	v29 =	vld [tilespmem:$0x100E0];
	v25 =	vbroadcast v1, $0xF;
	v0 =	vadd.s32 v22, v24;
	v1 =	vadd.s32 v1, v26;
	(xrf0) =	vadd.scan.msk.s32 $0xffff, v12;
	v32, _, _ =	vpop (xrf0)  }
0x10c: {  	v28 =	vsub.s32 v26, v5;
	v31 =	vbroadcast v1, $0xF;
	(xrf0) =	vadd.scan.msk.s32 $0xffff, v13;
	v1 =	vadd.s32 v1, v32  }
0x10d: {  	v35 =	vld [tilespmem:$0x100F0];
	[tilespmem:$0x10140] =	vst v0;
	v33 =	vsub.s32 v32, v6;
	v34, _, _ =	vpop (xrf0);
	v30 =	vadd.s32 v25, v28;
	v36 =	vbroadcast v1, $0xF  }
0x10e: {  	v1 =	vadd.s32 v1, v34;
	v4 =	vsub.s32 v34, v8;
	[tilespmem:$0x10150] =	vst v30;
	v37, _, _ =	vpop (xrf0);
	(xrf0) =	vadd.scan.msk.s32 $0xffff, v23  }
0x10f: {  	v0 =	vadd.s32 v31, v33;
	v38 =	vbroadcast v1, $0xF;
	v1 =	vadd.s32 v1, v37;
	(xrf0) =	vadd.scan.msk.s32 $0xffff, v27  }
0x110: {  	v2 =	vadd.s32 v36, v4;
	v39 =	vsub.s32 v37, v10;
	v41, _, _ =	vpop (xrf0);
	v40 =	vbroadcast v1, $0xF;
	(xrf0) =	vadd.scan.msk.s32 $0xffff, v29  }
0x111: {  	[tilespmem:$0x10160] =	vst v0;
	v14, _, _ =	vpop (xrf0);
	v42 =	vadd.s32 v38, v39;
	v43 =	vsub.s32 v41, v63;
	v1 =	vadd.s32 v1, v41  }
0x112: {  	v44 =	vbroadcast v1, $0xF;
	v1 =	vadd.s32 v1, v14;
	v45, _, _ =	vpop (xrf0);
	(xrf0) =	vadd.scan.msk.s32 $0xffff, v35;
	v46 =	vsub.s32 v14, v12  }
0x113: {  	[tilespmem:$0x10170] =	vst v2;
	v4 =	vadd.s32 v40, v43;
	v47 =	vbroadcast v1, $0xF;
	v1 =	vadd.s32 v1, v45  }
0x114: {  	[tilespmem:$0x10180] =	vst v42;
	v50 =	vsub.s32 v45, v13;
	v49 =	vadd.s32 v44, v46;
	v51 =	vbroadcast v1, $0xF;
	v48, _, _ =	vpop (xrf0)  }
0x115: {  	[tilespmem:$0x10190] =	vst v4;
	v2 =	vadd.s32 v47, v50;
	v52, _, _ =	vpop (xrf0);
	v3 =	vsub.s32 v48, v23;
	v1 =	vadd.s32 v1, v48  }
0x116: {  	[tilespmem:$0x101A0] =	vst v49;
	v53, _, _ =	vpop (xrf0);
	v54 =	vadd.s32 v51, v3;
	v55 =	vbroadcast v1, $0xF;
	v1 =	vadd.s32 v1, v52  }
0x117: {  	[tilespmem:$0x101B0] =	vst v2;
	v56 =	vsub.s32 v52, v27;
	v57 =	vbroadcast v1, $0xF;
	v1 =	vadd.s32 v1, v53  }
0x118: {  	[tilespmem:$0x101C0] =	vst v54;
	v59 =	vsub.s32 v53, v29;
	v60, _, _ =	vpop (xrf0);
	v58 =	vadd.s32 v55, v56;
	v1 =	vbroadcast v1, $0xF  }
0x119: {  	v62 =	vsub.s32 v60, v35;
	[tilespmem:$0x101D0] =	vst v58;
	v61 =	vadd.s32 v57, v59  }
0x11a: {  	[tilespmem:$0x101E0] =	vst v61;
	v63 =	vadd.s32 v1, v62  }
0x11b: {  	s20 =	simm.s32 $0x0;
	[tilespmem:$0x101F0] =	vst v63  }
.LBB2_4:
0x11c: {  	s21 =	sshra.s32 s20, $0x2  }
0x11d: {  	v0 =	vld [tilespmem:s21+$0x0];
	_ =	sdelay $0x4  }
0x11e: {  	v1 =	vshrl.u32 v0, $0x16  }
0x11f: {  	(xrf1) =	vunique.msk.u32 $0xffff, v1;
	_ =	sdelay $0x9  }
0x120: {  	v2 =	vld.idx.msk [tilespmem:v1+s12+$0x0], $0xffff  }
0x121: {  	v3 =	vld.idx.msk [tilespmem:v1+s11+$0x0], $0xffff;
	_ =	sdelay $0x2  }
0x122: {  	_, v4, vm0 =	vpop (xrf1)  }
0x123: {  	v2 =	vadd.s32 v2, v4  }
0x124: {  	v3 =	vadd.s32 v3, v2  }
0x125: {  	v3 =	vadd.s32 $0xFFFFFFFF, v3;
	_ =	sdelay $0x4  }
0x126: {  	[tilespmem:v3+s13+$0x0] =	vst.idx.msk $0xffff, v0  }
0x127: {  	[tilespmem:v1+s12+$0x0] =	vst.idx.msk vm0, v2  }
0x128: {  	v0 =	vld [tilespmem:s21+$0x10];
	_ =	sdelay $0x4  }
0x129: {  	v58 =	vshrl.u32 v0, $0x16  }
0x12a: {  	(xrf1) =	vunique.msk.u32 $0xffff, v58;
	_ =	sdelay $0x9  }
0x12b: {  	v2 =	vld.idx.msk [tilespmem:v58+s12+$0x0], $0xffff  }
0x12c: {  	v3 =	vld.idx.msk [tilespmem:v58+s11+$0x0], $0xffff;
	_ =	sdelay $0x2  }
0x12d: {  	_, v59, vm9 =	vpop (xrf1)  }
0x12e: {  	v2 =	vadd.s32 v2, v59  }
0x12f: {  	v3 =	vadd.s32 v3, v2  }
0x130: {  	v3 =	vadd.s32 $0xFFFFFFFF, v3;
	_ =	sdelay $0x4  }
0x131: {  	[tilespmem:v3+s13+$0x0] =	vst.idx.msk $0xffff, v0  }
0x132: {  	[tilespmem:v58+s12+$0x0] =	vst.idx.msk vm9, v2  }
0x133: {  	v0 =	vld [tilespmem:s21+$0x80];
	_ =	sdelay $0x4  }
0x134: {  	v60 =	vshrl.u32 v0, $0x16  }
0x135: {  	(xrf1) =	vunique.msk.u32 $0xffff, v60;
	_ =	sdelay $0x9  }
0x136: {  	v2 =	vld.idx.msk [tilespmem:v60+s12+$0x0], $0xffff  }
0x137: {  	v3 =	vld.idx.msk [tilespmem:v60+s11+$0x0], $0xffff;
	_ =	sdelay $0x2  }
0x138: {  	_, v61, vm10 =	vpop (xrf1)  }
0x139: {  	v2 =	vadd.s32 v2, v61  }
0x13a: {  	v3 =	vadd.s32 v3, v2  }
0x13b: {  	v3 =	vadd.s32 $0xFFFFFFFF, v3;
	_ =	sdelay $0x4  }
0x13c: {  	[tilespmem:v3+s13+$0x0] =	vst.idx.msk $0xffff, v0  }
0x13d: {  	[tilespmem:v60+s12+$0x0] =	vst.idx.msk vm10, v2  }
0x13e: {  	v0 =	vld [tilespmem:s21+$0x90];
	_ =	sdelay $0x4  }
0x13f: {  	v62 =	vshrl.u32 v0, $0x16  }
0x140: {  	(xrf1) =	vunique.msk.u32 $0xffff, v62;
	_ =	sdelay $0x9  }
0x141: {  	v2 =	vld.idx.msk [tilespmem:v62+s12+$0x0], $0xffff  }
0x142: {  	v3 =	vld.idx.msk [tilespmem:v62+s11+$0x0], $0xffff;
	_ =	sdelay $0x2  }
0x143: {  	_, v63, vm11 =	vpop (xrf1)  }
0x144: {  	v2 =	vadd.s32 v2, v63  }
0x145: {  	v3 =	vadd.s32 v3, v2  }
0x146: {  	v3 =	vadd.s32 $0xFFFFFFFF, v3;
	_ =	sdelay $0x4  }
0x147: {  	[tilespmem:v3+s13+$0x0] =	vst.idx.msk $0xffff, v0  }
0x148: {  	[tilespmem:v62+s12+$0x0] =	vst.idx.msk vm11, v2  }
0x149: {  	v0 =	vld [tilespmem:s21+$0x100];
	_ =	sdelay $0x4  }
0x14a: {  	v8 =	vshrl.u32 v0, $0x16  }
0x14b: {  	(xrf1) =	vunique.msk.u32 $0xffff, v8;
	_ =	sdelay $0x9  }
0x14c: {  	v2 =	vld.idx.msk [tilespmem:v8+s12+$0x0], $0xffff  }
0x14d: {  	v3 =	vld.idx.msk [tilespmem:v8+s11+$0x0], $0xffff;
	_ =	sdelay $0x2  }
0x14e: {  	_, v9, vm12 =	vpop (xrf1)  }
0x14f: {  	v2 =	vadd.s32 v2, v9  }
0x150: {  	v3 =	vadd.s32 v3, v2  }
0x151: {  	v3 =	vadd.s32 $0xFFFFFFFF, v3;
	_ =	sdelay $0x4  }
0x152: {  	[tilespmem:v3+s13+$0x0] =	vst.idx.msk $0xffff, v0  }
0x153: {  	[tilespmem:v8+s12+$0x0] =	vst.idx.msk vm12, v2  }
0x154: {  	v0 =	vld [tilespmem:s21+$0x110];
	_ =	sdelay $0x4  }
0x155: {  	v10 =	vshrl.u32 v0, $0x16  }
0x156: {  	(xrf1) =	vunique.msk.u32 $0xffff, v10;
	_ =	sdelay $0x9  }
0x157: {  	v2 =	vld.idx.msk [tilespmem:v10+s12+$0x0], $0xffff  }
0x158: {  	v3 =	vld.idx.msk [tilespmem:v10+s11+$0x0], $0xffff;
	_ =	sdelay $0x2  }
0x159: {  	_, v11, vm13 =	vpop (xrf1)  }
0x15a: {  	v2 =	vadd.s32 v2, v11  }
0x15b: {  	v3 =	vadd.s32 v3, v2  }
0x15c: {  	v3 =	vadd.s32 $0xFFFFFFFF, v3;
	_ =	sdelay $0x4  }
0x15d: {  	[tilespmem:v3+s13+$0x0] =	vst.idx.msk $0xffff, v0  }
0x15e: {  	[tilespmem:v10+s12+$0x0] =	vst.idx.msk vm13, v2  }
0x15f: {  	v0 =	vld [tilespmem:s21+$0x180];
	_ =	sdelay $0x4  }
0x160: {  	v12 =	vshrl.u32 v0, $0x16  }
0x161: {  	(xrf1) =	vunique.msk.u32 $0xffff, v12;
	_ =	sdelay $0x9  }
0x162: {  	v2 =	vld.idx.msk [tilespmem:v12+s12+$0x0], $0xffff  }
0x163: {  	v3 =	vld.idx.msk [tilespmem:v12+s11+$0x0], $0xffff;
	_ =	sdelay $0x2  }
0x164: {  	_, v13, vm14 =	vpop (xrf1)  }
0x165: {  	v2 =	vadd.s32 v2, v13  }
0x166: {  	v3 =	vadd.s32 v3, v2  }
0x167: {  	v3 =	vadd.s32 $0xFFFFFFFF, v3;
	_ =	sdelay $0x4  }
0x168: {  	[tilespmem:v3+s13+$0x0] =	vst.idx.msk $0xffff, v0  }
0x169: {  	[tilespmem:v12+s12+$0x0] =	vst.idx.msk vm14, v2  }
0x16a: {  	v0 =	vld [tilespmem:s21+$0x190];
	_ =	sdelay $0x4  }
0x16b: {  	v14 =	vshrl.u32 v0, $0x16  }
0x16c: {  	(xrf1) =	vunique.msk.u32 $0xffff, v14;
	_ =	sdelay $0x9  }
0x16d: {  	v2 =	vld.idx.msk [tilespmem:v14+s12+$0x0], $0xffff  }
0x16e: {  	v3 =	vld.idx.msk [tilespmem:v14+s11+$0x0], $0xffff;
	_ =	sdelay $0x2  }
0x16f: {  	_, v15, vm15 =	vpop (xrf1)  }
0x170: {  	v2 =	vadd.s32 v2, v15  }
0x171: {  	v3 =	vadd.s32 v3, v2  }
0x172: {  	v3 =	vadd.s32 $0xFFFFFFFF, v3;
	_ =	sdelay $0x4  }
0x173: {  	[tilespmem:v3+s13+$0x0] =	vst.idx.msk $0xffff, v0  }
0x174: {  	[tilespmem:v14+s12+$0x0] =	vst.idx.msk vm15, v2  }
0x175: {  	v0 =	vld [tilespmem:s21+$0x200];
	_ =	sdelay $0x4  }
0x176: {  	v16 =	vshrl.u32 v0, $0x16  }
0x177: {  	(xrf1) =	vunique.msk.u32 $0xffff, v16;
	_ =	sdelay $0x9  }
0x178: {  	v2 =	vld.idx.msk [tilespmem:v16+s12+$0x0], $0xffff  }
0x179: {  	v3 =	vld.idx.msk [tilespmem:v16+s11+$0x0], $0xffff;
	_ =	sdelay $0x2  }
0x17a: {  	_, v17, vm4 =	vpop (xrf1)  }
0x17b: {  	v2 =	vadd.s32 v2, v17  }
0x17c: {  	v3 =	vadd.s32 v3, v2  }
0x17d: {  	v3 =	vadd.s32 $0xFFFFFFFF, v3;
	_ =	sdelay $0x4  }
0x17e: {  	[tilespmem:v3+s13+$0x0] =	vst.idx.msk $0xffff, v0  }
0x17f: {  	[tilespmem:v16+s12+$0x0] =	vst.idx.msk vm4, v2  }
0x180: {  	v0 =	vld [tilespmem:s21+$0x210];
	_ =	sdelay $0x4  }
0x181: {  	v18 =	vshrl.u32 v0, $0x16  }
0x182: {  	(xrf1) =	vunique.msk.u32 $0xffff, v18;
	_ =	sdelay $0x9  }
0x183: {  	v2 =	vld.idx.msk [tilespmem:v18+s12+$0x0], $0xffff  }
0x184: {  	v3 =	vld.idx.msk [tilespmem:v18+s11+$0x0], $0xffff;
	_ =	sdelay $0x2  }
0x185: {  	_, v19, vm5 =	vpop (xrf1)  }
0x186: {  	v2 =	vadd.s32 v2, v19  }
0x187: {  	v3 =	vadd.s32 v3, v2  }
0x188: {  	v3 =	vadd.s32 $0xFFFFFFFF, v3;
	_ =	sdelay $0x4  }
0x189: {  	[tilespmem:v3+s13+$0x0] =	vst.idx.msk $0xffff, v0  }
0x18a: {  	[tilespmem:v18+s12+$0x0] =	vst.idx.msk vm5, v2  }
0x18b: {  	v0 =	vld [tilespmem:s21+$0x280];
	_ =	sdelay $0x4  }
0x18c: {  	v20 =	vshrl.u32 v0, $0x16  }
0x18d: {  	(xrf1) =	vunique.msk.u32 $0xffff, v20;
	_ =	sdelay $0x9  }
0x18e: {  	v2 =	vld.idx.msk [tilespmem:v20+s12+$0x0], $0xffff  }
0x18f: {  	v3 =	vld.idx.msk [tilespmem:v20+s11+$0x0], $0xffff;
	_ =	sdelay $0x2  }
0x190: {  	_, v21, vm6 =	vpop (xrf1)  }
0x191: {  	v2 =	vadd.s32 v2, v21  }
0x192: {  	v3 =	vadd.s32 v3, v2  }
0x193: {  	v3 =	vadd.s32 $0xFFFFFFFF, v3;
	_ =	sdelay $0x4  }
0x194: {  	[tilespmem:v3+s13+$0x0] =	vst.idx.msk $0xffff, v0  }
0x195: {  	[tilespmem:v20+s12+$0x0] =	vst.idx.msk vm6, v2  }
0x196: {  	v0 =	vld [tilespmem:s21+$0x290];
	_ =	sdelay $0x4  }
0x197: {  	v22 =	vshrl.u32 v0, $0x16  }
0x198: {  	(xrf1) =	vunique.msk.u32 $0xffff, v22;
	_ =	sdelay $0x9  }
0x199: {  	v2 =	vld.idx.msk [tilespmem:v22+s12+$0x0], $0xffff  }
0x19a: {  	v3 =	vld.idx.msk [tilespmem:v22+s11+$0x0], $0xffff;
	_ =	sdelay $0x2  }
0x19b: {  	_, v23, vm7 =	vpop (xrf1)  }
0x19c: {  	v2 =	vadd.s32 v2, v23  }
0x19d: {  	v3 =	vadd.s32 v3, v2  }
0x19e: {  	v3 =	vadd.s32 $0xFFFFFFFF, v3;
	_ =	sdelay $0x4  }
0x19f: {  	[tilespmem:v3+s13+$0x0] =	vst.idx.msk $0xffff, v0  }
0x1a0: {  	[tilespmem:v22+s12+$0x0] =	vst.idx.msk vm7, v2  }
0x1a1: {  	v0 =	vld [tilespmem:s21+$0x300];
	_ =	sdelay $0x4  }
0x1a2: {  	v24 =	vshrl.u32 v0, $0x16  }
0x1a3: {  	(xrf1) =	vunique.msk.u32 $0xffff, v24;
	_ =	sdelay $0x9  }
0x1a4: {  	v2 =	vld.idx.msk [tilespmem:v24+s12+$0x0], $0xffff  }
0x1a5: {  	v3 =	vld.idx.msk [tilespmem:v24+s11+$0x0], $0xffff;
	_ =	sdelay $0x2  }
0x1a6: {  	_, v25, vm8 =	vpop (xrf1)  }
0x1a7: {  	v2 =	vadd.s32 v2, v25  }
0x1a8: {  	v3 =	vadd.s32 v3, v2  }
0x1a9: {  	v3 =	vadd.s32 $0xFFFFFFFF, v3;
	_ =	sdelay $0x4  }
0x1aa: {  	[tilespmem:v3+s13+$0x0] =	vst.idx.msk $0xffff, v0  }
0x1ab: {  	[tilespmem:v24+s12+$0x0] =	vst.idx.msk vm8, v2  }
0x1ac: {  	v0 =	vld [tilespmem:s21+$0x310];
	_ =	sdelay $0x4  }
0x1ad: {  	v26 =	vshrl.u32 v0, $0x16  }
0x1ae: {  	(xrf1) =	vunique.msk.u32 $0xffff, v26;
	_ =	sdelay $0x9  }
0x1af: {  	v2 =	vld.idx.msk [tilespmem:v26+s12+$0x0], $0xffff  }
0x1b0: {  	v3 =	vld.idx.msk [tilespmem:v26+s11+$0x0], $0xffff;
	_ =	sdelay $0x2  }
0x1b1: {  	_, v27, vm9 =	vpop (xrf1)  }
0x1b2: {  	v2 =	vadd.s32 v2, v27  }
0x1b3: {  	v3 =	vadd.s32 v3, v2  }
0x1b4: {  	v3 =	vadd.s32 $0xFFFFFFFF, v3;
	_ =	sdelay $0x4  }
0x1b5: {  	[tilespmem:v3+s13+$0x0] =	vst.idx.msk $0xffff, v0  }
0x1b6: {  	[tilespmem:v26+s12+$0x0] =	vst.idx.msk vm9, v2  }
0x1b7: {  	v0 =	vld [tilespmem:s21+$0x380];
	_ =	sdelay $0x4  }
0x1b8: {  	v28 =	vshrl.u32 v0, $0x16  }
0x1b9: {  	(xrf1) =	vunique.msk.u32 $0xffff, v28;
	_ =	sdelay $0x9  }
0x1ba: {  	v2 =	vld.idx.msk [tilespmem:v28+s12+$0x0], $0xffff  }
0x1bb: {  	v3 =	vld.idx.msk [tilespmem:v28+s11+$0x0], $0xffff;
	_ =	sdelay $0x2  }
0x1bc: {  	_, v29, vm10 =	vpop (xrf1)  }
0x1bd: {  	v2 =	vadd.s32 v2, v29  }
0x1be: {  	v3 =	vadd.s32 v3, v2  }
0x1bf: {  	v3 =	vadd.s32 $0xFFFFFFFF, v3;
	_ =	sdelay $0x4  }
0x1c0: {  	[tilespmem:v3+s13+$0x0] =	vst.idx.msk $0xffff, v0  }
0x1c1: {  	[tilespmem:v28+s12+$0x0] =	vst.idx.msk vm10, v2  }
0x1c2: {  	v0 =	vld [tilespmem:s21+$0x390];
	_ =	sdelay $0x4  }
0x1c3: {  	v30 =	vshrl.u32 v0, $0x16  }
0x1c4: {  	(xrf1) =	vunique.msk.u32 $0xffff, v30;
	_ =	sdelay $0x9  }
0x1c5: {  	v2 =	vld.idx.msk [tilespmem:v30+s12+$0x0], $0xffff  }
0x1c6: {  	v3 =	vld.idx.msk [tilespmem:v30+s11+$0x0], $0xffff;
	_ =	sdelay $0x2  }
0x1c7: {  	_, v31, vm11 =	vpop (xrf1)  }
0x1c8: {  	v2 =	vadd.s32 v2, v31  }
0x1c9: {  	v3 =	vadd.s32 v3, v2  }
0x1ca: {  	v3 =	vadd.s32 $0xFFFFFFFF, v3;
	_ =	sdelay $0x4  }
0x1cb: {  	[tilespmem:v3+s13+$0x0] =	vst.idx.msk $0xffff, v0  }
0x1cc: {  	[tilespmem:v30+s12+$0x0] =	vst.idx.msk vm11, v2  }
0x1cd: {  	v0 =	vld [tilespmem:s21+$0x400];
	_ =	sdelay $0x4  }
0x1ce: {  	v32 =	vshrl.u32 v0, $0x16  }
0x1cf: {  	(xrf1) =	vunique.msk.u32 $0xffff, v32;
	_ =	sdelay $0x9  }
0x1d0: {  	v2 =	vld.idx.msk [tilespmem:v32+s12+$0x0], $0xffff  }
0x1d1: {  	v3 =	vld.idx.msk [tilespmem:v32+s11+$0x0], $0xffff;
	_ =	sdelay $0x2  }
0x1d2: {  	_, v33, vm12 =	vpop (xrf1)  }
0x1d3: {  	v2 =	vadd.s32 v2, v33  }
0x1d4: {  	v3 =	vadd.s32 v3, v2  }
0x1d5: {  	v3 =	vadd.s32 $0xFFFFFFFF, v3;
	_ =	sdelay $0x4  }
0x1d6: {  	[tilespmem:v3+s13+$0x0] =	vst.idx.msk $0xffff, v0  }
0x1d7: {  	[tilespmem:v32+s12+$0x0] =	vst.idx.msk vm12, v2  }
0x1d8: {  	v0 =	vld [tilespmem:s21+$0x410];
	_ =	sdelay $0x4  }
0x1d9: {  	v34 =	vshrl.u32 v0, $0x16  }
0x1da: {  	(xrf1) =	vunique.msk.u32 $0xffff, v34;
	_ =	sdelay $0x9  }
0x1db: {  	v2 =	vld.idx.msk [tilespmem:v34+s12+$0x0], $0xffff  }
0x1dc: {  	v3 =	vld.idx.msk [tilespmem:v34+s11+$0x0], $0xffff;
	_ =	sdelay $0x2  }
0x1dd: {  	_, v35, vm13 =	vpop (xrf1)  }
0x1de: {  	v2 =	vadd.s32 v2, v35  }
0x1df: {  	v3 =	vadd.s32 v3, v2  }
0x1e0: {  	v3 =	vadd.s32 $0xFFFFFFFF, v3;
	_ =	sdelay $0x4  }
0x1e1: {  	[tilespmem:v3+s13+$0x0] =	vst.idx.msk $0xffff, v0  }
0x1e2: {  	[tilespmem:v34+s12+$0x0] =	vst.idx.msk vm13, v2  }
0x1e3: {  	v0 =	vld [tilespmem:s21+$0x480];
	_ =	sdelay $0x4  }
0x1e4: {  	v36 =	vshrl.u32 v0, $0x16  }
0x1e5: {  	(xrf1) =	vunique.msk.u32 $0xffff, v36;
	_ =	sdelay $0x9  }
0x1e6: {  	v2 =	vld.idx.msk [tilespmem:v36+s12+$0x0], $0xffff  }
0x1e7: {  	v3 =	vld.idx.msk [tilespmem:v36+s11+$0x0], $0xffff;
	_ =	sdelay $0x2  }
0x1e8: {  	_, v37, vm14 =	vpop (xrf1)  }
0x1e9: {  	v2 =	vadd.s32 v2, v37  }
0x1ea: {  	v3 =	vadd.s32 v3, v2  }
0x1eb: {  	v3 =	vadd.s32 $0xFFFFFFFF, v3;
	_ =	sdelay $0x4  }
0x1ec: {  	[tilespmem:v3+s13+$0x0] =	vst.idx.msk $0xffff, v0  }
0x1ed: {  	[tilespmem:v36+s12+$0x0] =	vst.idx.msk vm14, v2  }
0x1ee: {  	v0 =	vld [tilespmem:s21+$0x490];
	_ =	sdelay $0x4  }
0x1ef: {  	v38 =	vshrl.u32 v0, $0x16  }
0x1f0: {  	(xrf1) =	vunique.msk.u32 $0xffff, v38;
	_ =	sdelay $0x9  }
0x1f1: {  	v2 =	vld.idx.msk [tilespmem:v38+s12+$0x0], $0xffff  }
0x1f2: {  	v3 =	vld.idx.msk [tilespmem:v38+s11+$0x0], $0xffff;
	_ =	sdelay $0x2  }
0x1f3: {  	_, v39, vm15 =	vpop (xrf1)  }
0x1f4: {  	v2 =	vadd.s32 v2, v39  }
0x1f5: {  	v3 =	vadd.s32 v3, v2  }
0x1f6: {  	v3 =	vadd.s32 $0xFFFFFFFF, v3;
	_ =	sdelay $0x4  }
0x1f7: {  	[tilespmem:v3+s13+$0x0] =	vst.idx.msk $0xffff, v0  }
0x1f8: {  	[tilespmem:v38+s12+$0x0] =	vst.idx.msk vm15, v2  }
0x1f9: {  	v0 =	vld [tilespmem:s21+$0x500];
	_ =	sdelay $0x4  }
0x1fa: {  	v40 =	vshrl.u32 v0, $0x16  }
0x1fb: {  	(xrf1) =	vunique.msk.u32 $0xffff, v40;
	_ =	sdelay $0x9  }
0x1fc: {  	v2 =	vld.idx.msk [tilespmem:v40+s12+$0x0], $0xffff  }
0x1fd: {  	v3 =	vld.idx.msk [tilespmem:v40+s11+$0x0], $0xffff;
	_ =	sdelay $0x2  }
0x1fe: {  	_, v41, vm4 =	vpop (xrf1)  }
0x1ff: {  	v2 =	vadd.s32 v2, v41  }
0x200: {  	v3 =	vadd.s32 v3, v2  }
0x201: {  	v3 =	vadd.s32 $0xFFFFFFFF, v3;
	_ =	sdelay $0x4  }
0x202: {  	[tilespmem:v3+s13+$0x0] =	vst.idx.msk $0xffff, v0  }
0x203: {  	[tilespmem:v40+s12+$0x0] =	vst.idx.msk vm4, v2  }
0x204: {  	v0 =	vld [tilespmem:s21+$0x510];
	_ =	sdelay $0x4  }
0x205: {  	v42 =	vshrl.u32 v0, $0x16  }
0x206: {  	(xrf1) =	vunique.msk.u32 $0xffff, v42;
	_ =	sdelay $0x9  }
0x207: {  	v2 =	vld.idx.msk [tilespmem:v42+s12+$0x0], $0xffff  }
0x208: {  	v3 =	vld.idx.msk [tilespmem:v42+s11+$0x0], $0xffff;
	_ =	sdelay $0x2  }
0x209: {  	_, v43, vm5 =	vpop (xrf1)  }
0x20a: {  	v2 =	vadd.s32 v2, v43  }
0x20b: {  	v3 =	vadd.s32 v3, v2  }
0x20c: {  	v3 =	vadd.s32 $0xFFFFFFFF, v3;
	_ =	sdelay $0x4  }
0x20d: {  	[tilespmem:v3+s13+$0x0] =	vst.idx.msk $0xffff, v0  }
0x20e: {  	[tilespmem:v42+s12+$0x0] =	vst.idx.msk vm5, v2  }
0x20f: {  	v0 =	vld [tilespmem:s21+$0x580];
	_ =	sdelay $0x4  }
0x210: {  	v44 =	vshrl.u32 v0, $0x16  }
0x211: {  	(xrf1) =	vunique.msk.u32 $0xffff, v44;
	_ =	sdelay $0x9  }
0x212: {  	v2 =	vld.idx.msk [tilespmem:v44+s12+$0x0], $0xffff  }
0x213: {  	v3 =	vld.idx.msk [tilespmem:v44+s11+$0x0], $0xffff;
	_ =	sdelay $0x2  }
0x214: {  	_, v45, vm6 =	vpop (xrf1)  }
0x215: {  	v2 =	vadd.s32 v2, v45  }
0x216: {  	v3 =	vadd.s32 v3, v2  }
0x217: {  	v3 =	vadd.s32 $0xFFFFFFFF, v3;
	_ =	sdelay $0x4  }
0x218: {  	[tilespmem:v3+s13+$0x0] =	vst.idx.msk $0xffff, v0  }
0x219: {  	[tilespmem:v44+s12+$0x0] =	vst.idx.msk vm6, v2  }
0x21a: {  	v0 =	vld [tilespmem:s21+$0x590];
	_ =	sdelay $0x4  }
0x21b: {  	v46 =	vshrl.u32 v0, $0x16  }
0x21c: {  	(xrf1) =	vunique.msk.u32 $0xffff, v46;
	_ =	sdelay $0x9  }
0x21d: {  	v2 =	vld.idx.msk [tilespmem:v46+s12+$0x0], $0xffff  }
0x21e: {  	v3 =	vld.idx.msk [tilespmem:v46+s11+$0x0], $0xffff;
	_ =	sdelay $0x2  }
0x21f: {  	_, v47, vm7 =	vpop (xrf1)  }
0x220: {  	v2 =	vadd.s32 v2, v47  }
0x221: {  	v3 =	vadd.s32 v3, v2  }
0x222: {  	v3 =	vadd.s32 $0xFFFFFFFF, v3;
	_ =	sdelay $0x4  }
0x223: {  	[tilespmem:v3+s13+$0x0] =	vst.idx.msk $0xffff, v0  }
0x224: {  	[tilespmem:v46+s12+$0x0] =	vst.idx.msk vm7, v2  }
0x225: {  	v0 =	vld [tilespmem:s21+$0x600];
	_ =	sdelay $0x4  }
0x226: {  	v48 =	vshrl.u32 v0, $0x16  }
0x227: {  	(xrf1) =	vunique.msk.u32 $0xffff, v48;
	_ =	sdelay $0x9  }
0x228: {  	v2 =	vld.idx.msk [tilespmem:v48+s12+$0x0], $0xffff  }
0x229: {  	v3 =	vld.idx.msk [tilespmem:v48+s11+$0x0], $0xffff;
	_ =	sdelay $0x2  }
0x22a: {  	_, v49, vm8 =	vpop (xrf1)  }
0x22b: {  	v2 =	vadd.s32 v2, v49  }
0x22c: {  	v3 =	vadd.s32 v3, v2  }
0x22d: {  	v3 =	vadd.s32 $0xFFFFFFFF, v3;
	_ =	sdelay $0x4  }
0x22e: {  	[tilespmem:v3+s13+$0x0] =	vst.idx.msk $0xffff, v0  }
0x22f: {  	[tilespmem:v48+s12+$0x0] =	vst.idx.msk vm8, v2  }
0x230: {  	v0 =	vld [tilespmem:s21+$0x610];
	_ =	sdelay $0x4  }
0x231: {  	v50 =	vshrl.u32 v0, $0x16  }
0x232: {  	(xrf1) =	vunique.msk.u32 $0xffff, v50;
	_ =	sdelay $0x9  }
0x233: {  	v2 =	vld.idx.msk [tilespmem:v50+s12+$0x0], $0xffff  }
0x234: {  	v3 =	vld.idx.msk [tilespmem:v50+s11+$0x0], $0xffff;
	_ =	sdelay $0x2  }
0x235: {  	_, v51, vm9 =	vpop (xrf1)  }
0x236: {  	v2 =	vadd.s32 v2, v51  }
0x237: {  	v3 =	vadd.s32 v3, v2  }
0x238: {  	v3 =	vadd.s32 $0xFFFFFFFF, v3;
	_ =	sdelay $0x4  }
0x239: {  	[tilespmem:v3+s13+$0x0] =	vst.idx.msk $0xffff, v0  }
0x23a: {  	[tilespmem:v50+s12+$0x0] =	vst.idx.msk vm9, v2  }
0x23b: {  	v0 =	vld [tilespmem:s21+$0x680];
	_ =	sdelay $0x4  }
0x23c: {  	v52 =	vshrl.u32 v0, $0x16  }
0x23d: {  	(xrf1) =	vunique.msk.u32 $0xffff, v52;
	_ =	sdelay $0x9  }
0x23e: {  	v2 =	vld.idx.msk [tilespmem:v52+s12+$0x0], $0xffff  }
0x23f: {  	v3 =	vld.idx.msk [tilespmem:v52+s11+$0x0], $0xffff;
	_ =	sdelay $0x2  }
0x240: {  	_, v53, vm10 =	vpop (xrf1)  }
0x241: {  	v2 =	vadd.s32 v2, v53  }
0x242: {  	v3 =	vadd.s32 v3, v2  }
0x243: {  	v3 =	vadd.s32 $0xFFFFFFFF, v3;
	_ =	sdelay $0x4  }
0x244: {  	[tilespmem:v3+s13+$0x0] =	vst.idx.msk $0xffff, v0  }
0x245: {  	[tilespmem:v52+s12+$0x0] =	vst.idx.msk vm10, v2  }
0x246: {  	v0 =	vld [tilespmem:s21+$0x690];
	_ =	sdelay $0x4  }
0x247: {  	v54 =	vshrl.u32 v0, $0x16  }
0x248: {  	(xrf1) =	vunique.msk.u32 $0xffff, v54;
	_ =	sdelay $0x9  }
0x249: {  	v2 =	vld.idx.msk [tilespmem:v54+s12+$0x0], $0xffff  }
0x24a: {  	v3 =	vld.idx.msk [tilespmem:v54+s11+$0x0], $0xffff;
	_ =	sdelay $0x2  }
0x24b: {  	_, v55, vm11 =	vpop (xrf1)  }
0x24c: {  	v2 =	vadd.s32 v2, v55  }
0x24d: {  	v3 =	vadd.s32 v3, v2  }
0x24e: {  	v3 =	vadd.s32 $0xFFFFFFFF, v3;
	_ =	sdelay $0x4  }
0x24f: {  	[tilespmem:v3+s13+$0x0] =	vst.idx.msk $0xffff, v0  }
0x250: {  	[tilespmem:v54+s12+$0x0] =	vst.idx.msk vm11, v2  }
0x251: {  	v0 =	vld [tilespmem:s21+$0x700];
	_ =	sdelay $0x4  }
0x252: {  	v56 =	vshrl.u32 v0, $0x16  }
0x253: {  	(xrf1) =	vunique.msk.u32 $0xffff, v56;
	_ =	sdelay $0x9  }
0x254: {  	v2 =	vld.idx.msk [tilespmem:v56+s12+$0x0], $0xffff  }
0x255: {  	v3 =	vld.idx.msk [tilespmem:v56+s11+$0x0], $0xffff;
	_ =	sdelay $0x2  }
0x256: {  	_, v57, vm12 =	vpop (xrf1)  }
0x257: {  	v2 =	vadd.s32 v2, v57  }
0x258: {  	v3 =	vadd.s32 v3, v2  }
0x259: {  	v3 =	vadd.s32 $0xFFFFFFFF, v3;
	_ =	sdelay $0x4  }
0x25a: {  	[tilespmem:v3+s13+$0x0] =	vst.idx.msk $0xffff, v0  }
0x25b: {  	[tilespmem:v56+s12+$0x0] =	vst.idx.msk vm12, v2  }
0x25c: {  	v0 =	vld [tilespmem:s21+$0x710];
	_ =	sdelay $0x4  }
0x25d: {  	v58 =	vshrl.u32 v0, $0x16  }
0x25e: {  	(xrf1) =	vunique.msk.u32 $0xffff, v58;
	_ =	sdelay $0x9  }
0x25f: {  	v2 =	vld.idx.msk [tilespmem:v58+s12+$0x0], $0xffff  }
0x260: {  	v3 =	vld.idx.msk [tilespmem:v58+s11+$0x0], $0xffff;
	_ =	sdelay $0x2  }
0x261: {  	_, v59, vm13 =	vpop (xrf1)  }
0x262: {  	v2 =	vadd.s32 v2, v59  }
0x263: {  	v3 =	vadd.s32 v3, v2  }
0x264: {  	v3 =	vadd.s32 $0xFFFFFFFF, v3;
	_ =	sdelay $0x4  }
0x265: {  	[tilespmem:v3+s13+$0x0] =	vst.idx.msk $0xffff, v0  }
0x266: {  	[tilespmem:v58+s12+$0x0] =	vst.idx.msk vm13, v2  }
0x267: {  	v0 =	vld [tilespmem:s21+$0x780];
	_ =	sdelay $0x4  }
0x268: {  	v60 =	vshrl.u32 v0, $0x16  }
0x269: {  	(xrf1) =	vunique.msk.u32 $0xffff, v60;
	_ =	sdelay $0x9  }
0x26a: {  	v2 =	vld.idx.msk [tilespmem:v60+s12+$0x0], $0xffff  }
0x26b: {  	v3 =	vld.idx.msk [tilespmem:v60+s11+$0x0], $0xffff;
	_ =	sdelay $0x2  }
0x26c: {  	_, v61, vm14 =	vpop (xrf1)  }
0x26d: {  	v2 =	vadd.s32 v2, v61  }
0x26e: {  	v3 =	vadd.s32 v3, v2  }
0x26f: {  	v3 =	vadd.s32 $0xFFFFFFFF, v3;
	_ =	sdelay $0x4  }
0x270: {  	[tilespmem:v3+s13+$0x0] =	vst.idx.msk $0xffff, v0  }
0x271: {  	[tilespmem:v60+s12+$0x0] =	vst.idx.msk vm14, v2  }
0x272: {  	v0 =	vld [tilespmem:s21+$0x790];
	_ =	sdelay $0x4  }
0x273: {  	v62 =	vshrl.u32 v0, $0x16  }
0x274: {  	(xrf1) =	vunique.msk.u32 $0xffff, v62;
	_ =	sdelay $0x9  }
0x275: {  	v2 =	vld.idx.msk [tilespmem:v62+s12+$0x0], $0xffff  }
0x276: {  	v3 =	vld.idx.msk [tilespmem:v62+s11+$0x0], $0xffff;
	_ =	sdelay $0x2  }
0x277: {  	_, v63, vm15 =	vpop (xrf1)  }
0x278: {  	v2 =	vadd.s32 v2, v63  }
0x279: {  	v3 =	vadd.s32 v3, v2  }
0x27a: {  	v3 =	vadd.s32 $0xFFFFFFFF, v3  }
0x27b: {  	p0 =	sne.s32 s20, $0x3E000  }
.Ltmp3:
0x27c: {  	_ = 	snop;
	(pc) =	sbr.rel @p0 .LBB2_4-.Ltmp3, $3  }
0x27d: {  	_ =	sdelay $0x1  }
0x27e: {  	[tilespmem:v3+s13+$0x0] =	vst.idx.msk $0xffff, v0  }
0x27f: {  	s20 =	sadd.s32 $0x2000, s20;
	[tilespmem:v62+s12+$0x0] =	vst.idx.msk vm15, v2  }
.Ltmp4:
0x280: {  	(pc) =	sbr.rel .LBB2_7-.Ltmp4, $4  }
0x281: {  	_ = 	snop  }
0x282: {  	[tilespmem:s16], [sflag:$0x1] =	stream.strided.gather [hbm4b:s4+s14], $0x2000, s15, s14, $0x38;
	[tilespmem:$0x1D400] =	vst v63  }
0x283: {  	s21 =	simm.s32 $0x0;
	s20 =	simm.s32 $0x0  }
0x284: {  	v5 =	vlaneseq.u32;
	[tilespmem:s17], [sflag:$0x1] =	stream.strided.gather [hbm4b:s7+s14], $0x2000, s15, s14, $0x38;
	[tilespmem:$0x1D400] =	vst v63  }
.LBB2_6:
0x285: {  	p0 =	seq.s32 s21, $0x7B  }
.Ltmp5:
0x286: {  	_ = 	snop;
	(pc) =	sbr.rel @p0 .LBB2_13-.Ltmp5, $1  }
0x287: {  	_ =	sdelay $0x3  }
.LBB2_7:
0x288: {  	s24 =	sand.u32 $0x1, s21;
	p0 =	seq.s32 s21, $0x7A  }
0x289: {  	p1 =	sne.s32 @!p0 s24, $0x0  }
0x28a: {  	s23 =	smov.u32 s21;
	s21 =	sadd.s32 $0x1, s21;
	p2 =	por p1, p0  }
0x28b: {  	s22 =	sshll.u32 @!p2 s21, $0x1  }
0x28c: {  	s22 =	sadd.s32 @!p2 s6, s22  }
0x28d: {  	p3 =	sgt.u32 @!p2 s22, $0x1E84  }
0x28e: {  	p3 =	por @!p0 p3, p1  }
0x28f: {  	p3 =	por p3, p0  }
0x290: {  	s25 =	sshll.u32 @!p3 s22, $0x7  }
0x291: {  	s26 =	simm.s32 @!p3 $0x400;
	s28 =	simm.s32 @!p3 $0x7A1400;
	s22 =	sor.u32 @!p2 $0x1, s22  }
0x292: {  	s29 =	simm.s32 @!p3 $0x18300;
	s25 =	sadd.s32 @!p3 s2, s25;
	p2 =	sgt.u32 @!p2 s22, $0x1E84  }
0x293: {  	[tilespmem:s29], [sflag:$0x2] =	stream.strided.gather @!p3 [hbm4b:s25+s26], $0x2000, s28, s26, $0x38;
	[tilespmem:$0x1D400] =	vst v63  }
0x294: {  	p1 =	por @!p0 p2, p1  }
0x295: {  	p0 =	por p1, p0  }
0x296: {  	s22 =	sshll.u32 @!p0 s22, $0x7;
	s25 =	simm.s32 @!p0 $0x400  }
0x297: {  	s26 =	simm.s32 @!p0 $0x7A1400;
	s28 =	simm.s32 @!p0 $0x1A300;
	s22 =	sadd.s32 @!p0 s2, s22  }
0x298: {  	[tilespmem:s28], [sflag:$0x2] =	stream.strided.gather @!p0 [hbm4b:s22+s25], $0x2000, s26, s25, $0x38;
	[tilespmem:$0x1D400] =	vst v63  }
0x299: {  	p0 =	seq.s32 s24, $0x0  }
0x29a: {  	s22 =	sshll.u32 @!p0 s21, $0x1  }
0x29b: {  	s22 =	sadd.s32 @!p0 s6, s22  }
0x29c: {  	p1 =	sgt.u32 @!p0 s22, $0x1E84  }
0x29d: {  	p1 =	por p1, p0  }
0x29e: {  	s25 =	sshll.u32 @!p1 s22, $0x7;
	s26 =	simm.s32 @!p1 $0x400;
	s28 =	simm.s32 @!p1 $0x7A1400  }
0x29f: {  	s29 =	simm.s32 @!p1 $0x14300;
	s22 =	sor.u32 @!p0 $0x1, s22;
	s25 =	sadd.s32 @!p1 s2, s25  }
0x2a0: {  	[tilespmem:s29], [sflag:$0x1] =	stream.strided.gather @!p1 [hbm4b:s25+s26], $0x2000, s28, s26, $0x38;
	[tilespmem:$0x1D400] =	vst v63  }
0x2a1: {  	p1 =	sgt.u32 @!p0 s22, $0x1E84  }
0x2a2: {  	p0 =	por p1, p0  }
0x2a3: {  	p1 =	sne.s32 s24, $0x0;
	s22 =	sshll.u32 @!p0 s22, $0x7;
	s25 =	simm.s32 @!p0 $0x400  }
0x2a4: {  	s26 =	simm.s32 @!p0 $0x7A1400;
	s28 =	simm.s32 @!p0 $0x16300;
	s22 =	sadd.s32 @!p0 s2, s22  }
0x2a5: {  	[tilespmem:s28], [sflag:$0x1] =	stream.strided.gather @!p0 [hbm4b:s22+s25], $0x2000, s26, s25, $0x38;
	[tilespmem:$0x1D400] =	vst v63  }
0x2a6: {  	s22 =	sshll.u32 @!p1 s23, $0x1  }
0x2a7: {  	s22 =	sadd.s32 @!p1 s6, s22  }
0x2a8: {  	p0 =	sgt.u32 @!p1 s22, $0x1E84  }
0x2a9: {  	p2 =	por p0, p1  }
0x2aa: {  	s25 =	simm.s32 @!p2 $0x1;
	p3 =	seq.s32 @!p2 s22, $0x1E84  }
0x2ab: {  	s22 =	sshll.u32 s23, $0x1;
	p3 =	por @!p1 p3, p0;
	_ =	swait.ge @!p2 [sflag:s25], $0x2000  }
0x2ac: {  	p0 =	seq.s32 s24, $0x1;
	[sflag:s25] =	ssyncset.done @!p2 $0x0;
	p1 =	por p3, p1  }
0x2ad: {  	s26 =	sadd.s32 @p0 s6, s22;
	[sflag:s25] =	ssyncadd.s32 @!p2 $0xFFFFE000;
	s25 =	simm.s32 @!p1 $0x1  }
0x2ae: {  	p2 =	sgt.u32 @p0 s26, $0x1E84;
	_ =	swait.ge @!p1 [sflag:s25], $0x2000  }
0x2af: {  	p3 =	por p2, !p0;
	[sflag:s25] =	ssyncset.done @!p1 $0x0  }
0x2b0: {  	[sflag:s25] =	ssyncadd.s32 @!p1 $0xFFFFE000;
	s25 =	simm.s32 @!p3 $0x2;
	p1 =	seq.s32 @!p3 s26, $0x1E84  }
0x2b1: {  	_ =	swait.ge @!p3 [sflag:s25], $0x2000;
	p1 =	por @p0 p1, p2  }
0x2b2: {  	[sflag:s25] =	ssyncset.done @!p3 $0x0;
	p0 =	por p1, !p0  }
0x2b3: {  	[sflag:s25] =	ssyncadd.s32 @!p3 $0xFFFFE000;
	s25 =	simm.s32 @!p0 $0x2  }
0x2b4: {  	s23 =	sshll.u32 s23, $0x3;
	_ =	swait.ge @!p0 [sflag:s25], $0x2000  }
0x2b5: {  	s23 =	sand.u32 $0x3C0, s23;
	[sflag:s25] =	ssyncset.done @!p0 $0x0  }
0x2b6: {  	s23 =	sshrl.u32 s23, $0x2;
	[sflag:s25] =	ssyncadd.s32 @!p0 $0xFFFFE000  }
0x2b7: {  	v0 =	vld [tilespmem:s23+$0x10100];
	_ =	sdelay $0x1  }
0x2b8: {  	s30 =	sand.u32 $0xE, s22  }
0x2b9: {  	v1 =	vmov s30;
	s25 =	sor.u32 $0x1, s30  }
0x2ba: {  	vm0 =	veq.s32 v1, v5;
	v1 =	vmov s25  }
0x2bb: {  	v2 =	vnsel vm0, $0x0, v0;
	vm0 =	veq.s32 v1, v5  }
0x2bc: {  	(xrf0) =	vadd.scan.msk.s32 $0xffff, v2;
	v0 =	vnsel vm0, $0x0, v0  }
0x2bd: {  	(xrf0) =	vadd.scan.msk.s32 $0xffff, v0;
	_ =	sdelay $0x4  }
0x2be: {  	v0, _, _ =	vpop (xrf0)  }
0x2bf: {  	(v2sf) =	vpush v0, $0xF;
	v0, _, _ =	vpop (xrf0)  }
0x2c0: {  	(v2sf) =	vpush v0, $0xF;
	_ =	sdelay $0xd  }
0x2c1: {  	s25 =	spop (v2sf)  }
0x2c2: {  	s31 =	spop (v2sf)  }
0x2c3: {  	s26 =	ssub.s32 s31, s25  }
0x2c4: {  	s26 =	sadd.s32 $0xF, s26  }
0x2c5: {  	p0 =	slt.s32 s26, $0x10  }
.Ltmp6:
0x2c6: {  	_ = 	snop;
	(pc) =	sbr.rel @p0 .LBB2_10-.Ltmp6, $2  }
0x2c7: {  	_ =	sdelay $0x2  }
0x2c8: {  	s24 =	sshll.u32 s24, $0xE  }
0x2c9: {  	v0 =	vbroadcast v0, $0xF;
	v3 =	vmov s24  }
0x2ca: {  	v10 =	vor.u32 $0x380, v3;
	v11 =	vor.u32 $0x400, v3;
	v12 =	vor.u32 $0x480, v3  }
0x2cb: {  	v13 =	vor.u32 $0x500, v3;
	v14 =	vor.u32 $0x580, v3;
	v15 =	vor.u32 $0x600, v3  }
0x2cc: {  	v16 =	vor.u32 $0x680, v3;
	v17 =	vor.u32 $0x700, v3;
	v18 =	vor.u32 $0x780, v3  }
0x2cd: {  	v19 =	vor.u32 $0x800, v3;
	v20 =	vor.u32 $0x880, v3;
	v21 =	vor.u32 $0x900, v3  }
0x2ce: {  	v22 =	vor.u32 $0x980, v3;
	v23 =	vor.u32 $0xA00, v3;
	v24 =	vor.u32 $0xA80, v3  }
0x2cf: {  	v25 =	vor.u32 $0xB00, v3;
	v26 =	vor.u32 $0xB80, v3;
	v27 =	vor.u32 $0xC00, v3  }
0x2d0: {  	v28 =	vor.u32 $0xC80, v3;
	v29 =	vor.u32 $0xD00, v3;
	v30 =	vor.u32 $0xD80, v3  }
0x2d1: {  	v31 =	vor.u32 $0xE00, v3;
	v32 =	vor.u32 $0xE80, v3;
	v33 =	vor.u32 $0xF00, v3  }
0x2d2: {  	v34 =	vor.u32 $0xF80, v3;
	v35 =	vor.u32 $0x1000, v3;
	v36 =	vor.u32 $0x1080, v3  }
0x2d3: {  	v37 =	vor.u32 $0x1100, v3;
	v38 =	vor.u32 $0x1180, v3;
	v39 =	vor.u32 $0x1200, v3  }
0x2d4: {  	v40 =	vor.u32 $0x1280, v3;
	v41 =	vor.u32 $0x1300, v3;
	v42 =	vor.u32 $0x1380, v3  }
0x2d5: {  	v43 =	vor.u32 $0x1400, v3;
	v44 =	vor.u32 $0x1480, v3;
	v45 =	vor.u32 $0x1500, v3  }
0x2d6: {  	v46 =	vor.u32 $0x1580, v3;
	v47 =	vor.u32 $0x1600, v3;
	v48 =	vor.u32 $0x1680, v3  }
0x2d7: {  	v49 =	vor.u32 $0x1700, v3;
	v50 =	vor.u32 $0x1780, v3;
	v51 =	vor.u32 $0x1800, v3  }
0x2d8: {  	v52 =	vor.u32 $0x1880, v3;
	v53 =	vor.u32 $0x1900, v3;
	[tilespmem:$0x1FF90] =	vst v0;
	v0 =	vor.u32 $0x80, v3  }
0x2d9: {  	v54 =	vor.u32 $0x1980, v3;
	v55 =	vor.u32 $0x1A00, v3;
	[tilespmem:$0x1FFA0] =	vst v0;
	v0 =	vor.u32 $0x100, v3  }
0x2da: {  	v56 =	vor.u32 $0x1A80, v3;
	v57 =	vor.u32 $0x1B00, v3;
	[tilespmem:$0x1FFB0] =	vst v0;
	v0 =	vor.u32 $0x180, v3  }
0x2db: {  	s28 =	sshra.s32 s26, $0x1F;
	v58 =	vor.u32 $0x1B80, v3;
	v59 =	vor.u32 $0x1C00, v3;
	[tilespmem:$0x1FFC0] =	vst v0;
	v0 =	vor.u32 $0x200, v3  }
0x2dc: {  	s28 =	sshrl.u32 s28, $0x1C;
	v60 =	vor.u32 $0x1C80, v3;
	v61 =	vor.u32 $0x1D00, v3;
	[tilespmem:$0x1FFD0] =	vst v0;
	v0 =	vor.u32 $0x280, v3  }
0x2dd: {  	v62 =	vor.u32 $0x1D80, v3;
	v63 =	vor.u32 $0x1E00, v3;
	s31 =	sadd.s32 s28, s26;
	[tilespmem:$0x1FFE0] =	vst v0;
	v0 =	vor.u32 $0x300, v3  }
0x2de: {  	v1 =	vor.u32 $0x1F00, v3;
	v2 =	vor.u32 $0x1F80, v3;
	s26 =	sshra.s32 s31, $0x4;
	[tilespmem:$0x1FFF0] =	vst v0;
	v0 =	vor.u32 $0x1E80, v3  }
.LBB2_9:
0x2df: {  	v4 =	vadd.s32 s25, v5;
	v5 =	vld [tilespmem:$0x1FF90];
	_ =	sdelay $0x4  }
0x2e0: {  	vm1 =	vlt.s32 v4, v5  }
0x2e1: {  	v4 =	vnsel vm1, $0x0, v4;
	_ =	sdelay $0x4  }
0x2e2: {  	v4 =	vld.idx.msk [tilespmem:v4+s13+$0x0], $0xffff;
	_ =	sdelay $0x4  }
0x2e3: {  	v4 =	vnsel vm1, $0x200000, v4  }
0x2e4: {  	v5 =	vand.u32 $0x7F, v4  }
0x2e5: {  	s28 =	sshrl.u32 s20, $0x1F;
	v7 =	vor.u32 v3, v5  }
0x2e6: {  	v9 =	vld [tilespmem:$0x1FFA0];
	s28 =	sadd.s32 s28, s20  }
0x2e7: {  	v6 =	vlaneseq.u32;
	s28 =	sand.u32 $0xFFFFFFFE, s28  }
0x2e8: {  	v6 =	vmul.u32 $0x80, v6;
	s28 =	ssub.s32 s20, s28  }
0x2e9: {  	s29 =	sshll.u32 s28, $0xB  }
0x2ea: {  	v8 =	vor.u32 s29, v6;
	v7 =	vld.idx.msk [tilespmem:v7+s16+$0x0], $0xffff  }
0x2eb: {  	v9 =	vor.u32 v9, v5;
	_ =	sdelay $0x3  }
0x2ec: {  	[tilespmem:v8+s18+$0x0] =	vst.idx.msk $0xffff, v7  }
0x2ed: {  	v8 =	vld.idx.msk [tilespmem:v9+s16+$0x0], $0xffff  }
0x2ee: {  	v9 =	vld [tilespmem:$0x1FFB0];
	_ =	sdelay $0x2  }
0x2ef: {  	v7 =	vor.u32 $0x1, v6  }
0x2f0: {  	v7 =	vor.u32 s29, v7  }
0x2f1: {  	v9 =	vor.u32 v9, v5;
	_ =	sdelay $0x3  }
0x2f2: {  	[tilespmem:v7+s18+$0x0] =	vst.idx.msk $0xffff, v8  }
0x2f3: {  	v8 =	vld.idx.msk [tilespmem:v9+s16+$0x0], $0xffff  }
0x2f4: {  	v9 =	vld [tilespmem:$0x1FFC0];
	_ =	sdelay $0x2  }
0x2f5: {  	v7 =	vor.u32 $0x2, v6  }
0x2f6: {  	v7 =	vor.u32 s29, v7  }
0x2f7: {  	v9 =	vor.u32 v9, v5;
	_ =	sdelay $0x3  }
0x2f8: {  	[tilespmem:v7+s18+$0x0] =	vst.idx.msk $0xffff, v8  }
0x2f9: {  	v8 =	vld.idx.msk [tilespmem:v9+s16+$0x0], $0xffff  }
0x2fa: {  	v9 =	vld [tilespmem:$0x1FFD0];
	_ =	sdelay $0x2  }
0x2fb: {  	v7 =	vor.u32 $0x3, v6  }
0x2fc: {  	v7 =	vor.u32 s29, v7  }
0x2fd: {  	v9 =	vor.u32 v9, v5;
	_ =	sdelay $0x3  }
0x2fe: {  	[tilespmem:v7+s18+$0x0] =	vst.idx.msk $0xffff, v8  }
0x2ff: {  	v8 =	vld.idx.msk [tilespmem:v9+s16+$0x0], $0xffff  }
0x300: {  	v9 =	vld [tilespmem:$0x1FFE0];
	_ =	sdelay $0x2  }
0x301: {  	v7 =	vor.u32 $0x4, v6  }
0x302: {  	v7 =	vor.u32 s29, v7  }
0x303: {  	v9 =	vor.u32 v9, v5;
	_ =	sdelay $0x3  }
0x304: {  	[tilespmem:v7+s18+$0x0] =	vst.idx.msk $0xffff, v8  }
0x305: {  	v8 =	vld.idx.msk [tilespmem:v9+s16+$0x0], $0xffff  }
0x306: {  	v9 =	vld [tilespmem:$0x1FFF0];
	_ =	sdelay $0x2  }
0x307: {  	v7 =	vor.u32 $0x5, v6  }
0x308: {  	v7 =	vor.u32 s29, v7  }
0x309: {  	v9 =	vor.u32 v9, v5;
	_ =	sdelay $0x3  }
0x30a: {  	[tilespmem:v7+s18+$0x0] =	vst.idx.msk $0xffff, v8;
	v7 =	vor.u32 $0x6, v6  }
0x30b: {  	v7 =	vor.u32 s29, v7;
	v8 =	vld.idx.msk [tilespmem:v9+s16+$0x0], $0xffff  }
0x30c: {  	v9 =	vor.u32 v10, v5;
	_ =	sdelay $0x3  }
0x30d: {  	[tilespmem:v7+s18+$0x0] =	vst.idx.msk $0xffff, v8;
	v7 =	vor.u32 $0x7, v6  }
0x30e: {  	v8 =	vld.idx.msk [tilespmem:v9+s16+$0x0], $0xffff;
	v7 =	vor.u32 s29, v7  }
0x30f: {  	v9 =	vor.u32 v11, v5;
	_ =	sdelay $0x3  }
0x310: {  	[tilespmem:v7+s18+$0x0] =	vst.idx.msk $0xffff, v8;
	v7 =	vor.u32 $0x8, v6  }
0x311: {  	v8 =	vld.idx.msk [tilespmem:v9+s16+$0x0], $0xffff;
	v7 =	vor.u32 s29, v7  }
0x312: {  	v9 =	vor.u32 v12, v5;
	_ =	sdelay $0x3  }
0x313: {  	[tilespmem:v7+s18+$0x0] =	vst.idx.msk $0xffff, v8;
	v7 =	vor.u32 $0x9, v6  }
0x314: {  	v8 =	vld.idx.msk [tilespmem:v9+s16+$0x0], $0xffff;
	v7 =	vor.u32 s29, v7  }
0x315: {  	v9 =	vor.u32 v13, v5;
	_ =	sdelay $0x3  }
0x316: {  	[tilespmem:v7+s18+$0x0] =	vst.idx.msk $0xffff, v8;
	v7 =	vor.u32 $0xA, v6  }
0x317: {  	v8 =	vld.idx.msk [tilespmem:v9+s16+$0x0], $0xffff;
	v7 =	vor.u32 s29, v7  }
0x318: {  	v9 =	vor.u32 v14, v5;
	_ =	sdelay $0x3  }
0x319: {  	[tilespmem:v7+s18+$0x0] =	vst.idx.msk $0xffff, v8;
	v7 =	vor.u32 $0xB, v6  }
0x31a: {  	v8 =	vld.idx.msk [tilespmem:v9+s16+$0x0], $0xffff;
	v7 =	vor.u32 s29, v7  }
0x31b: {  	v9 =	vor.u32 v15, v5;
	_ =	sdelay $0x3  }
0x31c: {  	[tilespmem:v7+s18+$0x0] =	vst.idx.msk $0xffff, v8;
	v7 =	vor.u32 $0xC, v6  }
0x31d: {  	v8 =	vld.idx.msk [tilespmem:v9+s16+$0x0], $0xffff;
	v7 =	vor.u32 s29, v7  }
0x31e: {  	v9 =	vor.u32 v16, v5;
	_ =	sdelay $0x3  }
0x31f: {  	[tilespmem:v7+s18+$0x0] =	vst.idx.msk $0xffff, v8;
	v7 =	vor.u32 $0xD, v6  }
0x320: {  	v8 =	vld.idx.msk [tilespmem:v9+s16+$0x0], $0xffff;
	v7 =	vor.u32 s29, v7  }
0x321: {  	v9 =	vor.u32 v17, v5;
	_ =	sdelay $0x3  }
0x322: {  	[tilespmem:v7+s18+$0x0] =	vst.idx.msk $0xffff, v8;
	v7 =	vor.u32 $0xE, v6  }
0x323: {  	v8 =	vld.idx.msk [tilespmem:v9+s16+$0x0], $0xffff;
	v7 =	vor.u32 s29, v7  }
0x324: {  	v9 =	vor.u32 v18, v5;
	_ =	sdelay $0x3  }
0x325: {  	[tilespmem:v7+s18+$0x0] =	vst.idx.msk $0xffff, v8;
	v7 =	vor.u32 $0xF, v6  }
0x326: {  	v8 =	vld.idx.msk [tilespmem:v9+s16+$0x0], $0xffff;
	v7 =	vor.u32 s29, v7  }
0x327: {  	v9 =	vor.u32 v19, v5;
	_ =	sdelay $0x3  }
0x328: {  	[tilespmem:v7+s18+$0x0] =	vst.idx.msk $0xffff, v8;
	v7 =	vor.u32 $0x10, v6  }
0x329: {  	v8 =	vld.idx.msk [tilespmem:v9+s16+$0x0], $0xffff;
	v7 =	vor.u32 s29, v7  }
0x32a: {  	v9 =	vor.u32 v20, v5;
	_ =	sdelay $0x3  }
0x32b: {  	[tilespmem:v7+s18+$0x0] =	vst.idx.msk $0xffff, v8;
	v7 =	vor.u32 $0x11, v6  }
0x32c: {  	v8 =	vld.idx.msk [tilespmem:v9+s16+$0x0], $0xffff;
	v7 =	vor.u32 s29, v7  }
0x32d: {  	v9 =	vor.u32 v21, v5;
	_ =	sdelay $0x3  }
0x32e: {  	[tilespmem:v7+s18+$0x0] =	vst.idx.msk $0xffff, v8;
	v7 =	vor.u32 $0x12, v6  }
0x32f: {  	v8 =	vld.idx.msk [tilespmem:v9+s16+$0x0], $0xffff;
	v7 =	vor.u32 s29, v7  }
0x330: {  	v9 =	vor.u32 v22, v5;
	_ =	sdelay $0x3  }
0x331: {  	[tilespmem:v7+s18+$0x0] =	vst.idx.msk $0xffff, v8;
	v7 =	vor.u32 $0x13, v6  }
0x332: {  	v8 =	vld.idx.msk [tilespmem:v9+s16+$0x0], $0xffff;
	v7 =	vor.u32 s29, v7  }
0x333: {  	v9 =	vor.u32 v23, v5;
	_ =	sdelay $0x3  }
0x334: {  	[tilespmem:v7+s18+$0x0] =	vst.idx.msk $0xffff, v8;
	v7 =	vor.u32 $0x14, v6  }
0x335: {  	v8 =	vld.idx.msk [tilespmem:v9+s16+$0x0], $0xffff;
	v7 =	vor.u32 s29, v7  }
0x336: {  	v9 =	vor.u32 v24, v5;
	_ =	sdelay $0x3  }
0x337: {  	[tilespmem:v7+s18+$0x0] =	vst.idx.msk $0xffff, v8;
	v7 =	vor.u32 $0x15, v6  }
0x338: {  	v8 =	vld.idx.msk [tilespmem:v9+s16+$0x0], $0xffff;
	v7 =	vor.u32 s29, v7  }
0x339: {  	v9 =	vor.u32 v25, v5;
	_ =	sdelay $0x3  }
0x33a: {  	[tilespmem:v7+s18+$0x0] =	vst.idx.msk $0xffff, v8;
	v7 =	vor.u32 $0x16, v6  }
0x33b: {  	v8 =	vld.idx.msk [tilespmem:v9+s16+$0x0], $0xffff;
	v7 =	vor.u32 s29, v7  }
0x33c: {  	v9 =	vor.u32 v26, v5;
	_ =	sdelay $0x3  }
0x33d: {  	[tilespmem:v7+s18+$0x0] =	vst.idx.msk $0xffff, v8;
	v7 =	vor.u32 $0x17, v6  }
0x33e: {  	v8 =	vld.idx.msk [tilespmem:v9+s16+$0x0], $0xffff;
	v7 =	vor.u32 s29, v7  }
0x33f: {  	v9 =	vor.u32 v27, v5;
	_ =	sdelay $0x3  }
0x340: {  	[tilespmem:v7+s18+$0x0] =	vst.idx.msk $0xffff, v8;
	v7 =	vor.u32 $0x18, v6  }
0x341: {  	v8 =	vld.idx.msk [tilespmem:v9+s16+$0x0], $0xffff;
	v7 =	vor.u32 s29, v7  }
0x342: {  	v9 =	vor.u32 v28, v5;
	_ =	sdelay $0x3  }
0x343: {  	[tilespmem:v7+s18+$0x0] =	vst.idx.msk $0xffff, v8;
	v7 =	vor.u32 $0x19, v6  }
0x344: {  	v8 =	vld.idx.msk [tilespmem:v9+s16+$0x0], $0xffff;
	v7 =	vor.u32 s29, v7  }
0x345: {  	v9 =	vor.u32 v29, v5;
	_ =	sdelay $0x3  }
0x346: {  	[tilespmem:v7+s18+$0x0] =	vst.idx.msk $0xffff, v8;
	v7 =	vor.u32 $0x1A, v6  }
0x347: {  	v8 =	vld.idx.msk [tilespmem:v9+s16+$0x0], $0xffff;
	v7 =	vor.u32 s29, v7  }
0x348: {  	v9 =	vor.u32 v30, v5;
	_ =	sdelay $0x3  }
0x349: {  	[tilespmem:v7+s18+$0x0] =	vst.idx.msk $0xffff, v8;
	v7 =	vor.u32 $0x1B, v6  }
0x34a: {  	v8 =	vld.idx.msk [tilespmem:v9+s16+$0x0], $0xffff;
	v7 =	vor.u32 s29, v7  }
0x34b: {  	v9 =	vor.u32 v31, v5;
	_ =	sdelay $0x3  }
0x34c: {  	[tilespmem:v7+s18+$0x0] =	vst.idx.msk $0xffff, v8;
	v7 =	vor.u32 $0x1C, v6  }
0x34d: {  	v8 =	vld.idx.msk [tilespmem:v9+s16+$0x0], $0xffff;
	v7 =	vor.u32 s29, v7  }
0x34e: {  	v9 =	vor.u32 v32, v5;
	_ =	sdelay $0x3  }
0x34f: {  	[tilespmem:v7+s18+$0x0] =	vst.idx.msk $0xffff, v8;
	v7 =	vor.u32 $0x1D, v6  }
0x350: {  	v8 =	vld.idx.msk [tilespmem:v9+s16+$0x0], $0xffff;
	v7 =	vor.u32 s29, v7  }
0x351: {  	v9 =	vor.u32 v33, v5;
	_ =	sdelay $0x3  }
0x352: {  	[tilespmem:v7+s18+$0x0] =	vst.idx.msk $0xffff, v8;
	v7 =	vor.u32 $0x1E, v6  }
0x353: {  	v8 =	vld.idx.msk [tilespmem:v9+s16+$0x0], $0xffff;
	v7 =	vor.u32 s29, v7  }
0x354: {  	v9 =	vor.u32 v34, v5;
	_ =	sdelay $0x3  }
0x355: {  	[tilespmem:v7+s18+$0x0] =	vst.idx.msk $0xffff, v8;
	v7 =	vor.u32 $0x1F, v6  }
0x356: {  	v8 =	vld.idx.msk [tilespmem:v9+s16+$0x0], $0xffff;
	v7 =	vor.u32 s29, v7  }
0x357: {  	v9 =	vor.u32 v35, v5;
	_ =	sdelay $0x3  }
0x358: {  	[tilespmem:v7+s18+$0x0] =	vst.idx.msk $0xffff, v8;
	v7 =	vor.u32 $0x20, v6  }
0x359: {  	v8 =	vld.idx.msk [tilespmem:v9+s16+$0x0], $0xffff;
	v7 =	vor.u32 s29, v7  }
0x35a: {  	v9 =	vor.u32 v36, v5;
	_ =	sdelay $0x3  }
0x35b: {  	[tilespmem:v7+s18+$0x0] =	vst.idx.msk $0xffff, v8;
	v7 =	vor.u32 $0x21, v6  }
0x35c: {  	v8 =	vld.idx.msk [tilespmem:v9+s16+$0x0], $0xffff;
	v7 =	vor.u32 s29, v7  }
0x35d: {  	v9 =	vor.u32 v37, v5;
	_ =	sdelay $0x3  }
0x35e: {  	[tilespmem:v7+s18+$0x0] =	vst.idx.msk $0xffff, v8;
	v7 =	vor.u32 $0x22, v6  }
0x35f: {  	v8 =	vld.idx.msk [tilespmem:v9+s16+$0x0], $0xffff;
	v7 =	vor.u32 s29, v7  }
0x360: {  	v9 =	vor.u32 v38, v5;
	_ =	sdelay $0x3  }
0x361: {  	[tilespmem:v7+s18+$0x0] =	vst.idx.msk $0xffff, v8;
	v7 =	vor.u32 $0x23, v6  }
0x362: {  	v8 =	vld.idx.msk [tilespmem:v9+s16+$0x0], $0xffff;
	v7 =	vor.u32 s29, v7  }
0x363: {  	v9 =	vor.u32 v39, v5;
	_ =	sdelay $0x3  }
0x364: {  	[tilespmem:v7+s18+$0x0] =	vst.idx.msk $0xffff, v8;
	v7 =	vor.u32 $0x24, v6  }
0x365: {  	v8 =	vld.idx.msk [tilespmem:v9+s16+$0x0], $0xffff;
	v7 =	vor.u32 s29, v7  }
0x366: {  	v9 =	vor.u32 v40, v5;
	_ =	sdelay $0x3  }
0x367: {  	[tilespmem:v7+s18+$0x0] =	vst.idx.msk $0xffff, v8;
	v7 =	vor.u32 $0x25, v6  }
0x368: {  	v8 =	vld.idx.msk [tilespmem:v9+s16+$0x0], $0xffff;
	v7 =	vor.u32 s29, v7  }
0x369: {  	v9 =	vor.u32 v41, v5;
	_ =	sdelay $0x3  }
0x36a: {  	[tilespmem:v7+s18+$0x0] =	vst.idx.msk $0xffff, v8;
	v7 =	vor.u32 $0x26, v6  }
0x36b: {  	v8 =	vld.idx.msk [tilespmem:v9+s16+$0x0], $0xffff;
	v7 =	vor.u32 s29, v7  }
0x36c: {  	v9 =	vor.u32 v42, v5;
	_ =	sdelay $0x3  }
0x36d: {  	[tilespmem:v7+s18+$0x0] =	vst.idx.msk $0xffff, v8;
	v7 =	vor.u32 $0x27, v6  }
0x36e: {  	v8 =	vld.idx.msk [tilespmem:v9+s16+$0x0], $0xffff;
	v7 =	vor.u32 s29, v7  }
0x36f: {  	v9 =	vor.u32 v43, v5;
	_ =	sdelay $0x3  }
0x370: {  	[tilespmem:v7+s18+$0x0] =	vst.idx.msk $0xffff, v8;
	v7 =	vor.u32 $0x28, v6  }
0x371: {  	v8 =	vld.idx.msk [tilespmem:v9+s16+$0x0], $0xffff;
	v7 =	vor.u32 s29, v7  }
0x372: {  	v9 =	vor.u32 v44, v5;
	_ =	sdelay $0x3  }
0x373: {  	[tilespmem:v7+s18+$0x0] =	vst.idx.msk $0xffff, v8;
	v7 =	vor.u32 $0x29, v6  }
0x374: {  	v8 =	vld.idx.msk [tilespmem:v9+s16+$0x0], $0xffff;
	v7 =	vor.u32 s29, v7  }
0x375: {  	v9 =	vor.u32 v45, v5;
	_ =	sdelay $0x3  }
0x376: {  	[tilespmem:v7+s18+$0x0] =	vst.idx.msk $0xffff, v8;
	v7 =	vor.u32 $0x2A, v6  }
0x377: {  	v8 =	vld.idx.msk [tilespmem:v9+s16+$0x0], $0xffff;
	v7 =	vor.u32 s29, v7  }
0x378: {  	v9 =	vor.u32 v46, v5;
	_ =	sdelay $0x3  }
0x379: {  	[tilespmem:v7+s18+$0x0] =	vst.idx.msk $0xffff, v8;
	v7 =	vor.u32 $0x2B, v6  }
0x37a: {  	v8 =	vld.idx.msk [tilespmem:v9+s16+$0x0], $0xffff;
	v7 =	vor.u32 s29, v7  }
0x37b: {  	v9 =	vor.u32 v47, v5;
	_ =	sdelay $0x3  }
0x37c: {  	[tilespmem:v7+s18+$0x0] =	vst.idx.msk $0xffff, v8;
	v7 =	vor.u32 $0x2C, v6  }
0x37d: {  	v8 =	vld.idx.msk [tilespmem:v9+s16+$0x0], $0xffff;
	v7 =	vor.u32 s29, v7  }
0x37e: {  	v9 =	vor.u32 v48, v5;
	_ =	sdelay $0x3  }
0x37f: {  	[tilespmem:v7+s18+$0x0] =	vst.idx.msk $0xffff, v8;
	v7 =	vor.u32 $0x2D, v6  }
0x380: {  	v8 =	vld.idx.msk [tilespmem:v9+s16+$0x0], $0xffff;
	v7 =	vor.u32 s29, v7  }
0x381: {  	v9 =	vor.u32 v49, v5;
	_ =	sdelay $0x3  }
0x382: {  	[tilespmem:v7+s18+$0x0] =	vst.idx.msk $0xffff, v8;
	v7 =	vor.u32 $0x2E, v6  }
0x383: {  	v8 =	vld.idx.msk [tilespmem:v9+s16+$0x0], $0xffff;
	v7 =	vor.u32 s29, v7  }
0x384: {  	v9 =	vor.u32 v50, v5;
	_ =	sdelay $0x3  }
0x385: {  	[tilespmem:v7+s18+$0x0] =	vst.idx.msk $0xffff, v8;
	v7 =	vor.u32 $0x2F, v6  }
0x386: {  	v8 =	vld.idx.msk [tilespmem:v9+s16+$0x0], $0xffff;
	v7 =	vor.u32 s29, v7  }
0x387: {  	v9 =	vor.u32 v51, v5;
	_ =	sdelay $0x3  }
0x388: {  	[tilespmem:v7+s18+$0x0] =	vst.idx.msk $0xffff, v8;
	v7 =	vor.u32 $0x30, v6  }
0x389: {  	v8 =	vld.idx.msk [tilespmem:v9+s16+$0x0], $0xffff;
	v7 =	vor.u32 s29, v7  }
0x38a: {  	v9 =	vor.u32 v52, v5;
	_ =	sdelay $0x3  }
0x38b: {  	[tilespmem:v7+s18+$0x0] =	vst.idx.msk $0xffff, v8;
	v7 =	vor.u32 $0x31, v6  }
0x38c: {  	v8 =	vld.idx.msk [tilespmem:v9+s16+$0x0], $0xffff;
	v7 =	vor.u32 s29, v7  }
0x38d: {  	v9 =	vor.u32 v53, v5;
	_ =	sdelay $0x3  }
0x38e: {  	[tilespmem:v7+s18+$0x0] =	vst.idx.msk $0xffff, v8;
	v7 =	vor.u32 $0x32, v6  }
0x38f: {  	v8 =	vld.idx.msk [tilespmem:v9+s16+$0x0], $0xffff;
	v7 =	vor.u32 s29, v7  }
0x390: {  	v9 =	vor.u32 v54, v5;
	_ =	sdelay $0x3  }
0x391: {  	[tilespmem:v7+s18+$0x0] =	vst.idx.msk $0xffff, v8;
	v7 =	vor.u32 $0x33, v6  }
0x392: {  	v8 =	vld.idx.msk [tilespmem:v9+s16+$0x0], $0xffff;
	v7 =	vor.u32 s29, v7  }
0x393: {  	v9 =	vor.u32 v55, v5;
	_ =	sdelay $0x3  }
0x394: {  	[tilespmem:v7+s18+$0x0] =	vst.idx.msk $0xffff, v8;
	v7 =	vor.u32 $0x34, v6  }
0x395: {  	v8 =	vld.idx.msk [tilespmem:v9+s16+$0x0], $0xffff;
	v7 =	vor.u32 s29, v7  }
0x396: {  	v9 =	vor.u32 v56, v5;
	_ =	sdelay $0x3  }
0x397: {  	[tilespmem:v7+s18+$0x0] =	vst.idx.msk $0xffff, v8;
	v7 =	vor.u32 $0x35, v6  }
0x398: {  	v8 =	vld.idx.msk [tilespmem:v9+s16+$0x0], $0xffff;
	v7 =	vor.u32 s29, v7  }
0x399: {  	v9 =	vor.u32 v57, v5;
	_ =	sdelay $0x3  }
0x39a: {  	[tilespmem:v7+s18+$0x0] =	vst.idx.msk $0xffff, v8;
	v7 =	vor.u32 $0x36, v6  }
0x39b: {  	v8 =	vld.idx.msk [tilespmem:v9+s16+$0x0], $0xffff;
	v7 =	vor.u32 s29, v7  }
0x39c: {  	v9 =	vor.u32 v58, v5;
	_ =	sdelay $0x3  }
0x39d: {  	[tilespmem:v7+s18+$0x0] =	vst.idx.msk $0xffff, v8;
	v7 =	vor.u32 $0x37, v6  }
0x39e: {  	v8 =	vld.idx.msk [tilespmem:v9+s16+$0x0], $0xffff;
	v7 =	vor.u32 s29, v7  }
0x39f: {  	v9 =	vor.u32 v59, v5;
	_ =	sdelay $0x3  }
0x3a0: {  	[tilespmem:v7+s18+$0x0] =	vst.idx.msk $0xffff, v8;
	v7 =	vor.u32 $0x38, v6  }
0x3a1: {  	v8 =	vld.idx.msk [tilespmem:v9+s16+$0x0], $0xffff;
	v7 =	vor.u32 s29, v7  }
0x3a2: {  	v9 =	vor.u32 v60, v5;
	_ =	sdelay $0x3  }
0x3a3: {  	[tilespmem:v7+s18+$0x0] =	vst.idx.msk $0xffff, v8;
	v7 =	vor.u32 $0x39, v6  }
0x3a4: {  	v8 =	vld.idx.msk [tilespmem:v9+s16+$0x0], $0xffff;
	v7 =	vor.u32 s29, v7  }
0x3a5: {  	v9 =	vor.u32 v61, v5;
	_ =	sdelay $0x3  }
0x3a6: {  	[tilespmem:v7+s18+$0x0] =	vst.idx.msk $0xffff, v8;
	v7 =	vor.u32 $0x3A, v6  }
0x3a7: {  	v8 =	vld.idx.msk [tilespmem:v9+s16+$0x0], $0xffff;
	v7 =	vor.u32 s29, v7  }
0x3a8: {  	v9 =	vor.u32 v62, v5;
	_ =	sdelay $0x3  }
0x3a9: {  	[tilespmem:v7+s18+$0x0] =	vst.idx.msk $0xffff, v8;
	v7 =	vor.u32 $0x3B, v6  }
0x3aa: {  	v8 =	vld.idx.msk [tilespmem:v9+s16+$0x0], $0xffff;
	v7 =	vor.u32 s29, v7  }
0x3ab: {  	v9 =	vor.u32 v63, v5;
	_ =	sdelay $0x3  }
0x3ac: {  	[tilespmem:v7+s18+$0x0] =	vst.idx.msk $0xffff, v8;
	v7 =	vor.u32 $0x3C, v6  }
0x3ad: {  	v8 =	vld.idx.msk [tilespmem:v9+s16+$0x0], $0xffff;
	v7 =	vor.u32 s29, v7  }
0x3ae: {  	v9 =	vor.u32 v0, v5;
	_ =	sdelay $0x3  }
0x3af: {  	[tilespmem:v7+s18+$0x0] =	vst.idx.msk $0xffff, v8;
	v7 =	vor.u32 $0x3D, v6  }
0x3b0: {  	v8 =	vld.idx.msk [tilespmem:v9+s16+$0x0], $0xffff;
	v7 =	vor.u32 s29, v7  }
0x3b1: {  	v9 =	vor.u32 v1, v5;
	_ =	sdelay $0x3  }
0x3b2: {  	[tilespmem:v7+s18+$0x0] =	vst.idx.msk $0xffff, v8;
	v7 =	vor.u32 $0x3E, v6  }
0x3b3: {  	v8 =	vld.idx.msk [tilespmem:v9+s16+$0x0], $0xffff;
	v7 =	vor.u32 s29, v7  }
0x3b4: {  	v5 =	vor.u32 v2, v5;
	_ =	sdelay $0x3  }
0x3b5: {  	v6 =	vor.u32 $0x3F, v6;
	[tilespmem:v7+s18+$0x0] =	vst.idx.msk $0xffff, v8  }
0x3b6: {  	v6 =	vor.u32 s29, v6;
	v5 =	vld.idx.msk [tilespmem:v5+s16+$0x0], $0xffff  }
0x3b7: {  	p0 =	sne.s32 s26, $0x1  }
.Ltmp7:
0x3b8: {  	_ = 	snop;
	(pc) =	sbr.rel @p0 .LBB2_9-.Ltmp7, $4  }
0x3b9: {  	_ = 	snop  }
0x3ba: {  	s28 =	sshll.u32 s28, $0x9;
	v4 =	vshrl.u32 v4, $0x7  }
0x3bb: {  	s28 =	sshra.s32 s28, $0x2;
	v4 =	vand.u32 $0x7FFF, v4;
	[tilespmem:v6+s18+$0x0] =	vst.idx.msk $0xffff, v5  }
0x3bc: {  	s25 =	sadd.s32 $0x10, s25;
	s26 =	sadd.s32 $0xFFFFFFFF, s26;
	s20 =	sadd.s32 $0x1, s20;
	v5 =	vlaneseq.u32;
	[tilespmem:s28+$0x1D300] =	vst v4  }
.LBB2_10:
0x3bd: {  	s22 =	sadd.s32 $0x2, s22  }
0x3be: {  	v0 =	vld [tilespmem:s23+$0x10100];
	s30 =	sand.u32 $0x1F0, s22  }
0x3bf: {  	v1 =	vld [tilespmem:s30+$0x10100];
	_ =	sdelay $0x1  }
0x3c0: {  	s22 =	sand.u32 $0xE, s22  }
0x3c1: {  	v2 =	vmov s22  }
0x3c2: {  	vm15 =	veq.s32 v2, v5;
	v0 =	vnsel vm0, $0x0, v0  }
0x3c3: {  	(xrf0) =	vadd.scan.msk.s32 $0xffff, v0;
	v0 =	vnsel vm15, $0x0, v1  }
0x3c4: {  	(xrf0) =	vadd.scan.msk.s32 $0xffff, v0;
	_ =	sdelay $0x4  }
0x3c5: {  	v0, _, _ =	vpop (xrf0)  }
0x3c6: {  	(v2sf) =	vpush v0, $0xF;
	v0, _, _ =	vpop (xrf0)  }
0x3c7: {  	(v2sf) =	vpush v0, $0xF;
	_ =	sdelay $0xd  }
0x3c8: {  	s22 =	spop (v2sf)  }
0x3c9: {  	s31 =	spop (v2sf)  }
0x3ca: {  	s23 =	ssub.s32 s31, s22  }
0x3cb: {  	s23 =	sadd.s32 $0xF, s23  }
0x3cc: {  	p0 =	slt.s32 s23, $0x10  }
.Ltmp8:
0x3cd: {  	_ = 	snop;
	(pc) =	sbr.rel @p0 .LBB2_6-.Ltmp8, $1  }
0x3ce: {  	_ =	sdelay $0x3  }
0x3cf: {  	v1 =	vmov s24  }
0x3d0: {  	v1 =	vor.u32 $0x2000, v1  }
0x3d1: {  	v0 =	vbroadcast v0, $0xF;
	v2 =	vbroadcast v1, $0x0;
	_ =	sdelay $0x1  }
0x3d2: {  	[tilespmem:$0x1FF20] =	vst v0;
	v0 =	vor.u32 $0x80, v2;
	v10 =	vor.u32 $0x380, v2;
	v11 =	vor.u32 $0x400, v2  }
0x3d3: {  	v12 =	vor.u32 $0x480, v2;
	v13 =	vor.u32 $0x500, v2;
	v14 =	vor.u32 $0x580, v2  }
0x3d4: {  	v15 =	vor.u32 $0x600, v2;
	v16 =	vor.u32 $0x680, v2;
	v17 =	vor.u32 $0x700, v2  }
0x3d5: {  	v18 =	vor.u32 $0x780, v2;
	v19 =	vor.u32 $0x800, v2;
	v20 =	vor.u32 $0x880, v2  }
0x3d6: {  	v21 =	vor.u32 $0x900, v2;
	v22 =	vor.u32 $0x980, v2;
	v23 =	vor.u32 $0xA00, v2  }
0x3d7: {  	v24 =	vor.u32 $0xA80, v2;
	v25 =	vor.u32 $0xB00, v2;
	v26 =	vor.u32 $0xB80, v2  }
0x3d8: {  	v27 =	vor.u32 $0xC00, v2;
	v28 =	vor.u32 $0xC80, v2;
	v29 =	vor.u32 $0xD00, v2  }
0x3d9: {  	v30 =	vor.u32 $0xD80, v2;
	v31 =	vor.u32 $0xE00, v2;
	v32 =	vor.u32 $0xE80, v2  }
0x3da: {  	v33 =	vor.u32 $0xF00, v2;
	v34 =	vor.u32 $0xF80, v2;
	v35 =	vor.u32 $0x1000, v2  }
0x3db: {  	v36 =	vor.u32 $0x1080, v2;
	v37 =	vor.u32 $0x1100, v2;
	v38 =	vor.u32 $0x1180, v2  }
0x3dc: {  	v39 =	vor.u32 $0x1200, v2;
	v40 =	vor.u32 $0x1280, v2;
	v41 =	vor.u32 $0x1300, v2  }
0x3dd: {  	v42 =	vor.u32 $0x1380, v2;
	v43 =	vor.u32 $0x1400, v2;
	v44 =	vor.u32 $0x1480, v2  }
0x3de: {  	v45 =	vor.u32 $0x1500, v2;
	v46 =	vor.u32 $0x1580, v2;
	v47 =	vor.u32 $0x1600, v2  }
0x3df: {  	v48 =	vor.u32 $0x1680, v2;
	v49 =	vor.u32 $0x1700, v2;
	v50 =	vor.u32 $0x1780, v2  }
0x3e0: {  	v51 =	vor.u32 $0x1800, v2;
	v52 =	vor.u32 $0x1880, v2;
	v53 =	vor.u32 $0x1900, v2  }
0x3e1: {  	v54 =	vor.u32 $0x1980, v2;
	v55 =	vor.u32 $0x1A00, v2;
	[tilespmem:$0x1FF30] =	vst v0;
	v0 =	vor.u32 $0x100, v2  }
0x3e2: {  	v56 =	vor.u32 $0x1A80, v2;
	v57 =	vor.u32 $0x1B00, v2;
	[tilespmem:$0x1FF40] =	vst v0;
	v0 =	vor.u32 $0x180, v2  }
0x3e3: {  	s30 =	sshra.s32 s23, $0x1F;
	v58 =	vor.u32 $0x1B80, v2;
	v59 =	vor.u32 $0x1C00, v2;
	[tilespmem:$0x1FF50] =	vst v0;
	v0 =	vor.u32 $0x200, v2  }
0x3e4: {  	s24 =	sshrl.u32 s30, $0x1C;
	v60 =	vor.u32 $0x1C80, v2;
	v61 =	vor.u32 $0x1D00, v2;
	[tilespmem:$0x1FF60] =	vst v0;
	v0 =	vor.u32 $0x280, v2  }
0x3e5: {  	s31 =	sadd.s32 s24, s23;
	v62 =	vor.u32 $0x1D80, v2;
	v63 =	vor.u32 $0x1E00, v2;
	[tilespmem:$0x1FF70] =	vst v0;
	v0 =	vor.u32 $0x300, v2  }
0x3e6: {  	s23 =	sshra.s32 s31, $0x4;
	v1 =	vor.u32 $0x1F00, v2;
	v3 =	vor.u32 $0x1F80, v2;
	[tilespmem:$0x1FF80] =	vst v0;
	v0 =	vor.u32 $0x1E80, v2  }
.LBB2_12:
0x3e7: {  	v4 =	vadd.s32 s22, v5;
	v5 =	vld [tilespmem:$0x1FF20];
	_ =	sdelay $0x4  }
0x3e8: {  	vm0 =	vlt.s32 v4, v5  }
0x3e9: {  	v4 =	vnsel vm0, $0x0, v4;
	_ =	sdelay $0x4  }
0x3ea: {  	v4 =	vld.idx.msk [tilespmem:v4+s13+$0x0], $0xffff;
	_ =	sdelay $0x4  }
0x3eb: {  	v4 =	vnsel vm0, $0x200000, v4  }
0x3ec: {  	v5 =	vand.u32 $0x7F, v4  }
0x3ed: {  	s24 =	sshrl.u32 s20, $0x1F;
	v7 =	vor.u32 v2, v5  }
0x3ee: {  	v9 =	vld [tilespmem:$0x1FF30];
	s24 =	sadd.s32 s24, s20  }
0x3ef: {  	v6 =	vlaneseq.u32;
	s24 =	sand.u32 $0xFFFFFFFE, s24  }
0x3f0: {  	v6 =	vmul.u32 $0x80, v6;
	s24 =	ssub.s32 s20, s24  }
0x3f1: {  	s25 =	sshll.u32 s24, $0xB  }
0x3f2: {  	v8 =	vor.u32 s25, v6;
	v7 =	vld.idx.msk [tilespmem:v7+s16+$0x0], $0xffff  }
0x3f3: {  	v9 =	vor.u32 v9, v5;
	_ =	sdelay $0x3  }
0x3f4: {  	[tilespmem:v8+s18+$0x0] =	vst.idx.msk $0xffff, v7  }
0x3f5: {  	v8 =	vld.idx.msk [tilespmem:v9+s16+$0x0], $0xffff  }
0x3f6: {  	v9 =	vld [tilespmem:$0x1FF40];
	_ =	sdelay $0x2  }
0x3f7: {  	v7 =	vor.u32 $0x1, v6  }
0x3f8: {  	v7 =	vor.u32 s25, v7  }
0x3f9: {  	v9 =	vor.u32 v9, v5;
	_ =	sdelay $0x3  }
0x3fa: {  	[tilespmem:v7+s18+$0x0] =	vst.idx.msk $0xffff, v8  }
0x3fb: {  	v8 =	vld.idx.msk [tilespmem:v9+s16+$0x0], $0xffff  }
0x3fc: {  	v9 =	vld [tilespmem:$0x1FF50];
	_ =	sdelay $0x2  }
0x3fd: {  	v7 =	vor.u32 $0x2, v6  }
0x3fe: {  	v7 =	vor.u32 s25, v7  }
0x3ff: {  	v9 =	vor.u32 v9, v5;
	_ =	sdelay $0x3  }
0x400: {  	[tilespmem:v7+s18+$0x0] =	vst.idx.msk $0xffff, v8  }
0x401: {  	v8 =	vld.idx.msk [tilespmem:v9+s16+$0x0], $0xffff  }
0x402: {  	v9 =	vld [tilespmem:$0x1FF60];
	_ =	sdelay $0x2  }
0x403: {  	v7 =	vor.u32 $0x3, v6  }
0x404: {  	v7 =	vor.u32 s25, v7  }
0x405: {  	v9 =	vor.u32 v9, v5;
	_ =	sdelay $0x3  }
0x406: {  	[tilespmem:v7+s18+$0x0] =	vst.idx.msk $0xffff, v8  }
0x407: {  	v8 =	vld.idx.msk [tilespmem:v9+s16+$0x0], $0xffff  }
0x408: {  	v9 =	vld [tilespmem:$0x1FF70];
	_ =	sdelay $0x2  }
0x409: {  	v7 =	vor.u32 $0x4, v6  }
0x40a: {  	v7 =	vor.u32 s25, v7  }
0x40b: {  	v9 =	vor.u32 v9, v5;
	_ =	sdelay $0x3  }
0x40c: {  	[tilespmem:v7+s18+$0x0] =	vst.idx.msk $0xffff, v8  }
0x40d: {  	v8 =	vld.idx.msk [tilespmem:v9+s16+$0x0], $0xffff  }
0x40e: {  	v9 =	vld [tilespmem:$0x1FF80];
	_ =	sdelay $0x2  }
0x40f: {  	v7 =	vor.u32 $0x5, v6  }
0x410: {  	v7 =	vor.u32 s25, v7  }
0x411: {  	v9 =	vor.u32 v9, v5;
	_ =	sdelay $0x3  }
0x412: {  	[tilespmem:v7+s18+$0x0] =	vst.idx.msk $0xffff, v8;
	v7 =	vor.u32 $0x6, v6  }
0x413: {  	v7 =	vor.u32 s25, v7;
	v8 =	vld.idx.msk [tilespmem:v9+s16+$0x0], $0xffff  }
0x414: {  	v9 =	vor.u32 v10, v5;
	_ =	sdelay $0x3  }
0x415: {  	[tilespmem:v7+s18+$0x0] =	vst.idx.msk $0xffff, v8;
	v7 =	vor.u32 $0x7, v6  }
0x416: {  	v8 =	vld.idx.msk [tilespmem:v9+s16+$0x0], $0xffff;
	v7 =	vor.u32 s25, v7  }
0x417: {  	v9 =	vor.u32 v11, v5;
	_ =	sdelay $0x3  }
0x418: {  	[tilespmem:v7+s18+$0x0] =	vst.idx.msk $0xffff, v8;
	v7 =	vor.u32 $0x8, v6  }
0x419: {  	v8 =	vld.idx.msk [tilespmem:v9+s16+$0x0], $0xffff;
	v7 =	vor.u32 s25, v7  }
0x41a: {  	v9 =	vor.u32 v12, v5;
	_ =	sdelay $0x3  }
0x41b: {  	[tilespmem:v7+s18+$0x0] =	vst.idx.msk $0xffff, v8;
	v7 =	vor.u32 $0x9, v6  }
0x41c: {  	v8 =	vld.idx.msk [tilespmem:v9+s16+$0x0], $0xffff;
	v7 =	vor.u32 s25, v7  }
0x41d: {  	v9 =	vor.u32 v13, v5;
	_ =	sdelay $0x3  }
0x41e: {  	[tilespmem:v7+s18+$0x0] =	vst.idx.msk $0xffff, v8;
	v7 =	vor.u32 $0xA, v6  }
0x41f: {  	v8 =	vld.idx.msk [tilespmem:v9+s16+$0x0], $0xffff;
	v7 =	vor.u32 s25, v7  }
0x420: {  	v9 =	vor.u32 v14, v5;
	_ =	sdelay $0x3  }
0x421: {  	[tilespmem:v7+s18+$0x0] =	vst.idx.msk $0xffff, v8;
	v7 =	vor.u32 $0xB, v6  }
0x422: {  	v8 =	vld.idx.msk [tilespmem:v9+s16+$0x0], $0xffff;
	v7 =	vor.u32 s25, v7  }
0x423: {  	v9 =	vor.u32 v15, v5;
	_ =	sdelay $0x3  }
0x424: {  	[tilespmem:v7+s18+$0x0] =	vst.idx.msk $0xffff, v8;
	v7 =	vor.u32 $0xC, v6  }
0x425: {  	v8 =	vld.idx.msk [tilespmem:v9+s16+$0x0], $0xffff;
	v7 =	vor.u32 s25, v7  }
0x426: {  	v9 =	vor.u32 v16, v5;
	_ =	sdelay $0x3  }
0x427: {  	[tilespmem:v7+s18+$0x0] =	vst.idx.msk $0xffff, v8;
	v7 =	vor.u32 $0xD, v6  }
0x428: {  	v8 =	vld.idx.msk [tilespmem:v9+s16+$0x0], $0xffff;
	v7 =	vor.u32 s25, v7  }
0x429: {  	v9 =	vor.u32 v17, v5;
	_ =	sdelay $0x3  }
0x42a: {  	[tilespmem:v7+s18+$0x0] =	vst.idx.msk $0xffff, v8;
	v7 =	vor.u32 $0xE, v6  }
0x42b: {  	v8 =	vld.idx.msk [tilespmem:v9+s16+$0x0], $0xffff;
	v7 =	vor.u32 s25, v7  }
0x42c: {  	v9 =	vor.u32 v18, v5;
	_ =	sdelay $0x3  }
0x42d: {  	[tilespmem:v7+s18+$0x0] =	vst.idx.msk $0xffff, v8;
	v7 =	vor.u32 $0xF, v6  }
0x42e: {  	v8 =	vld.idx.msk [tilespmem:v9+s16+$0x0], $0xffff;
	v7 =	vor.u32 s25, v7  }
0x42f: {  	v9 =	vor.u32 v19, v5;
	_ =	sdelay $0x3  }
0x430: {  	[tilespmem:v7+s18+$0x0] =	vst.idx.msk $0xffff, v8;
	v7 =	vor.u32 $0x10, v6  }
0x431: {  	v8 =	vld.idx.msk [tilespmem:v9+s16+$0x0], $0xffff;
	v7 =	vor.u32 s25, v7  }
0x432: {  	v9 =	vor.u32 v20, v5;
	_ =	sdelay $0x3  }
0x433: {  	[tilespmem:v7+s18+$0x0] =	vst.idx.msk $0xffff, v8;
	v7 =	vor.u32 $0x11, v6  }
0x434: {  	v8 =	vld.idx.msk [tilespmem:v9+s16+$0x0], $0xffff;
	v7 =	vor.u32 s25, v7  }
0x435: {  	v9 =	vor.u32 v21, v5;
	_ =	sdelay $0x3  }
0x436: {  	[tilespmem:v7+s18+$0x0] =	vst.idx.msk $0xffff, v8;
	v7 =	vor.u32 $0x12, v6  }
0x437: {  	v8 =	vld.idx.msk [tilespmem:v9+s16+$0x0], $0xffff;
	v7 =	vor.u32 s25, v7  }
0x438: {  	v9 =	vor.u32 v22, v5;
	_ =	sdelay $0x3  }
0x439: {  	[tilespmem:v7+s18+$0x0] =	vst.idx.msk $0xffff, v8;
	v7 =	vor.u32 $0x13, v6  }
0x43a: {  	v8 =	vld.idx.msk [tilespmem:v9+s16+$0x0], $0xffff;
	v7 =	vor.u32 s25, v7  }
0x43b: {  	v9 =	vor.u32 v23, v5;
	_ =	sdelay $0x3  }
0x43c: {  	[tilespmem:v7+s18+$0x0] =	vst.idx.msk $0xffff, v8;
	v7 =	vor.u32 $0x14, v6  }
0x43d: {  	v8 =	vld.idx.msk [tilespmem:v9+s16+$0x0], $0xffff;
	v7 =	vor.u32 s25, v7  }
0x43e: {  	v9 =	vor.u32 v24, v5;
	_ =	sdelay $0x3  }
0x43f: {  	[tilespmem:v7+s18+$0x0] =	vst.idx.msk $0xffff, v8;
	v7 =	vor.u32 $0x15, v6  }
0x440: {  	v8 =	vld.idx.msk [tilespmem:v9+s16+$0x0], $0xffff;
	v7 =	vor.u32 s25, v7  }
0x441: {  	v9 =	vor.u32 v25, v5;
	_ =	sdelay $0x3  }
0x442: {  	[tilespmem:v7+s18+$0x0] =	vst.idx.msk $0xffff, v8;
	v7 =	vor.u32 $0x16, v6  }
0x443: {  	v8 =	vld.idx.msk [tilespmem:v9+s16+$0x0], $0xffff;
	v7 =	vor.u32 s25, v7  }
0x444: {  	v9 =	vor.u32 v26, v5;
	_ =	sdelay $0x3  }
0x445: {  	[tilespmem:v7+s18+$0x0] =	vst.idx.msk $0xffff, v8;
	v7 =	vor.u32 $0x17, v6  }
0x446: {  	v8 =	vld.idx.msk [tilespmem:v9+s16+$0x0], $0xffff;
	v7 =	vor.u32 s25, v7  }
0x447: {  	v9 =	vor.u32 v27, v5;
	_ =	sdelay $0x3  }
0x448: {  	[tilespmem:v7+s18+$0x0] =	vst.idx.msk $0xffff, v8;
	v7 =	vor.u32 $0x18, v6  }
0x449: {  	v8 =	vld.idx.msk [tilespmem:v9+s16+$0x0], $0xffff;
	v7 =	vor.u32 s25, v7  }
0x44a: {  	v9 =	vor.u32 v28, v5;
	_ =	sdelay $0x3  }
0x44b: {  	[tilespmem:v7+s18+$0x0] =	vst.idx.msk $0xffff, v8;
	v7 =	vor.u32 $0x19, v6  }
0x44c: {  	v8 =	vld.idx.msk [tilespmem:v9+s16+$0x0], $0xffff;
	v7 =	vor.u32 s25, v7  }
0x44d: {  	v9 =	vor.u32 v29, v5;
	_ =	sdelay $0x3  }
0x44e: {  	[tilespmem:v7+s18+$0x0] =	vst.idx.msk $0xffff, v8;
	v7 =	vor.u32 $0x1A, v6  }
0x44f: {  	v8 =	vld.idx.msk [tilespmem:v9+s16+$0x0], $0xffff;
	v7 =	vor.u32 s25, v7  }
0x450: {  	v9 =	vor.u32 v30, v5;
	_ =	sdelay $0x3  }
0x451: {  	[tilespmem:v7+s18+$0x0] =	vst.idx.msk $0xffff, v8;
	v7 =	vor.u32 $0x1B, v6  }
0x452: {  	v8 =	vld.idx.msk [tilespmem:v9+s16+$0x0], $0xffff;
	v7 =	vor.u32 s25, v7  }
0x453: {  	v9 =	vor.u32 v31, v5;
	_ =	sdelay $0x3  }
0x454: {  	[tilespmem:v7+s18+$0x0] =	vst.idx.msk $0xffff, v8;
	v7 =	vor.u32 $0x1C, v6  }
0x455: {  	v8 =	vld.idx.msk [tilespmem:v9+s16+$0x0], $0xffff;
	v7 =	vor.u32 s25, v7  }
0x456: {  	v9 =	vor.u32 v32, v5;
	_ =	sdelay $0x3  }
0x457: {  	[tilespmem:v7+s18+$0x0] =	vst.idx.msk $0xffff, v8;
	v7 =	vor.u32 $0x1D, v6  }
0x458: {  	v8 =	vld.idx.msk [tilespmem:v9+s16+$0x0], $0xffff;
	v7 =	vor.u32 s25, v7  }
0x459: {  	v9 =	vor.u32 v33, v5;
	_ =	sdelay $0x3  }
0x45a: {  	[tilespmem:v7+s18+$0x0] =	vst.idx.msk $0xffff, v8;
	v7 =	vor.u32 $0x1E, v6  }
0x45b: {  	v8 =	vld.idx.msk [tilespmem:v9+s16+$0x0], $0xffff;
	v7 =	vor.u32 s25, v7  }
0x45c: {  	v9 =	vor.u32 v34, v5;
	_ =	sdelay $0x3  }
0x45d: {  	[tilespmem:v7+s18+$0x0] =	vst.idx.msk $0xffff, v8;
	v7 =	vor.u32 $0x1F, v6  }
0x45e: {  	v8 =	vld.idx.msk [tilespmem:v9+s16+$0x0], $0xffff;
	v7 =	vor.u32 s25, v7  }
0x45f: {  	v9 =	vor.u32 v35, v5;
	_ =	sdelay $0x3  }
0x460: {  	[tilespmem:v7+s18+$0x0] =	vst.idx.msk $0xffff, v8;
	v7 =	vor.u32 $0x20, v6  }
0x461: {  	v8 =	vld.idx.msk [tilespmem:v9+s16+$0x0], $0xffff;
	v7 =	vor.u32 s25, v7  }
0x462: {  	v9 =	vor.u32 v36, v5;
	_ =	sdelay $0x3  }
0x463: {  	[tilespmem:v7+s18+$0x0] =	vst.idx.msk $0xffff, v8;
	v7 =	vor.u32 $0x21, v6  }
0x464: {  	v8 =	vld.idx.msk [tilespmem:v9+s16+$0x0], $0xffff;
	v7 =	vor.u32 s25, v7  }
0x465: {  	v9 =	vor.u32 v37, v5;
	_ =	sdelay $0x3  }
0x466: {  	[tilespmem:v7+s18+$0x0] =	vst.idx.msk $0xffff, v8;
	v7 =	vor.u32 $0x22, v6  }
0x467: {  	v8 =	vld.idx.msk [tilespmem:v9+s16+$0x0], $0xffff;
	v7 =	vor.u32 s25, v7  }
0x468: {  	v9 =	vor.u32 v38, v5;
	_ =	sdelay $0x3  }
0x469: {  	[tilespmem:v7+s18+$0x0] =	vst.idx.msk $0xffff, v8;
	v7 =	vor.u32 $0x23, v6  }
0x46a: {  	v8 =	vld.idx.msk [tilespmem:v9+s16+$0x0], $0xffff;
	v7 =	vor.u32 s25, v7  }
0x46b: {  	v9 =	vor.u32 v39, v5;
	_ =	sdelay $0x3  }
0x46c: {  	[tilespmem:v7+s18+$0x0] =	vst.idx.msk $0xffff, v8;
	v7 =	vor.u32 $0x24, v6  }
0x46d: {  	v8 =	vld.idx.msk [tilespmem:v9+s16+$0x0], $0xffff;
	v7 =	vor.u32 s25, v7  }
0x46e: {  	v9 =	vor.u32 v40, v5;
	_ =	sdelay $0x3  }
0x46f: {  	[tilespmem:v7+s18+$0x0] =	vst.idx.msk $0xffff, v8;
	v7 =	vor.u32 $0x25, v6  }
0x470: {  	v8 =	vld.idx.msk [tilespmem:v9+s16+$0x0], $0xffff;
	v7 =	vor.u32 s25, v7  }
0x471: {  	v9 =	vor.u32 v41, v5;
	_ =	sdelay $0x3  }
0x472: {  	[tilespmem:v7+s18+$0x0] =	vst.idx.msk $0xffff, v8;
	v7 =	vor.u32 $0x26, v6  }
0x473: {  	v8 =	vld.idx.msk [tilespmem:v9+s16+$0x0], $0xffff;
	v7 =	vor.u32 s25, v7  }
0x474: {  	v9 =	vor.u32 v42, v5;
	_ =	sdelay $0x3  }
0x475: {  	[tilespmem:v7+s18+$0x0] =	vst.idx.msk $0xffff, v8;
	v7 =	vor.u32 $0x27, v6  }
0x476: {  	v8 =	vld.idx.msk [tilespmem:v9+s16+$0x0], $0xffff;
	v7 =	vor.u32 s25, v7  }
0x477: {  	v9 =	vor.u32 v43, v5;
	_ =	sdelay $0x3  }
0x478: {  	[tilespmem:v7+s18+$0x0] =	vst.idx.msk $0xffff, v8;
	v7 =	vor.u32 $0x28, v6  }
0x479: {  	v8 =	vld.idx.msk [tilespmem:v9+s16+$0x0], $0xffff;
	v7 =	vor.u32 s25, v7  }
0x47a: {  	v9 =	vor.u32 v44, v5;
	_ =	sdelay $0x3  }
0x47b: {  	[tilespmem:v7+s18+$0x0] =	vst.idx.msk $0xffff, v8;
	v7 =	vor.u32 $0x29, v6  }
0x47c: {  	v8 =	vld.idx.msk [tilespmem:v9+s16+$0x0], $0xffff;
	v7 =	vor.u32 s25, v7  }
0x47d: {  	v9 =	vor.u32 v45, v5;
	_ =	sdelay $0x3  }
0x47e: {  	[tilespmem:v7+s18+$0x0] =	vst.idx.msk $0xffff, v8;
	v7 =	vor.u32 $0x2A, v6  }
0x47f: {  	v8 =	vld.idx.msk [tilespmem:v9+s16+$0x0], $0xffff;
	v7 =	vor.u32 s25, v7  }
0x480: {  	v9 =	vor.u32 v46, v5;
	_ =	sdelay $0x3  }
0x481: {  	[tilespmem:v7+s18+$0x0] =	vst.idx.msk $0xffff, v8;
	v7 =	vor.u32 $0x2B, v6  }
0x482: {  	v8 =	vld.idx.msk [tilespmem:v9+s16+$0x0], $0xffff;
	v7 =	vor.u32 s25, v7  }
0x483: {  	v9 =	vor.u32 v47, v5;
	_ =	sdelay $0x3  }
0x484: {  	[tilespmem:v7+s18+$0x0] =	vst.idx.msk $0xffff, v8;
	v7 =	vor.u32 $0x2C, v6  }
0x485: {  	v8 =	vld.idx.msk [tilespmem:v9+s16+$0x0], $0xffff;
	v7 =	vor.u32 s25, v7  }
0x486: {  	v9 =	vor.u32 v48, v5;
	_ =	sdelay $0x3  }
0x487: {  	[tilespmem:v7+s18+$0x0] =	vst.idx.msk $0xffff, v8;
	v7 =	vor.u32 $0x2D, v6  }
0x488: {  	v8 =	vld.idx.msk [tilespmem:v9+s16+$0x0], $0xffff;
	v7 =	vor.u32 s25, v7  }
0x489: {  	v9 =	vor.u32 v49, v5;
	_ =	sdelay $0x3  }
0x48a: {  	[tilespmem:v7+s18+$0x0] =	vst.idx.msk $0xffff, v8;
	v7 =	vor.u32 $0x2E, v6  }
0x48b: {  	v8 =	vld.idx.msk [tilespmem:v9+s16+$0x0], $0xffff;
	v7 =	vor.u32 s25, v7  }
0x48c: {  	v9 =	vor.u32 v50, v5;
	_ =	sdelay $0x3  }
0x48d: {  	[tilespmem:v7+s18+$0x0] =	vst.idx.msk $0xffff, v8;
	v7 =	vor.u32 $0x2F, v6  }
0x48e: {  	v8 =	vld.idx.msk [tilespmem:v9+s16+$0x0], $0xffff;
	v7 =	vor.u32 s25, v7  }
0x48f: {  	v9 =	vor.u32 v51, v5;
	_ =	sdelay $0x3  }
0x490: {  	[tilespmem:v7+s18+$0x0] =	vst.idx.msk $0xffff, v8;
	v7 =	vor.u32 $0x30, v6  }
0x491: {  	v8 =	vld.idx.msk [tilespmem:v9+s16+$0x0], $0xffff;
	v7 =	vor.u32 s25, v7  }
0x492: {  	v9 =	vor.u32 v52, v5;
	_ =	sdelay $0x3  }
0x493: {  	[tilespmem:v7+s18+$0x0] =	vst.idx.msk $0xffff, v8;
	v7 =	vor.u32 $0x31, v6  }
0x494: {  	v8 =	vld.idx.msk [tilespmem:v9+s16+$0x0], $0xffff;
	v7 =	vor.u32 s25, v7  }
0x495: {  	v9 =	vor.u32 v53, v5;
	_ =	sdelay $0x3  }
0x496: {  	[tilespmem:v7+s18+$0x0] =	vst.idx.msk $0xffff, v8;
	v7 =	vor.u32 $0x32, v6  }
0x497: {  	v8 =	vld.idx.msk [tilespmem:v9+s16+$0x0], $0xffff;
	v7 =	vor.u32 s25, v7  }
0x498: {  	v9 =	vor.u32 v54, v5;
	_ =	sdelay $0x3  }
0x499: {  	[tilespmem:v7+s18+$0x0] =	vst.idx.msk $0xffff, v8;
	v7 =	vor.u32 $0x33, v6  }
0x49a: {  	v8 =	vld.idx.msk [tilespmem:v9+s16+$0x0], $0xffff;
	v7 =	vor.u32 s25, v7  }
0x49b: {  	v9 =	vor.u32 v55, v5;
	_ =	sdelay $0x3  }
0x49c: {  	[tilespmem:v7+s18+$0x0] =	vst.idx.msk $0xffff, v8;
	v7 =	vor.u32 $0x34, v6  }
0x49d: {  	v8 =	vld.idx.msk [tilespmem:v9+s16+$0x0], $0xffff;
	v7 =	vor.u32 s25, v7  }
0x49e: {  	v9 =	vor.u32 v56, v5;
	_ =	sdelay $0x3  }
0x49f: {  	[tilespmem:v7+s18+$0x0] =	vst.idx.msk $0xffff, v8;
	v7 =	vor.u32 $0x35, v6  }
0x4a0: {  	v8 =	vld.idx.msk [tilespmem:v9+s16+$0x0], $0xffff;
	v7 =	vor.u32 s25, v7  }
0x4a1: {  	v9 =	vor.u32 v57, v5;
	_ =	sdelay $0x3  }
0x4a2: {  	[tilespmem:v7+s18+$0x0] =	vst.idx.msk $0xffff, v8;
	v7 =	vor.u32 $0x36, v6  }
0x4a3: {  	v8 =	vld.idx.msk [tilespmem:v9+s16+$0x0], $0xffff;
	v7 =	vor.u32 s25, v7  }
0x4a4: {  	v9 =	vor.u32 v58, v5;
	_ =	sdelay $0x3  }
0x4a5: {  	[tilespmem:v7+s18+$0x0] =	vst.idx.msk $0xffff, v8;
	v7 =	vor.u32 $0x37, v6  }
0x4a6: {  	v8 =	vld.idx.msk [tilespmem:v9+s16+$0x0], $0xffff;
	v7 =	vor.u32 s25, v7  }
0x4a7: {  	v9 =	vor.u32 v59, v5;
	_ =	sdelay $0x3  }
0x4a8: {  	[tilespmem:v7+s18+$0x0] =	vst.idx.msk $0xffff, v8;
	v7 =	vor.u32 $0x38, v6  }
0x4a9: {  	v8 =	vld.idx.msk [tilespmem:v9+s16+$0x0], $0xffff;
	v7 =	vor.u32 s25, v7  }
0x4aa: {  	v9 =	vor.u32 v60, v5;
	_ =	sdelay $0x3  }
0x4ab: {  	[tilespmem:v7+s18+$0x0] =	vst.idx.msk $0xffff, v8;
	v7 =	vor.u32 $0x39, v6  }
0x4ac: {  	v8 =	vld.idx.msk [tilespmem:v9+s16+$0x0], $0xffff;
	v7 =	vor.u32 s25, v7  }
0x4ad: {  	v9 =	vor.u32 v61, v5;
	_ =	sdelay $0x3  }
0x4ae: {  	[tilespmem:v7+s18+$0x0] =	vst.idx.msk $0xffff, v8;
	v7 =	vor.u32 $0x3A, v6  }
0x4af: {  	v8 =	vld.idx.msk [tilespmem:v9+s16+$0x0], $0xffff;
	v7 =	vor.u32 s25, v7  }
0x4b0: {  	v9 =	vor.u32 v62, v5;
	_ =	sdelay $0x3  }
0x4b1: {  	[tilespmem:v7+s18+$0x0] =	vst.idx.msk $0xffff, v8;
	v7 =	vor.u32 $0x3B, v6  }
0x4b2: {  	v8 =	vld.idx.msk [tilespmem:v9+s16+$0x0], $0xffff;
	v7 =	vor.u32 s25, v7  }
0x4b3: {  	v9 =	vor.u32 v63, v5;
	_ =	sdelay $0x3  }
0x4b4: {  	[tilespmem:v7+s18+$0x0] =	vst.idx.msk $0xffff, v8;
	v7 =	vor.u32 $0x3C, v6  }
0x4b5: {  	v8 =	vld.idx.msk [tilespmem:v9+s16+$0x0], $0xffff;
	v7 =	vor.u32 s25, v7  }
0x4b6: {  	v9 =	vor.u32 v0, v5;
	_ =	sdelay $0x3  }
0x4b7: {  	[tilespmem:v7+s18+$0x0] =	vst.idx.msk $0xffff, v8;
	v7 =	vor.u32 $0x3D, v6  }
0x4b8: {  	v8 =	vld.idx.msk [tilespmem:v9+s16+$0x0], $0xffff;
	v7 =	vor.u32 s25, v7  }
0x4b9: {  	v9 =	vor.u32 v1, v5;
	_ =	sdelay $0x3  }
0x4ba: {  	[tilespmem:v7+s18+$0x0] =	vst.idx.msk $0xffff, v8;
	v7 =	vor.u32 $0x3E, v6  }
0x4bb: {  	v8 =	vld.idx.msk [tilespmem:v9+s16+$0x0], $0xffff;
	v7 =	vor.u32 s25, v7  }
0x4bc: {  	v5 =	vor.u32 v3, v5;
	_ =	sdelay $0x3  }
0x4bd: {  	v6 =	vor.u32 $0x3F, v6;
	[tilespmem:v7+s18+$0x0] =	vst.idx.msk $0xffff, v8  }
0x4be: {  	v6 =	vor.u32 s25, v6;
	v5 =	vld.idx.msk [tilespmem:v5+s16+$0x0], $0xffff  }
0x4bf: {  	p0 =	seq.s32 s23, $0x1  }
.Ltmp9:
0x4c0: {  	_ = 	snop;
	(pc) =	sbr.rel @!p0 .LBB2_12-.Ltmp9, $4  }
0x4c1: {  	_ = 	snop  }
0x4c2: {  	s24 =	sshll.u32 s24, $0x9;
	v4 =	vshrl.u32 v4, $0x7  }
0x4c3: {  	s24 =	sshra.s32 s24, $0x2;
	v4 =	vand.u32 $0x7FFF, v4;
	[tilespmem:v6+s18+$0x0] =	vst.idx.msk $0xffff, v5  }
0x4c4: {  	s22 =	sadd.s32 $0x10, s22;
	s23 =	sadd.s32 $0xFFFFFFFF, s23;
	s20 =	sadd.s32 $0x1, s20;
	v5 =	vlaneseq.u32;
	[tilespmem:s24+$0x1D300] =	vst v4  }
.Ltmp10:
0x4c5: {  	_ = 	snop;
	(pc) =	sbr.rel .LBB2_6-.Ltmp10, $1  }
0x4c6: {  	_ =	sdelay $0x3  }
.LBB2_14:
0x4c7: {  	_ =	sfence.sel $0x180000  }
0x4c8: {  	[bflag:$0x0] =	sbarrier.arrive $0xFFFF  }
0x4c9: {  	p0 =	sne.s32 s0, $0x0;
	_ =	strace $0x9000004A  }
0x4ca: {  	s0 =	sadd.s32 @!p0 $0x100000, s1;
	[bflag:$0x2] =	sbarrier.arrive $0xFFFF  }
0x4cb: {  	[sflag:s0] =	ssyncadd.tile.s32 @!p0 $0x1;
	_ =	shalt  }
.Lfunc_end2:
_tile_overlayer_lowered:
.L_overlay_start_2:
0x4cc: {  	(tag) =	ssettag $0x2  }
0x4cd: {  	s0 =	rddreg [dreg:$0x0];
	s2 =	stileid.u32  }
0x4ce: {  	s1 =	rddreg [dreg:$0x1];
	p0 =	sne.s32 s2, $0x0  }
0x4cf: {  	s3 =	rddreg [dreg:$0x2];
	[bflag:$0x3] =	sbarrier.arrive $0xFFFF;
	s2 =	simm.s32 @!p0 $0x1C03  }
0x4d0: {  	[timem:s3], [sflag:s2] =	dma.local @!p0 [hbm:s0], s1  }
0x4d1: {  	s0 =	simm.s32 @!p0 $0x3  }
0x4d2: {  	_ =	swait.ge @!p0 [sflag:s0], s1  }
0x4d3: {  	s1 =	ssub.s32 @!p0 $0x0, s1;
	[sflag:s0] =	ssyncset.done @!p0 $0x0  }
0x4d4: {  	[sflag:s0] =	ssyncadd.s32 @!p0 s1  }
0x4d5: {  	[bflag:$0x3] =	sbarrier.arrive $0xFFFF  }
0x4d6: {  	_ =	shalt  }

</sc_bundles>
